<compile_context>
chip_gen: v7x
topology: tpu7x:2x2x1
jax: 0.10.2.dev20260603
libtpu: 0.0.44.dev20260713+nightly
codegen_flags: <defaults>
</compile_context>

<pallas_src>
import functools

import jax
import jax.numpy as jnp
from jax import lax
from jax.experimental import pallas as pl
from jax.experimental.pallas import tpu as pltpu
from jax.experimental.pallas import tpu_sc as plsc

MODEL_DIM = 128
MAX_LENGTH = 128
BATCH = 4096
SEQ_LEN = 128

_INFO = plsc.get_sparse_core_info()
NC = _INFO.num_cores
NS = _INFO.num_subcores
NW = NC * NS
TOTAL_ROWS = BATCH * SEQ_LEN
ROWS_PER_W = TOTAL_ROWS // NW
CHUNK = 128
SROWS = 64
LROWS = CHUNK - SROWS
NCHUNKS = ROWS_PER_W // CHUNK
NBUF = 4
AHEAD = 2
LANES = 16


def _make_kernel():
    mesh = plsc.VectorSubcoreMesh(core_axis_name="c", subcore_axis_name="s")

    @functools.partial(
        pl.kernel,
        mesh=mesh,
        out_type=jax.ShapeDtypeStruct((TOTAL_ROWS, MODEL_DIM), jnp.float32),
        scratch_types=[
            pltpu.VMEM((NCHUNKS, SROWS), jnp.int32),
            pltpu.VMEM((NCHUNKS, LROWS), jnp.int32),
            pltpu.VMEM((NBUF * CHUNK, MODEL_DIM), jnp.float32),
            pltpu.VMEM((MAX_LENGTH, MODEL_DIM), jnp.float32),
            pltpu.VMEM_SHARED((MAX_LENGTH, MODEL_DIM), jnp.float32),
            pltpu.SemaphoreType.DMA,
            pltpu.SemaphoreType.DMA,
        ],
        compiler_params=pltpu.CompilerParams(needs_layout_passes=False),
    )
    def gather_kernel(idx_s_hbm, idx_l_hbm, table_hbm, out_hbm,
                      idx_s, idx_l, rows_v, table_v, table_sh,
                      g_sem, w_sem):
        c = lax.axis_index("c")
        s = lax.axis_index("s")
        wid = s * NC + c
        base = wid * ROWS_PER_W

        @pl.when(s == 0)
        def _():
            pltpu.sync_copy(table_hbm, table_sh)

        pltpu.sync_copy(table_hbm, table_v)
        pltpu.sync_copy(idx_s_hbm.at[wid], idx_s)
        pltpu.sync_copy(idx_l_hbm.at[wid], idx_l)
        plsc.subcore_barrier()

        for b in range(AHEAD):
            pltpu.async_copy(
                table_sh.at[idx_s.at[b]],
                rows_v.at[pl.ds(b * CHUNK, SROWS)],
                g_sem,
            )

        iota16 = lax.iota(jnp.int32, LANES)

        def chunk_step(i, carry):
            buf = lax.rem(i, NBUF)
            rbase = buf * CHUNK

            for j in range(LROWS // LANES):
                idxv = idx_l[i, pl.ds(j * LANES, LANES)]
                dstrow = rbase + SROWS + j * LANES + iota16
                for g in range(MODEL_DIM):
                    colv = jnp.full((LANES,), g, jnp.int32)
                    vals = plsc.load_gather(table_v, [idxv, colv])
                    plsc.store_scatter(rows_v, [dstrow, colv], vals)

            pltpu.make_async_copy(
                table_sh.at[idx_s.at[0]],
                rows_v.at[pl.ds(0, SROWS)],
                g_sem,
            ).wait()

            pltpu.async_copy(
                rows_v.at[pl.ds(rbase, CHUNK)],
                out_hbm.at[pl.ds(base + i * CHUNK, CHUNK)],
                w_sem,
            )

            @pl.when(i + AHEAD < NCHUNKS)
            def _():
                nxt = lax.rem(i + AHEAD, NBUF)

                @pl.when(i >= NBUF - AHEAD)
                def _():
                    pltpu.make_async_copy(
                        rows_v.at[pl.ds(0, CHUNK)],
                        out_hbm.at[pl.ds(base, CHUNK)],
                        w_sem,
                    ).wait()

                pltpu.async_copy(
                    table_sh.at[idx_s.at[i + AHEAD]],
                    rows_v.at[pl.ds(nxt * CHUNK, SROWS)],
                    g_sem,
                )

            return carry

        lax.fori_loop(0, NCHUNKS, chunk_step, 0)
        for b in range(NBUF):
            pltpu.make_async_copy(
                rows_v.at[pl.ds(0, CHUNK)],
                out_hbm.at[pl.ds(base, CHUNK)],
                w_sem,
            ).wait()

    return gather_kernel


_kernel_fn = _make_kernel()


@jax.jit
def kernel(span_indices, table):
    idx = span_indices.reshape(NW, NCHUNKS, CHUNK).astype(jnp.int32)
    out = _kernel_fn(idx[:, :, :SROWS], idx[:, :, SROWS:], table)
    return out.reshape(BATCH, SEQ_LEN, MODEL_DIM)

# --- scband reference (transcript-rebuilt; emitter-appended) ---
"""Pipeline reference for scband-span-positional-encoding-56040733278688 (READ-ONLY COPY).

The authoritative reference and input builder live on the scoring server;
editing this copy changes nothing except your own understanding.
"""

import jax, jax.numpy as jnp
import numpy as np

MODEL_DIM = 128
MAX_LENGTH = 128
BATCH = 4096
SEQ_LEN = 128
PADDING_IDX = 0


def setup_inputs(seed: int = 0) -> dict:
    key = jax.random.key(seed)
    k1, k2 = jax.random.split(key)
    span_indices = jax.random.randint(k1, (BATCH, SEQ_LEN), 0, MAX_LENGTH, dtype=jnp.int64 if jax.config.jax_enable_x64 else jnp.int32)
    table = jax.random.normal(k2, (MAX_LENGTH, MODEL_DIM), dtype=jnp.float32)
    # nn.Embedding with padding_idx zeros that row at init
    table = table.at[PADDING_IDX].set(0.0)
    return {"span_indices": span_indices, "table": table}


def reference(span_indices, table):
    # SpanPositionalEncoding.forward: embedding lookup
    # (batch, seq_len) -> (batch, seq_len, model_dim)
    return jnp.take(table, span_indices, axis=0)

if __name__ == "__main__":
    import jax
    _d = setup_inputs()
    print(jax.jit(kernel)(*tuple(_d.values())))

</pallas_src>

<mosaic_0001>
#map = affine_map<(d0, d1) -> (0, 0, 0)>
#map1 = affine_map<(d0, d1) -> (0, 0)>
module attributes {stable_mosaic.version = 14 : i64} {
  func.func @gather_kernel(%arg0: i32, %arg1: i32, %arg2: memref<32x128x64xi32, #tpu.memory_space<hbm>>, %arg3: memref<32x128x64xi32, #tpu.memory_space<hbm>>, %arg4: memref<128x128xf32, #tpu.memory_space<hbm>>, %arg5: memref<524288x128xf32, #tpu.memory_space<hbm>>, %arg6: memref<128x64xi32, #tpu.memory_space<vmem>>, %arg7: memref<128x64xi32, #tpu.memory_space<vmem>>, %arg8: memref<512x128xf32, #tpu.memory_space<vmem>>, %arg9: memref<128x128xf32, #tpu.memory_space<vmem>>, %arg10: memref<128x128xf32, #tpu.memory_space<vmem_shared>>, %arg11: memref<!tpu.dma_semaphore, #tpu.memory_space<semaphore_mem>>, %arg12: memref<!tpu.dma_semaphore, #tpu.memory_space<semaphore_mem>>) attributes {dimension_semantics = [#tpu.dimension_semantics<core_parallel>, #tpu.dimension_semantics<subcore_parallel>], iteration_bounds = array<i64: 2, 16>, scalar_prefetch = 0 : i64, scratch_operands = 7 : i64, tpu.core_type = #tpu.core_type<sc_vector_subcore>, window_params = [{transform_indices = #map}, {transform_indices = #map}, {transform_indices = #map1}, {transform_indices = #map1}]} {
    %mul3A = arith.constant 2 : i32
    %mul3A_0 = arith.muli %arg1, %mul3A : i32
    %add3A = arith.addi %mul3A_0, %arg0 : i32
    %mul3A_1 = arith.constant 16384 : i32
    %mul3A_2 = arith.muli %add3A, %mul3A_1 : i32
    %eq3A = arith.constant 0 : i32
    %eq3A_3 = arith.cmpi eq, %arg1, %eq3A : i32
    %convert_element_type3A = arith.extui %eq3A_3 : i1 to i32
    %cond3A = arith.constant 0 : i32
    %cond3A_4 = arith.cmpi ne, %convert_element_type3A, %cond3A : i32
    scf.if %cond3A_4 {
      "tpu.region"() ({
        %run_scoped3A = tpu.sem_alloc : memref<!tpu.dma_semaphore, #tpu.memory_space<semaphore_mem>>
        tpu.enqueue_dma source(%arg4 : memref<128x128xf32, #tpu.memory_space<hbm>>) target(%arg10 : memref<128x128xf32, #tpu.memory_space<vmem_shared>>) target_semaphore(%run_scoped3A : memref<!tpu.dma_semaphore, #tpu.memory_space<semaphore_mem>>)
        tpu.wait_dma2 semaphore(%run_scoped3A : memref<!tpu.dma_semaphore, #tpu.memory_space<semaphore_mem>>) src(%arg4 : memref<128x128xf32, #tpu.memory_space<hbm>>) dst(%arg10 : memref<128x128xf32, #tpu.memory_space<vmem_shared>>)
        tpu.yield
      }) : () -> ()
    } else {
    }
    "tpu.region"() ({
      %run_scoped3A = tpu.sem_alloc : memref<!tpu.dma_semaphore, #tpu.memory_space<semaphore_mem>>
      tpu.enqueue_dma source(%arg4 : memref<128x128xf32, #tpu.memory_space<hbm>>) target(%arg9 : memref<128x128xf32, #tpu.memory_space<vmem>>) target_semaphore(%run_scoped3A : memref<!tpu.dma_semaphore, #tpu.memory_space<semaphore_mem>>)
      tpu.wait_dma2 semaphore(%run_scoped3A : memref<!tpu.dma_semaphore, #tpu.memory_space<semaphore_mem>>) src(%arg4 : memref<128x128xf32, #tpu.memory_space<hbm>>) dst(%arg9 : memref<128x128xf32, #tpu.memory_space<vmem>>)
      tpu.yield
    }) : () -> ()
    "tpu.region"() ({
      %run_scoped3A = tpu.sem_alloc : memref<!tpu.dma_semaphore, #tpu.memory_space<semaphore_mem>>
      %dma_start3A_68 = arith.constant 0 : i32
      %dma_start3A_69 = arith.constant 0 : i32
      %dma_start3A_70 = tpu.memref_slice %arg2[%add3A, %dma_start3A_68, %dma_start3A_69] : memref<32x128x64xi32, #tpu.memory_space<hbm>> -> memref<1x128x64xi32, #tpu.memory_space<hbm>>
      %dma_start3A_71 = tpu.memref_squeeze %dma_start3A_70 : memref<1x128x64xi32, #tpu.memory_space<hbm>> -> memref<128x64xi32, #tpu.memory_space<hbm>>
      %dma_start3A_72 = arith.constant 0 : i32
      %dma_start3A_73 = arith.constant 0 : i32
      %dma_start3A_74 = tpu.memref_slice %arg2[%add3A, %dma_start3A_72, %dma_start3A_73] : memref<32x128x64xi32, #tpu.memory_space<hbm>> -> memref<1x128x64xi32, #tpu.memory_space<hbm>>
      %dma_start3A_75 = tpu.memref_squeeze %dma_start3A_74 : memref<1x128x64xi32, #tpu.memory_space<hbm>> -> memref<128x64xi32, #tpu.memory_space<hbm>>
      tpu.enqueue_dma source(%dma_start3A_75 : memref<128x64xi32, #tpu.memory_space<hbm>>) target(%arg6 : memref<128x64xi32, #tpu.memory_space<vmem>>) target_semaphore(%run_scoped3A : memref<!tpu.dma_semaphore, #tpu.memory_space<semaphore_mem>>)
      %dma_wait3A_76 = arith.constant 0 : i32
      %dma_wait3A_77 = arith.constant 0 : i32
      %dma_wait3A_78 = tpu.memref_slice %arg2[%add3A, %dma_wait3A_76, %dma_wait3A_77] : memref<32x128x64xi32, #tpu.memory_space<hbm>> -> memref<1x128x64xi32, #tpu.memory_space<hbm>>
      %dma_wait3A_79 = tpu.memref_squeeze %dma_wait3A_78 : memref<1x128x64xi32, #tpu.memory_space<hbm>> -> memref<128x64xi32, #tpu.memory_space<hbm>>
      %dma_wait3A_80 = arith.constant 0 : i32
      %dma_wait3A_81 = arith.constant 0 : i32
      %dma_wait3A_82 = tpu.memref_slice %arg2[%add3A, %dma_wait3A_80, %dma_wait3A_81] : memref<32x128x64xi32, #tpu.memory_space<hbm>> -> memref<1x128x64xi32, #tpu.memory_space<hbm>>
      %dma_wait3A_83 = tpu.memref_squeeze %dma_wait3A_82 : memref<1x128x64xi32, #tpu.memory_space<hbm>> -> memref<128x64xi32, #tpu.memory_space<hbm>>
      tpu.wait_dma2 semaphore(%run_scoped3A : memref<!tpu.dma_semaphore, #tpu.memory_space<semaphore_mem>>) src(%dma_wait3A_83 : memref<128x64xi32, #tpu.memory_space<hbm>>) dst(%arg6 : memref<128x64xi32, #tpu.memory_space<vmem>>)
      tpu.yield
    }) : () -> ()
    "tpu.region"() ({
      %run_scoped3A = tpu.sem_alloc : memref<!tpu.dma_semaphore, #tpu.memory_space<semaphore_mem>>
      %dma_start3A_68 = arith.constant 0 : i32
      %dma_start3A_69 = arith.constant 0 : i32
      %dma_start3A_70 = tpu.memref_slice %arg3[%add3A, %dma_start3A_68, %dma_start3A_69] : memref<32x128x64xi32, #tpu.memory_space<hbm>> -> memref<1x128x64xi32, #tpu.memory_space<hbm>>
      %dma_start3A_71 = tpu.memref_squeeze %dma_start3A_70 : memref<1x128x64xi32, #tpu.memory_space<hbm>> -> memref<128x64xi32, #tpu.memory_space<hbm>>
      %dma_start3A_72 = arith.constant 0 : i32
      %dma_start3A_73 = arith.constant 0 : i32
      %dma_start3A_74 = tpu.memref_slice %arg3[%add3A, %dma_start3A_72, %dma_start3A_73] : memref<32x128x64xi32, #tpu.memory_space<hbm>> -> memref<1x128x64xi32, #tpu.memory_space<hbm>>
      %dma_start3A_75 = tpu.memref_squeeze %dma_start3A_74 : memref<1x128x64xi32, #tpu.memory_space<hbm>> -> memref<128x64xi32, #tpu.memory_space<hbm>>
      tpu.enqueue_dma source(%dma_start3A_75 : memref<128x64xi32, #tpu.memory_space<hbm>>) target(%arg7 : memref<128x64xi32, #tpu.memory_space<vmem>>) target_semaphore(%run_scoped3A : memref<!tpu.dma_semaphore, #tpu.memory_space<semaphore_mem>>)
      %dma_wait3A_76 = arith.constant 0 : i32
      %dma_wait3A_77 = arith.constant 0 : i32
      %dma_wait3A_78 = tpu.memref_slice %arg3[%add3A, %dma_wait3A_76, %dma_wait3A_77] : memref<32x128x64xi32, #tpu.memory_space<hbm>> -> memref<1x128x64xi32, #tpu.memory_space<hbm>>
      %dma_wait3A_79 = tpu.memref_squeeze %dma_wait3A_78 : memref<1x128x64xi32, #tpu.memory_space<hbm>> -> memref<128x64xi32, #tpu.memory_space<hbm>>
      %dma_wait3A_80 = arith.constant 0 : i32
      %dma_wait3A_81 = arith.constant 0 : i32
      %dma_wait3A_82 = tpu.memref_slice %arg3[%add3A, %dma_wait3A_80, %dma_wait3A_81] : memref<32x128x64xi32, #tpu.memory_space<hbm>> -> memref<1x128x64xi32, #tpu.memory_space<hbm>>
      %dma_wait3A_83 = tpu.memref_squeeze %dma_wait3A_82 : memref<1x128x64xi32, #tpu.memory_space<hbm>> -> memref<128x64xi32, #tpu.memory_space<hbm>>
      tpu.wait_dma2 semaphore(%run_scoped3A : memref<!tpu.dma_semaphore, #tpu.memory_space<semaphore_mem>>) src(%dma_wait3A_83 : memref<128x64xi32, #tpu.memory_space<hbm>>) dst(%arg7 : memref<128x64xi32, #tpu.memory_space<vmem>>)
      tpu.yield
    }) : () -> ()
    %barrier3A = arith.constant 0 : index
    tpu.barrier barrier_id(%barrier3A)
    %dma_start3A = arith.constant 0 : i32
    %dma_start3A_5 = arith.constant 0 : i32
    %dma_start3A_6 = arith.constant 0 : i32
    %dma_start3A_7 = tpu.memref_slice %arg8[%dma_start3A_5, %dma_start3A_6] : memref<512x128xf32, #tpu.memory_space<vmem>> -> memref<64x128xf32, #tpu.memory_space<vmem>>
    %dma_start3A_8 = arith.constant 0 : i32
    %dma_start3A_9 = tpu.memref_slice %arg6[%dma_start3A, %dma_start3A_8] : memref<128x64xi32, #tpu.memory_space<vmem>> -> memref<1x64xi32, #tpu.memory_space<vmem>>
    %dma_start3A_10 = tpu.memref_squeeze %dma_start3A_9 : memref<1x64xi32, #tpu.memory_space<vmem>> -> memref<64xi32, #tpu.memory_space<vmem>>
    %dma_start3A_11 = arith.constant 0 : i32
    %dma_start3A_12 = arith.constant 0 : i32
    %dma_start3A_13 = tpu.memref_slice %arg10[%dma_start3A_11, %dma_start3A_12] : memref<128x128xf32, #tpu.memory_space<vmem_shared>> -> memref<128x128xf32, #tpu.memory_space<vmem_shared>>
    tpu.enqueue_indirect_dma source(%dma_start3A_13 : memref<128x128xf32, #tpu.memory_space<vmem_shared>>) target(%dma_start3A_7 : memref<64x128xf32, #tpu.memory_space<vmem>>) offsets(%dma_start3A_10 : memref<64xi32, #tpu.memory_space<vmem>>) semaphore(%arg11 : memref<!tpu.dma_semaphore, #tpu.memory_space<semaphore_mem>>)
    %dma_start3A_14 = arith.constant 1 : i32
    %dma_start3A_15 = arith.constant 128 : i32
    %dma_start3A_16 = arith.constant 0 : i32
    %dma_start3A_17 = tpu.memref_slice %arg8[%dma_start3A_15, %dma_start3A_16] : memref<512x128xf32, #tpu.memory_space<vmem>> -> memref<64x128xf32, #tpu.memory_space<vmem>>
    %dma_start3A_18 = arith.constant 0 : i32
    %dma_start3A_19 = tpu.memref_slice %arg6[%dma_start3A_14, %dma_start3A_18] : memref<128x64xi32, #tpu.memory_space<vmem>> -> memref<1x64xi32, #tpu.memory_space<vmem>>
    %dma_start3A_20 = tpu.memref_squeeze %dma_start3A_19 : memref<1x64xi32, #tpu.memory_space<vmem>> -> memref<64xi32, #tpu.memory_space<vmem>>
    %dma_start3A_21 = arith.constant 0 : i32
    %dma_start3A_22 = arith.constant 0 : i32
    %dma_start3A_23 = tpu.memref_slice %arg10[%dma_start3A_21, %dma_start3A_22] : memref<128x128xf32, #tpu.memory_space<vmem_shared>> -> memref<128x128xf32, #tpu.memory_space<vmem_shared>>
    tpu.enqueue_indirect_dma source(%dma_start3A_23 : memref<128x128xf32, #tpu.memory_space<vmem_shared>>) target(%dma_start3A_17 : memref<64x128xf32, #tpu.memory_space<vmem>>) offsets(%dma_start3A_20 : memref<64xi32, #tpu.memory_space<vmem>>) semaphore(%arg11 : memref<!tpu.dma_semaphore, #tpu.memory_space<semaphore_mem>>)
    %iota3A = tpu.iota {dimensions = array<i32: 0>} : vector<16xi32>
    %scan3A = arith.constant 0 : i32
    %scan3A_24 = arith.constant 0 : i32
    %scan3A_25 = arith.constant 128 : i32
    %scan3A_26 = arith.addi %scan3A_24, %scan3A_25 : i32
    %scan3A_27 = arith.constant 1 : i32
    scf.for %scan3A_68 = %scan3A_24 to %scan3A_26 step %scan3A_27  : i32 {
      %rem3A = arith.constant 4 : i32
      %rem3A_69 = arith.remsi %scan3A_68, %rem3A : i32
      %mul3A_70 = arith.constant 128 : i32
      %mul3A_71 = arith.muli %rem3A_69, %mul3A_70 : i32
      %get3A = arith.index_cast %scan3A_68 : i32 to index
      %get3A_72 = arith.constant 0 : index
      %get3A_73 = tpu.vector_load %arg7[%get3A, %get3A_72] {strides = array<i32>} : memref<128x64xi32, #tpu.memory_space<vmem>>, vector<16xi32>,
      %add3A_74 = arith.constant 64 : i32
      %add3A_75 = arith.addi %mul3A_71, %add3A_74 : i32
      %add3A_76 = arith.constant 0 : i32
      %add3A_77 = arith.addi %add3A_75, %add3A_76 : i32
      %add3A_78 = vector.broadcast %add3A_77 : i32 to vector<16xi32>
      %add3A_79 = arith.addi %add3A_78, %iota3A : vector<16xi32>
      %broadcast_in_dim3A = arith.constant 0 : i32
      %broadcast_in_dim3A_80 = vector.broadcast %broadcast_in_dim3A : i32 to vector<16xi32>
      %gather3A = tpu.vector_load_idx %arg9[%get3A_73, %broadcast_in_dim3A_80] : memref<128x128xf32, #tpu.memory_space<vmem>>[vector<16xi32>, vector<16xi32>], vector<16xf32>,
      tpu.vector_store_idx %arg8[%add3A_79, %broadcast_in_dim3A_80], %gather3A : memref<512x128xf32, #tpu.memory_space<vmem>>[vector<16xi32>, vector<16xi32>], vector<16xf32>,
      %broadcast_in_dim3A_81 = arith.constant 1 : i32
      %broadcast_in_dim3A_82 = vector.broadcast %broadcast_in_dim3A_81 : i32 to vector<16xi32>
      %gather3A_83 = tpu.vector_load_idx %arg9[%get3A_73, %broadcast_in_dim3A_82] : memref<128x128xf32, #tpu.memory_space<vmem>>[vector<16xi32>, vector<16xi32>], vector<16xf32>,
      tpu.vector_store_idx %arg8[%add3A_79, %broadcast_in_dim3A_82], %gather3A_83 : memref<512x128xf32, #tpu.memory_space<vmem>>[vector<16xi32>, vector<16xi32>], vector<16xf32>,
      %broadcast_in_dim3A_84 = arith.constant 2 : i32
      %broadcast_in_dim3A_85 = vector.broadcast %broadcast_in_dim3A_84 : i32 to vector<16xi32>
      %gather3A_86 = tpu.vector_load_idx %arg9[%get3A_73, %broadcast_in_dim3A_85] : memref<128x128xf32, #tpu.memory_space<vmem>>[vector<16xi32>, vector<16xi32>], vector<16xf32>,
      tpu.vector_store_idx %arg8[%add3A_79, %broadcast_in_dim3A_85], %gather3A_86 : memref<512x128xf32, #tpu.memory_space<vmem>>[vector<16xi32>, vector<16xi32>], vector<16xf32>,
      %broadcast_in_dim3A_87 = arith.constant 3 : i32
      %broadcast_in_dim3A_88 = vector.broadcast %broadcast_in_dim3A_87 : i32 to vector<16xi32>
      %gather3A_89 = tpu.vector_load_idx %arg9[%get3A_73, %broadcast_in_dim3A_88] : memref<128x128xf32, #tpu.memory_space<vmem>>[vector<16xi32>, vector<16xi32>], vector<16xf32>,
      tpu.vector_store_idx %arg8[%add3A_79, %broadcast_in_dim3A_88], %gather3A_89 : memref<512x128xf32, #tpu.memory_space<vmem>>[vector<16xi32>, vector<16xi32>], vector<16xf32>,
      %broadcast_in_dim3A_90 = arith.constant 4 : i32
      %broadcast_in_dim3A_91 = vector.broadcast %broadcast_in_dim3A_90 : i32 to vector<16xi32>
      %gather3A_92 = tpu.vector_load_idx %arg9[%get3A_73, %broadcast_in_dim3A_91] : memref<128x128xf32, #tpu.memory_space<vmem>>[vector<16xi32>, vector<16xi32>], vector<16xf32>,
      tpu.vector_store_idx %arg8[%add3A_79, %broadcast_in_dim3A_91], %gather3A_92 : memref<512x128xf32, #tpu.memory_space<vmem>>[vector<16xi32>, vector<16xi32>], vector<16xf32>,
      %broadcast_in_dim3A_93 = arith.constant 5 : i32
      %broadcast_in_dim3A_94 = vector.broadcast %broadcast_in_dim3A_93 : i32 to vector<16xi32>
      %gather3A_95 = tpu.vector_load_idx %arg9[%get3A_73, %broadcast_in_dim3A_94] : memref<128x128xf32, #tpu.memory_space<vmem>>[vector<16xi32>, vector<16xi32>], vector<16xf32>,
      tpu.vector_store_idx %arg8[%add3A_79, %broadcast_in_dim3A_94], %gather3A_95 : memref<512x128xf32, #tpu.memory_space<vmem>>[vector<16xi32>, vector<16xi32>], vector<16xf32>,
      %broadcast_in_dim3A_96 = arith.constant 6 : i32
      %broadcast_in_dim3A_97 = vector.broadcast %broadcast_in_dim3A_96 : i32 to vector<16xi32>
      %gather3A_98 = tpu.vector_load_idx %arg9[%get3A_73, %broadcast_in_dim3A_97] : memref<128x128xf32, #tpu.memory_space<vmem>>[vector<16xi32>, vector<16xi32>], vector<16xf32>,
      tpu.vector_store_idx %arg8[%add3A_79, %broadcast_in_dim3A_97], %gather3A_98 : memref<512x128xf32, #tpu.memory_space<vmem>>[vector<16xi32>, vector<16xi32>], vector<16xf32>,
      %broadcast_in_dim3A_99 = arith.constant 7 : i32
      %broadcast_in_dim3A_100 = vector.broadcast %broadcast_in_dim3A_99 : i32 to vector<16xi32>
      %gather3A_101 = tpu.vector_load_idx %arg9[%get3A_73, %broadcast_in_dim3A_100] : memref<128x128xf32, #tpu.memory_space<vmem>>[vector<16xi32>, vector<16xi32>], vector<16xf32>,
      tpu.vector_store_idx %arg8[%add3A_79, %broadcast_in_dim3A_100], %gather3A_101 : memref<512x128xf32, #tpu.memory_space<vmem>>[vector<16xi32>, vector<16xi32>], vector<16xf32>,
      %broadcast_in_dim3A_102 = arith.constant 8 : i32
      %broadcast_in_dim3A_103 = vector.broadcast %broadcast_in_dim3A_102 : i32 to vector<16xi32>
      %gather3A_104 = tpu.vector_load_idx %arg9[%get3A_73, %broadcast_in_dim3A_103] : memref<128x128xf32, #tpu.memory_space<vmem>>[vector<16xi32>, vector<16xi32>], vector<16xf32>,
      tpu.vector_store_idx %arg8[%add3A_79, %broadcast_in_dim3A_103], %gather3A_104 : memref<512x128xf32, #tpu.memory_space<vmem>>[vector<16xi32>, vector<16xi32>], vector<16xf32>,
      %broadcast_in_dim3A_105 = arith.constant 9 : i32
      %broadcast_in_dim3A_106 = vector.broadcast %broadcast_in_dim3A_105 : i32 to vector<16xi32>
      %gather3A_107 = tpu.vector_load_idx %arg9[%get3A_73, %broadcast_in_dim3A_106] : memref<128x128xf32, #tpu.memory_space<vmem>>[vector<16xi32>, vector<16xi32>], vector<16xf32>,
      tpu.vector_store_idx %arg8[%add3A_79, %broadcast_in_dim3A_106], %gather3A_107 : memref<512x128xf32, #tpu.memory_space<vmem>>[vector<16xi32>, vector<16xi32>], vector<16xf32>,
      %broadcast_in_dim3A_108 = arith.constant 10 : i32
      %broadcast_in_dim3A_109 = vector.broadcast %broadcast_in_dim3A_108 : i32 to vector<16xi32>
      %gather3A_110 = tpu.vector_load_idx %arg9[%get3A_73, %broadcast_in_dim3A_109] : memref<128x128xf32, #tpu.memory_space<vmem>>[vector<16xi32>, vector<16xi32>], vector<16xf32>,
      tpu.vector_store_idx %arg8[%add3A_79, %broadcast_in_dim3A_109], %gather3A_110 : memref<512x128xf32, #tpu.memory_space<vmem>>[vector<16xi32>, vector<16xi32>], vector<16xf32>,
      %broadcast_in_dim3A_111 = arith.constant 11 : i32
      %broadcast_in_dim3A_112 = vector.broadcast %broadcast_in_dim3A_111 : i32 to vector<16xi32>
      %gather3A_113 = tpu.vector_load_idx %arg9[%get3A_73, %broadcast_in_dim3A_112] : memref<128x128xf32, #tpu.memory_space<vmem>>[vector<16xi32>, vector<16xi32>], vector<16xf32>,
      tpu.vector_store_idx %arg8[%add3A_79, %broadcast_in_dim3A_112], %gather3A_113 : memref<512x128xf32, #tpu.memory_space<vmem>>[vector<16xi32>, vector<16xi32>], vector<16xf32>,
      %broadcast_in_dim3A_114 = arith.constant 12 : i32
      %broadcast_in_dim3A_115 = vector.broadcast %broadcast_in_dim3A_114 : i32 to vector<16xi32>
      %gather3A_116 = tpu.vector_load_idx %arg9[%get3A_73, %broadcast_in_dim3A_115] : memref<128x128xf32, #tpu.memory_space<vmem>>[vector<16xi32>, vector<16xi32>], vector<16xf32>,
      tpu.vector_store_idx %arg8[%add3A_79, %broadcast_in_dim3A_115], %gather3A_116 : memref<512x128xf32, #tpu.memory_space<vmem>>[vector<16xi32>, vector<16xi32>], vector<16xf32>,
      %broadcast_in_dim3A_117 = arith.constant 13 : i32
      %broadcast_in_dim3A_118 = vector.broadcast %broadcast_in_dim3A_117 : i32 to vector<16xi32>
      %gather3A_119 = tpu.vector_load_idx %arg9[%get3A_73, %broadcast_in_dim3A_118] : memref<128x128xf32, #tpu.memory_space<vmem>>[vector<16xi32>, vector<16xi32>], vector<16xf32>,
      tpu.vector_store_idx %arg8[%add3A_79, %broadcast_in_dim3A_118], %gather3A_119 : memref<512x128xf32, #tpu.memory_space<vmem>>[vector<16xi32>, vector<16xi32>], vector<16xf32>,
      %broadcast_in_dim3A_120 = arith.constant 14 : i32
      %broadcast_in_dim3A_121 = vector.broadcast %broadcast_in_dim3A_120 : i32 to vector<16xi32>
      %gather3A_122 = tpu.vector_load_idx %arg9[%get3A_73, %broadcast_in_dim3A_121] : memref<128x128xf32, #tpu.memory_space<vmem>>[vector<16xi32>, vector<16xi32>], vector<16xf32>,
      tpu.vector_store_idx %arg8[%add3A_79, %broadcast_in_dim3A_121], %gather3A_122 : memref<512x128xf32, #tpu.memory_space<vmem>>[vector<16xi32>, vector<16xi32>], vector<16xf32>,
      %broadcast_in_dim3A_123 = arith.constant 15 : i32
      %broadcast_in_dim3A_124 = vector.broadcast %broadcast_in_dim3A_123 : i32 to vector<16xi32>
      %gather3A_125 = tpu.vector_load_idx %arg9[%get3A_73, %broadcast_in_dim3A_124] : memref<128x128xf32, #tpu.memory_space<vmem>>[vector<16xi32>, vector<16xi32>], vector<16xf32>,
      tpu.vector_store_idx %arg8[%add3A_79, %broadcast_in_dim3A_124], %gather3A_125 : memref<512x128xf32, #tpu.memory_space<vmem>>[vector<16xi32>, vector<16xi32>], vector<16xf32>,
      %broadcast_in_dim3A_126 = arith.constant 16 : i32
      %broadcast_in_dim3A_127 = vector.broadcast %broadcast_in_dim3A_126 : i32 to vector<16xi32>
      %gather3A_128 = tpu.vector_load_idx %arg9[%get3A_73, %broadcast_in_dim3A_127] : memref<128x128xf32, #tpu.memory_space<vmem>>[vector<16xi32>, vector<16xi32>], vector<16xf32>,
      tpu.vector_store_idx %arg8[%add3A_79, %broadcast_in_dim3A_127], %gather3A_128 : memref<512x128xf32, #tpu.memory_space<vmem>>[vector<16xi32>, vector<16xi32>], vector<16xf32>,
      %broadcast_in_dim3A_129 = arith.constant 17 : i32
      %broadcast_in_dim3A_130 = vector.broadcast %broadcast_in_dim3A_129 : i32 to vector<16xi32>
      %gather3A_131 = tpu.vector_load_idx %arg9[%get3A_73, %broadcast_in_dim3A_130] : memref<128x128xf32, #tpu.memory_space<vmem>>[vector<16xi32>, vector<16xi32>], vector<16xf32>,
      tpu.vector_store_idx %arg8[%add3A_79, %broadcast_in_dim3A_130], %gather3A_131 : memref<512x128xf32, #tpu.memory_space<vmem>>[vector<16xi32>, vector<16xi32>], vector<16xf32>,
      %broadcast_in_dim3A_132 = arith.constant 18 : i32
      %broadcast_in_dim3A_133 = vector.broadcast %broadcast_in_dim3A_132 : i32 to vector<16xi32>
      %gather3A_134 = tpu.vector_load_idx %arg9[%get3A_73, %broadcast_in_dim3A_133] : memref<128x128xf32, #tpu.memory_space<vmem>>[vector<16xi32>, vector<16xi32>], vector<16xf32>,
      tpu.vector_store_idx %arg8[%add3A_79, %broadcast_in_dim3A_133], %gather3A_134 : memref<512x128xf32, #tpu.memory_space<vmem>>[vector<16xi32>, vector<16xi32>], vector<16xf32>,
      %broadcast_in_dim3A_135 = arith.constant 19 : i32
      %broadcast_in_dim3A_136 = vector.broadcast %broadcast_in_dim3A_135 : i32 to vector<16xi32>
      %gather3A_137 = tpu.vector_load_idx %arg9[%get3A_73, %broadcast_in_dim3A_136] : memref<128x128xf32, #tpu.memory_space<vmem>>[vector<16xi32>, vector<16xi32>], vector<16xf32>,
      tpu.vector_store_idx %arg8[%add3A_79, %broadcast_in_dim3A_136], %gather3A_137 : memref<512x128xf32, #tpu.memory_space<vmem>>[vector<16xi32>, vector<16xi32>], vector<16xf32>,
      %broadcast_in_dim3A_138 = arith.constant 20 : i32
      %broadcast_in_dim3A_139 = vector.broadcast %broadcast_in_dim3A_138 : i32 to vector<16xi32>
      %gather3A_140 = tpu.vector_load_idx %arg9[%get3A_73, %broadcast_in_dim3A_139] : memref<128x128xf32, #tpu.memory_space<vmem>>[vector<16xi32>, vector<16xi32>], vector<16xf32>,
      tpu.vector_store_idx %arg8[%add3A_79, %broadcast_in_dim3A_139], %gather3A_140 : memref<512x128xf32, #tpu.memory_space<vmem>>[vector<16xi32>, vector<16xi32>], vector<16xf32>,
      %broadcast_in_dim3A_141 = arith.constant 21 : i32
      %broadcast_in_dim3A_142 = vector.broadcast %broadcast_in_dim3A_141 : i32 to vector<16xi32>
      %gather3A_143 = tpu.vector_load_idx %arg9[%get3A_73, %broadcast_in_dim3A_142] : memref<128x128xf32, #tpu.memory_space<vmem>>[vector<16xi32>, vector<16xi32>], vector<16xf32>,
      tpu.vector_store_idx %arg8[%add3A_79, %broadcast_in_dim3A_142], %gather3A_143 : memref<512x128xf32, #tpu.memory_space<vmem>>[vector<16xi32>, vector<16xi32>], vector<16xf32>,
      %broadcast_in_dim3A_144 = arith.constant 22 : i32
      %broadcast_in_dim3A_145 = vector.broadcast %broadcast_in_dim3A_144 : i32 to vector<16xi32>
      %gather3A_146 = tpu.vector_load_idx %arg9[%get3A_73, %broadcast_in_dim3A_145] : memref<128x128xf32, #tpu.memory_space<vmem>>[vector<16xi32>, vector<16xi32>], vector<16xf32>,
      tpu.vector_store_idx %arg8[%add3A_79, %broadcast_in_dim3A_145], %gather3A_146 : memref<512x128xf32, #tpu.memory_space<vmem>>[vector<16xi32>, vector<16xi32>], vector<16xf32>,
      %broadcast_in_dim3A_147 = arith.constant 23 : i32
      %broadcast_in_dim3A_148 = vector.broadcast %broadcast_in_dim3A_147 : i32 to vector<16xi32>
      %gather3A_149 = tpu.vector_load_idx %arg9[%get3A_73, %broadcast_in_dim3A_148] : memref<128x128xf32, #tpu.memory_space<vmem>>[vector<16xi32>, vector<16xi32>], vector<16xf32>,
      tpu.vector_store_idx %arg8[%add3A_79, %broadcast_in_dim3A_148], %gather3A_149 : memref<512x128xf32, #tpu.memory_space<vmem>>[vector<16xi32>, vector<16xi32>], vector<16xf32>,
      %broadcast_in_dim3A_150 = arith.constant 24 : i32
      %broadcast_in_dim3A_151 = vector.broadcast %broadcast_in_dim3A_150 : i32 to vector<16xi32>
      %gather3A_152 = tpu.vector_load_idx %arg9[%get3A_73, %broadcast_in_dim3A_151] : memref<128x128xf32, #tpu.memory_space<vmem>>[vector<16xi32>, vector<16xi32>], vector<16xf32>,
      tpu.vector_store_idx %arg8[%add3A_79, %broadcast_in_dim3A_151], %gather3A_152 : memref<512x128xf32, #tpu.memory_space<vmem>>[vector<16xi32>, vector<16xi32>], vector<16xf32>,
      %broadcast_in_dim3A_153 = arith.constant 25 : i32
      %broadcast_in_dim3A_154 = vector.broadcast %broadcast_in_dim3A_153 : i32 to vector<16xi32>
      %gather3A_155 = tpu.vector_load_idx %arg9[%get3A_73, %broadcast_in_dim3A_154] : memref<128x128xf32, #tpu.memory_space<vmem>>[vector<16xi32>, vector<16xi32>], vector<16xf32>,
      tpu.vector_store_idx %arg8[%add3A_79, %broadcast_in_dim3A_154], %gather3A_155 : memref<512x128xf32, #tpu.memory_space<vmem>>[vector<16xi32>, vector<16xi32>], vector<16xf32>,
      %broadcast_in_dim3A_156 = arith.constant 26 : i32
      %broadcast_in_dim3A_157 = vector.broadcast %broadcast_in_dim3A_156 : i32 to vector<16xi32>
      %gather3A_158 = tpu.vector_load_idx %arg9[%get3A_73, %broadcast_in_dim3A_157] : memref<128x128xf32, #tpu.memory_space<vmem>>[vector<16xi32>, vector<16xi32>], vector<16xf32>,
      tpu.vector_store_idx %arg8[%add3A_79, %broadcast_in_dim3A_157], %gather3A_158 : memref<512x128xf32, #tpu.memory_space<vmem>>[vector<16xi32>, vector<16xi32>], vector<16xf32>,
      %broadcast_in_dim3A_159 = arith.constant 27 : i32
      %broadcast_in_dim3A_160 = vector.broadcast %broadcast_in_dim3A_159 : i32 to vector<16xi32>
      %gather3A_161 = tpu.vector_load_idx %arg9[%get3A_73, %broadcast_in_dim3A_160] : memref<128x128xf32, #tpu.memory_space<vmem>>[vector<16xi32>, vector<16xi32>], vector<16xf32>,
      tpu.vector_store_idx %arg8[%add3A_79, %broadcast_in_dim3A_160], %gather3A_161 : memref<512x128xf32, #tpu.memory_space<vmem>>[vector<16xi32>, vector<16xi32>], vector<16xf32>,
      %broadcast_in_dim3A_162 = arith.constant 28 : i32
      %broadcast_in_dim3A_163 = vector.broadcast %broadcast_in_dim3A_162 : i32 to vector<16xi32>
      %gather3A_164 = tpu.vector_load_idx %arg9[%get3A_73, %broadcast_in_dim3A_163] : memref<128x128xf32, #tpu.memory_space<vmem>>[vector<16xi32>, vector<16xi32>], vector<16xf32>,
      tpu.vector_store_idx %arg8[%add3A_79, %broadcast_in_dim3A_163], %gather3A_164 : memref<512x128xf32, #tpu.memory_space<vmem>>[vector<16xi32>, vector<16xi32>], vector<16xf32>,
      %broadcast_in_dim3A_165 = arith.constant 29 : i32
      %broadcast_in_dim3A_166 = vector.broadcast %broadcast_in_dim3A_165 : i32 to vector<16xi32>
      %gather3A_167 = tpu.vector_load_idx %arg9[%get3A_73, %broadcast_in_dim3A_166] : memref<128x128xf32, #tpu.memory_space<vmem>>[vector<16xi32>, vector<16xi32>], vector<16xf32>,
      tpu.vector_store_idx %arg8[%add3A_79, %broadcast_in_dim3A_166], %gather3A_167 : memref<512x128xf32, #tpu.memory_space<vmem>>[vector<16xi32>, vector<16xi32>], vector<16xf32>,
      %broadcast_in_dim3A_168 = arith.constant 30 : i32
      %broadcast_in_dim3A_169 = vector.broadcast %broadcast_in_dim3A_168 : i32 to vector<16xi32>
      %gather3A_170 = tpu.vector_load_idx %arg9[%get3A_73, %broadcast_in_dim3A_169] : memref<128x128xf32, #tpu.memory_space<vmem>>[vector<16xi32>, vector<16xi32>], vector<16xf32>,
      tpu.vector_store_idx %arg8[%add3A_79, %broadcast_in_dim3A_169], %gather3A_170 : memref<512x128xf32, #tpu.memory_space<vmem>>[vector<16xi32>, vector<16xi32>], vector<16xf32>,
      %broadcast_in_dim3A_171 = arith.constant 31 : i32
      %broadcast_in_dim3A_172 = vector.broadcast %broadcast_in_dim3A_171 : i32 to vector<16xi32>
      %gather3A_173 = tpu.vector_load_idx %arg9[%get3A_73, %broadcast_in_dim3A_172] : memref<128x128xf32, #tpu.memory_space<vmem>>[vector<16xi32>, vector<16xi32>], vector<16xf32>,
      tpu.vector_store_idx %arg8[%add3A_79, %broadcast_in_dim3A_172], %gather3A_173 : memref<512x128xf32, #tpu.memory_space<vmem>>[vector<16xi32>, vector<16xi32>], vector<16xf32>,
      %broadcast_in_dim3A_174 = arith.constant 32 : i32
      %broadcast_in_dim3A_175 = vector.broadcast %broadcast_in_dim3A_174 : i32 to vector<16xi32>
      %gather3A_176 = tpu.vector_load_idx %arg9[%get3A_73, %broadcast_in_dim3A_175] : memref<128x128xf32, #tpu.memory_space<vmem>>[vector<16xi32>, vector<16xi32>], vector<16xf32>,
      tpu.vector_store_idx %arg8[%add3A_79, %broadcast_in_dim3A_175], %gather3A_176 : memref<512x128xf32, #tpu.memory_space<vmem>>[vector<16xi32>, vector<16xi32>], vector<16xf32>,
      %broadcast_in_dim3A_177 = arith.constant 33 : i32
      %broadcast_in_dim3A_178 = vector.broadcast %broadcast_in_dim3A_177 : i32 to vector<16xi32>
      %gather3A_179 = tpu.vector_load_idx %arg9[%get3A_73, %broadcast_in_dim3A_178] : memref<128x128xf32, #tpu.memory_space<vmem>>[vector<16xi32>, vector<16xi32>], vector<16xf32>,
      tpu.vector_store_idx %arg8[%add3A_79, %broadcast_in_dim3A_178], %gather3A_179 : memref<512x128xf32, #tpu.memory_space<vmem>>[vector<16xi32>, vector<16xi32>], vector<16xf32>,
      %broadcast_in_dim3A_180 = arith.constant 34 : i32
      %broadcast_in_dim3A_181 = vector.broadcast %broadcast_in_dim3A_180 : i32 to vector<16xi32>
      %gather3A_182 = tpu.vector_load_idx %arg9[%get3A_73, %broadcast_in_dim3A_181] : memref<128x128xf32, #tpu.memory_space<vmem>>[vector<16xi32>, vector<16xi32>], vector<16xf32>,
      tpu.vector_store_idx %arg8[%add3A_79, %broadcast_in_dim3A_181], %gather3A_182 : memref<512x128xf32, #tpu.memory_space<vmem>>[vector<16xi32>, vector<16xi32>], vector<16xf32>,
      %broadcast_in_dim3A_183 = arith.constant 35 : i32
      %broadcast_in_dim3A_184 = vector.broadcast %broadcast_in_dim3A_183 : i32 to vector<16xi32>
      %gather3A_185 = tpu.vector_load_idx %arg9[%get3A_73, %broadcast_in_dim3A_184] : memref<128x128xf32, #tpu.memory_space<vmem>>[vector<16xi32>, vector<16xi32>], vector<16xf32>,
      tpu.vector_store_idx %arg8[%add3A_79, %broadcast_in_dim3A_184], %gather3A_185 : memref<512x128xf32, #tpu.memory_space<vmem>>[vector<16xi32>, vector<16xi32>], vector<16xf32>,
      %broadcast_in_dim3A_186 = arith.constant 36 : i32
      %broadcast_in_dim3A_187 = vector.broadcast %broadcast_in_dim3A_186 : i32 to vector<16xi32>
      %gather3A_188 = tpu.vector_load_idx %arg9[%get3A_73, %broadcast_in_dim3A_187] : memref<128x128xf32, #tpu.memory_space<vmem>>[vector<16xi32>, vector<16xi32>], vector<16xf32>,
      tpu.vector_store_idx %arg8[%add3A_79, %broadcast_in_dim3A_187], %gather3A_188 : memref<512x128xf32, #tpu.memory_space<vmem>>[vector<16xi32>, vector<16xi32>], vector<16xf32>,
      %broadcast_in_dim3A_189 = arith.constant 37 : i32
      %broadcast_in_dim3A_190 = vector.broadcast %broadcast_in_dim3A_189 : i32 to vector<16xi32>
      %gather3A_191 = tpu.vector_load_idx %arg9[%get3A_73, %broadcast_in_dim3A_190] : memref<128x128xf32, #tpu.memory_space<vmem>>[vector<16xi32>, vector<16xi32>], vector<16xf32>,
      tpu.vector_store_idx %arg8[%add3A_79, %broadcast_in_dim3A_190], %gather3A_191 : memref<512x128xf32, #tpu.memory_space<vmem>>[vector<16xi32>, vector<16xi32>], vector<16xf32>,
      %broadcast_in_dim3A_192 = arith.constant 38 : i32
      %broadcast_in_dim3A_193 = vector.broadcast %broadcast_in_dim3A_192 : i32 to vector<16xi32>
      %gather3A_194 = tpu.vector_load_idx %arg9[%get3A_73, %broadcast_in_dim3A_193] : memref<128x128xf32, #tpu.memory_space<vmem>>[vector<16xi32>, vector<16xi32>], vector<16xf32>,
      tpu.vector_store_idx %arg8[%add3A_79, %broadcast_in_dim3A_193], %gather3A_194 : memref<512x128xf32, #tpu.memory_space<vmem>>[vector<16xi32>, vector<16xi32>], vector<16xf32>,
      %broadcast_in_dim3A_195 = arith.constant 39 : i32
      %broadcast_in_dim3A_196 = vector.broadcast %broadcast_in_dim3A_195 : i32 to vector<16xi32>
      %gather3A_197 = tpu.vector_load_idx %arg9[%get3A_73, %broadcast_in_dim3A_196] : memref<128x128xf32, #tpu.memory_space<vmem>>[vector<16xi32>, vector<16xi32>], vector<16xf32>,
      tpu.vector_store_idx %arg8[%add3A_79, %broadcast_in_dim3A_196], %gather3A_197 : memref<512x128xf32, #tpu.memory_space<vmem>>[vector<16xi32>, vector<16xi32>], vector<16xf32>,
      %broadcast_in_dim3A_198 = arith.constant 40 : i32
      %broadcast_in_dim3A_199 = vector.broadcast %broadcast_in_dim3A_198 : i32 to vector<16xi32>
      %gather3A_200 = tpu.vector_load_idx %arg9[%get3A_73, %broadcast_in_dim3A_199] : memref<128x128xf32, #tpu.memory_space<vmem>>[vector<16xi32>, vector<16xi32>], vector<16xf32>,
      tpu.vector_store_idx %arg8[%add3A_79, %broadcast_in_dim3A_199], %gather3A_200 : memref<512x128xf32, #tpu.memory_space<vmem>>[vector<16xi32>, vector<16xi32>], vector<16xf32>,
      %broadcast_in_dim3A_201 = arith.constant 41 : i32
      %broadcast_in_dim3A_202 = vector.broadcast %broadcast_in_dim3A_201 : i32 to vector<16xi32>
      %gather3A_203 = tpu.vector_load_idx %arg9[%get3A_73, %broadcast_in_dim3A_202] : memref<128x128xf32, #tpu.memory_space<vmem>>[vector<16xi32>, vector<16xi32>], vector<16xf32>,
      tpu.vector_store_idx %arg8[%add3A_79, %broadcast_in_dim3A_202], %gather3A_203 : memref<512x128xf32, #tpu.memory_space<vmem>>[vector<16xi32>, vector<16xi32>], vector<16xf32>,
      %broadcast_in_dim3A_204 = arith.constant 42 : i32
      %broadcast_in_dim3A_205 = vector.broadcast %broadcast_in_dim3A_204 : i32 to vector<16xi32>
      %gather3A_206 = tpu.vector_load_idx %arg9[%get3A_73, %broadcast_in_dim3A_205] : memref<128x128xf32, #tpu.memory_space<vmem>>[vector<16xi32>, vector<16xi32>], vector<16xf32>,
      tpu.vector_store_idx %arg8[%add3A_79, %broadcast_in_dim3A_205], %gather3A_206 : memref<512x128xf32, #tpu.memory_space<vmem>>[vector<16xi32>, vector<16xi32>], vector<16xf32>,
      %broadcast_in_dim3A_207 = arith.constant 43 : i32
      %broadcast_in_dim3A_208 = vector.broadcast %broadcast_in_dim3A_207 : i32 to vector<16xi32>
      %gather3A_209 = tpu.vector_load_idx %arg9[%get3A_73, %broadcast_in_dim3A_208] : memref<128x128xf32, #tpu.memory_space<vmem>>[vector<16xi32>, vector<16xi32>], vector<16xf32>,
      tpu.vector_store_idx %arg8[%add3A_79, %broadcast_in_dim3A_208], %gather3A_209 : memref<512x128xf32, #tpu.memory_space<vmem>>[vector<16xi32>, vector<16xi32>], vector<16xf32>,
      %broadcast_in_dim3A_210 = arith.constant 44 : i32
      %broadcast_in_dim3A_211 = vector.broadcast %broadcast_in_dim3A_210 : i32 to vector<16xi32>
      %gather3A_212 = tpu.vector_load_idx %arg9[%get3A_73, %broadcast_in_dim3A_211] : memref<128x128xf32, #tpu.memory_space<vmem>>[vector<16xi32>, vector<16xi32>], vector<16xf32>,
      tpu.vector_store_idx %arg8[%add3A_79, %broadcast_in_dim3A_211], %gather3A_212 : memref<512x128xf32, #tpu.memory_space<vmem>>[vector<16xi32>, vector<16xi32>], vector<16xf32>,
      %broadcast_in_dim3A_213 = arith.constant 45 : i32
      %broadcast_in_dim3A_214 = vector.broadcast %broadcast_in_dim3A_213 : i32 to vector<16xi32>
      %gather3A_215 = tpu.vector_load_idx %arg9[%get3A_73, %broadcast_in_dim3A_214] : memref<128x128xf32, #tpu.memory_space<vmem>>[vector<16xi32>, vector<16xi32>], vector<16xf32>,
      tpu.vector_store_idx %arg8[%add3A_79, %broadcast_in_dim3A_214], %gather3A_215 : memref<512x128xf32, #tpu.memory_space<vmem>>[vector<16xi32>, vector<16xi32>], vector<16xf32>,
      %broadcast_in_dim3A_216 = arith.constant 46 : i32
      %broadcast_in_dim3A_217 = vector.broadcast %broadcast_in_dim3A_216 : i32 to vector<16xi32>
      %gather3A_218 = tpu.vector_load_idx %arg9[%get3A_73, %broadcast_in_dim3A_217] : memref<128x128xf32, #tpu.memory_space<vmem>>[vector<16xi32>, vector<16xi32>], vector<16xf32>,
      tpu.vector_store_idx %arg8[%add3A_79, %broadcast_in_dim3A_217], %gather3A_218 : memref<512x128xf32, #tpu.memory_space<vmem>>[vector<16xi32>, vector<16xi32>], vector<16xf32>,
      %broadcast_in_dim3A_219 = arith.constant 47 : i32
      %broadcast_in_dim3A_220 = vector.broadcast %broadcast_in_dim3A_219 : i32 to vector<16xi32>
      %gather3A_221 = tpu.vector_load_idx %arg9[%get3A_73, %broadcast_in_dim3A_220] : memref<128x128xf32, #tpu.memory_space<vmem>>[vector<16xi32>, vector<16xi32>], vector<16xf32>,
      tpu.vector_store_idx %arg8[%add3A_79, %broadcast_in_dim3A_220], %gather3A_221 : memref<512x128xf32, #tpu.memory_space<vmem>>[vector<16xi32>, vector<16xi32>], vector<16xf32>,
      %broadcast_in_dim3A_222 = arith.constant 48 : i32
      %broadcast_in_dim3A_223 = vector.broadcast %broadcast_in_dim3A_222 : i32 to vector<16xi32>
      %gather3A_224 = tpu.vector_load_idx %arg9[%get3A_73, %broadcast_in_dim3A_223] : memref<128x128xf32, #tpu.memory_space<vmem>>[vector<16xi32>, vector<16xi32>], vector<16xf32>,
      tpu.vector_store_idx %arg8[%add3A_79, %broadcast_in_dim3A_223], %gather3A_224 : memref<512x128xf32, #tpu.memory_space<vmem>>[vector<16xi32>, vector<16xi32>], vector<16xf32>,
      %broadcast_in_dim3A_225 = arith.constant 49 : i32
      %broadcast_in_dim3A_226 = vector.broadcast %broadcast_in_dim3A_225 : i32 to vector<16xi32>
      %gather3A_227 = tpu.vector_load_idx %arg9[%get3A_73, %broadcast_in_dim3A_226] : memref<128x128xf32, #tpu.memory_space<vmem>>[vector<16xi32>, vector<16xi32>], vector<16xf32>,
      tpu.vector_store_idx %arg8[%add3A_79, %broadcast_in_dim3A_226], %gather3A_227 : memref<512x128xf32, #tpu.memory_space<vmem>>[vector<16xi32>, vector<16xi32>], vector<16xf32>,
      %broadcast_in_dim3A_228 = arith.constant 50 : i32
      %broadcast_in_dim3A_229 = vector.broadcast %broadcast_in_dim3A_228 : i32 to vector<16xi32>
      %gather3A_230 = tpu.vector_load_idx %arg9[%get3A_73, %broadcast_in_dim3A_229] : memref<128x128xf32, #tpu.memory_space<vmem>>[vector<16xi32>, vector<16xi32>], vector<16xf32>,
      tpu.vector_store_idx %arg8[%add3A_79, %broadcast_in_dim3A_229], %gather3A_230 : memref<512x128xf32, #tpu.memory_space<vmem>>[vector<16xi32>, vector<16xi32>], vector<16xf32>,
      %broadcast_in_dim3A_231 = arith.constant 51 : i32
      %broadcast_in_dim3A_232 = vector.broadcast %broadcast_in_dim3A_231 : i32 to vector<16xi32>
      %gather3A_233 = tpu.vector_load_idx %arg9[%get3A_73, %broadcast_in_dim3A_232] : memref<128x128xf32, #tpu.memory_space<vmem>>[vector<16xi32>, vector<16xi32>], vector<16xf32>,
      tpu.vector_store_idx %arg8[%add3A_79, %broadcast_in_dim3A_232], %gather3A_233 : memref<512x128xf32, #tpu.memory_space<vmem>>[vector<16xi32>, vector<16xi32>], vector<16xf32>,
      %broadcast_in_dim3A_234 = arith.constant 52 : i32
      %broadcast_in_dim3A_235 = vector.broadcast %broadcast_in_dim3A_234 : i32 to vector<16xi32>
      %gather3A_236 = tpu.vector_load_idx %arg9[%get3A_73, %broadcast_in_dim3A_235] : memref<128x128xf32, #tpu.memory_space<vmem>>[vector<16xi32>, vector<16xi32>], vector<16xf32>,
      tpu.vector_store_idx %arg8[%add3A_79, %broadcast_in_dim3A_235], %gather3A_236 : memref<512x128xf32, #tpu.memory_space<vmem>>[vector<16xi32>, vector<16xi32>], vector<16xf32>,
      %broadcast_in_dim3A_237 = arith.constant 53 : i32
      %broadcast_in_dim3A_238 = vector.broadcast %broadcast_in_dim3A_237 : i32 to vector<16xi32>
      %gather3A_239 = tpu.vector_load_idx %arg9[%get3A_73, %broadcast_in_dim3A_238] : memref<128x128xf32, #tpu.memory_space<vmem>>[vector<16xi32>, vector<16xi32>], vector<16xf32>,
      tpu.vector_store_idx %arg8[%add3A_79, %broadcast_in_dim3A_238], %gather3A_239 : memref<512x128xf32, #tpu.memory_space<vmem>>[vector<16xi32>, vector<16xi32>], vector<16xf32>,
      %broadcast_in_dim3A_240 = arith.constant 54 : i32
      %broadcast_in_dim3A_241 = vector.broadcast %broadcast_in_dim3A_240 : i32 to vector<16xi32>
      %gather3A_242 = tpu.vector_load_idx %arg9[%get3A_73, %broadcast_in_dim3A_241] : memref<128x128xf32, #tpu.memory_space<vmem>>[vector<16xi32>, vector<16xi32>], vector<16xf32>,
      tpu.vector_store_idx %arg8[%add3A_79, %broadcast_in_dim3A_241], %gather3A_242 : memref<512x128xf32, #tpu.memory_space<vmem>>[vector<16xi32>, vector<16xi32>], vector<16xf32>,
      %broadcast_in_dim3A_243 = arith.constant 55 : i32
      %broadcast_in_dim3A_244 = vector.broadcast %broadcast_in_dim3A_243 : i32 to vector<16xi32>
      %gather3A_245 = tpu.vector_load_idx %arg9[%get3A_73, %broadcast_in_dim3A_244] : memref<128x128xf32, #tpu.memory_space<vmem>>[vector<16xi32>, vector<16xi32>], vector<16xf32>,
      tpu.vector_store_idx %arg8[%add3A_79, %broadcast_in_dim3A_244], %gather3A_245 : memref<512x128xf32, #tpu.memory_space<vmem>>[vector<16xi32>, vector<16xi32>], vector<16xf32>,
      %broadcast_in_dim3A_246 = arith.constant 56 : i32
      %broadcast_in_dim3A_247 = vector.broadcast %broadcast_in_dim3A_246 : i32 to vector<16xi32>
      %gather3A_248 = tpu.vector_load_idx %arg9[%get3A_73, %broadcast_in_dim3A_247] : memref<128x128xf32, #tpu.memory_space<vmem>>[vector<16xi32>, vector<16xi32>], vector<16xf32>,
      tpu.vector_store_idx %arg8[%add3A_79, %broadcast_in_dim3A_247], %gather3A_248 : memref<512x128xf32, #tpu.memory_space<vmem>>[vector<16xi32>, vector<16xi32>], vector<16xf32>,
      %broadcast_in_dim3A_249 = arith.constant 57 : i32
      %broadcast_in_dim3A_250 = vector.broadcast %broadcast_in_dim3A_249 : i32 to vector<16xi32>
      %gather3A_251 = tpu.vector_load_idx %arg9[%get3A_73, %broadcast_in_dim3A_250] : memref<128x128xf32, #tpu.memory_space<vmem>>[vector<16xi32>, vector<16xi32>], vector<16xf32>,
      tpu.vector_store_idx %arg8[%add3A_79, %broadcast_in_dim3A_250], %gather3A_251 : memref<512x128xf32, #tpu.memory_space<vmem>>[vector<16xi32>, vector<16xi32>], vector<16xf32>,
      %broadcast_in_dim3A_252 = arith.constant 58 : i32
      %broadcast_in_dim3A_253 = vector.broadcast %broadcast_in_dim3A_252 : i32 to vector<16xi32>
      %gather3A_254 = tpu.vector_load_idx %arg9[%get3A_73, %broadcast_in_dim3A_253] : memref<128x128xf32, #tpu.memory_space<vmem>>[vector<16xi32>, vector<16xi32>], vector<16xf32>,
      tpu.vector_store_idx %arg8[%add3A_79, %broadcast_in_dim3A_253], %gather3A_254 : memref<512x128xf32, #tpu.memory_space<vmem>>[vector<16xi32>, vector<16xi32>], vector<16xf32>,
      %broadcast_in_dim3A_255 = arith.constant 59 : i32
      %broadcast_in_dim3A_256 = vector.broadcast %broadcast_in_dim3A_255 : i32 to vector<16xi32>
      %gather3A_257 = tpu.vector_load_idx %arg9[%get3A_73, %broadcast_in_dim3A_256] : memref<128x128xf32, #tpu.memory_space<vmem>>[vector<16xi32>, vector<16xi32>], vector<16xf32>,
      tpu.vector_store_idx %arg8[%add3A_79, %broadcast_in_dim3A_256], %gather3A_257 : memref<512x128xf32, #tpu.memory_space<vmem>>[vector<16xi32>, vector<16xi32>], vector<16xf32>,
      %broadcast_in_dim3A_258 = arith.constant 60 : i32
      %broadcast_in_dim3A_259 = vector.broadcast %broadcast_in_dim3A_258 : i32 to vector<16xi32>
      %gather3A_260 = tpu.vector_load_idx %arg9[%get3A_73, %broadcast_in_dim3A_259] : memref<128x128xf32, #tpu.memory_space<vmem>>[vector<16xi32>, vector<16xi32>], vector<16xf32>,
      tpu.vector_store_idx %arg8[%add3A_79, %broadcast_in_dim3A_259], %gather3A_260 : memref<512x128xf32, #tpu.memory_space<vmem>>[vector<16xi32>, vector<16xi32>], vector<16xf32>,
      %broadcast_in_dim3A_261 = arith.constant 61 : i32
      %broadcast_in_dim3A_262 = vector.broadcast %broadcast_in_dim3A_261 : i32 to vector<16xi32>
      %gather3A_263 = tpu.vector_load_idx %arg9[%get3A_73, %broadcast_in_dim3A_262] : memref<128x128xf32, #tpu.memory_space<vmem>>[vector<16xi32>, vector<16xi32>], vector<16xf32>,
      tpu.vector_store_idx %arg8[%add3A_79, %broadcast_in_dim3A_262], %gather3A_263 : memref<512x128xf32, #tpu.memory_space<vmem>>[vector<16xi32>, vector<16xi32>], vector<16xf32>,
      %broadcast_in_dim3A_264 = arith.constant 62 : i32
      %broadcast_in_dim3A_265 = vector.broadcast %broadcast_in_dim3A_264 : i32 to vector<16xi32>
      %gather3A_266 = tpu.vector_load_idx %arg9[%get3A_73, %broadcast_in_dim3A_265] : memref<128x128xf32, #tpu.memory_space<vmem>>[vector<16xi32>, vector<16xi32>], vector<16xf32>,
      tpu.vector_store_idx %arg8[%add3A_79, %broadcast_in_dim3A_265], %gather3A_266 : memref<512x128xf32, #tpu.memory_space<vmem>>[vector<16xi32>, vector<16xi32>], vector<16xf32>,
      %broadcast_in_dim3A_267 = arith.constant 63 : i32
      %broadcast_in_dim3A_268 = vector.broadcast %broadcast_in_dim3A_267 : i32 to vector<16xi32>
      %gather3A_269 = tpu.vector_load_idx %arg9[%get3A_73, %broadcast_in_dim3A_268] : memref<128x128xf32, #tpu.memory_space<vmem>>[vector<16xi32>, vector<16xi32>], vector<16xf32>,
      tpu.vector_store_idx %arg8[%add3A_79, %broadcast_in_dim3A_268], %gather3A_269 : memref<512x128xf32, #tpu.memory_space<vmem>>[vector<16xi32>, vector<16xi32>], vector<16xf32>,
      %broadcast_in_dim3A_270 = arith.constant 64 : i32
      %broadcast_in_dim3A_271 = vector.broadcast %broadcast_in_dim3A_270 : i32 to vector<16xi32>
      %gather3A_272 = tpu.vector_load_idx %arg9[%get3A_73, %broadcast_in_dim3A_271] : memref<128x128xf32, #tpu.memory_space<vmem>>[vector<16xi32>, vector<16xi32>], vector<16xf32>,
      tpu.vector_store_idx %arg8[%add3A_79, %broadcast_in_dim3A_271], %gather3A_272 : memref<512x128xf32, #tpu.memory_space<vmem>>[vector<16xi32>, vector<16xi32>], vector<16xf32>,
      %broadcast_in_dim3A_273 = arith.constant 65 : i32
      %broadcast_in_dim3A_274 = vector.broadcast %broadcast_in_dim3A_273 : i32 to vector<16xi32>
      %gather3A_275 = tpu.vector_load_idx %arg9[%get3A_73, %broadcast_in_dim3A_274] : memref<128x128xf32, #tpu.memory_space<vmem>>[vector<16xi32>, vector<16xi32>], vector<16xf32>,
      tpu.vector_store_idx %arg8[%add3A_79, %broadcast_in_dim3A_274], %gather3A_275 : memref<512x128xf32, #tpu.memory_space<vmem>>[vector<16xi32>, vector<16xi32>], vector<16xf32>,
      %broadcast_in_dim3A_276 = arith.constant 66 : i32
      %broadcast_in_dim3A_277 = vector.broadcast %broadcast_in_dim3A_276 : i32 to vector<16xi32>
      %gather3A_278 = tpu.vector_load_idx %arg9[%get3A_73, %broadcast_in_dim3A_277] : memref<128x128xf32, #tpu.memory_space<vmem>>[vector<16xi32>, vector<16xi32>], vector<16xf32>,
      tpu.vector_store_idx %arg8[%add3A_79, %broadcast_in_dim3A_277], %gather3A_278 : memref<512x128xf32, #tpu.memory_space<vmem>>[vector<16xi32>, vector<16xi32>], vector<16xf32>,
      %broadcast_in_dim3A_279 = arith.constant 67 : i32
      %broadcast_in_dim3A_280 = vector.broadcast %broadcast_in_dim3A_279 : i32 to vector<16xi32>
      %gather3A_281 = tpu.vector_load_idx %arg9[%get3A_73, %broadcast_in_dim3A_280] : memref<128x128xf32, #tpu.memory_space<vmem>>[vector<16xi32>, vector<16xi32>], vector<16xf32>,
      tpu.vector_store_idx %arg8[%add3A_79, %broadcast_in_dim3A_280], %gather3A_281 : memref<512x128xf32, #tpu.memory_space<vmem>>[vector<16xi32>, vector<16xi32>], vector<16xf32>,
      %broadcast_in_dim3A_282 = arith.constant 68 : i32
      %broadcast_in_dim3A_283 = vector.broadcast %broadcast_in_dim3A_282 : i32 to vector<16xi32>
      %gather3A_284 = tpu.vector_load_idx %arg9[%get3A_73, %broadcast_in_dim3A_283] : memref<128x128xf32, #tpu.memory_space<vmem>>[vector<16xi32>, vector<16xi32>], vector<16xf32>,
      tpu.vector_store_idx %arg8[%add3A_79, %broadcast_in_dim3A_283], %gather3A_284 : memref<512x128xf32, #tpu.memory_space<vmem>>[vector<16xi32>, vector<16xi32>], vector<16xf32>,
      %broadcast_in_dim3A_285 = arith.constant 69 : i32
      %broadcast_in_dim3A_286 = vector.broadcast %broadcast_in_dim3A_285 : i32 to vector<16xi32>
      %gather3A_287 = tpu.vector_load_idx %arg9[%get3A_73, %broadcast_in_dim3A_286] : memref<128x128xf32, #tpu.memory_space<vmem>>[vector<16xi32>, vector<16xi32>], vector<16xf32>,
      tpu.vector_store_idx %arg8[%add3A_79, %broadcast_in_dim3A_286], %gather3A_287 : memref<512x128xf32, #tpu.memory_space<vmem>>[vector<16xi32>, vector<16xi32>], vector<16xf32>,
      %broadcast_in_dim3A_288 = arith.constant 70 : i32
      %broadcast_in_dim3A_289 = vector.broadcast %broadcast_in_dim3A_288 : i32 to vector<16xi32>
      %gather3A_290 = tpu.vector_load_idx %arg9[%get3A_73, %broadcast_in_dim3A_289] : memref<128x128xf32, #tpu.memory_space<vmem>>[vector<16xi32>, vector<16xi32>], vector<16xf32>,
      tpu.vector_store_idx %arg8[%add3A_79, %broadcast_in_dim3A_289], %gather3A_290 : memref<512x128xf32, #tpu.memory_space<vmem>>[vector<16xi32>, vector<16xi32>], vector<16xf32>,
      %broadcast_in_dim3A_291 = arith.constant 71 : i32
      %broadcast_in_dim3A_292 = vector.broadcast %broadcast_in_dim3A_291 : i32 to vector<16xi32>
      %gather3A_293 = tpu.vector_load_idx %arg9[%get3A_73, %broadcast_in_dim3A_292] : memref<128x128xf32, #tpu.memory_space<vmem>>[vector<16xi32>, vector<16xi32>], vector<16xf32>,
      tpu.vector_store_idx %arg8[%add3A_79, %broadcast_in_dim3A_292], %gather3A_293 : memref<512x128xf32, #tpu.memory_space<vmem>>[vector<16xi32>, vector<16xi32>], vector<16xf32>,
      %broadcast_in_dim3A_294 = arith.constant 72 : i32
      %broadcast_in_dim3A_295 = vector.broadcast %broadcast_in_dim3A_294 : i32 to vector<16xi32>
      %gather3A_296 = tpu.vector_load_idx %arg9[%get3A_73, %broadcast_in_dim3A_295] : memref<128x128xf32, #tpu.memory_space<vmem>>[vector<16xi32>, vector<16xi32>], vector<16xf32>,
      tpu.vector_store_idx %arg8[%add3A_79, %broadcast_in_dim3A_295], %gather3A_296 : memref<512x128xf32, #tpu.memory_space<vmem>>[vector<16xi32>, vector<16xi32>], vector<16xf32>,
      %broadcast_in_dim3A_297 = arith.constant 73 : i32
      %broadcast_in_dim3A_298 = vector.broadcast %broadcast_in_dim3A_297 : i32 to vector<16xi32>
      %gather3A_299 = tpu.vector_load_idx %arg9[%get3A_73, %broadcast_in_dim3A_298] : memref<128x128xf32, #tpu.memory_space<vmem>>[vector<16xi32>, vector<16xi32>], vector<16xf32>,
      tpu.vector_store_idx %arg8[%add3A_79, %broadcast_in_dim3A_298], %gather3A_299 : memref<512x128xf32, #tpu.memory_space<vmem>>[vector<16xi32>, vector<16xi32>], vector<16xf32>,
      %broadcast_in_dim3A_300 = arith.constant 74 : i32
      %broadcast_in_dim3A_301 = vector.broadcast %broadcast_in_dim3A_300 : i32 to vector<16xi32>
      %gather3A_302 = tpu.vector_load_idx %arg9[%get3A_73, %broadcast_in_dim3A_301] : memref<128x128xf32, #tpu.memory_space<vmem>>[vector<16xi32>, vector<16xi32>], vector<16xf32>,
      tpu.vector_store_idx %arg8[%add3A_79, %broadcast_in_dim3A_301], %gather3A_302 : memref<512x128xf32, #tpu.memory_space<vmem>>[vector<16xi32>, vector<16xi32>], vector<16xf32>,
      %broadcast_in_dim3A_303 = arith.constant 75 : i32
      %broadcast_in_dim3A_304 = vector.broadcast %broadcast_in_dim3A_303 : i32 to vector<16xi32>
      %gather3A_305 = tpu.vector_load_idx %arg9[%get3A_73, %broadcast_in_dim3A_304] : memref<128x128xf32, #tpu.memory_space<vmem>>[vector<16xi32>, vector<16xi32>], vector<16xf32>,
      tpu.vector_store_idx %arg8[%add3A_79, %broadcast_in_dim3A_304], %gather3A_305 : memref<512x128xf32, #tpu.memory_space<vmem>>[vector<16xi32>, vector<16xi32>], vector<16xf32>,
      %broadcast_in_dim3A_306 = arith.constant 76 : i32
      %broadcast_in_dim3A_307 = vector.broadcast %broadcast_in_dim3A_306 : i32 to vector<16xi32>
      %gather3A_308 = tpu.vector_load_idx %arg9[%get3A_73, %broadcast_in_dim3A_307] : memref<128x128xf32, #tpu.memory_space<vmem>>[vector<16xi32>, vector<16xi32>], vector<16xf32>,
      tpu.vector_store_idx %arg8[%add3A_79, %broadcast_in_dim3A_307], %gather3A_308 : memref<512x128xf32, #tpu.memory_space<vmem>>[vector<16xi32>, vector<16xi32>], vector<16xf32>,
      %broadcast_in_dim3A_309 = arith.constant 77 : i32
      %broadcast_in_dim3A_310 = vector.broadcast %broadcast_in_dim3A_309 : i32 to vector<16xi32>
      %gather3A_311 = tpu.vector_load_idx %arg9[%get3A_73, %broadcast_in_dim3A_310] : memref<128x128xf32, #tpu.memory_space<vmem>>[vector<16xi32>, vector<16xi32>], vector<16xf32>,
      tpu.vector_store_idx %arg8[%add3A_79, %broadcast_in_dim3A_310], %gather3A_311 : memref<512x128xf32, #tpu.memory_space<vmem>>[vector<16xi32>, vector<16xi32>], vector<16xf32>,
      %broadcast_in_dim3A_312 = arith.constant 78 : i32
      %broadcast_in_dim3A_313 = vector.broadcast %broadcast_in_dim3A_312 : i32 to vector<16xi32>
      %gather3A_314 = tpu.vector_load_idx %arg9[%get3A_73, %broadcast_in_dim3A_313] : memref<128x128xf32, #tpu.memory_space<vmem>>[vector<16xi32>, vector<16xi32>], vector<16xf32>,
      tpu.vector_store_idx %arg8[%add3A_79, %broadcast_in_dim3A_313], %gather3A_314 : memref<512x128xf32, #tpu.memory_space<vmem>>[vector<16xi32>, vector<16xi32>], vector<16xf32>,
      %broadcast_in_dim3A_315 = arith.constant 79 : i32
      %broadcast_in_dim3A_316 = vector.broadcast %broadcast_in_dim3A_315 : i32 to vector<16xi32>
      %gather3A_317 = tpu.vector_load_idx %arg9[%get3A_73, %broadcast_in_dim3A_316] : memref<128x128xf32, #tpu.memory_space<vmem>>[vector<16xi32>, vector<16xi32>], vector<16xf32>,
      tpu.vector_store_idx %arg8[%add3A_79, %broadcast_in_dim3A_316], %gather3A_317 : memref<512x128xf32, #tpu.memory_space<vmem>>[vector<16xi32>, vector<16xi32>], vector<16xf32>,
      %broadcast_in_dim3A_318 = arith.constant 80 : i32
      %broadcast_in_dim3A_319 = vector.broadcast %broadcast_in_dim3A_318 : i32 to vector<16xi32>
      %gather3A_320 = tpu.vector_load_idx %arg9[%get3A_73, %broadcast_in_dim3A_319] : memref<128x128xf32, #tpu.memory_space<vmem>>[vector<16xi32>, vector<16xi32>], vector<16xf32>,
      tpu.vector_store_idx %arg8[%add3A_79, %broadcast_in_dim3A_319], %gather3A_320 : memref<512x128xf32, #tpu.memory_space<vmem>>[vector<16xi32>, vector<16xi32>], vector<16xf32>,
      %broadcast_in_dim3A_321 = arith.constant 81 : i32
      %broadcast_in_dim3A_322 = vector.broadcast %broadcast_in_dim3A_321 : i32 to vector<16xi32>
      %gather3A_323 = tpu.vector_load_idx %arg9[%get3A_73, %broadcast_in_dim3A_322] : memref<128x128xf32, #tpu.memory_space<vmem>>[vector<16xi32>, vector<16xi32>], vector<16xf32>,
      tpu.vector_store_idx %arg8[%add3A_79, %broadcast_in_dim3A_322], %gather3A_323 : memref<512x128xf32, #tpu.memory_space<vmem>>[vector<16xi32>, vector<16xi32>], vector<16xf32>,
      %broadcast_in_dim3A_324 = arith.constant 82 : i32
      %broadcast_in_dim3A_325 = vector.broadcast %broadcast_in_dim3A_324 : i32 to vector<16xi32>
      %gather3A_326 = tpu.vector_load_idx %arg9[%get3A_73, %broadcast_in_dim3A_325] : memref<128x128xf32, #tpu.memory_space<vmem>>[vector<16xi32>, vector<16xi32>], vector<16xf32>,
      tpu.vector_store_idx %arg8[%add3A_79, %broadcast_in_dim3A_325], %gather3A_326 : memref<512x128xf32, #tpu.memory_space<vmem>>[vector<16xi32>, vector<16xi32>], vector<16xf32>,
      %broadcast_in_dim3A_327 = arith.constant 83 : i32
      %broadcast_in_dim3A_328 = vector.broadcast %broadcast_in_dim3A_327 : i32 to vector<16xi32>
      %gather3A_329 = tpu.vector_load_idx %arg9[%get3A_73, %broadcast_in_dim3A_328] : memref<128x128xf32, #tpu.memory_space<vmem>>[vector<16xi32>, vector<16xi32>], vector<16xf32>,
      tpu.vector_store_idx %arg8[%add3A_79, %broadcast_in_dim3A_328], %gather3A_329 : memref<512x128xf32, #tpu.memory_space<vmem>>[vector<16xi32>, vector<16xi32>], vector<16xf32>,
      %broadcast_in_dim3A_330 = arith.constant 84 : i32
      %broadcast_in_dim3A_331 = vector.broadcast %broadcast_in_dim3A_330 : i32 to vector<16xi32>
      %gather3A_332 = tpu.vector_load_idx %arg9[%get3A_73, %broadcast_in_dim3A_331] : memref<128x128xf32, #tpu.memory_space<vmem>>[vector<16xi32>, vector<16xi32>], vector<16xf32>,
      tpu.vector_store_idx %arg8[%add3A_79, %broadcast_in_dim3A_331], %gather3A_332 : memref<512x128xf32, #tpu.memory_space<vmem>>[vector<16xi32>, vector<16xi32>], vector<16xf32>,
      %broadcast_in_dim3A_333 = arith.constant 85 : i32
      %broadcast_in_dim3A_334 = vector.broadcast %broadcast_in_dim3A_333 : i32 to vector<16xi32>
      %gather3A_335 = tpu.vector_load_idx %arg9[%get3A_73, %broadcast_in_dim3A_334] : memref<128x128xf32, #tpu.memory_space<vmem>>[vector<16xi32>, vector<16xi32>], vector<16xf32>,
      tpu.vector_store_idx %arg8[%add3A_79, %broadcast_in_dim3A_334], %gather3A_335 : memref<512x128xf32, #tpu.memory_space<vmem>>[vector<16xi32>, vector<16xi32>], vector<16xf32>,
      %broadcast_in_dim3A_336 = arith.constant 86 : i32
      %broadcast_in_dim3A_337 = vector.broadcast %broadcast_in_dim3A_336 : i32 to vector<16xi32>
      %gather3A_338 = tpu.vector_load_idx %arg9[%get3A_73, %broadcast_in_dim3A_337] : memref<128x128xf32, #tpu.memory_space<vmem>>[vector<16xi32>, vector<16xi32>], vector<16xf32>,
      tpu.vector_store_idx %arg8[%add3A_79, %broadcast_in_dim3A_337], %gather3A_338 : memref<512x128xf32, #tpu.memory_space<vmem>>[vector<16xi32>, vector<16xi32>], vector<16xf32>,
      %broadcast_in_dim3A_339 = arith.constant 87 : i32
      %broadcast_in_dim3A_340 = vector.broadcast %broadcast_in_dim3A_339 : i32 to vector<16xi32>
      %gather3A_341 = tpu.vector_load_idx %arg9[%get3A_73, %broadcast_in_dim3A_340] : memref<128x128xf32, #tpu.memory_space<vmem>>[vector<16xi32>, vector<16xi32>], vector<16xf32>,
      tpu.vector_store_idx %arg8[%add3A_79, %broadcast_in_dim3A_340], %gather3A_341 : memref<512x128xf32, #tpu.memory_space<vmem>>[vector<16xi32>, vector<16xi32>], vector<16xf32>,
      %broadcast_in_dim3A_342 = arith.constant 88 : i32
      %broadcast_in_dim3A_343 = vector.broadcast %broadcast_in_dim3A_342 : i32 to vector<16xi32>
      %gather3A_344 = tpu.vector_load_idx %arg9[%get3A_73, %broadcast_in_dim3A_343] : memref<128x128xf32, #tpu.memory_space<vmem>>[vector<16xi32>, vector<16xi32>], vector<16xf32>,
      tpu.vector_store_idx %arg8[%add3A_79, %broadcast_in_dim3A_343], %gather3A_344 : memref<512x128xf32, #tpu.memory_space<vmem>>[vector<16xi32>, vector<16xi32>], vector<16xf32>,
      %broadcast_in_dim3A_345 = arith.constant 89 : i32
      %broadcast_in_dim3A_346 = vector.broadcast %broadcast_in_dim3A_345 : i32 to vector<16xi32>
      %gather3A_347 = tpu.vector_load_idx %arg9[%get3A_73, %broadcast_in_dim3A_346] : memref<128x128xf32, #tpu.memory_space<vmem>>[vector<16xi32>, vector<16xi32>], vector<16xf32>,
      tpu.vector_store_idx %arg8[%add3A_79, %broadcast_in_dim3A_346], %gather3A_347 : memref<512x128xf32, #tpu.memory_space<vmem>>[vector<16xi32>, vector<16xi32>], vector<16xf32>,
      %broadcast_in_dim3A_348 = arith.constant 90 : i32
      %broadcast_in_dim3A_349 = vector.broadcast %broadcast_in_dim3A_348 : i32 to vector<16xi32>
      %gather3A_350 = tpu.vector_load_idx %arg9[%get3A_73, %broadcast_in_dim3A_349] : memref<128x128xf32, #tpu.memory_space<vmem>>[vector<16xi32>, vector<16xi32>], vector<16xf32>,
      tpu.vector_store_idx %arg8[%add3A_79, %broadcast_in_dim3A_349], %gather3A_350 : memref<512x128xf32, #tpu.memory_space<vmem>>[vector<16xi32>, vector<16xi32>], vector<16xf32>,
      %broadcast_in_dim3A_351 = arith.constant 91 : i32
      %broadcast_in_dim3A_352 = vector.broadcast %broadcast_in_dim3A_351 : i32 to vector<16xi32>
      %gather3A_353 = tpu.vector_load_idx %arg9[%get3A_73, %broadcast_in_dim3A_352] : memref<128x128xf32, #tpu.memory_space<vmem>>[vector<16xi32>, vector<16xi32>], vector<16xf32>,
      tpu.vector_store_idx %arg8[%add3A_79, %broadcast_in_dim3A_352], %gather3A_353 : memref<512x128xf32, #tpu.memory_space<vmem>>[vector<16xi32>, vector<16xi32>], vector<16xf32>,
      %broadcast_in_dim3A_354 = arith.constant 92 : i32
      %broadcast_in_dim3A_355 = vector.broadcast %broadcast_in_dim3A_354 : i32 to vector<16xi32>
      %gather3A_356 = tpu.vector_load_idx %arg9[%get3A_73, %broadcast_in_dim3A_355] : memref<128x128xf32, #tpu.memory_space<vmem>>[vector<16xi32>, vector<16xi32>], vector<16xf32>,
      tpu.vector_store_idx %arg8[%add3A_79, %broadcast_in_dim3A_355], %gather3A_356 : memref<512x128xf32, #tpu.memory_space<vmem>>[vector<16xi32>, vector<16xi32>], vector<16xf32>,
      %broadcast_in_dim3A_357 = arith.constant 93 : i32
      %broadcast_in_dim3A_358 = vector.broadcast %broadcast_in_dim3A_357 : i32 to vector<16xi32>
      %gather3A_359 = tpu.vector_load_idx %arg9[%get3A_73, %broadcast_in_dim3A_358] : memref<128x128xf32, #tpu.memory_space<vmem>>[vector<16xi32>, vector<16xi32>], vector<16xf32>,
      tpu.vector_store_idx %arg8[%add3A_79, %broadcast_in_dim3A_358], %gather3A_359 : memref<512x128xf32, #tpu.memory_space<vmem>>[vector<16xi32>, vector<16xi32>], vector<16xf32>,
      %broadcast_in_dim3A_360 = arith.constant 94 : i32
      %broadcast_in_dim3A_361 = vector.broadcast %broadcast_in_dim3A_360 : i32 to vector<16xi32>
      %gather3A_362 = tpu.vector_load_idx %arg9[%get3A_73, %broadcast_in_dim3A_361] : memref<128x128xf32, #tpu.memory_space<vmem>>[vector<16xi32>, vector<16xi32>], vector<16xf32>,
      tpu.vector_store_idx %arg8[%add3A_79, %broadcast_in_dim3A_361], %gather3A_362 : memref<512x128xf32, #tpu.memory_space<vmem>>[vector<16xi32>, vector<16xi32>], vector<16xf32>,
      %broadcast_in_dim3A_363 = arith.constant 95 : i32
      %broadcast_in_dim3A_364 = vector.broadcast %broadcast_in_dim3A_363 : i32 to vector<16xi32>
      %gather3A_365 = tpu.vector_load_idx %arg9[%get3A_73, %broadcast_in_dim3A_364] : memref<128x128xf32, #tpu.memory_space<vmem>>[vector<16xi32>, vector<16xi32>], vector<16xf32>,
      tpu.vector_store_idx %arg8[%add3A_79, %broadcast_in_dim3A_364], %gather3A_365 : memref<512x128xf32, #tpu.memory_space<vmem>>[vector<16xi32>, vector<16xi32>], vector<16xf32>,
      %broadcast_in_dim3A_366 = arith.constant 96 : i32
      %broadcast_in_dim3A_367 = vector.broadcast %broadcast_in_dim3A_366 : i32 to vector<16xi32>
      %gather3A_368 = tpu.vector_load_idx %arg9[%get3A_73, %broadcast_in_dim3A_367] : memref<128x128xf32, #tpu.memory_space<vmem>>[vector<16xi32>, vector<16xi32>], vector<16xf32>,
      tpu.vector_store_idx %arg8[%add3A_79, %broadcast_in_dim3A_367], %gather3A_368 : memref<512x128xf32, #tpu.memory_space<vmem>>[vector<16xi32>, vector<16xi32>], vector<16xf32>,
      %broadcast_in_dim3A_369 = arith.constant 97 : i32
      %broadcast_in_dim3A_370 = vector.broadcast %broadcast_in_dim3A_369 : i32 to vector<16xi32>
      %gather3A_371 = tpu.vector_load_idx %arg9[%get3A_73, %broadcast_in_dim3A_370] : memref<128x128xf32, #tpu.memory_space<vmem>>[vector<16xi32>, vector<16xi32>], vector<16xf32>,
      tpu.vector_store_idx %arg8[%add3A_79, %broadcast_in_dim3A_370], %gather3A_371 : memref<512x128xf32, #tpu.memory_space<vmem>>[vector<16xi32>, vector<16xi32>], vector<16xf32>,
      %broadcast_in_dim3A_372 = arith.constant 98 : i32
      %broadcast_in_dim3A_373 = vector.broadcast %broadcast_in_dim3A_372 : i32 to vector<16xi32>
      %gather3A_374 = tpu.vector_load_idx %arg9[%get3A_73, %broadcast_in_dim3A_373] : memref<128x128xf32, #tpu.memory_space<vmem>>[vector<16xi32>, vector<16xi32>], vector<16xf32>,
      tpu.vector_store_idx %arg8[%add3A_79, %broadcast_in_dim3A_373], %gather3A_374 : memref<512x128xf32, #tpu.memory_space<vmem>>[vector<16xi32>, vector<16xi32>], vector<16xf32>,
      %broadcast_in_dim3A_375 = arith.constant 99 : i32
      %broadcast_in_dim3A_376 = vector.broadcast %broadcast_in_dim3A_375 : i32 to vector<16xi32>
      %gather3A_377 = tpu.vector_load_idx %arg9[%get3A_73, %broadcast_in_dim3A_376] : memref<128x128xf32, #tpu.memory_space<vmem>>[vector<16xi32>, vector<16xi32>], vector<16xf32>,
      tpu.vector_store_idx %arg8[%add3A_79, %broadcast_in_dim3A_376], %gather3A_377 : memref<512x128xf32, #tpu.memory_space<vmem>>[vector<16xi32>, vector<16xi32>], vector<16xf32>,
      %broadcast_in_dim3A_378 = arith.constant 100 : i32
      %broadcast_in_dim3A_379 = vector.broadcast %broadcast_in_dim3A_378 : i32 to vector<16xi32>
      %gather3A_380 = tpu.vector_load_idx %arg9[%get3A_73, %broadcast_in_dim3A_379] : memref<128x128xf32, #tpu.memory_space<vmem>>[vector<16xi32>, vector<16xi32>], vector<16xf32>,
      tpu.vector_store_idx %arg8[%add3A_79, %broadcast_in_dim3A_379], %gather3A_380 : memref<512x128xf32, #tpu.memory_space<vmem>>[vector<16xi32>, vector<16xi32>], vector<16xf32>,
      %broadcast_in_dim3A_381 = arith.constant 101 : i32
      %broadcast_in_dim3A_382 = vector.broadcast %broadcast_in_dim3A_381 : i32 to vector<16xi32>
      %gather3A_383 = tpu.vector_load_idx %arg9[%get3A_73, %broadcast_in_dim3A_382] : memref<128x128xf32, #tpu.memory_space<vmem>>[vector<16xi32>, vector<16xi32>], vector<16xf32>,
      tpu.vector_store_idx %arg8[%add3A_79, %broadcast_in_dim3A_382], %gather3A_383 : memref<512x128xf32, #tpu.memory_space<vmem>>[vector<16xi32>, vector<16xi32>], vector<16xf32>,
      %broadcast_in_dim3A_384 = arith.constant 102 : i32
      %broadcast_in_dim3A_385 = vector.broadcast %broadcast_in_dim3A_384 : i32 to vector<16xi32>
      %gather3A_386 = tpu.vector_load_idx %arg9[%get3A_73, %broadcast_in_dim3A_385] : memref<128x128xf32, #tpu.memory_space<vmem>>[vector<16xi32>, vector<16xi32>], vector<16xf32>,
      tpu.vector_store_idx %arg8[%add3A_79, %broadcast_in_dim3A_385], %gather3A_386 : memref<512x128xf32, #tpu.memory_space<vmem>>[vector<16xi32>, vector<16xi32>], vector<16xf32>,
      %broadcast_in_dim3A_387 = arith.constant 103 : i32
      %broadcast_in_dim3A_388 = vector.broadcast %broadcast_in_dim3A_387 : i32 to vector<16xi32>
      %gather3A_389 = tpu.vector_load_idx %arg9[%get3A_73, %broadcast_in_dim3A_388] : memref<128x128xf32, #tpu.memory_space<vmem>>[vector<16xi32>, vector<16xi32>], vector<16xf32>,
      tpu.vector_store_idx %arg8[%add3A_79, %broadcast_in_dim3A_388], %gather3A_389 : memref<512x128xf32, #tpu.memory_space<vmem>>[vector<16xi32>, vector<16xi32>], vector<16xf32>,
      %broadcast_in_dim3A_390 = arith.constant 104 : i32
      %broadcast_in_dim3A_391 = vector.broadcast %broadcast_in_dim3A_390 : i32 to vector<16xi32>
      %gather3A_392 = tpu.vector_load_idx %arg9[%get3A_73, %broadcast_in_dim3A_391] : memref<128x128xf32, #tpu.memory_space<vmem>>[vector<16xi32>, vector<16xi32>], vector<16xf32>,
      tpu.vector_store_idx %arg8[%add3A_79, %broadcast_in_dim3A_391], %gather3A_392 : memref<512x128xf32, #tpu.memory_space<vmem>>[vector<16xi32>, vector<16xi32>], vector<16xf32>,
      %broadcast_in_dim3A_393 = arith.constant 105 : i32
      %broadcast_in_dim3A_394 = vector.broadcast %broadcast_in_dim3A_393 : i32 to vector<16xi32>
      %gather3A_395 = tpu.vector_load_idx %arg9[%get3A_73, %broadcast_in_dim3A_394] : memref<128x128xf32, #tpu.memory_space<vmem>>[vector<16xi32>, vector<16xi32>], vector<16xf32>,
      tpu.vector_store_idx %arg8[%add3A_79, %broadcast_in_dim3A_394], %gather3A_395 : memref<512x128xf32, #tpu.memory_space<vmem>>[vector<16xi32>, vector<16xi32>], vector<16xf32>,
      %broadcast_in_dim3A_396 = arith.constant 106 : i32
      %broadcast_in_dim3A_397 = vector.broadcast %broadcast_in_dim3A_396 : i32 to vector<16xi32>
      %gather3A_398 = tpu.vector_load_idx %arg9[%get3A_73, %broadcast_in_dim3A_397] : memref<128x128xf32, #tpu.memory_space<vmem>>[vector<16xi32>, vector<16xi32>], vector<16xf32>,
      tpu.vector_store_idx %arg8[%add3A_79, %broadcast_in_dim3A_397], %gather3A_398 : memref<512x128xf32, #tpu.memory_space<vmem>>[vector<16xi32>, vector<16xi32>], vector<16xf32>,
      %broadcast_in_dim3A_399 = arith.constant 107 : i32
      %broadcast_in_dim3A_400 = vector.broadcast %broadcast_in_dim3A_399 : i32 to vector<16xi32>
      %gather3A_401 = tpu.vector_load_idx %arg9[%get3A_73, %broadcast_in_dim3A_400] : memref<128x128xf32, #tpu.memory_space<vmem>>[vector<16xi32>, vector<16xi32>], vector<16xf32>,
      tpu.vector_store_idx %arg8[%add3A_79, %broadcast_in_dim3A_400], %gather3A_401 : memref<512x128xf32, #tpu.memory_space<vmem>>[vector<16xi32>, vector<16xi32>], vector<16xf32>,
      %broadcast_in_dim3A_402 = arith.constant 108 : i32
      %broadcast_in_dim3A_403 = vector.broadcast %broadcast_in_dim3A_402 : i32 to vector<16xi32>
      %gather3A_404 = tpu.vector_load_idx %arg9[%get3A_73, %broadcast_in_dim3A_403] : memref<128x128xf32, #tpu.memory_space<vmem>>[vector<16xi32>, vector<16xi32>], vector<16xf32>,
      tpu.vector_store_idx %arg8[%add3A_79, %broadcast_in_dim3A_403], %gather3A_404 : memref<512x128xf32, #tpu.memory_space<vmem>>[vector<16xi32>, vector<16xi32>], vector<16xf32>,
      %broadcast_in_dim3A_405 = arith.constant 109 : i32
      %broadcast_in_dim3A_406 = vector.broadcast %broadcast_in_dim3A_405 : i32 to vector<16xi32>
      %gather3A_407 = tpu.vector_load_idx %arg9[%get3A_73, %broadcast_in_dim3A_406] : memref<128x128xf32, #tpu.memory_space<vmem>>[vector<16xi32>, vector<16xi32>], vector<16xf32>,
      tpu.vector_store_idx %arg8[%add3A_79, %broadcast_in_dim3A_406], %gather3A_407 : memref<512x128xf32, #tpu.memory_space<vmem>>[vector<16xi32>, vector<16xi32>], vector<16xf32>,
      %broadcast_in_dim3A_408 = arith.constant 110 : i32
      %broadcast_in_dim3A_409 = vector.broadcast %broadcast_in_dim3A_408 : i32 to vector<16xi32>
      %gather3A_410 = tpu.vector_load_idx %arg9[%get3A_73, %broadcast_in_dim3A_409] : memref<128x128xf32, #tpu.memory_space<vmem>>[vector<16xi32>, vector<16xi32>], vector<16xf32>,
      tpu.vector_store_idx %arg8[%add3A_79, %broadcast_in_dim3A_409], %gather3A_410 : memref<512x128xf32, #tpu.memory_space<vmem>>[vector<16xi32>, vector<16xi32>], vector<16xf32>,
      %broadcast_in_dim3A_411 = arith.constant 111 : i32
      %broadcast_in_dim3A_412 = vector.broadcast %broadcast_in_dim3A_411 : i32 to vector<16xi32>
      %gather3A_413 = tpu.vector_load_idx %arg9[%get3A_73, %broadcast_in_dim3A_412] : memref<128x128xf32, #tpu.memory_space<vmem>>[vector<16xi32>, vector<16xi32>], vector<16xf32>,
      tpu.vector_store_idx %arg8[%add3A_79, %broadcast_in_dim3A_412], %gather3A_413 : memref<512x128xf32, #tpu.memory_space<vmem>>[vector<16xi32>, vector<16xi32>], vector<16xf32>,
      %broadcast_in_dim3A_414 = arith.constant 112 : i32
      %broadcast_in_dim3A_415 = vector.broadcast %broadcast_in_dim3A_414 : i32 to vector<16xi32>
      %gather3A_416 = tpu.vector_load_idx %arg9[%get3A_73, %broadcast_in_dim3A_415] : memref<128x128xf32, #tpu.memory_space<vmem>>[vector<16xi32>, vector<16xi32>], vector<16xf32>,
      tpu.vector_store_idx %arg8[%add3A_79, %broadcast_in_dim3A_415], %gather3A_416 : memref<512x128xf32, #tpu.memory_space<vmem>>[vector<16xi32>, vector<16xi32>], vector<16xf32>,
      %broadcast_in_dim3A_417 = arith.constant 113 : i32
      %broadcast_in_dim3A_418 = vector.broadcast %broadcast_in_dim3A_417 : i32 to vector<16xi32>
      %gather3A_419 = tpu.vector_load_idx %arg9[%get3A_73, %broadcast_in_dim3A_418] : memref<128x128xf32, #tpu.memory_space<vmem>>[vector<16xi32>, vector<16xi32>], vector<16xf32>,
      tpu.vector_store_idx %arg8[%add3A_79, %broadcast_in_dim3A_418], %gather3A_419 : memref<512x128xf32, #tpu.memory_space<vmem>>[vector<16xi32>, vector<16xi32>], vector<16xf32>,
      %broadcast_in_dim3A_420 = arith.constant 114 : i32
      %broadcast_in_dim3A_421 = vector.broadcast %broadcast_in_dim3A_420 : i32 to vector<16xi32>
      %gather3A_422 = tpu.vector_load_idx %arg9[%get3A_73, %broadcast_in_dim3A_421] : memref<128x128xf32, #tpu.memory_space<vmem>>[vector<16xi32>, vector<16xi32>], vector<16xf32>,
      tpu.vector_store_idx %arg8[%add3A_79, %broadcast_in_dim3A_421], %gather3A_422 : memref<512x128xf32, #tpu.memory_space<vmem>>[vector<16xi32>, vector<16xi32>], vector<16xf32>,
      %broadcast_in_dim3A_423 = arith.constant 115 : i32
      %broadcast_in_dim3A_424 = vector.broadcast %broadcast_in_dim3A_423 : i32 to vector<16xi32>
      %gather3A_425 = tpu.vector_load_idx %arg9[%get3A_73, %broadcast_in_dim3A_424] : memref<128x128xf32, #tpu.memory_space<vmem>>[vector<16xi32>, vector<16xi32>], vector<16xf32>,
      tpu.vector_store_idx %arg8[%add3A_79, %broadcast_in_dim3A_424], %gather3A_425 : memref<512x128xf32, #tpu.memory_space<vmem>>[vector<16xi32>, vector<16xi32>], vector<16xf32>,
      %broadcast_in_dim3A_426 = arith.constant 116 : i32
      %broadcast_in_dim3A_427 = vector.broadcast %broadcast_in_dim3A_426 : i32 to vector<16xi32>
      %gather3A_428 = tpu.vector_load_idx %arg9[%get3A_73, %broadcast_in_dim3A_427] : memref<128x128xf32, #tpu.memory_space<vmem>>[vector<16xi32>, vector<16xi32>], vector<16xf32>,
      tpu.vector_store_idx %arg8[%add3A_79, %broadcast_in_dim3A_427], %gather3A_428 : memref<512x128xf32, #tpu.memory_space<vmem>>[vector<16xi32>, vector<16xi32>], vector<16xf32>,
      %broadcast_in_dim3A_429 = arith.constant 117 : i32
      %broadcast_in_dim3A_430 = vector.broadcast %broadcast_in_dim3A_429 : i32 to vector<16xi32>
      %gather3A_431 = tpu.vector_load_idx %arg9[%get3A_73, %broadcast_in_dim3A_430] : memref<128x128xf32, #tpu.memory_space<vmem>>[vector<16xi32>, vector<16xi32>], vector<16xf32>,
      tpu.vector_store_idx %arg8[%add3A_79, %broadcast_in_dim3A_430], %gather3A_431 : memref<512x128xf32, #tpu.memory_space<vmem>>[vector<16xi32>, vector<16xi32>], vector<16xf32>,
      %broadcast_in_dim3A_432 = arith.constant 118 : i32
      %broadcast_in_dim3A_433 = vector.broadcast %broadcast_in_dim3A_432 : i32 to vector<16xi32>
      %gather3A_434 = tpu.vector_load_idx %arg9[%get3A_73, %broadcast_in_dim3A_433] : memref<128x128xf32, #tpu.memory_space<vmem>>[vector<16xi32>, vector<16xi32>], vector<16xf32>,
      tpu.vector_store_idx %arg8[%add3A_79, %broadcast_in_dim3A_433], %gather3A_434 : memref<512x128xf32, #tpu.memory_space<vmem>>[vector<16xi32>, vector<16xi32>], vector<16xf32>,
      %broadcast_in_dim3A_435 = arith.constant 119 : i32
      %broadcast_in_dim3A_436 = vector.broadcast %broadcast_in_dim3A_435 : i32 to vector<16xi32>
      %gather3A_437 = tpu.vector_load_idx %arg9[%get3A_73, %broadcast_in_dim3A_436] : memref<128x128xf32, #tpu.memory_space<vmem>>[vector<16xi32>, vector<16xi32>], vector<16xf32>,
      tpu.vector_store_idx %arg8[%add3A_79, %broadcast_in_dim3A_436], %gather3A_437 : memref<512x128xf32, #tpu.memory_space<vmem>>[vector<16xi32>, vector<16xi32>], vector<16xf32>,
      %broadcast_in_dim3A_438 = arith.constant 120 : i32
      %broadcast_in_dim3A_439 = vector.broadcast %broadcast_in_dim3A_438 : i32 to vector<16xi32>
      %gather3A_440 = tpu.vector_load_idx %arg9[%get3A_73, %broadcast_in_dim3A_439] : memref<128x128xf32, #tpu.memory_space<vmem>>[vector<16xi32>, vector<16xi32>], vector<16xf32>,
      tpu.vector_store_idx %arg8[%add3A_79, %broadcast_in_dim3A_439], %gather3A_440 : memref<512x128xf32, #tpu.memory_space<vmem>>[vector<16xi32>, vector<16xi32>], vector<16xf32>,
      %broadcast_in_dim3A_441 = arith.constant 121 : i32
      %broadcast_in_dim3A_442 = vector.broadcast %broadcast_in_dim3A_441 : i32 to vector<16xi32>
      %gather3A_443 = tpu.vector_load_idx %arg9[%get3A_73, %broadcast_in_dim3A_442] : memref<128x128xf32, #tpu.memory_space<vmem>>[vector<16xi32>, vector<16xi32>], vector<16xf32>,
      tpu.vector_store_idx %arg8[%add3A_79, %broadcast_in_dim3A_442], %gather3A_443 : memref<512x128xf32, #tpu.memory_space<vmem>>[vector<16xi32>, vector<16xi32>], vector<16xf32>,
      %broadcast_in_dim3A_444 = arith.constant 122 : i32
      %broadcast_in_dim3A_445 = vector.broadcast %broadcast_in_dim3A_444 : i32 to vector<16xi32>
      %gather3A_446 = tpu.vector_load_idx %arg9[%get3A_73, %broadcast_in_dim3A_445] : memref<128x128xf32, #tpu.memory_space<vmem>>[vector<16xi32>, vector<16xi32>], vector<16xf32>,
      tpu.vector_store_idx %arg8[%add3A_79, %broadcast_in_dim3A_445], %gather3A_446 : memref<512x128xf32, #tpu.memory_space<vmem>>[vector<16xi32>, vector<16xi32>], vector<16xf32>,
      %broadcast_in_dim3A_447 = arith.constant 123 : i32
      %broadcast_in_dim3A_448 = vector.broadcast %broadcast_in_dim3A_447 : i32 to vector<16xi32>
      %gather3A_449 = tpu.vector_load_idx %arg9[%get3A_73, %broadcast_in_dim3A_448] : memref<128x128xf32, #tpu.memory_space<vmem>>[vector<16xi32>, vector<16xi32>], vector<16xf32>,
      tpu.vector_store_idx %arg8[%add3A_79, %broadcast_in_dim3A_448], %gather3A_449 : memref<512x128xf32, #tpu.memory_space<vmem>>[vector<16xi32>, vector<16xi32>], vector<16xf32>,
      %broadcast_in_dim3A_450 = arith.constant 124 : i32
      %broadcast_in_dim3A_451 = vector.broadcast %broadcast_in_dim3A_450 : i32 to vector<16xi32>
      %gather3A_452 = tpu.vector_load_idx %arg9[%get3A_73, %broadcast_in_dim3A_451] : memref<128x128xf32, #tpu.memory_space<vmem>>[vector<16xi32>, vector<16xi32>], vector<16xf32>,
      tpu.vector_store_idx %arg8[%add3A_79, %broadcast_in_dim3A_451], %gather3A_452 : memref<512x128xf32, #tpu.memory_space<vmem>>[vector<16xi32>, vector<16xi32>], vector<16xf32>,
      %broadcast_in_dim3A_453 = arith.constant 125 : i32
      %broadcast_in_dim3A_454 = vector.broadcast %broadcast_in_dim3A_453 : i32 to vector<16xi32>
      %gather3A_455 = tpu.vector_load_idx %arg9[%get3A_73, %broadcast_in_dim3A_454] : memref<128x128xf32, #tpu.memory_space<vmem>>[vector<16xi32>, vector<16xi32>], vector<16xf32>,
      tpu.vector_store_idx %arg8[%add3A_79, %broadcast_in_dim3A_454], %gather3A_455 : memref<512x128xf32, #tpu.memory_space<vmem>>[vector<16xi32>, vector<16xi32>], vector<16xf32>,
      %broadcast_in_dim3A_456 = arith.constant 126 : i32
      %broadcast_in_dim3A_457 = vector.broadcast %broadcast_in_dim3A_456 : i32 to vector<16xi32>
      %gather3A_458 = tpu.vector_load_idx %arg9[%get3A_73, %broadcast_in_dim3A_457] : memref<128x128xf32, #tpu.memory_space<vmem>>[vector<16xi32>, vector<16xi32>], vector<16xf32>,
      tpu.vector_store_idx %arg8[%add3A_79, %broadcast_in_dim3A_457], %gather3A_458 : memref<512x128xf32, #tpu.memory_space<vmem>>[vector<16xi32>, vector<16xi32>], vector<16xf32>,
      %broadcast_in_dim3A_459 = arith.constant 127 : i32
      %broadcast_in_dim3A_460 = vector.broadcast %broadcast_in_dim3A_459 : i32 to vector<16xi32>
      %gather3A_461 = tpu.vector_load_idx %arg9[%get3A_73, %broadcast_in_dim3A_460] : memref<128x128xf32, #tpu.memory_space<vmem>>[vector<16xi32>, vector<16xi32>], vector<16xf32>,
      tpu.vector_store_idx %arg8[%add3A_79, %broadcast_in_dim3A_460], %gather3A_461 : memref<512x128xf32, #tpu.memory_space<vmem>>[vector<16xi32>, vector<16xi32>], vector<16xf32>,
      %get3A_462 = arith.index_cast %scan3A_68 : i32 to index
      %get3A_463 = arith.constant 16 : index
      %get3A_464 = tpu.vector_load %arg7[%get3A_462, %get3A_463] {strides = array<i32>} : memref<128x64xi32, #tpu.memory_space<vmem>>, vector<16xi32>,
      %add3A_465 = arith.constant 64 : i32
      %add3A_466 = arith.addi %mul3A_71, %add3A_465 : i32
      %add3A_467 = arith.constant 16 : i32
      %add3A_468 = arith.addi %add3A_466, %add3A_467 : i32
      %add3A_469 = vector.broadcast %add3A_468 : i32 to vector<16xi32>
      %add3A_470 = arith.addi %add3A_469, %iota3A : vector<16xi32>
      %broadcast_in_dim3A_471 = arith.constant 0 : i32
      %broadcast_in_dim3A_472 = vector.broadcast %broadcast_in_dim3A_471 : i32 to vector<16xi32>
      %gather3A_473 = tpu.vector_load_idx %arg9[%get3A_464, %broadcast_in_dim3A_472] : memref<128x128xf32, #tpu.memory_space<vmem>>[vector<16xi32>, vector<16xi32>], vector<16xf32>,
      tpu.vector_store_idx %arg8[%add3A_470, %broadcast_in_dim3A_472], %gather3A_473 : memref<512x128xf32, #tpu.memory_space<vmem>>[vector<16xi32>, vector<16xi32>], vector<16xf32>,
      %broadcast_in_dim3A_474 = arith.constant 1 : i32
      %broadcast_in_dim3A_475 = vector.broadcast %broadcast_in_dim3A_474 : i32 to vector<16xi32>
      %gather3A_476 = tpu.vector_load_idx %arg9[%get3A_464, %broadcast_in_dim3A_475] : memref<128x128xf32, #tpu.memory_space<vmem>>[vector<16xi32>, vector<16xi32>], vector<16xf32>,
      tpu.vector_store_idx %arg8[%add3A_470, %broadcast_in_dim3A_475], %gather3A_476 : memref<512x128xf32, #tpu.memory_space<vmem>>[vector<16xi32>, vector<16xi32>], vector<16xf32>,
      %broadcast_in_dim3A_477 = arith.constant 2 : i32
      %broadcast_in_dim3A_478 = vector.broadcast %broadcast_in_dim3A_477 : i32 to vector<16xi32>
      %gather3A_479 = tpu.vector_load_idx %arg9[%get3A_464, %broadcast_in_dim3A_478] : memref<128x128xf32, #tpu.memory_space<vmem>>[vector<16xi32>, vector<16xi32>], vector<16xf32>,
      tpu.vector_store_idx %arg8[%add3A_470, %broadcast_in_dim3A_478], %gather3A_479 : memref<512x128xf32, #tpu.memory_space<vmem>>[vector<16xi32>, vector<16xi32>], vector<16xf32>,
      %broadcast_in_dim3A_480 = arith.constant 3 : i32
      %broadcast_in_dim3A_481 = vector.broadcast %broadcast_in_dim3A_480 : i32 to vector<16xi32>
      %gather3A_482 = tpu.vector_load_idx %arg9[%get3A_464, %broadcast_in_dim3A_481] : memref<128x128xf32, #tpu.memory_space<vmem>>[vector<16xi32>, vector<16xi32>], vector<16xf32>,
      tpu.vector_store_idx %arg8[%add3A_470, %broadcast_in_dim3A_481], %gather3A_482 : memref<512x128xf32, #tpu.memory_space<vmem>>[vector<16xi32>, vector<16xi32>], vector<16xf32>,
      %broadcast_in_dim3A_483 = arith.constant 4 : i32
      %broadcast_in_dim3A_484 = vector.broadcast %broadcast_in_dim3A_483 : i32 to vector<16xi32>
      %gather3A_485 = tpu.vector_load_idx %arg9[%get3A_464, %broadcast_in_dim3A_484] : memref<128x128xf32, #tpu.memory_space<vmem>>[vector<16xi32>, vector<16xi32>], vector<16xf32>,
      tpu.vector_store_idx %arg8[%add3A_470, %broadcast_in_dim3A_484], %gather3A_485 : memref<512x128xf32, #tpu.memory_space<vmem>>[vector<16xi32>, vector<16xi32>], vector<16xf32>,
      %broadcast_in_dim3A_486 = arith.constant 5 : i32
      %broadcast_in_dim3A_487 = vector.broadcast %broadcast_in_dim3A_486 : i32 to vector<16xi32>
      %gather3A_488 = tpu.vector_load_idx %arg9[%get3A_464, %broadcast_in_dim3A_487] : memref<128x128xf32, #tpu.memory_space<vmem>>[vector<16xi32>, vector<16xi32>], vector<16xf32>,
      tpu.vector_store_idx %arg8[%add3A_470, %broadcast_in_dim3A_487], %gather3A_488 : memref<512x128xf32, #tpu.memory_space<vmem>>[vector<16xi32>, vector<16xi32>], vector<16xf32>,
      %broadcast_in_dim3A_489 = arith.constant 6 : i32
      %broadcast_in_dim3A_490 = vector.broadcast %broadcast_in_dim3A_489 : i32 to vector<16xi32>
      %gather3A_491 = tpu.vector_load_idx %arg9[%get3A_464, %broadcast_in_dim3A_490] : memref<128x128xf32, #tpu.memory_space<vmem>>[vector<16xi32>, vector<16xi32>], vector<16xf32>,
      tpu.vector_store_idx %arg8[%add3A_470, %broadcast_in_dim3A_490], %gather3A_491 : memref<512x128xf32, #tpu.memory_space<vmem>>[vector<16xi32>, vector<16xi32>], vector<16xf32>,
      %broadcast_in_dim3A_492 = arith.constant 7 : i32
      %broadcast_in_dim3A_493 = vector.broadcast %broadcast_in_dim3A_492 : i32 to vector<16xi32>
      %gather3A_494 = tpu.vector_load_idx %arg9[%get3A_464, %broadcast_in_dim3A_493] : memref<128x128xf32, #tpu.memory_space<vmem>>[vector<16xi32>, vector<16xi32>], vector<16xf32>,
      tpu.vector_store_idx %arg8[%add3A_470, %broadcast_in_dim3A_493], %gather3A_494 : memref<512x128xf32, #tpu.memory_space<vmem>>[vector<16xi32>, vector<16xi32>], vector<16xf32>,
      %broadcast_in_dim3A_495 = arith.constant 8 : i32
      %broadcast_in_dim3A_496 = vector.broadcast %broadcast_in_dim3A_495 : i32 to vector<16xi32>
      %gather3A_497 = tpu.vector_load_idx %arg9[%get3A_464, %broadcast_in_dim3A_496] : memref<128x128xf32, #tpu.memory_space<vmem>>[vector<16xi32>, vector<16xi32>], vector<16xf32>,
      tpu.vector_store_idx %arg8[%add3A_470, %broadcast_in_dim3A_496], %gather3A_497 : memref<512x128xf32, #tpu.memory_space<vmem>>[vector<16xi32>, vector<16xi32>], vector<16xf32>,
      %broadcast_in_dim3A_498 = arith.constant 9 : i32
      %broadcast_in_dim3A_499 = vector.broadcast %broadcast_in_dim3A_498 : i32 to vector<16xi32>
      %gather3A_500 = tpu.vector_load_idx %arg9[%get3A_464, %broadcast_in_dim3A_499] : memref<128x128xf32, #tpu.memory_space<vmem>>[vector<16xi32>, vector<16xi32>], vector<16xf32>,
      tpu.vector_store_idx %arg8[%add3A_470, %broadcast_in_dim3A_499], %gather3A_500 : memref<512x128xf32, #tpu.memory_space<vmem>>[vector<16xi32>, vector<16xi32>], vector<16xf32>,
      %broadcast_in_dim3A_501 = arith.constant 10 : i32
      %broadcast_in_dim3A_502 = vector.broadcast %broadcast_in_dim3A_501 : i32 to vector<16xi32>
      %gather3A_503 = tpu.vector_load_idx %arg9[%get3A_464, %broadcast_in_dim3A_502] : memref<128x128xf32, #tpu.memory_space<vmem>>[vector<16xi32>, vector<16xi32>], vector<16xf32>,
      tpu.vector_store_idx %arg8[%add3A_470, %broadcast_in_dim3A_502], %gather3A_503 : memref<512x128xf32, #tpu.memory_space<vmem>>[vector<16xi32>, vector<16xi32>], vector<16xf32>,
      %broadcast_in_dim3A_504 = arith.constant 11 : i32
      %broadcast_in_dim3A_505 = vector.broadcast %broadcast_in_dim3A_504 : i32 to vector<16xi32>
      %gather3A_506 = tpu.vector_load_idx %arg9[%get3A_464, %broadcast_in_dim3A_505] : memref<128x128xf32, #tpu.memory_space<vmem>>[vector<16xi32>, vector<16xi32>], vector<16xf32>,
      tpu.vector_store_idx %arg8[%add3A_470, %broadcast_in_dim3A_505], %gather3A_506 : memref<512x128xf32, #tpu.memory_space<vmem>>[vector<16xi32>, vector<16xi32>], vector<16xf32>,
      %broadcast_in_dim3A_507 = arith.constant 12 : i32
      %broadcast_in_dim3A_508 = vector.broadcast %broadcast_in_dim3A_507 : i32 to vector<16xi32>
      %gather3A_509 = tpu.vector_load_idx %arg9[%get3A_464, %broadcast_in_dim3A_508] : memref<128x128xf32, #tpu.memory_space<vmem>>[vector<16xi32>, vector<16xi32>], vector<16xf32>,
      tpu.vector_store_idx %arg8[%add3A_470, %broadcast_in_dim3A_508], %gather3A_509 : memref<512x128xf32, #tpu.memory_space<vmem>>[vector<16xi32>, vector<16xi32>], vector<16xf32>,
      %broadcast_in_dim3A_510 = arith.constant 13 : i32
      %broadcast_in_dim3A_511 = vector.broadcast %broadcast_in_dim3A_510 : i32 to vector<16xi32>
      %gather3A_512 = tpu.vector_load_idx %arg9[%get3A_464, %broadcast_in_dim3A_511] : memref<128x128xf32, #tpu.memory_space<vmem>>[vector<16xi32>, vector<16xi32>], vector<16xf32>,
      tpu.vector_store_idx %arg8[%add3A_470, %broadcast_in_dim3A_511], %gather3A_512 : memref<512x128xf32, #tpu.memory_space<vmem>>[vector<16xi32>, vector<16xi32>], vector<16xf32>,
      %broadcast_in_dim3A_513 = arith.constant 14 : i32
      %broadcast_in_dim3A_514 = vector.broadcast %broadcast_in_dim3A_513 : i32 to vector<16xi32>
      %gather3A_515 = tpu.vector_load_idx %arg9[%get3A_464, %broadcast_in_dim3A_514] : memref<128x128xf32, #tpu.memory_space<vmem>>[vector<16xi32>, vector<16xi32>], vector<16xf32>,
      tpu.vector_store_idx %arg8[%add3A_470, %broadcast_in_dim3A_514], %gather3A_515 : memref<512x128xf32, #tpu.memory_space<vmem>>[vector<16xi32>, vector<16xi32>], vector<16xf32>,
      %broadcast_in_dim3A_516 = arith.constant 15 : i32
      %broadcast_in_dim3A_517 = vector.broadcast %broadcast_in_dim3A_516 : i32 to vector<16xi32>
      %gather3A_518 = tpu.vector_load_idx %arg9[%get3A_464, %broadcast_in_dim3A_517] : memref<128x128xf32, #tpu.memory_space<vmem>>[vector<16xi32>, vector<16xi32>], vector<16xf32>,
      tpu.vector_store_idx %arg8[%add3A_470, %broadcast_in_dim3A_517], %gather3A_518 : memref<512x128xf32, #tpu.memory_space<vmem>>[vector<16xi32>, vector<16xi32>], vector<16xf32>,
      %broadcast_in_dim3A_519 = arith.constant 16 : i32
      %broadcast_in_dim3A_520 = vector.broadcast %broadcast_in_dim3A_519 : i32 to vector<16xi32>
      %gather3A_521 = tpu.vector_load_idx %arg9[%get3A_464, %broadcast_in_dim3A_520] : memref<128x128xf32, #tpu.memory_space<vmem>>[vector<16xi32>, vector<16xi32>], vector<16xf32>,
      tpu.vector_store_idx %arg8[%add3A_470, %broadcast_in_dim3A_520], %gather3A_521 : memref<512x128xf32, #tpu.memory_space<vmem>>[vector<16xi32>, vector<16xi32>], vector<16xf32>,
      %broadcast_in_dim3A_522 = arith.constant 17 : i32
      %broadcast_in_dim3A_523 = vector.broadcast %broadcast_in_dim3A_522 : i32 to vector<16xi32>
      %gather3A_524 = tpu.vector_load_idx %arg9[%get3A_464, %broadcast_in_dim3A_523] : memref<128x128xf32, #tpu.memory_space<vmem>>[vector<16xi32>, vector<16xi32>], vector<16xf32>,
      tpu.vector_store_idx %arg8[%add3A_470, %broadcast_in_dim3A_523], %gather3A_524 : memref<512x128xf32, #tpu.memory_space<vmem>>[vector<16xi32>, vector<16xi32>], vector<16xf32>,
      %broadcast_in_dim3A_525 = arith.constant 18 : i32
      %broadcast_in_dim3A_526 = vector.broadcast %broadcast_in_dim3A_525 : i32 to vector<16xi32>
      %gather3A_527 = tpu.vector_load_idx %arg9[%get3A_464, %broadcast_in_dim3A_526] : memref<128x128xf32, #tpu.memory_space<vmem>>[vector<16xi32>, vector<16xi32>], vector<16xf32>,
      tpu.vector_store_idx %arg8[%add3A_470, %broadcast_in_dim3A_526], %gather3A_527 : memref<512x128xf32, #tpu.memory_space<vmem>>[vector<16xi32>, vector<16xi32>], vector<16xf32>,
      %broadcast_in_dim3A_528 = arith.constant 19 : i32
      %broadcast_in_dim3A_529 = vector.broadcast %broadcast_in_dim3A_528 : i32 to vector<16xi32>
      %gather3A_530 = tpu.vector_load_idx %arg9[%get3A_464, %broadcast_in_dim3A_529] : memref<128x128xf32, #tpu.memory_space<vmem>>[vector<16xi32>, vector<16xi32>], vector<16xf32>,
      tpu.vector_store_idx %arg8[%add3A_470, %broadcast_in_dim3A_529], %gather3A_530 : memref<512x128xf32, #tpu.memory_space<vmem>>[vector<16xi32>, vector<16xi32>], vector<16xf32>,
      %broadcast_in_dim3A_531 = arith.constant 20 : i32
      %broadcast_in_dim3A_532 = vector.broadcast %broadcast_in_dim3A_531 : i32 to vector<16xi32>
      %gather3A_533 = tpu.vector_load_idx %arg9[%get3A_464, %broadcast_in_dim3A_532] : memref<128x128xf32, #tpu.memory_space<vmem>>[vector<16xi32>, vector<16xi32>], vector<16xf32>,
      tpu.vector_store_idx %arg8[%add3A_470, %broadcast_in_dim3A_532], %gather3A_533 : memref<512x128xf32, #tpu.memory_space<vmem>>[vector<16xi32>, vector<16xi32>], vector<16xf32>,
      %broadcast_in_dim3A_534 = arith.constant 21 : i32
      %broadcast_in_dim3A_535 = vector.broadcast %broadcast_in_dim3A_534 : i32 to vector<16xi32>
      %gather3A_536 = tpu.vector_load_idx %arg9[%get3A_464, %broadcast_in_dim3A_535] : memref<128x128xf32, #tpu.memory_space<vmem>>[vector<16xi32>, vector<16xi32>], vector<16xf32>,
      tpu.vector_store_idx %arg8[%add3A_470, %broadcast_in_dim3A_535], %gather3A_536 : memref<512x128xf32, #tpu.memory_space<vmem>>[vector<16xi32>, vector<16xi32>], vector<16xf32>,
      %broadcast_in_dim3A_537 = arith.constant 22 : i32
      %broadcast_in_dim3A_538 = vector.broadcast %broadcast_in_dim3A_537 : i32 to vector<16xi32>
      %gather3A_539 = tpu.vector_load_idx %arg9[%get3A_464, %broadcast_in_dim3A_538] : memref<128x128xf32, #tpu.memory_space<vmem>>[vector<16xi32>, vector<16xi32>], vector<16xf32>,
      tpu.vector_store_idx %arg8[%add3A_470, %broadcast_in_dim3A_538], %gather3A_539 : memref<512x128xf32, #tpu.memory_space<vmem>>[vector<16xi32>, vector<16xi32>], vector<16xf32>,
      %broadcast_in_dim3A_540 = arith.constant 23 : i32
      %broadcast_in_dim3A_541 = vector.broadcast %broadcast_in_dim3A_540 : i32 to vector<16xi32>
      %gather3A_542 = tpu.vector_load_idx %arg9[%get3A_464, %broadcast_in_dim3A_541] : memref<128x128xf32, #tpu.memory_space<vmem>>[vector<16xi32>, vector<16xi32>], vector<16xf32>,
      tpu.vector_store_idx %arg8[%add3A_470, %broadcast_in_dim3A_541], %gather3A_542 : memref<512x128xf32, #tpu.memory_space<vmem>>[vector<16xi32>, vector<16xi32>], vector<16xf32>,
      %broadcast_in_dim3A_543 = arith.constant 24 : i32
      %broadcast_in_dim3A_544 = vector.broadcast %broadcast_in_dim3A_543 : i32 to vector<16xi32>
      %gather3A_545 = tpu.vector_load_idx %arg9[%get3A_464, %broadcast_in_dim3A_544] : memref<128x128xf32, #tpu.memory_space<vmem>>[vector<16xi32>, vector<16xi32>], vector<16xf32>,
      tpu.vector_store_idx %arg8[%add3A_470, %broadcast_in_dim3A_544], %gather3A_545 : memref<512x128xf32, #tpu.memory_space<vmem>>[vector<16xi32>, vector<16xi32>], vector<16xf32>,
      %broadcast_in_dim3A_546 = arith.constant 25 : i32
      %broadcast_in_dim3A_547 = vector.broadcast %broadcast_in_dim3A_546 : i32 to vector<16xi32>
      %gather3A_548 = tpu.vector_load_idx %arg9[%get3A_464, %broadcast_in_dim3A_547] : memref<128x128xf32, #tpu.memory_space<vmem>>[vector<16xi32>, vector<16xi32>], vector<16xf32>,
      tpu.vector_store_idx %arg8[%add3A_470, %broadcast_in_dim3A_547], %gather3A_548 : memref<512x128xf32, #tpu.memory_space<vmem>>[vector<16xi32>, vector<16xi32>], vector<16xf32>,
      %broadcast_in_dim3A_549 = arith.constant 26 : i32
      %broadcast_in_dim3A_550 = vector.broadcast %broadcast_in_dim3A_549 : i32 to vector<16xi32>
      %gather3A_551 = tpu.vector_load_idx %arg9[%get3A_464, %broadcast_in_dim3A_550] : memref<128x128xf32, #tpu.memory_space<vmem>>[vector<16xi32>, vector<16xi32>], vector<16xf32>,
      tpu.vector_store_idx %arg8[%add3A_470, %broadcast_in_dim3A_550], %gather3A_551 : memref<512x128xf32, #tpu.memory_space<vmem>>[vector<16xi32>, vector<16xi32>], vector<16xf32>,
      %broadcast_in_dim3A_552 = arith.constant 27 : i32
      %broadcast_in_dim3A_553 = vector.broadcast %broadcast_in_dim3A_552 : i32 to vector<16xi32>
      %gather3A_554 = tpu.vector_load_idx %arg9[%get3A_464, %broadcast_in_dim3A_553] : memref<128x128xf32, #tpu.memory_space<vmem>>[vector<16xi32>, vector<16xi32>], vector<16xf32>,
      tpu.vector_store_idx %arg8[%add3A_470, %broadcast_in_dim3A_553], %gather3A_554 : memref<512x128xf32, #tpu.memory_space<vmem>>[vector<16xi32>, vector<16xi32>], vector<16xf32>,
      %broadcast_in_dim3A_555 = arith.constant 28 : i32
      %broadcast_in_dim3A_556 = vector.broadcast %broadcast_in_dim3A_555 : i32 to vector<16xi32>
      %gather3A_557 = tpu.vector_load_idx %arg9[%get3A_464, %broadcast_in_dim3A_556] : memref<128x128xf32, #tpu.memory_space<vmem>>[vector<16xi32>, vector<16xi32>], vector<16xf32>,
      tpu.vector_store_idx %arg8[%add3A_470, %broadcast_in_dim3A_556], %gather3A_557 : memref<512x128xf32, #tpu.memory_space<vmem>>[vector<16xi32>, vector<16xi32>], vector<16xf32>,
      %broadcast_in_dim3A_558 = arith.constant 29 : i32
      %broadcast_in_dim3A_559 = vector.broadcast %broadcast_in_dim3A_558 : i32 to vector<16xi32>
      %gather3A_560 = tpu.vector_load_idx %arg9[%get3A_464, %broadcast_in_dim3A_559] : memref<128x128xf32, #tpu.memory_space<vmem>>[vector<16xi32>, vector<16xi32>], vector<16xf32>,
      tpu.vector_store_idx %arg8[%add3A_470, %broadcast_in_dim3A_559], %gather3A_560 : memref<512x128xf32, #tpu.memory_space<vmem>>[vector<16xi32>, vector<16xi32>], vector<16xf32>,
      %broadcast_in_dim3A_561 = arith.constant 30 : i32
      %broadcast_in_dim3A_562 = vector.broadcast %broadcast_in_dim3A_561 : i32 to vector<16xi32>
      %gather3A_563 = tpu.vector_load_idx %arg9[%get3A_464, %broadcast_in_dim3A_562] : memref<128x128xf32, #tpu.memory_space<vmem>>[vector<16xi32>, vector<16xi32>], vector<16xf32>,
      tpu.vector_store_idx %arg8[%add3A_470, %broadcast_in_dim3A_562], %gather3A_563 : memref<512x128xf32, #tpu.memory_space<vmem>>[vector<16xi32>, vector<16xi32>], vector<16xf32>,
      %broadcast_in_dim3A_564 = arith.constant 31 : i32
      %broadcast_in_dim3A_565 = vector.broadcast %broadcast_in_dim3A_564 : i32 to vector<16xi32>
      %gather3A_566 = tpu.vector_load_idx %arg9[%get3A_464, %broadcast_in_dim3A_565] : memref<128x128xf32, #tpu.memory_space<vmem>>[vector<16xi32>, vector<16xi32>], vector<16xf32>,
      tpu.vector_store_idx %arg8[%add3A_470, %broadcast_in_dim3A_565], %gather3A_566 : memref<512x128xf32, #tpu.memory_space<vmem>>[vector<16xi32>, vector<16xi32>], vector<16xf32>,
      %broadcast_in_dim3A_567 = arith.constant 32 : i32
      %broadcast_in_dim3A_568 = vector.broadcast %broadcast_in_dim3A_567 : i32 to vector<16xi32>
      %gather3A_569 = tpu.vector_load_idx %arg9[%get3A_464, %broadcast_in_dim3A_568] : memref<128x128xf32, #tpu.memory_space<vmem>>[vector<16xi32>, vector<16xi32>], vector<16xf32>,
      tpu.vector_store_idx %arg8[%add3A_470, %broadcast_in_dim3A_568], %gather3A_569 : memref<512x128xf32, #tpu.memory_space<vmem>>[vector<16xi32>, vector<16xi32>], vector<16xf32>,
      %broadcast_in_dim3A_570 = arith.constant 33 : i32
      %broadcast_in_dim3A_571 = vector.broadcast %broadcast_in_dim3A_570 : i32 to vector<16xi32>
      %gather3A_572 = tpu.vector_load_idx %arg9[%get3A_464, %broadcast_in_dim3A_571] : memref<128x128xf32, #tpu.memory_space<vmem>>[vector<16xi32>, vector<16xi32>], vector<16xf32>,
      tpu.vector_store_idx %arg8[%add3A_470, %broadcast_in_dim3A_571], %gather3A_572 : memref<512x128xf32, #tpu.memory_space<vmem>>[vector<16xi32>, vector<16xi32>], vector<16xf32>,
      %broadcast_in_dim3A_573 = arith.constant 34 : i32
      %broadcast_in_dim3A_574 = vector.broadcast %broadcast_in_dim3A_573 : i32 to vector<16xi32>
      %gather3A_575 = tpu.vector_load_idx %arg9[%get3A_464, %broadcast_in_dim3A_574] : memref<128x128xf32, #tpu.memory_space<vmem>>[vector<16xi32>, vector<16xi32>], vector<16xf32>,
      tpu.vector_store_idx %arg8[%add3A_470, %broadcast_in_dim3A_574], %gather3A_575 : memref<512x128xf32, #tpu.memory_space<vmem>>[vector<16xi32>, vector<16xi32>], vector<16xf32>,
      %broadcast_in_dim3A_576 = arith.constant 35 : i32
      %broadcast_in_dim3A_577 = vector.broadcast %broadcast_in_dim3A_576 : i32 to vector<16xi32>
      %gather3A_578 = tpu.vector_load_idx %arg9[%get3A_464, %broadcast_in_dim3A_577] : memref<128x128xf32, #tpu.memory_space<vmem>>[vector<16xi32>, vector<16xi32>], vector<16xf32>,
      tpu.vector_store_idx %arg8[%add3A_470, %broadcast_in_dim3A_577], %gather3A_578 : memref<512x128xf32, #tpu.memory_space<vmem>>[vector<16xi32>, vector<16xi32>], vector<16xf32>,
      %broadcast_in_dim3A_579 = arith.constant 36 : i32
      %broadcast_in_dim3A_580 = vector.broadcast %broadcast_in_dim3A_579 : i32 to vector<16xi32>
      %gather3A_581 = tpu.vector_load_idx %arg9[%get3A_464, %broadcast_in_dim3A_580] : memref<128x128xf32, #tpu.memory_space<vmem>>[vector<16xi32>, vector<16xi32>], vector<16xf32>,
      tpu.vector_store_idx %arg8[%add3A_470, %broadcast_in_dim3A_580], %gather3A_581 : memref<512x128xf32, #tpu.memory_space<vmem>>[vector<16xi32>, vector<16xi32>], vector<16xf32>,
      %broadcast_in_dim3A_582 = arith.constant 37 : i32
      %broadcast_in_dim3A_583 = vector.broadcast %broadcast_in_dim3A_582 : i32 to vector<16xi32>
      %gather3A_584 = tpu.vector_load_idx %arg9[%get3A_464, %broadcast_in_dim3A_583] : memref<128x128xf32, #tpu.memory_space<vmem>>[vector<16xi32>, vector<16xi32>], vector<16xf32>,
      tpu.vector_store_idx %arg8[%add3A_470, %broadcast_in_dim3A_583], %gather3A_584 : memref<512x128xf32, #tpu.memory_space<vmem>>[vector<16xi32>, vector<16xi32>], vector<16xf32>,
      %broadcast_in_dim3A_585 = arith.constant 38 : i32
      %broadcast_in_dim3A_586 = vector.broadcast %broadcast_in_dim3A_585 : i32 to vector<16xi32>
      %gather3A_587 = tpu.vector_load_idx %arg9[%get3A_464, %broadcast_in_dim3A_586] : memref<128x128xf32, #tpu.memory_space<vmem>>[vector<16xi32>, vector<16xi32>], vector<16xf32>,
      tpu.vector_store_idx %arg8[%add3A_470, %broadcast_in_dim3A_586], %gather3A_587 : memref<512x128xf32, #tpu.memory_space<vmem>>[vector<16xi32>, vector<16xi32>], vector<16xf32>,
      %broadcast_in_dim3A_588 = arith.constant 39 : i32
      %broadcast_in_dim3A_589 = vector.broadcast %broadcast_in_dim3A_588 : i32 to vector<16xi32>
      %gather3A_590 = tpu.vector_load_idx %arg9[%get3A_464, %broadcast_in_dim3A_589] : memref<128x128xf32, #tpu.memory_space<vmem>>[vector<16xi32>, vector<16xi32>], vector<16xf32>,
      tpu.vector_store_idx %arg8[%add3A_470, %broadcast_in_dim3A_589], %gather3A_590 : memref<512x128xf32, #tpu.memory_space<vmem>>[vector<16xi32>, vector<16xi32>], vector<16xf32>,
      %broadcast_in_dim3A_591 = arith.constant 40 : i32
      %broadcast_in_dim3A_592 = vector.broadcast %broadcast_in_dim3A_591 : i32 to vector<16xi32>
      %gather3A_593 = tpu.vector_load_idx %arg9[%get3A_464, %broadcast_in_dim3A_592] : memref<128x128xf32, #tpu.memory_space<vmem>>[vector<16xi32>, vector<16xi32>], vector<16xf32>,
      tpu.vector_store_idx %arg8[%add3A_470, %broadcast_in_dim3A_592], %gather3A_593 : memref<512x128xf32, #tpu.memory_space<vmem>>[vector<16xi32>, vector<16xi32>], vector<16xf32>,
      %broadcast_in_dim3A_594 = arith.constant 41 : i32
      %broadcast_in_dim3A_595 = vector.broadcast %broadcast_in_dim3A_594 : i32 to vector<16xi32>
      %gather3A_596 = tpu.vector_load_idx %arg9[%get3A_464, %broadcast_in_dim3A_595] : memref<128x128xf32, #tpu.memory_space<vmem>>[vector<16xi32>, vector<16xi32>], vector<16xf32>,
      tpu.vector_store_idx %arg8[%add3A_470, %broadcast_in_dim3A_595], %gather3A_596 : memref<512x128xf32, #tpu.memory_space<vmem>>[vector<16xi32>, vector<16xi32>], vector<16xf32>,
      %broadcast_in_dim3A_597 = arith.constant 42 : i32
      %broadcast_in_dim3A_598 = vector.broadcast %broadcast_in_dim3A_597 : i32 to vector<16xi32>
      %gather3A_599 = tpu.vector_load_idx %arg9[%get3A_464, %broadcast_in_dim3A_598] : memref<128x128xf32, #tpu.memory_space<vmem>>[vector<16xi32>, vector<16xi32>], vector<16xf32>,
      tpu.vector_store_idx %arg8[%add3A_470, %broadcast_in_dim3A_598], %gather3A_599 : memref<512x128xf32, #tpu.memory_space<vmem>>[vector<16xi32>, vector<16xi32>], vector<16xf32>,
      %broadcast_in_dim3A_600 = arith.constant 43 : i32
      %broadcast_in_dim3A_601 = vector.broadcast %broadcast_in_dim3A_600 : i32 to vector<16xi32>
      %gather3A_602 = tpu.vector_load_idx %arg9[%get3A_464, %broadcast_in_dim3A_601] : memref<128x128xf32, #tpu.memory_space<vmem>>[vector<16xi32>, vector<16xi32>], vector<16xf32>,
      tpu.vector_store_idx %arg8[%add3A_470, %broadcast_in_dim3A_601], %gather3A_602 : memref<512x128xf32, #tpu.memory_space<vmem>>[vector<16xi32>, vector<16xi32>], vector<16xf32>,
      %broadcast_in_dim3A_603 = arith.constant 44 : i32
      %broadcast_in_dim3A_604 = vector.broadcast %broadcast_in_dim3A_603 : i32 to vector<16xi32>
      %gather3A_605 = tpu.vector_load_idx %arg9[%get3A_464, %broadcast_in_dim3A_604] : memref<128x128xf32, #tpu.memory_space<vmem>>[vector<16xi32>, vector<16xi32>], vector<16xf32>,
      tpu.vector_store_idx %arg8[%add3A_470, %broadcast_in_dim3A_604], %gather3A_605 : memref<512x128xf32, #tpu.memory_space<vmem>>[vector<16xi32>, vector<16xi32>], vector<16xf32>,
      %broadcast_in_dim3A_606 = arith.constant 45 : i32
      %broadcast_in_dim3A_607 = vector.broadcast %broadcast_in_dim3A_606 : i32 to vector<16xi32>
      %gather3A_608 = tpu.vector_load_idx %arg9[%get3A_464, %broadcast_in_dim3A_607] : memref<128x128xf32, #tpu.memory_space<vmem>>[vector<16xi32>, vector<16xi32>], vector<16xf32>,
      tpu.vector_store_idx %arg8[%add3A_470, %broadcast_in_dim3A_607], %gather3A_608 : memref<512x128xf32, #tpu.memory_space<vmem>>[vector<16xi32>, vector<16xi32>], vector<16xf32>,
      %broadcast_in_dim3A_609 = arith.constant 46 : i32
      %broadcast_in_dim3A_610 = vector.broadcast %broadcast_in_dim3A_609 : i32 to vector<16xi32>
      %gather3A_611 = tpu.vector_load_idx %arg9[%get3A_464, %broadcast_in_dim3A_610] : memref<128x128xf32, #tpu.memory_space<vmem>>[vector<16xi32>, vector<16xi32>], vector<16xf32>,
      tpu.vector_store_idx %arg8[%add3A_470, %broadcast_in_dim3A_610], %gather3A_611 : memref<512x128xf32, #tpu.memory_space<vmem>>[vector<16xi32>, vector<16xi32>], vector<16xf32>,
      %broadcast_in_dim3A_612 = arith.constant 47 : i32
      %broadcast_in_dim3A_613 = vector.broadcast %broadcast_in_dim3A_612 : i32 to vector<16xi32>
      %gather3A_614 = tpu.vector_load_idx %arg9[%get3A_464, %broadcast_in_dim3A_613] : memref<128x128xf32, #tpu.memory_space<vmem>>[vector<16xi32>, vector<16xi32>], vector<16xf32>,
      tpu.vector_store_idx %arg8[%add3A_470, %broadcast_in_dim3A_613], %gather3A_614 : memref<512x128xf32, #tpu.memory_space<vmem>>[vector<16xi32>, vector<16xi32>], vector<16xf32>,
      %broadcast_in_dim3A_615 = arith.constant 48 : i32
      %broadcast_in_dim3A_616 = vector.broadcast %broadcast_in_dim3A_615 : i32 to vector<16xi32>
      %gather3A_617 = tpu.vector_load_idx %arg9[%get3A_464, %broadcast_in_dim3A_616] : memref<128x128xf32, #tpu.memory_space<vmem>>[vector<16xi32>, vector<16xi32>], vector<16xf32>,
      tpu.vector_store_idx %arg8[%add3A_470, %broadcast_in_dim3A_616], %gather3A_617 : memref<512x128xf32, #tpu.memory_space<vmem>>[vector<16xi32>, vector<16xi32>], vector<16xf32>,
      %broadcast_in_dim3A_618 = arith.constant 49 : i32
      %broadcast_in_dim3A_619 = vector.broadcast %broadcast_in_dim3A_618 : i32 to vector<16xi32>
      %gather3A_620 = tpu.vector_load_idx %arg9[%get3A_464, %broadcast_in_dim3A_619] : memref<128x128xf32, #tpu.memory_space<vmem>>[vector<16xi32>, vector<16xi32>], vector<16xf32>,
      tpu.vector_store_idx %arg8[%add3A_470, %broadcast_in_dim3A_619], %gather3A_620 : memref<512x128xf32, #tpu.memory_space<vmem>>[vector<16xi32>, vector<16xi32>], vector<16xf32>,
      %broadcast_in_dim3A_621 = arith.constant 50 : i32
      %broadcast_in_dim3A_622 = vector.broadcast %broadcast_in_dim3A_621 : i32 to vector<16xi32>
      %gather3A_623 = tpu.vector_load_idx %arg9[%get3A_464, %broadcast_in_dim3A_622] : memref<128x128xf32, #tpu.memory_space<vmem>>[vector<16xi32>, vector<16xi32>], vector<16xf32>,
      tpu.vector_store_idx %arg8[%add3A_470, %broadcast_in_dim3A_622], %gather3A_623 : memref<512x128xf32, #tpu.memory_space<vmem>>[vector<16xi32>, vector<16xi32>], vector<16xf32>,
      %broadcast_in_dim3A_624 = arith.constant 51 : i32
      %broadcast_in_dim3A_625 = vector.broadcast %broadcast_in_dim3A_624 : i32 to vector<16xi32>
      %gather3A_626 = tpu.vector_load_idx %arg9[%get3A_464, %broadcast_in_dim3A_625] : memref<128x128xf32, #tpu.memory_space<vmem>>[vector<16xi32>, vector<16xi32>], vector<16xf32>,
      tpu.vector_store_idx %arg8[%add3A_470, %broadcast_in_dim3A_625], %gather3A_626 : memref<512x128xf32, #tpu.memory_space<vmem>>[vector<16xi32>, vector<16xi32>], vector<16xf32>,
      %broadcast_in_dim3A_627 = arith.constant 52 : i32
      %broadcast_in_dim3A_628 = vector.broadcast %broadcast_in_dim3A_627 : i32 to vector<16xi32>
      %gather3A_629 = tpu.vector_load_idx %arg9[%get3A_464, %broadcast_in_dim3A_628] : memref<128x128xf32, #tpu.memory_space<vmem>>[vector<16xi32>, vector<16xi32>], vector<16xf32>,
      tpu.vector_store_idx %arg8[%add3A_470, %broadcast_in_dim3A_628], %gather3A_629 : memref<512x128xf32, #tpu.memory_space<vmem>>[vector<16xi32>, vector<16xi32>], vector<16xf32>,
      %broadcast_in_dim3A_630 = arith.constant 53 : i32
      %broadcast_in_dim3A_631 = vector.broadcast %broadcast_in_dim3A_630 : i32 to vector<16xi32>
      %gather3A_632 = tpu.vector_load_idx %arg9[%get3A_464, %broadcast_in_dim3A_631] : memref<128x128xf32, #tpu.memory_space<vmem>>[vector<16xi32>, vector<16xi32>], vector<16xf32>,
      tpu.vector_store_idx %arg8[%add3A_470, %broadcast_in_dim3A_631], %gather3A_632 : memref<512x128xf32, #tpu.memory_space<vmem>>[vector<16xi32>, vector<16xi32>], vector<16xf32>,
      %broadcast_in_dim3A_633 = arith.constant 54 : i32
      %broadcast_in_dim3A_634 = vector.broadcast %broadcast_in_dim3A_633 : i32 to vector<16xi32>
      %gather3A_635 = tpu.vector_load_idx %arg9[%get3A_464, %broadcast_in_dim3A_634] : memref<128x128xf32, #tpu.memory_space<vmem>>[vector<16xi32>, vector<16xi32>], vector<16xf32>,
      tpu.vector_store_idx %arg8[%add3A_470, %broadcast_in_dim3A_634], %gather3A_635 : memref<512x128xf32, #tpu.memory_space<vmem>>[vector<16xi32>, vector<16xi32>], vector<16xf32>,
      %broadcast_in_dim3A_636 = arith.constant 55 : i32
      %broadcast_in_dim3A_637 = vector.broadcast %broadcast_in_dim3A_636 : i32 to vector<16xi32>
      %gather3A_638 = tpu.vector_load_idx %arg9[%get3A_464, %broadcast_in_dim3A_637] : memref<128x128xf32, #tpu.memory_space<vmem>>[vector<16xi32>, vector<16xi32>], vector<16xf32>,
      tpu.vector_store_idx %arg8[%add3A_470, %broadcast_in_dim3A_637], %gather3A_638 : memref<512x128xf32, #tpu.memory_space<vmem>>[vector<16xi32>, vector<16xi32>], vector<16xf32>,
      %broadcast_in_dim3A_639 = arith.constant 56 : i32
      %broadcast_in_dim3A_640 = vector.broadcast %broadcast_in_dim3A_639 : i32 to vector<16xi32>
      %gather3A_641 = tpu.vector_load_idx %arg9[%get3A_464, %broadcast_in_dim3A_640] : memref<128x128xf32, #tpu.memory_space<vmem>>[vector<16xi32>, vector<16xi32>], vector<16xf32>,
      tpu.vector_store_idx %arg8[%add3A_470, %broadcast_in_dim3A_640], %gather3A_641 : memref<512x128xf32, #tpu.memory_space<vmem>>[vector<16xi32>, vector<16xi32>], vector<16xf32>,
      %broadcast_in_dim3A_642 = arith.constant 57 : i32
      %broadcast_in_dim3A_643 = vector.broadcast %broadcast_in_dim3A_642 : i32 to vector<16xi32>
      %gather3A_644 = tpu.vector_load_idx %arg9[%get3A_464, %broadcast_in_dim3A_643] : memref<128x128xf32, #tpu.memory_space<vmem>>[vector<16xi32>, vector<16xi32>], vector<16xf32>,
      tpu.vector_store_idx %arg8[%add3A_470, %broadcast_in_dim3A_643], %gather3A_644 : memref<512x128xf32, #tpu.memory_space<vmem>>[vector<16xi32>, vector<16xi32>], vector<16xf32>,
      %broadcast_in_dim3A_645 = arith.constant 58 : i32
      %broadcast_in_dim3A_646 = vector.broadcast %broadcast_in_dim3A_645 : i32 to vector<16xi32>
      %gather3A_647 = tpu.vector_load_idx %arg9[%get3A_464, %broadcast_in_dim3A_646] : memref<128x128xf32, #tpu.memory_space<vmem>>[vector<16xi32>, vector<16xi32>], vector<16xf32>,
      tpu.vector_store_idx %arg8[%add3A_470, %broadcast_in_dim3A_646], %gather3A_647 : memref<512x128xf32, #tpu.memory_space<vmem>>[vector<16xi32>, vector<16xi32>], vector<16xf32>,
      %broadcast_in_dim3A_648 = arith.constant 59 : i32
      %broadcast_in_dim3A_649 = vector.broadcast %broadcast_in_dim3A_648 : i32 to vector<16xi32>
      %gather3A_650 = tpu.vector_load_idx %arg9[%get3A_464, %broadcast_in_dim3A_649] : memref<128x128xf32, #tpu.memory_space<vmem>>[vector<16xi32>, vector<16xi32>], vector<16xf32>,
      tpu.vector_store_idx %arg8[%add3A_470, %broadcast_in_dim3A_649], %gather3A_650 : memref<512x128xf32, #tpu.memory_space<vmem>>[vector<16xi32>, vector<16xi32>], vector<16xf32>,
      %broadcast_in_dim3A_651 = arith.constant 60 : i32
      %broadcast_in_dim3A_652 = vector.broadcast %broadcast_in_dim3A_651 : i32 to vector<16xi32>
      %gather3A_653 = tpu.vector_load_idx %arg9[%get3A_464, %broadcast_in_dim3A_652] : memref<128x128xf32, #tpu.memory_space<vmem>>[vector<16xi32>, vector<16xi32>], vector<16xf32>,
      tpu.vector_store_idx %arg8[%add3A_470, %broadcast_in_dim3A_652], %gather3A_653 : memref<512x128xf32, #tpu.memory_space<vmem>>[vector<16xi32>, vector<16xi32>], vector<16xf32>,
      %broadcast_in_dim3A_654 = arith.constant 61 : i32
      %broadcast_in_dim3A_655 = vector.broadcast %broadcast_in_dim3A_654 : i32 to vector<16xi32>
      %gather3A_656 = tpu.vector_load_idx %arg9[%get3A_464, %broadcast_in_dim3A_655] : memref<128x128xf32, #tpu.memory_space<vmem>>[vector<16xi32>, vector<16xi32>], vector<16xf32>,
      tpu.vector_store_idx %arg8[%add3A_470, %broadcast_in_dim3A_655], %gather3A_656 : memref<512x128xf32, #tpu.memory_space<vmem>>[vector<16xi32>, vector<16xi32>], vector<16xf32>,
      %broadcast_in_dim3A_657 = arith.constant 62 : i32
      %broadcast_in_dim3A_658 = vector.broadcast %broadcast_in_dim3A_657 : i32 to vector<16xi32>
      %gather3A_659 = tpu.vector_load_idx %arg9[%get3A_464, %broadcast_in_dim3A_658] : memref<128x128xf32, #tpu.memory_space<vmem>>[vector<16xi32>, vector<16xi32>], vector<16xf32>,
      tpu.vector_store_idx %arg8[%add3A_470, %broadcast_in_dim3A_658], %gather3A_659 : memref<512x128xf32, #tpu.memory_space<vmem>>[vector<16xi32>, vector<16xi32>], vector<16xf32>,
      %broadcast_in_dim3A_660 = arith.constant 63 : i32
      %broadcast_in_dim3A_661 = vector.broadcast %broadcast_in_dim3A_660 : i32 to vector<16xi32>
      %gather3A_662 = tpu.vector_load_idx %arg9[%get3A_464, %broadcast_in_dim3A_661] : memref<128x128xf32, #tpu.memory_space<vmem>>[vector<16xi32>, vector<16xi32>], vector<16xf32>,
      tpu.vector_store_idx %arg8[%add3A_470, %broadcast_in_dim3A_661], %gather3A_662 : memref<512x128xf32, #tpu.memory_space<vmem>>[vector<16xi32>, vector<16xi32>], vector<16xf32>,
      %broadcast_in_dim3A_663 = arith.constant 64 : i32
      %broadcast_in_dim3A_664 = vector.broadcast %broadcast_in_dim3A_663 : i32 to vector<16xi32>
      %gather3A_665 = tpu.vector_load_idx %arg9[%get3A_464, %broadcast_in_dim3A_664] : memref<128x128xf32, #tpu.memory_space<vmem>>[vector<16xi32>, vector<16xi32>], vector<16xf32>,
      tpu.vector_store_idx %arg8[%add3A_470, %broadcast_in_dim3A_664], %gather3A_665 : memref<512x128xf32, #tpu.memory_space<vmem>>[vector<16xi32>, vector<16xi32>], vector<16xf32>,
      %broadcast_in_dim3A_666 = arith.constant 65 : i32
      %broadcast_in_dim3A_667 = vector.broadcast %broadcast_in_dim3A_666 : i32 to vector<16xi32>
      %gather3A_668 = tpu.vector_load_idx %arg9[%get3A_464, %broadcast_in_dim3A_667] : memref<128x128xf32, #tpu.memory_space<vmem>>[vector<16xi32>, vector<16xi32>], vector<16xf32>,
      tpu.vector_store_idx %arg8[%add3A_470, %broadcast_in_dim3A_667], %gather3A_668 : memref<512x128xf32, #tpu.memory_space<vmem>>[vector<16xi32>, vector<16xi32>], vector<16xf32>,
      %broadcast_in_dim3A_669 = arith.constant 66 : i32
      %broadcast_in_dim3A_670 = vector.broadcast %broadcast_in_dim3A_669 : i32 to vector<16xi32>
      %gather3A_671 = tpu.vector_load_idx %arg9[%get3A_464, %broadcast_in_dim3A_670] : memref<128x128xf32, #tpu.memory_space<vmem>>[vector<16xi32>, vector<16xi32>], vector<16xf32>,
      tpu.vector_store_idx %arg8[%add3A_470, %broadcast_in_dim3A_670], %gather3A_671 : memref<512x128xf32, #tpu.memory_space<vmem>>[vector<16xi32>, vector<16xi32>], vector<16xf32>,
      %broadcast_in_dim3A_672 = arith.constant 67 : i32
      %broadcast_in_dim3A_673 = vector.broadcast %broadcast_in_dim3A_672 : i32 to vector<16xi32>
      %gather3A_674 = tpu.vector_load_idx %arg9[%get3A_464, %broadcast_in_dim3A_673] : memref<128x128xf32, #tpu.memory_space<vmem>>[vector<16xi32>, vector<16xi32>], vector<16xf32>,
      tpu.vector_store_idx %arg8[%add3A_470, %broadcast_in_dim3A_673], %gather3A_674 : memref<512x128xf32, #tpu.memory_space<vmem>>[vector<16xi32>, vector<16xi32>], vector<16xf32>,
      %broadcast_in_dim3A_675 = arith.constant 68 : i32
      %broadcast_in_dim3A_676 = vector.broadcast %broadcast_in_dim3A_675 : i32 to vector<16xi32>
      %gather3A_677 = tpu.vector_load_idx %arg9[%get3A_464, %broadcast_in_dim3A_676] : memref<128x128xf32, #tpu.memory_space<vmem>>[vector<16xi32>, vector<16xi32>], vector<16xf32>,
      tpu.vector_store_idx %arg8[%add3A_470, %broadcast_in_dim3A_676], %gather3A_677 : memref<512x128xf32, #tpu.memory_space<vmem>>[vector<16xi32>, vector<16xi32>], vector<16xf32>,
      %broadcast_in_dim3A_678 = arith.constant 69 : i32
      %broadcast_in_dim3A_679 = vector.broadcast %broadcast_in_dim3A_678 : i32 to vector<16xi32>
      %gather3A_680 = tpu.vector_load_idx %arg9[%get3A_464, %broadcast_in_dim3A_679] : memref<128x128xf32, #tpu.memory_space<vmem>>[vector<16xi32>, vector<16xi32>], vector<16xf32>,
      tpu.vector_store_idx %arg8[%add3A_470, %broadcast_in_dim3A_679], %gather3A_680 : memref<512x128xf32, #tpu.memory_space<vmem>>[vector<16xi32>, vector<16xi32>], vector<16xf32>,
      %broadcast_in_dim3A_681 = arith.constant 70 : i32
      %broadcast_in_dim3A_682 = vector.broadcast %broadcast_in_dim3A_681 : i32 to vector<16xi32>
      %gather3A_683 = tpu.vector_load_idx %arg9[%get3A_464, %broadcast_in_dim3A_682] : memref<128x128xf32, #tpu.memory_space<vmem>>[vector<16xi32>, vector<16xi32>], vector<16xf32>,
      tpu.vector_store_idx %arg8[%add3A_470, %broadcast_in_dim3A_682], %gather3A_683 : memref<512x128xf32, #tpu.memory_space<vmem>>[vector<16xi32>, vector<16xi32>], vector<16xf32>,
      %broadcast_in_dim3A_684 = arith.constant 71 : i32
      %broadcast_in_dim3A_685 = vector.broadcast %broadcast_in_dim3A_684 : i32 to vector<16xi32>
      %gather3A_686 = tpu.vector_load_idx %arg9[%get3A_464, %broadcast_in_dim3A_685] : memref<128x128xf32, #tpu.memory_space<vmem>>[vector<16xi32>, vector<16xi32>], vector<16xf32>,
      tpu.vector_store_idx %arg8[%add3A_470, %broadcast_in_dim3A_685], %gather3A_686 : memref<512x128xf32, #tpu.memory_space<vmem>>[vector<16xi32>, vector<16xi32>], vector<16xf32>,
      %broadcast_in_dim3A_687 = arith.constant 72 : i32
      %broadcast_in_dim3A_688 = vector.broadcast %broadcast_in_dim3A_687 : i32 to vector<16xi32>
      %gather3A_689 = tpu.vector_load_idx %arg9[%get3A_464, %broadcast_in_dim3A_688] : memref<128x128xf32, #tpu.memory_space<vmem>>[vector<16xi32>, vector<16xi32>], vector<16xf32>,
      tpu.vector_store_idx %arg8[%add3A_470, %broadcast_in_dim3A_688], %gather3A_689 : memref<512x128xf32, #tpu.memory_space<vmem>>[vector<16xi32>, vector<16xi32>], vector<16xf32>,
      %broadcast_in_dim3A_690 = arith.constant 73 : i32
      %broadcast_in_dim3A_691 = vector.broadcast %broadcast_in_dim3A_690 : i32 to vector<16xi32>
      %gather3A_692 = tpu.vector_load_idx %arg9[%get3A_464, %broadcast_in_dim3A_691] : memref<128x128xf32, #tpu.memory_space<vmem>>[vector<16xi32>, vector<16xi32>], vector<16xf32>,
      tpu.vector_store_idx %arg8[%add3A_470, %broadcast_in_dim3A_691], %gather3A_692 : memref<512x128xf32, #tpu.memory_space<vmem>>[vector<16xi32>, vector<16xi32>], vector<16xf32>,
      %broadcast_in_dim3A_693 = arith.constant 74 : i32
      %broadcast_in_dim3A_694 = vector.broadcast %broadcast_in_dim3A_693 : i32 to vector<16xi32>
      %gather3A_695 = tpu.vector_load_idx %arg9[%get3A_464, %broadcast_in_dim3A_694] : memref<128x128xf32, #tpu.memory_space<vmem>>[vector<16xi32>, vector<16xi32>], vector<16xf32>,
      tpu.vector_store_idx %arg8[%add3A_470, %broadcast_in_dim3A_694], %gather3A_695 : memref<512x128xf32, #tpu.memory_space<vmem>>[vector<16xi32>, vector<16xi32>], vector<16xf32>,
      %broadcast_in_dim3A_696 = arith.constant 75 : i32
      %broadcast_in_dim3A_697 = vector.broadcast %broadcast_in_dim3A_696 : i32 to vector<16xi32>
      %gather3A_698 = tpu.vector_load_idx %arg9[%get3A_464, %broadcast_in_dim3A_697] : memref<128x128xf32, #tpu.memory_space<vmem>>[vector<16xi32>, vector<16xi32>], vector<16xf32>,
      tpu.vector_store_idx %arg8[%add3A_470, %broadcast_in_dim3A_697], %gather3A_698 : memref<512x128xf32, #tpu.memory_space<vmem>>[vector<16xi32>, vector<16xi32>], vector<16xf32>,
      %broadcast_in_dim3A_699 = arith.constant 76 : i32
      %broadcast_in_dim3A_700 = vector.broadcast %broadcast_in_dim3A_699 : i32 to vector<16xi32>
      %gather3A_701 = tpu.vector_load_idx %arg9[%get3A_464, %broadcast_in_dim3A_700] : memref<128x128xf32, #tpu.memory_space<vmem>>[vector<16xi32>, vector<16xi32>], vector<16xf32>,
      tpu.vector_store_idx %arg8[%add3A_470, %broadcast_in_dim3A_700], %gather3A_701 : memref<512x128xf32, #tpu.memory_space<vmem>>[vector<16xi32>, vector<16xi32>], vector<16xf32>,
      %broadcast_in_dim3A_702 = arith.constant 77 : i32
      %broadcast_in_dim3A_703 = vector.broadcast %broadcast_in_dim3A_702 : i32 to vector<16xi32>
      %gather3A_704 = tpu.vector_load_idx %arg9[%get3A_464, %broadcast_in_dim3A_703] : memref<128x128xf32, #tpu.memory_space<vmem>>[vector<16xi32>, vector<16xi32>], vector<16xf32>,
      tpu.vector_store_idx %arg8[%add3A_470, %broadcast_in_dim3A_703], %gather3A_704 : memref<512x128xf32, #tpu.memory_space<vmem>>[vector<16xi32>, vector<16xi32>], vector<16xf32>,
      %broadcast_in_dim3A_705 = arith.constant 78 : i32
      %broadcast_in_dim3A_706 = vector.broadcast %broadcast_in_dim3A_705 : i32 to vector<16xi32>
      %gather3A_707 = tpu.vector_load_idx %arg9[%get3A_464, %broadcast_in_dim3A_706] : memref<128x128xf32, #tpu.memory_space<vmem>>[vector<16xi32>, vector<16xi32>], vector<16xf32>,
      tpu.vector_store_idx %arg8[%add3A_470, %broadcast_in_dim3A_706], %gather3A_707 : memref<512x128xf32, #tpu.memory_space<vmem>>[vector<16xi32>, vector<16xi32>], vector<16xf32>,
      %broadcast_in_dim3A_708 = arith.constant 79 : i32
      %broadcast_in_dim3A_709 = vector.broadcast %broadcast_in_dim3A_708 : i32 to vector<16xi32>
      %gather3A_710 = tpu.vector_load_idx %arg9[%get3A_464, %broadcast_in_dim3A_709] : memref<128x128xf32, #tpu.memory_space<vmem>>[vector<16xi32>, vector<16xi32>], vector<16xf32>,
      tpu.vector_store_idx %arg8[%add3A_470, %broadcast_in_dim3A_709], %gather3A_710 : memref<512x128xf32, #tpu.memory_space<vmem>>[vector<16xi32>, vector<16xi32>], vector<16xf32>,
      %broadcast_in_dim3A_711 = arith.constant 80 : i32
      %broadcast_in_dim3A_712 = vector.broadcast %broadcast_in_dim3A_711 : i32 to vector<16xi32>
      %gather3A_713 = tpu.vector_load_idx %arg9[%get3A_464, %broadcast_in_dim3A_712] : memref<128x128xf32, #tpu.memory_space<vmem>>[vector<16xi32>, vector<16xi32>], vector<16xf32>,
      tpu.vector_store_idx %arg8[%add3A_470, %broadcast_in_dim3A_712], %gather3A_713 : memref<512x128xf32, #tpu.memory_space<vmem>>[vector<16xi32>, vector<16xi32>], vector<16xf32>,
      %broadcast_in_dim3A_714 = arith.constant 81 : i32
      %broadcast_in_dim3A_715 = vector.broadcast %broadcast_in_dim3A_714 : i32 to vector<16xi32>
      %gather3A_716 = tpu.vector_load_idx %arg9[%get3A_464, %broadcast_in_dim3A_715] : memref<128x128xf32, #tpu.memory_space<vmem>>[vector<16xi32>, vector<16xi32>], vector<16xf32>,
      tpu.vector_store_idx %arg8[%add3A_470, %broadcast_in_dim3A_715], %gather3A_716 : memref<512x128xf32, #tpu.memory_space<vmem>>[vector<16xi32>, vector<16xi32>], vector<16xf32>,
      %broadcast_in_dim3A_717 = arith.constant 82 : i32
      %broadcast_in_dim3A_718 = vector.broadcast %broadcast_in_dim3A_717 : i32 to vector<16xi32>
      %gather3A_719 = tpu.vector_load_idx %arg9[%get3A_464, %broadcast_in_dim3A_718] : memref<128x128xf32, #tpu.memory_space<vmem>>[vector<16xi32>, vector<16xi32>], vector<16xf32>,
      tpu.vector_store_idx %arg8[%add3A_470, %broadcast_in_dim3A_718], %gather3A_719 : memref<512x128xf32, #tpu.memory_space<vmem>>[vector<16xi32>, vector<16xi32>], vector<16xf32>,
      %broadcast_in_dim3A_720 = arith.constant 83 : i32
      %broadcast_in_dim3A_721 = vector.broadcast %broadcast_in_dim3A_720 : i32 to vector<16xi32>
      %gather3A_722 = tpu.vector_load_idx %arg9[%get3A_464, %broadcast_in_dim3A_721] : memref<128x128xf32, #tpu.memory_space<vmem>>[vector<16xi32>, vector<16xi32>], vector<16xf32>,
      tpu.vector_store_idx %arg8[%add3A_470, %broadcast_in_dim3A_721], %gather3A_722 : memref<512x128xf32, #tpu.memory_space<vmem>>[vector<16xi32>, vector<16xi32>], vector<16xf32>,
      %broadcast_in_dim3A_723 = arith.constant 84 : i32
      %broadcast_in_dim3A_724 = vector.broadcast %broadcast_in_dim3A_723 : i32 to vector<16xi32>
      %gather3A_725 = tpu.vector_load_idx %arg9[%get3A_464, %broadcast_in_dim3A_724] : memref<128x128xf32, #tpu.memory_space<vmem>>[vector<16xi32>, vector<16xi32>], vector<16xf32>,
      tpu.vector_store_idx %arg8[%add3A_470, %broadcast_in_dim3A_724], %gather3A_725 : memref<512x128xf32, #tpu.memory_space<vmem>>[vector<16xi32>, vector<16xi32>], vector<16xf32>,
      %broadcast_in_dim3A_726 = arith.constant 85 : i32
      %broadcast_in_dim3A_727 = vector.broadcast %broadcast_in_dim3A_726 : i32 to vector<16xi32>
      %gather3A_728 = tpu.vector_load_idx %arg9[%get3A_464, %broadcast_in_dim3A_727] : memref<128x128xf32, #tpu.memory_space<vmem>>[vector<16xi32>, vector<16xi32>], vector<16xf32>,
      tpu.vector_store_idx %arg8[%add3A_470, %broadcast_in_dim3A_727], %gather3A_728 : memref<512x128xf32, #tpu.memory_space<vmem>>[vector<16xi32>, vector<16xi32>], vector<16xf32>,
      %broadcast_in_dim3A_729 = arith.constant 86 : i32
      %broadcast_in_dim3A_730 = vector.broadcast %broadcast_in_dim3A_729 : i32 to vector<16xi32>
      %gather3A_731 = tpu.vector_load_idx %arg9[%get3A_464, %broadcast_in_dim3A_730] : memref<128x128xf32, #tpu.memory_space<vmem>>[vector<16xi32>, vector<16xi32>], vector<16xf32>,
      tpu.vector_store_idx %arg8[%add3A_470, %broadcast_in_dim3A_730], %gather3A_731 : memref<512x128xf32, #tpu.memory_space<vmem>>[vector<16xi32>, vector<16xi32>], vector<16xf32>,
      %broadcast_in_dim3A_732 = arith.constant 87 : i32
      %broadcast_in_dim3A_733 = vector.broadcast %broadcast_in_dim3A_732 : i32 to vector<16xi32>
      %gather3A_734 = tpu.vector_load_idx %arg9[%get3A_464, %broadcast_in_dim3A_733] : memref<128x128xf32, #tpu.memory_space<vmem>>[vector<16xi32>, vector<16xi32>], vector<16xf32>,
      tpu.vector_store_idx %arg8[%add3A_470, %broadcast_in_dim3A_733], %gather3A_734 : memref<512x128xf32, #tpu.memory_space<vmem>>[vector<16xi32>, vector<16xi32>], vector<16xf32>,
      %broadcast_in_dim3A_735 = arith.constant 88 : i32
      %broadcast_in_dim3A_736 = vector.broadcast %broadcast_in_dim3A_735 : i32 to vector<16xi32>
      %gather3A_737 = tpu.vector_load_idx %arg9[%get3A_464, %broadcast_in_dim3A_736] : memref<128x128xf32, #tpu.memory_space<vmem>>[vector<16xi32>, vector<16xi32>], vector<16xf32>,
      tpu.vector_store_idx %arg8[%add3A_470, %broadcast_in_dim3A_736], %gather3A_737 : memref<512x128xf32, #tpu.memory_space<vmem>>[vector<16xi32>, vector<16xi32>], vector<16xf32>,
      %broadcast_in_dim3A_738 = arith.constant 89 : i32
      %broadcast_in_dim3A_739 = vector.broadcast %broadcast_in_dim3A_738 : i32 to vector<16xi32>
      %gather3A_740 = tpu.vector_load_idx %arg9[%get3A_464, %broadcast_in_dim3A_739] : memref<128x128xf32, #tpu.memory_space<vmem>>[vector<16xi32>, vector<16xi32>], vector<16xf32>,
      tpu.vector_store_idx %arg8[%add3A_470, %broadcast_in_dim3A_739], %gather3A_740 : memref<512x128xf32, #tpu.memory_space<vmem>>[vector<16xi32>, vector<16xi32>], vector<16xf32>,
      %broadcast_in_dim3A_741 = arith.constant 90 : i32
      %broadcast_in_dim3A_742 = vector.broadcast %broadcast_in_dim3A_741 : i32 to vector<16xi32>
      %gather3A_743 = tpu.vector_load_idx %arg9[%get3A_464, %broadcast_in_dim3A_742] : memref<128x128xf32, #tpu.memory_space<vmem>>[vector<16xi32>, vector<16xi32>], vector<16xf32>,
      tpu.vector_store_idx %arg8[%add3A_470, %broadcast_in_dim3A_742], %gather3A_743 : memref<512x128xf32, #tpu.memory_space<vmem>>[vector<16xi32>, vector<16xi32>], vector<16xf32>,
      %broadcast_in_dim3A_744 = arith.constant 91 : i32
      %broadcast_in_dim3A_745 = vector.broadcast %broadcast_in_dim3A_744 : i32 to vector<16xi32>
      %gather3A_746 = tpu.vector_load_idx %arg9[%get3A_464, %broadcast_in_dim3A_745] : memref<128x128xf32, #tpu.memory_space<vmem>>[vector<16xi32>, vector<16xi32>], vector<16xf32>,
      tpu.vector_store_idx %arg8[%add3A_470, %broadcast_in_dim3A_745], %gather3A_746 : memref<512x128xf32, #tpu.memory_space<vmem>>[vector<16xi32>, vector<16xi32>], vector<16xf32>,
      %broadcast_in_dim3A_747 = arith.constant 92 : i32
      %broadcast_in_dim3A_748 = vector.broadcast %broadcast_in_dim3A_747 : i32 to vector<16xi32>
      %gather3A_749 = tpu.vector_load_idx %arg9[%get3A_464, %broadcast_in_dim3A_748] : memref<128x128xf32, #tpu.memory_space<vmem>>[vector<16xi32>, vector<16xi32>], vector<16xf32>,
      tpu.vector_store_idx %arg8[%add3A_470, %broadcast_in_dim3A_748], %gather3A_749 : memref<512x128xf32, #tpu.memory_space<vmem>>[vector<16xi32>, vector<16xi32>], vector<16xf32>,
      %broadcast_in_dim3A_750 = arith.constant 93 : i32
      %broadcast_in_dim3A_751 = vector.broadcast %broadcast_in_dim3A_750 : i32 to vector<16xi32>
      %gather3A_752 = tpu.vector_load_idx %arg9[%get3A_464, %broadcast_in_dim3A_751] : memref<128x128xf32, #tpu.memory_space<vmem>>[vector<16xi32>, vector<16xi32>], vector<16xf32>,
      tpu.vector_store_idx %arg8[%add3A_470, %broadcast_in_dim3A_751], %gather3A_752 : memref<512x128xf32, #tpu.memory_space<vmem>>[vector<16xi32>, vector<16xi32>], vector<16xf32>,
      %broadcast_in_dim3A_753 = arith.constant 94 : i32
      %broadcast_in_dim3A_754 = vector.broadcast %broadcast_in_dim3A_753 : i32 to vector<16xi32>
      %gather3A_755 = tpu.vector_load_idx %arg9[%get3A_464, %broadcast_in_dim3A_754] : memref<128x128xf32, #tpu.memory_space<vmem>>[vector<16xi32>, vector<16xi32>], vector<16xf32>,
      tpu.vector_store_idx %arg8[%add3A_470, %broadcast_in_dim3A_754], %gather3A_755 : memref<512x128xf32, #tpu.memory_space<vmem>>[vector<16xi32>, vector<16xi32>], vector<16xf32>,
      %broadcast_in_dim3A_756 = arith.constant 95 : i32
      %broadcast_in_dim3A_757 = vector.broadcast %broadcast_in_dim3A_756 : i32 to vector<16xi32>
      %gather3A_758 = tpu.vector_load_idx %arg9[%get3A_464, %broadcast_in_dim3A_757] : memref<128x128xf32, #tpu.memory_space<vmem>>[vector<16xi32>, vector<16xi32>], vector<16xf32>,
      tpu.vector_store_idx %arg8[%add3A_470, %broadcast_in_dim3A_757], %gather3A_758 : memref<512x128xf32, #tpu.memory_space<vmem>>[vector<16xi32>, vector<16xi32>], vector<16xf32>,
      %broadcast_in_dim3A_759 = arith.constant 96 : i32
      %broadcast_in_dim3A_760 = vector.broadcast %broadcast_in_dim3A_759 : i32 to vector<16xi32>
      %gather3A_761 = tpu.vector_load_idx %arg9[%get3A_464, %broadcast_in_dim3A_760] : memref<128x128xf32, #tpu.memory_space<vmem>>[vector<16xi32>, vector<16xi32>], vector<16xf32>,
      tpu.vector_store_idx %arg8[%add3A_470, %broadcast_in_dim3A_760], %gather3A_761 : memref<512x128xf32, #tpu.memory_space<vmem>>[vector<16xi32>, vector<16xi32>], vector<16xf32>,
      %broadcast_in_dim3A_762 = arith.constant 97 : i32
      %broadcast_in_dim3A_763 = vector.broadcast %broadcast_in_dim3A_762 : i32 to vector<16xi32>
      %gather3A_764 = tpu.vector_load_idx %arg9[%get3A_464, %broadcast_in_dim3A_763] : memref<128x128xf32, #tpu.memory_space<vmem>>[vector<16xi32>, vector<16xi32>], vector<16xf32>,
      tpu.vector_store_idx %arg8[%add3A_470, %broadcast_in_dim3A_763], %gather3A_764 : memref<512x128xf32, #tpu.memory_space<vmem>>[vector<16xi32>, vector<16xi32>], vector<16xf32>,
      %broadcast_in_dim3A_765 = arith.constant 98 : i32
      %broadcast_in_dim3A_766 = vector.broadcast %broadcast_in_dim3A_765 : i32 to vector<16xi32>
      %gather3A_767 = tpu.vector_load_idx %arg9[%get3A_464, %broadcast_in_dim3A_766] : memref<128x128xf32, #tpu.memory_space<vmem>>[vector<16xi32>, vector<16xi32>], vector<16xf32>,
      tpu.vector_store_idx %arg8[%add3A_470, %broadcast_in_dim3A_766], %gather3A_767 : memref<512x128xf32, #tpu.memory_space<vmem>>[vector<16xi32>, vector<16xi32>], vector<16xf32>,
      %broadcast_in_dim3A_768 = arith.constant 99 : i32
      %broadcast_in_dim3A_769 = vector.broadcast %broadcast_in_dim3A_768 : i32 to vector<16xi32>
      %gather3A_770 = tpu.vector_load_idx %arg9[%get3A_464, %broadcast_in_dim3A_769] : memref<128x128xf32, #tpu.memory_space<vmem>>[vector<16xi32>, vector<16xi32>], vector<16xf32>,
      tpu.vector_store_idx %arg8[%add3A_470, %broadcast_in_dim3A_769], %gather3A_770 : memref<512x128xf32, #tpu.memory_space<vmem>>[vector<16xi32>, vector<16xi32>], vector<16xf32>,
      %broadcast_in_dim3A_771 = arith.constant 100 : i32
      %broadcast_in_dim3A_772 = vector.broadcast %broadcast_in_dim3A_771 : i32 to vector<16xi32>
      %gather3A_773 = tpu.vector_load_idx %arg9[%get3A_464, %broadcast_in_dim3A_772] : memref<128x128xf32, #tpu.memory_space<vmem>>[vector<16xi32>, vector<16xi32>], vector<16xf32>,
      tpu.vector_store_idx %arg8[%add3A_470, %broadcast_in_dim3A_772], %gather3A_773 : memref<512x128xf32, #tpu.memory_space<vmem>>[vector<16xi32>, vector<16xi32>], vector<16xf32>,
      %broadcast_in_dim3A_774 = arith.constant 101 : i32
      %broadcast_in_dim3A_775 = vector.broadcast %broadcast_in_dim3A_774 : i32 to vector<16xi32>
      %gather3A_776 = tpu.vector_load_idx %arg9[%get3A_464, %broadcast_in_dim3A_775] : memref<128x128xf32, #tpu.memory_space<vmem>>[vector<16xi32>, vector<16xi32>], vector<16xf32>,
      tpu.vector_store_idx %arg8[%add3A_470, %broadcast_in_dim3A_775], %gather3A_776 : memref<512x128xf32, #tpu.memory_space<vmem>>[vector<16xi32>, vector<16xi32>], vector<16xf32>,
      %broadcast_in_dim3A_777 = arith.constant 102 : i32
      %broadcast_in_dim3A_778 = vector.broadcast %broadcast_in_dim3A_777 : i32 to vector<16xi32>
      %gather3A_779 = tpu.vector_load_idx %arg9[%get3A_464, %broadcast_in_dim3A_778] : memref<128x128xf32, #tpu.memory_space<vmem>>[vector<16xi32>, vector<16xi32>], vector<16xf32>,
      tpu.vector_store_idx %arg8[%add3A_470, %broadcast_in_dim3A_778], %gather3A_779 : memref<512x128xf32, #tpu.memory_space<vmem>>[vector<16xi32>, vector<16xi32>], vector<16xf32>,
      %broadcast_in_dim3A_780 = arith.constant 103 : i32
      %broadcast_in_dim3A_781 = vector.broadcast %broadcast_in_dim3A_780 : i32 to vector<16xi32>
      %gather3A_782 = tpu.vector_load_idx %arg9[%get3A_464, %broadcast_in_dim3A_781] : memref<128x128xf32, #tpu.memory_space<vmem>>[vector<16xi32>, vector<16xi32>], vector<16xf32>,
      tpu.vector_store_idx %arg8[%add3A_470, %broadcast_in_dim3A_781], %gather3A_782 : memref<512x128xf32, #tpu.memory_space<vmem>>[vector<16xi32>, vector<16xi32>], vector<16xf32>,
      %broadcast_in_dim3A_783 = arith.constant 104 : i32
      %broadcast_in_dim3A_784 = vector.broadcast %broadcast_in_dim3A_783 : i32 to vector<16xi32>
      %gather3A_785 = tpu.vector_load_idx %arg9[%get3A_464, %broadcast_in_dim3A_784] : memref<128x128xf32, #tpu.memory_space<vmem>>[vector<16xi32>, vector<16xi32>], vector<16xf32>,
      tpu.vector_store_idx %arg8[%add3A_470, %broadcast_in_dim3A_784], %gather3A_785 : memref<512x128xf32, #tpu.memory_space<vmem>>[vector<16xi32>, vector<16xi32>], vector<16xf32>,
      %broadcast_in_dim3A_786 = arith.constant 105 : i32
      %broadcast_in_dim3A_787 = vector.broadcast %broadcast_in_dim3A_786 : i32 to vector<16xi32>
      %gather3A_788 = tpu.vector_load_idx %arg9[%get3A_464, %broadcast_in_dim3A_787] : memref<128x128xf32, #tpu.memory_space<vmem>>[vector<16xi32>, vector<16xi32>], vector<16xf32>,
      tpu.vector_store_idx %arg8[%add3A_470, %broadcast_in_dim3A_787], %gather3A_788 : memref<512x128xf32, #tpu.memory_space<vmem>>[vector<16xi32>, vector<16xi32>], vector<16xf32>,
      %broadcast_in_dim3A_789 = arith.constant 106 : i32
      %broadcast_in_dim3A_790 = vector.broadcast %broadcast_in_dim3A_789 : i32 to vector<16xi32>
      %gather3A_791 = tpu.vector_load_idx %arg9[%get3A_464, %broadcast_in_dim3A_790] : memref<128x128xf32, #tpu.memory_space<vmem>>[vector<16xi32>, vector<16xi32>], vector<16xf32>,
      tpu.vector_store_idx %arg8[%add3A_470, %broadcast_in_dim3A_790], %gather3A_791 : memref<512x128xf32, #tpu.memory_space<vmem>>[vector<16xi32>, vector<16xi32>], vector<16xf32>,
      %broadcast_in_dim3A_792 = arith.constant 107 : i32
      %broadcast_in_dim3A_793 = vector.broadcast %broadcast_in_dim3A_792 : i32 to vector<16xi32>
      %gather3A_794 = tpu.vector_load_idx %arg9[%get3A_464, %broadcast_in_dim3A_793] : memref<128x128xf32, #tpu.memory_space<vmem>>[vector<16xi32>, vector<16xi32>], vector<16xf32>,
      tpu.vector_store_idx %arg8[%add3A_470, %broadcast_in_dim3A_793], %gather3A_794 : memref<512x128xf32, #tpu.memory_space<vmem>>[vector<16xi32>, vector<16xi32>], vector<16xf32>,
      %broadcast_in_dim3A_795 = arith.constant 108 : i32
      %broadcast_in_dim3A_796 = vector.broadcast %broadcast_in_dim3A_795 : i32 to vector<16xi32>
      %gather3A_797 = tpu.vector_load_idx %arg9[%get3A_464, %broadcast_in_dim3A_796] : memref<128x128xf32, #tpu.memory_space<vmem>>[vector<16xi32>, vector<16xi32>], vector<16xf32>,
      tpu.vector_store_idx %arg8[%add3A_470, %broadcast_in_dim3A_796], %gather3A_797 : memref<512x128xf32, #tpu.memory_space<vmem>>[vector<16xi32>, vector<16xi32>], vector<16xf32>,
      %broadcast_in_dim3A_798 = arith.constant 109 : i32
      %broadcast_in_dim3A_799 = vector.broadcast %broadcast_in_dim3A_798 : i32 to vector<16xi32>
      %gather3A_800 = tpu.vector_load_idx %arg9[%get3A_464, %broadcast_in_dim3A_799] : memref<128x128xf32, #tpu.memory_space<vmem>>[vector<16xi32>, vector<16xi32>], vector<16xf32>,
      tpu.vector_store_idx %arg8[%add3A_470, %broadcast_in_dim3A_799], %gather3A_800 : memref<512x128xf32, #tpu.memory_space<vmem>>[vector<16xi32>, vector<16xi32>], vector<16xf32>,
      %broadcast_in_dim3A_801 = arith.constant 110 : i32
      %broadcast_in_dim3A_802 = vector.broadcast %broadcast_in_dim3A_801 : i32 to vector<16xi32>
      %gather3A_803 = tpu.vector_load_idx %arg9[%get3A_464, %broadcast_in_dim3A_802] : memref<128x128xf32, #tpu.memory_space<vmem>>[vector<16xi32>, vector<16xi32>], vector<16xf32>,
      tpu.vector_store_idx %arg8[%add3A_470, %broadcast_in_dim3A_802], %gather3A_803 : memref<512x128xf32, #tpu.memory_space<vmem>>[vector<16xi32>, vector<16xi32>], vector<16xf32>,
      %broadcast_in_dim3A_804 = arith.constant 111 : i32
      %broadcast_in_dim3A_805 = vector.broadcast %broadcast_in_dim3A_804 : i32 to vector<16xi32>
      %gather3A_806 = tpu.vector_load_idx %arg9[%get3A_464, %broadcast_in_dim3A_805] : memref<128x128xf32, #tpu.memory_space<vmem>>[vector<16xi32>, vector<16xi32>], vector<16xf32>,
      tpu.vector_store_idx %arg8[%add3A_470, %broadcast_in_dim3A_805], %gather3A_806 : memref<512x128xf32, #tpu.memory_space<vmem>>[vector<16xi32>, vector<16xi32>], vector<16xf32>,
      %broadcast_in_dim3A_807 = arith.constant 112 : i32
      %broadcast_in_dim3A_808 = vector.broadcast %broadcast_in_dim3A_807 : i32 to vector<16xi32>
      %gather3A_809 = tpu.vector_load_idx %arg9[%get3A_464, %broadcast_in_dim3A_808] : memref<128x128xf32, #tpu.memory_space<vmem>>[vector<16xi32>, vector<16xi32>], vector<16xf32>,
      tpu.vector_store_idx %arg8[%add3A_470, %broadcast_in_dim3A_808], %gather3A_809 : memref<512x128xf32, #tpu.memory_space<vmem>>[vector<16xi32>, vector<16xi32>], vector<16xf32>,
      %broadcast_in_dim3A_810 = arith.constant 113 : i32
      %broadcast_in_dim3A_811 = vector.broadcast %broadcast_in_dim3A_810 : i32 to vector<16xi32>
      %gather3A_812 = tpu.vector_load_idx %arg9[%get3A_464, %broadcast_in_dim3A_811] : memref<128x128xf32, #tpu.memory_space<vmem>>[vector<16xi32>, vector<16xi32>], vector<16xf32>,
      tpu.vector_store_idx %arg8[%add3A_470, %broadcast_in_dim3A_811], %gather3A_812 : memref<512x128xf32, #tpu.memory_space<vmem>>[vector<16xi32>, vector<16xi32>], vector<16xf32>,
      %broadcast_in_dim3A_813 = arith.constant 114 : i32
      %broadcast_in_dim3A_814 = vector.broadcast %broadcast_in_dim3A_813 : i32 to vector<16xi32>
      %gather3A_815 = tpu.vector_load_idx %arg9[%get3A_464, %broadcast_in_dim3A_814] : memref<128x128xf32, #tpu.memory_space<vmem>>[vector<16xi32>, vector<16xi32>], vector<16xf32>,
      tpu.vector_store_idx %arg8[%add3A_470, %broadcast_in_dim3A_814], %gather3A_815 : memref<512x128xf32, #tpu.memory_space<vmem>>[vector<16xi32>, vector<16xi32>], vector<16xf32>,
      %broadcast_in_dim3A_816 = arith.constant 115 : i32
      %broadcast_in_dim3A_817 = vector.broadcast %broadcast_in_dim3A_816 : i32 to vector<16xi32>
      %gather3A_818 = tpu.vector_load_idx %arg9[%get3A_464, %broadcast_in_dim3A_817] : memref<128x128xf32, #tpu.memory_space<vmem>>[vector<16xi32>, vector<16xi32>], vector<16xf32>,
      tpu.vector_store_idx %arg8[%add3A_470, %broadcast_in_dim3A_817], %gather3A_818 : memref<512x128xf32, #tpu.memory_space<vmem>>[vector<16xi32>, vector<16xi32>], vector<16xf32>,
      %broadcast_in_dim3A_819 = arith.constant 116 : i32
      %broadcast_in_dim3A_820 = vector.broadcast %broadcast_in_dim3A_819 : i32 to vector<16xi32>
      %gather3A_821 = tpu.vector_load_idx %arg9[%get3A_464, %broadcast_in_dim3A_820] : memref<128x128xf32, #tpu.memory_space<vmem>>[vector<16xi32>, vector<16xi32>], vector<16xf32>,
      tpu.vector_store_idx %arg8[%add3A_470, %broadcast_in_dim3A_820], %gather3A_821 : memref<512x128xf32, #tpu.memory_space<vmem>>[vector<16xi32>, vector<16xi32>], vector<16xf32>,
      %broadcast_in_dim3A_822 = arith.constant 117 : i32
      %broadcast_in_dim3A_823 = vector.broadcast %broadcast_in_dim3A_822 : i32 to vector<16xi32>
      %gather3A_824 = tpu.vector_load_idx %arg9[%get3A_464, %broadcast_in_dim3A_823] : memref<128x128xf32, #tpu.memory_space<vmem>>[vector<16xi32>, vector<16xi32>], vector<16xf32>,
      tpu.vector_store_idx %arg8[%add3A_470, %broadcast_in_dim3A_823], %gather3A_824 : memref<512x128xf32, #tpu.memory_space<vmem>>[vector<16xi32>, vector<16xi32>], vector<16xf32>,
      %broadcast_in_dim3A_825 = arith.constant 118 : i32
      %broadcast_in_dim3A_826 = vector.broadcast %broadcast_in_dim3A_825 : i32 to vector<16xi32>
      %gather3A_827 = tpu.vector_load_idx %arg9[%get3A_464, %broadcast_in_dim3A_826] : memref<128x128xf32, #tpu.memory_space<vmem>>[vector<16xi32>, vector<16xi32>], vector<16xf32>,
      tpu.vector_store_idx %arg8[%add3A_470, %broadcast_in_dim3A_826], %gather3A_827 : memref<512x128xf32, #tpu.memory_space<vmem>>[vector<16xi32>, vector<16xi32>], vector<16xf32>,
      %broadcast_in_dim3A_828 = arith.constant 119 : i32
      %broadcast_in_dim3A_829 = vector.broadcast %broadcast_in_dim3A_828 : i32 to vector<16xi32>
      %gather3A_830 = tpu.vector_load_idx %arg9[%get3A_464, %broadcast_in_dim3A_829] : memref<128x128xf32, #tpu.memory_space<vmem>>[vector<16xi32>, vector<16xi32>], vector<16xf32>,
      tpu.vector_store_idx %arg8[%add3A_470, %broadcast_in_dim3A_829], %gather3A_830 : memref<512x128xf32, #tpu.memory_space<vmem>>[vector<16xi32>, vector<16xi32>], vector<16xf32>,
      %broadcast_in_dim3A_831 = arith.constant 120 : i32
      %broadcast_in_dim3A_832 = vector.broadcast %broadcast_in_dim3A_831 : i32 to vector<16xi32>
      %gather3A_833 = tpu.vector_load_idx %arg9[%get3A_464, %broadcast_in_dim3A_832] : memref<128x128xf32, #tpu.memory_space<vmem>>[vector<16xi32>, vector<16xi32>], vector<16xf32>,
      tpu.vector_store_idx %arg8[%add3A_470, %broadcast_in_dim3A_832], %gather3A_833 : memref<512x128xf32, #tpu.memory_space<vmem>>[vector<16xi32>, vector<16xi32>], vector<16xf32>,
      %broadcast_in_dim3A_834 = arith.constant 121 : i32
      %broadcast_in_dim3A_835 = vector.broadcast %broadcast_in_dim3A_834 : i32 to vector<16xi32>
      %gather3A_836 = tpu.vector_load_idx %arg9[%get3A_464, %broadcast_in_dim3A_835] : memref<128x128xf32, #tpu.memory_space<vmem>>[vector<16xi32>, vector<16xi32>], vector<16xf32>,
      tpu.vector_store_idx %arg8[%add3A_470, %broadcast_in_dim3A_835], %gather3A_836 : memref<512x128xf32, #tpu.memory_space<vmem>>[vector<16xi32>, vector<16xi32>], vector<16xf32>,
      %broadcast_in_dim3A_837 = arith.constant 122 : i32
      %broadcast_in_dim3A_838 = vector.broadcast %broadcast_in_dim3A_837 : i32 to vector<16xi32>
      %gather3A_839 = tpu.vector_load_idx %arg9[%get3A_464, %broadcast_in_dim3A_838] : memref<128x128xf32, #tpu.memory_space<vmem>>[vector<16xi32>, vector<16xi32>], vector<16xf32>,
      tpu.vector_store_idx %arg8[%add3A_470, %broadcast_in_dim3A_838], %gather3A_839 : memref<512x128xf32, #tpu.memory_space<vmem>>[vector<16xi32>, vector<16xi32>], vector<16xf32>,
      %broadcast_in_dim3A_840 = arith.constant 123 : i32
      %broadcast_in_dim3A_841 = vector.broadcast %broadcast_in_dim3A_840 : i32 to vector<16xi32>
      %gather3A_842 = tpu.vector_load_idx %arg9[%get3A_464, %broadcast_in_dim3A_841] : memref<128x128xf32, #tpu.memory_space<vmem>>[vector<16xi32>, vector<16xi32>], vector<16xf32>,
      tpu.vector_store_idx %arg8[%add3A_470, %broadcast_in_dim3A_841], %gather3A_842 : memref<512x128xf32, #tpu.memory_space<vmem>>[vector<16xi32>, vector<16xi32>], vector<16xf32>,
      %broadcast_in_dim3A_843 = arith.constant 124 : i32
      %broadcast_in_dim3A_844 = vector.broadcast %broadcast_in_dim3A_843 : i32 to vector<16xi32>
      %gather3A_845 = tpu.vector_load_idx %arg9[%get3A_464, %broadcast_in_dim3A_844] : memref<128x128xf32, #tpu.memory_space<vmem>>[vector<16xi32>, vector<16xi32>], vector<16xf32>,
      tpu.vector_store_idx %arg8[%add3A_470, %broadcast_in_dim3A_844], %gather3A_845 : memref<512x128xf32, #tpu.memory_space<vmem>>[vector<16xi32>, vector<16xi32>], vector<16xf32>,
      %broadcast_in_dim3A_846 = arith.constant 125 : i32
      %broadcast_in_dim3A_847 = vector.broadcast %broadcast_in_dim3A_846 : i32 to vector<16xi32>
      %gather3A_848 = tpu.vector_load_idx %arg9[%get3A_464, %broadcast_in_dim3A_847] : memref<128x128xf32, #tpu.memory_space<vmem>>[vector<16xi32>, vector<16xi32>], vector<16xf32>,
      tpu.vector_store_idx %arg8[%add3A_470, %broadcast_in_dim3A_847], %gather3A_848 : memref<512x128xf32, #tpu.memory_space<vmem>>[vector<16xi32>, vector<16xi32>], vector<16xf32>,
      %broadcast_in_dim3A_849 = arith.constant 126 : i32
      %broadcast_in_dim3A_850 = vector.broadcast %broadcast_in_dim3A_849 : i32 to vector<16xi32>
      %gather3A_851 = tpu.vector_load_idx %arg9[%get3A_464, %broadcast_in_dim3A_850] : memref<128x128xf32, #tpu.memory_space<vmem>>[vector<16xi32>, vector<16xi32>], vector<16xf32>,
      tpu.vector_store_idx %arg8[%add3A_470, %broadcast_in_dim3A_850], %gather3A_851 : memref<512x128xf32, #tpu.memory_space<vmem>>[vector<16xi32>, vector<16xi32>], vector<16xf32>,
      %broadcast_in_dim3A_852 = arith.constant 127 : i32
      %broadcast_in_dim3A_853 = vector.broadcast %broadcast_in_dim3A_852 : i32 to vector<16xi32>
      %gather3A_854 = tpu.vector_load_idx %arg9[%get3A_464, %broadcast_in_dim3A_853] : memref<128x128xf32, #tpu.memory_space<vmem>>[vector<16xi32>, vector<16xi32>], vector<16xf32>,
      tpu.vector_store_idx %arg8[%add3A_470, %broadcast_in_dim3A_853], %gather3A_854 : memref<512x128xf32, #tpu.memory_space<vmem>>[vector<16xi32>, vector<16xi32>], vector<16xf32>,
      %get3A_855 = arith.index_cast %scan3A_68 : i32 to index
      %get3A_856 = arith.constant 32 : index
      %get3A_857 = tpu.vector_load %arg7[%get3A_855, %get3A_856] {strides = array<i32>} : memref<128x64xi32, #tpu.memory_space<vmem>>, vector<16xi32>,
      %add3A_858 = arith.constant 64 : i32
      %add3A_859 = arith.addi %mul3A_71, %add3A_858 : i32
      %add3A_860 = arith.constant 32 : i32
      %add3A_861 = arith.addi %add3A_859, %add3A_860 : i32
      %add3A_862 = vector.broadcast %add3A_861 : i32 to vector<16xi32>
      %add3A_863 = arith.addi %add3A_862, %iota3A : vector<16xi32>
      %broadcast_in_dim3A_864 = arith.constant 0 : i32
      %broadcast_in_dim3A_865 = vector.broadcast %broadcast_in_dim3A_864 : i32 to vector<16xi32>
      %gather3A_866 = tpu.vector_load_idx %arg9[%get3A_857, %broadcast_in_dim3A_865] : memref<128x128xf32, #tpu.memory_space<vmem>>[vector<16xi32>, vector<16xi32>], vector<16xf32>,
      tpu.vector_store_idx %arg8[%add3A_863, %broadcast_in_dim3A_865], %gather3A_866 : memref<512x128xf32, #tpu.memory_space<vmem>>[vector<16xi32>, vector<16xi32>], vector<16xf32>,
      %broadcast_in_dim3A_867 = arith.constant 1 : i32
      %broadcast_in_dim3A_868 = vector.broadcast %broadcast_in_dim3A_867 : i32 to vector<16xi32>
      %gather3A_869 = tpu.vector_load_idx %arg9[%get3A_857, %broadcast_in_dim3A_868] : memref<128x128xf32, #tpu.memory_space<vmem>>[vector<16xi32>, vector<16xi32>], vector<16xf32>,
      tpu.vector_store_idx %arg8[%add3A_863, %broadcast_in_dim3A_868], %gather3A_869 : memref<512x128xf32, #tpu.memory_space<vmem>>[vector<16xi32>, vector<16xi32>], vector<16xf32>,
      %broadcast_in_dim3A_870 = arith.constant 2 : i32
      %broadcast_in_dim3A_871 = vector.broadcast %broadcast_in_dim3A_870 : i32 to vector<16xi32>
      %gather3A_872 = tpu.vector_load_idx %arg9[%get3A_857, %broadcast_in_dim3A_871] : memref<128x128xf32, #tpu.memory_space<vmem>>[vector<16xi32>, vector<16xi32>], vector<16xf32>,
      tpu.vector_store_idx %arg8[%add3A_863, %broadcast_in_dim3A_871], %gather3A_872 : memref<512x128xf32, #tpu.memory_space<vmem>>[vector<16xi32>, vector<16xi32>], vector<16xf32>,
      %broadcast_in_dim3A_873 = arith.constant 3 : i32
      %broadcast_in_dim3A_874 = vector.broadcast %broadcast_in_dim3A_873 : i32 to vector<16xi32>
      %gather3A_875 = tpu.vector_load_idx %arg9[%get3A_857, %broadcast_in_dim3A_874] : memref<128x128xf32, #tpu.memory_space<vmem>>[vector<16xi32>, vector<16xi32>], vector<16xf32>,
      tpu.vector_store_idx %arg8[%add3A_863, %broadcast_in_dim3A_874], %gather3A_875 : memref<512x128xf32, #tpu.memory_space<vmem>>[vector<16xi32>, vector<16xi32>], vector<16xf32>,
      %broadcast_in_dim3A_876 = arith.constant 4 : i32
      %broadcast_in_dim3A_877 = vector.broadcast %broadcast_in_dim3A_876 : i32 to vector<16xi32>
      %gather3A_878 = tpu.vector_load_idx %arg9[%get3A_857, %broadcast_in_dim3A_877] : memref<128x128xf32, #tpu.memory_space<vmem>>[vector<16xi32>, vector<16xi32>], vector<16xf32>,
      tpu.vector_store_idx %arg8[%add3A_863, %broadcast_in_dim3A_877], %gather3A_878 : memref<512x128xf32, #tpu.memory_space<vmem>>[vector<16xi32>, vector<16xi32>], vector<16xf32>,
      %broadcast_in_dim3A_879 = arith.constant 5 : i32
      %broadcast_in_dim3A_880 = vector.broadcast %broadcast_in_dim3A_879 : i32 to vector<16xi32>
      %gather3A_881 = tpu.vector_load_idx %arg9[%get3A_857, %broadcast_in_dim3A_880] : memref<128x128xf32, #tpu.memory_space<vmem>>[vector<16xi32>, vector<16xi32>], vector<16xf32>,
      tpu.vector_store_idx %arg8[%add3A_863, %broadcast_in_dim3A_880], %gather3A_881 : memref<512x128xf32, #tpu.memory_space<vmem>>[vector<16xi32>, vector<16xi32>], vector<16xf32>,
      %broadcast_in_dim3A_882 = arith.constant 6 : i32
      %broadcast_in_dim3A_883 = vector.broadcast %broadcast_in_dim3A_882 : i32 to vector<16xi32>
      %gather3A_884 = tpu.vector_load_idx %arg9[%get3A_857, %broadcast_in_dim3A_883] : memref<128x128xf32, #tpu.memory_space<vmem>>[vector<16xi32>, vector<16xi32>], vector<16xf32>,
      tpu.vector_store_idx %arg8[%add3A_863, %broadcast_in_dim3A_883], %gather3A_884 : memref<512x128xf32, #tpu.memory_space<vmem>>[vector<16xi32>, vector<16xi32>], vector<16xf32>,
      %broadcast_in_dim3A_885 = arith.constant 7 : i32
      %broadcast_in_dim3A_886 = vector.broadcast %broadcast_in_dim3A_885 : i32 to vector<16xi32>
      %gather3A_887 = tpu.vector_load_idx %arg9[%get3A_857, %broadcast_in_dim3A_886] : memref<128x128xf32, #tpu.memory_space<vmem>>[vector<16xi32>, vector<16xi32>], vector<16xf32>,
      tpu.vector_store_idx %arg8[%add3A_863, %broadcast_in_dim3A_886], %gather3A_887 : memref<512x128xf32, #tpu.memory_space<vmem>>[vector<16xi32>, vector<16xi32>], vector<16xf32>,
      %broadcast_in_dim3A_888 = arith.constant 8 : i32
      %broadcast_in_dim3A_889 = vector.broadcast %broadcast_in_dim3A_888 : i32 to vector<16xi32>
      %gather3A_890 = tpu.vector_load_idx %arg9[%get3A_857, %broadcast_in_dim3A_889] : memref<128x128xf32, #tpu.memory_space<vmem>>[vector<16xi32>, vector<16xi32>], vector<16xf32>,
      tpu.vector_store_idx %arg8[%add3A_863, %broadcast_in_dim3A_889], %gather3A_890 : memref<512x128xf32, #tpu.memory_space<vmem>>[vector<16xi32>, vector<16xi32>], vector<16xf32>,
      %broadcast_in_dim3A_891 = arith.constant 9 : i32
      %broadcast_in_dim3A_892 = vector.broadcast %broadcast_in_dim3A_891 : i32 to vector<16xi32>
      %gather3A_893 = tpu.vector_load_idx %arg9[%get3A_857, %broadcast_in_dim3A_892] : memref<128x128xf32, #tpu.memory_space<vmem>>[vector<16xi32>, vector<16xi32>], vector<16xf32>,
      tpu.vector_store_idx %arg8[%add3A_863, %broadcast_in_dim3A_892], %gather3A_893 : memref<512x128xf32, #tpu.memory_space<vmem>>[vector<16xi32>, vector<16xi32>], vector<16xf32>,
      %broadcast_in_dim3A_894 = arith.constant 10 : i32
      %broadcast_in_dim3A_895 = vector.broadcast %broadcast_in_dim3A_894 : i32 to vector<16xi32>
      %gather3A_896 = tpu.vector_load_idx %arg9[%get3A_857, %broadcast_in_dim3A_895] : memref<128x128xf32, #tpu.memory_space<vmem>>[vector<16xi32>, vector<16xi32>], vector<16xf32>,
      tpu.vector_store_idx %arg8[%add3A_863, %broadcast_in_dim3A_895], %gather3A_896 : memref<512x128xf32, #tpu.memory_space<vmem>>[vector<16xi32>, vector<16xi32>], vector<16xf32>,
      %broadcast_in_dim3A_897 = arith.constant 11 : i32
      %broadcast_in_dim3A_898 = vector.broadcast %broadcast_in_dim3A_897 : i32 to vector<16xi32>
      %gather3A_899 = tpu.vector_load_idx %arg9[%get3A_857, %broadcast_in_dim3A_898] : memref<128x128xf32, #tpu.memory_space<vmem>>[vector<16xi32>, vector<16xi32>], vector<16xf32>,
      tpu.vector_store_idx %arg8[%add3A_863, %broadcast_in_dim3A_898], %gather3A_899 : memref<512x128xf32, #tpu.memory_space<vmem>>[vector<16xi32>, vector<16xi32>], vector<16xf32>,
      %broadcast_in_dim3A_900 = arith.constant 12 : i32
      %broadcast_in_dim3A_901 = vector.broadcast %broadcast_in_dim3A_900 : i32 to vector<16xi32>
      %gather3A_902 = tpu.vector_load_idx %arg9[%get3A_857, %broadcast_in_dim3A_901] : memref<128x128xf32, #tpu.memory_space<vmem>>[vector<16xi32>, vector<16xi32>], vector<16xf32>,
      tpu.vector_store_idx %arg8[%add3A_863, %broadcast_in_dim3A_901], %gather3A_902 : memref<512x128xf32, #tpu.memory_space<vmem>>[vector<16xi32>, vector<16xi32>], vector<16xf32>,
      %broadcast_in_dim3A_903 = arith.constant 13 : i32
      %broadcast_in_dim3A_904 = vector.broadcast %broadcast_in_dim3A_903 : i32 to vector<16xi32>
      %gather3A_905 = tpu.vector_load_idx %arg9[%get3A_857, %broadcast_in_dim3A_904] : memref<128x128xf32, #tpu.memory_space<vmem>>[vector<16xi32>, vector<16xi32>], vector<16xf32>,
      tpu.vector_store_idx %arg8[%add3A_863, %broadcast_in_dim3A_904], %gather3A_905 : memref<512x128xf32, #tpu.memory_space<vmem>>[vector<16xi32>, vector<16xi32>], vector<16xf32>,
      %broadcast_in_dim3A_906 = arith.constant 14 : i32
      %broadcast_in_dim3A_907 = vector.broadcast %broadcast_in_dim3A_906 : i32 to vector<16xi32>
      %gather3A_908 = tpu.vector_load_idx %arg9[%get3A_857, %broadcast_in_dim3A_907] : memref<128x128xf32, #tpu.memory_space<vmem>>[vector<16xi32>, vector<16xi32>], vector<16xf32>,
      tpu.vector_store_idx %arg8[%add3A_863, %broadcast_in_dim3A_907], %gather3A_908 : memref<512x128xf32, #tpu.memory_space<vmem>>[vector<16xi32>, vector<16xi32>], vector<16xf32>,
      %broadcast_in_dim3A_909 = arith.constant 15 : i32
      %broadcast_in_dim3A_910 = vector.broadcast %broadcast_in_dim3A_909 : i32 to vector<16xi32>
      %gather3A_911 = tpu.vector_load_idx %arg9[%get3A_857, %broadcast_in_dim3A_910] : memref<128x128xf32, #tpu.memory_space<vmem>>[vector<16xi32>, vector<16xi32>], vector<16xf32>,
      tpu.vector_store_idx %arg8[%add3A_863, %broadcast_in_dim3A_910], %gather3A_911 : memref<512x128xf32, #tpu.memory_space<vmem>>[vector<16xi32>, vector<16xi32>], vector<16xf32>,
      %broadcast_in_dim3A_912 = arith.constant 16 : i32
      %broadcast_in_dim3A_913 = vector.broadcast %broadcast_in_dim3A_912 : i32 to vector<16xi32>
      %gather3A_914 = tpu.vector_load_idx %arg9[%get3A_857, %broadcast_in_dim3A_913] : memref<128x128xf32, #tpu.memory_space<vmem>>[vector<16xi32>, vector<16xi32>], vector<16xf32>,
      tpu.vector_store_idx %arg8[%add3A_863, %broadcast_in_dim3A_913], %gather3A_914 : memref<512x128xf32, #tpu.memory_space<vmem>>[vector<16xi32>, vector<16xi32>], vector<16xf32>,
      %broadcast_in_dim3A_915 = arith.constant 17 : i32
      %broadcast_in_dim3A_916 = vector.broadcast %broadcast_in_dim3A_915 : i32 to vector<16xi32>
      %gather3A_917 = tpu.vector_load_idx %arg9[%get3A_857, %broadcast_in_dim3A_916] : memref<128x128xf32, #tpu.memory_space<vmem>>[vector<16xi32>, vector<16xi32>], vector<16xf32>,
      tpu.vector_store_idx %arg8[%add3A_863, %broadcast_in_dim3A_916], %gather3A_917 : memref<512x128xf32, #tpu.memory_space<vmem>>[vector<16xi32>, vector<16xi32>], vector<16xf32>,
      %broadcast_in_dim3A_918 = arith.constant 18 : i32
      %broadcast_in_dim3A_919 = vector.broadcast %broadcast_in_dim3A_918 : i32 to vector<16xi32>
      %gather3A_920 = tpu.vector_load_idx %arg9[%get3A_857, %broadcast_in_dim3A_919] : memref<128x128xf32, #tpu.memory_space<vmem>>[vector<16xi32>, vector<16xi32>], vector<16xf32>,
      tpu.vector_store_idx %arg8[%add3A_863, %broadcast_in_dim3A_919], %gather3A_920 : memref<512x128xf32, #tpu.memory_space<vmem>>[vector<16xi32>, vector<16xi32>], vector<16xf32>,
      %broadcast_in_dim3A_921 = arith.constant 19 : i32
      %broadcast_in_dim3A_922 = vector.broadcast %broadcast_in_dim3A_921 : i32 to vector<16xi32>
      %gather3A_923 = tpu.vector_load_idx %arg9[%get3A_857, %broadcast_in_dim3A_922] : memref<128x128xf32, #tpu.memory_space<vmem>>[vector<16xi32>, vector<16xi32>], vector<16xf32>,
      tpu.vector_store_idx %arg8[%add3A_863, %broadcast_in_dim3A_922], %gather3A_923 : memref<512x128xf32, #tpu.memory_space<vmem>>[vector<16xi32>, vector<16xi32>], vector<16xf32>,
      %broadcast_in_dim3A_924 = arith.constant 20 : i32
      %broadcast_in_dim3A_925 = vector.broadcast %broadcast_in_dim3A_924 : i32 to vector<16xi32>
      %gather3A_926 = tpu.vector_load_idx %arg9[%get3A_857, %broadcast_in_dim3A_925] : memref<128x128xf32, #tpu.memory_space<vmem>>[vector<16xi32>, vector<16xi32>], vector<16xf32>,
      tpu.vector_store_idx %arg8[%add3A_863, %broadcast_in_dim3A_925], %gather3A_926 : memref<512x128xf32, #tpu.memory_space<vmem>>[vector<16xi32>, vector<16xi32>], vector<16xf32>,
      %broadcast_in_dim3A_927 = arith.constant 21 : i32
      %broadcast_in_dim3A_928 = vector.broadcast %broadcast_in_dim3A_927 : i32 to vector<16xi32>
      %gather3A_929 = tpu.vector_load_idx %arg9[%get3A_857, %broadcast_in_dim3A_928] : memref<128x128xf32, #tpu.memory_space<vmem>>[vector<16xi32>, vector<16xi32>], vector<16xf32>,
      tpu.vector_store_idx %arg8[%add3A_863, %broadcast_in_dim3A_928], %gather3A_929 : memref<512x128xf32, #tpu.memory_space<vmem>>[vector<16xi32>, vector<16xi32>], vector<16xf32>,
      %broadcast_in_dim3A_930 = arith.constant 22 : i32
      %broadcast_in_dim3A_931 = vector.broadcast %broadcast_in_dim3A_930 : i32 to vector<16xi32>
      %gather3A_932 = tpu.vector_load_idx %arg9[%get3A_857, %broadcast_in_dim3A_931] : memref<128x128xf32, #tpu.memory_space<vmem>>[vector<16xi32>, vector<16xi32>], vector<16xf32>,
      tpu.vector_store_idx %arg8[%add3A_863, %broadcast_in_dim3A_931], %gather3A_932 : memref<512x128xf32, #tpu.memory_space<vmem>>[vector<16xi32>, vector<16xi32>], vector<16xf32>,
      %broadcast_in_dim3A_933 = arith.constant 23 : i32
      %broadcast_in_dim3A_934 = vector.broadcast %broadcast_in_dim3A_933 : i32 to vector<16xi32>
      %gather3A_935 = tpu.vector_load_idx %arg9[%get3A_857, %broadcast_in_dim3A_934] : memref<128x128xf32, #tpu.memory_space<vmem>>[vector<16xi32>, vector<16xi32>], vector<16xf32>,
      tpu.vector_store_idx %arg8[%add3A_863, %broadcast_in_dim3A_934], %gather3A_935 : memref<512x128xf32, #tpu.memory_space<vmem>>[vector<16xi32>, vector<16xi32>], vector<16xf32>,
      %broadcast_in_dim3A_936 = arith.constant 24 : i32
      %broadcast_in_dim3A_937 = vector.broadcast %broadcast_in_dim3A_936 : i32 to vector<16xi32>
      %gather3A_938 = tpu.vector_load_idx %arg9[%get3A_857, %broadcast_in_dim3A_937] : memref<128x128xf32, #tpu.memory_space<vmem>>[vector<16xi32>, vector<16xi32>], vector<16xf32>,
      tpu.vector_store_idx %arg8[%add3A_863, %broadcast_in_dim3A_937], %gather3A_938 : memref<512x128xf32, #tpu.memory_space<vmem>>[vector<16xi32>, vector<16xi32>], vector<16xf32>,
      %broadcast_in_dim3A_939 = arith.constant 25 : i32
      %broadcast_in_dim3A_940 = vector.broadcast %broadcast_in_dim3A_939 : i32 to vector<16xi32>
      %gather3A_941 = tpu.vector_load_idx %arg9[%get3A_857, %broadcast_in_dim3A_940] : memref<128x128xf32, #tpu.memory_space<vmem>>[vector<16xi32>, vector<16xi32>], vector<16xf32>,
      tpu.vector_store_idx %arg8[%add3A_863, %broadcast_in_dim3A_940], %gather3A_941 : memref<512x128xf32, #tpu.memory_space<vmem>>[vector<16xi32>, vector<16xi32>], vector<16xf32>,
      %broadcast_in_dim3A_942 = arith.constant 26 : i32
      %broadcast_in_dim3A_943 = vector.broadcast %broadcast_in_dim3A_942 : i32 to vector<16xi32>
      %gather3A_944 = tpu.vector_load_idx %arg9[%get3A_857, %broadcast_in_dim3A_943] : memref<128x128xf32, #tpu.memory_space<vmem>>[vector<16xi32>, vector<16xi32>], vector<16xf32>,
      tpu.vector_store_idx %arg8[%add3A_863, %broadcast_in_dim3A_943], %gather3A_944 : memref<512x128xf32, #tpu.memory_space<vmem>>[vector<16xi32>, vector<16xi32>], vector<16xf32>,
      %broadcast_in_dim3A_945 = arith.constant 27 : i32
      %broadcast_in_dim3A_946 = vector.broadcast %broadcast_in_dim3A_945 : i32 to vector<16xi32>
      %gather3A_947 = tpu.vector_load_idx %arg9[%get3A_857, %broadcast_in_dim3A_946] : memref<128x128xf32, #tpu.memory_space<vmem>>[vector<16xi32>, vector<16xi32>], vector<16xf32>,
      tpu.vector_store_idx %arg8[%add3A_863, %broadcast_in_dim3A_946], %gather3A_947 : memref<512x128xf32, #tpu.memory_space<vmem>>[vector<16xi32>, vector<16xi32>], vector<16xf32>,
      %broadcast_in_dim3A_948 = arith.constant 28 : i32
      %broadcast_in_dim3A_949 = vector.broadcast %broadcast_in_dim3A_948 : i32 to vector<16xi32>
      %gather3A_950 = tpu.vector_load_idx %arg9[%get3A_857, %broadcast_in_dim3A_949] : memref<128x128xf32, #tpu.memory_space<vmem>>[vector<16xi32>, vector<16xi32>], vector<16xf32>,
      tpu.vector_store_idx %arg8[%add3A_863, %broadcast_in_dim3A_949], %gather3A_950 : memref<512x128xf32, #tpu.memory_space<vmem>>[vector<16xi32>, vector<16xi32>], vector<16xf32>,
      %broadcast_in_dim3A_951 = arith.constant 29 : i32
      %broadcast_in_dim3A_952 = vector.broadcast %broadcast_in_dim3A_951 : i32 to vector<16xi32>
      %gather3A_953 = tpu.vector_load_idx %arg9[%get3A_857, %broadcast_in_dim3A_952] : memref<128x128xf32, #tpu.memory_space<vmem>>[vector<16xi32>, vector<16xi32>], vector<16xf32>,
      tpu.vector_store_idx %arg8[%add3A_863, %broadcast_in_dim3A_952], %gather3A_953 : memref<512x128xf32, #tpu.memory_space<vmem>>[vector<16xi32>, vector<16xi32>], vector<16xf32>,
      %broadcast_in_dim3A_954 = arith.constant 30 : i32
      %broadcast_in_dim3A_955 = vector.broadcast %broadcast_in_dim3A_954 : i32 to vector<16xi32>
      %gather3A_956 = tpu.vector_load_idx %arg9[%get3A_857, %broadcast_in_dim3A_955] : memref<128x128xf32, #tpu.memory_space<vmem>>[vector<16xi32>, vector<16xi32>], vector<16xf32>,
      tpu.vector_store_idx %arg8[%add3A_863, %broadcast_in_dim3A_955], %gather3A_956 : memref<512x128xf32, #tpu.memory_space<vmem>>[vector<16xi32>, vector<16xi32>], vector<16xf32>,
      %broadcast_in_dim3A_957 = arith.constant 31 : i32
      %broadcast_in_dim3A_958 = vector.broadcast %broadcast_in_dim3A_957 : i32 to vector<16xi32>
      %gather3A_959 = tpu.vector_load_idx %arg9[%get3A_857, %broadcast_in_dim3A_958] : memref<128x128xf32, #tpu.memory_space<vmem>>[vector<16xi32>, vector<16xi32>], vector<16xf32>,
      tpu.vector_store_idx %arg8[%add3A_863, %broadcast_in_dim3A_958], %gather3A_959 : memref<512x128xf32, #tpu.memory_space<vmem>>[vector<16xi32>, vector<16xi32>], vector<16xf32>,
      %broadcast_in_dim3A_960 = arith.constant 32 : i32
      %broadcast_in_dim3A_961 = vector.broadcast %broadcast_in_dim3A_960 : i32 to vector<16xi32>
      %gather3A_962 = tpu.vector_load_idx %arg9[%get3A_857, %broadcast_in_dim3A_961] : memref<128x128xf32, #tpu.memory_space<vmem>>[vector<16xi32>, vector<16xi32>], vector<16xf32>,
      tpu.vector_store_idx %arg8[%add3A_863, %broadcast_in_dim3A_961], %gather3A_962 : memref<512x128xf32, #tpu.memory_space<vmem>>[vector<16xi32>, vector<16xi32>], vector<16xf32>,
      %broadcast_in_dim3A_963 = arith.constant 33 : i32
      %broadcast_in_dim3A_964 = vector.broadcast %broadcast_in_dim3A_963 : i32 to vector<16xi32>
      %gather3A_965 = tpu.vector_load_idx %arg9[%get3A_857, %broadcast_in_dim3A_964] : memref<128x128xf32, #tpu.memory_space<vmem>>[vector<16xi32>, vector<16xi32>], vector<16xf32>,
      tpu.vector_store_idx %arg8[%add3A_863, %broadcast_in_dim3A_964], %gather3A_965 : memref<512x128xf32, #tpu.memory_space<vmem>>[vector<16xi32>, vector<16xi32>], vector<16xf32>,
      %broadcast_in_dim3A_966 = arith.constant 34 : i32
      %broadcast_in_dim3A_967 = vector.broadcast %broadcast_in_dim3A_966 : i32 to vector<16xi32>
      %gather3A_968 = tpu.vector_load_idx %arg9[%get3A_857, %broadcast_in_dim3A_967] : memref<128x128xf32, #tpu.memory_space<vmem>>[vector<16xi32>, vector<16xi32>], vector<16xf32>,
      tpu.vector_store_idx %arg8[%add3A_863, %broadcast_in_dim3A_967], %gather3A_968 : memref<512x128xf32, #tpu.memory_space<vmem>>[vector<16xi32>, vector<16xi32>], vector<16xf32>,
      %broadcast_in_dim3A_969 = arith.constant 35 : i32
      %broadcast_in_dim3A_970 = vector.broadcast %broadcast_in_dim3A_969 : i32 to vector<16xi32>
      %gather3A_971 = tpu.vector_load_idx %arg9[%get3A_857, %broadcast_in_dim3A_970] : memref<128x128xf32, #tpu.memory_space<vmem>>[vector<16xi32>, vector<16xi32>], vector<16xf32>,
      tpu.vector_store_idx %arg8[%add3A_863, %broadcast_in_dim3A_970], %gather3A_971 : memref<512x128xf32, #tpu.memory_space<vmem>>[vector<16xi32>, vector<16xi32>], vector<16xf32>,
      %broadcast_in_dim3A_972 = arith.constant 36 : i32
      %broadcast_in_dim3A_973 = vector.broadcast %broadcast_in_dim3A_972 : i32 to vector<16xi32>
      %gather3A_974 = tpu.vector_load_idx %arg9[%get3A_857, %broadcast_in_dim3A_973] : memref<128x128xf32, #tpu.memory_space<vmem>>[vector<16xi32>, vector<16xi32>], vector<16xf32>,
      tpu.vector_store_idx %arg8[%add3A_863, %broadcast_in_dim3A_973], %gather3A_974 : memref<512x128xf32, #tpu.memory_space<vmem>>[vector<16xi32>, vector<16xi32>], vector<16xf32>,
      %broadcast_in_dim3A_975 = arith.constant 37 : i32
      %broadcast_in_dim3A_976 = vector.broadcast %broadcast_in_dim3A_975 : i32 to vector<16xi32>
      %gather3A_977 = tpu.vector_load_idx %arg9[%get3A_857, %broadcast_in_dim3A_976] : memref<128x128xf32, #tpu.memory_space<vmem>>[vector<16xi32>, vector<16xi32>], vector<16xf32>,
      tpu.vector_store_idx %arg8[%add3A_863, %broadcast_in_dim3A_976], %gather3A_977 : memref<512x128xf32, #tpu.memory_space<vmem>>[vector<16xi32>, vector<16xi32>], vector<16xf32>,
      %broadcast_in_dim3A_978 = arith.constant 38 : i32
      %broadcast_in_dim3A_979 = vector.broadcast %broadcast_in_dim3A_978 : i32 to vector<16xi32>
      %gather3A_980 = tpu.vector_load_idx %arg9[%get3A_857, %broadcast_in_dim3A_979] : memref<128x128xf32, #tpu.memory_space<vmem>>[vector<16xi32>, vector<16xi32>], vector<16xf32>,
      tpu.vector_store_idx %arg8[%add3A_863, %broadcast_in_dim3A_979], %gather3A_980 : memref<512x128xf32, #tpu.memory_space<vmem>>[vector<16xi32>, vector<16xi32>], vector<16xf32>,
      %broadcast_in_dim3A_981 = arith.constant 39 : i32
      %broadcast_in_dim3A_982 = vector.broadcast %broadcast_in_dim3A_981 : i32 to vector<16xi32>
      %gather3A_983 = tpu.vector_load_idx %arg9[%get3A_857, %broadcast_in_dim3A_982] : memref<128x128xf32, #tpu.memory_space<vmem>>[vector<16xi32>, vector<16xi32>], vector<16xf32>,
      tpu.vector_store_idx %arg8[%add3A_863, %broadcast_in_dim3A_982], %gather3A_983 : memref<512x128xf32, #tpu.memory_space<vmem>>[vector<16xi32>, vector<16xi32>], vector<16xf32>,
      %broadcast_in_dim3A_984 = arith.constant 40 : i32
      %broadcast_in_dim3A_985 = vector.broadcast %broadcast_in_dim3A_984 : i32 to vector<16xi32>
      %gather3A_986 = tpu.vector_load_idx %arg9[%get3A_857, %broadcast_in_dim3A_985] : memref<128x128xf32, #tpu.memory_space<vmem>>[vector<16xi32>, vector<16xi32>], vector<16xf32>,
      tpu.vector_store_idx %arg8[%add3A_863, %broadcast_in_dim3A_985], %gather3A_986 : memref<512x128xf32, #tpu.memory_space<vmem>>[vector<16xi32>, vector<16xi32>], vector<16xf32>,
      %broadcast_in_dim3A_987 = arith.constant 41 : i32
      %broadcast_in_dim3A_988 = vector.broadcast %broadcast_in_dim3A_987 : i32 to vector<16xi32>
      %gather3A_989 = tpu.vector_load_idx %arg9[%get3A_857, %broadcast_in_dim3A_988] : memref<128x128xf32, #tpu.memory_space<vmem>>[vector<16xi32>, vector<16xi32>], vector<16xf32>,
      tpu.vector_store_idx %arg8[%add3A_863, %broadcast_in_dim3A_988], %gather3A_989 : memref<512x128xf32, #tpu.memory_space<vmem>>[vector<16xi32>, vector<16xi32>], vector<16xf32>,
      %broadcast_in_dim3A_990 = arith.constant 42 : i32
      %broadcast_in_dim3A_991 = vector.broadcast %broadcast_in_dim3A_990 : i32 to vector<16xi32>
      %gather3A_992 = tpu.vector_load_idx %arg9[%get3A_857, %broadcast_in_dim3A_991] : memref<128x128xf32, #tpu.memory_space<vmem>>[vector<16xi32>, vector<16xi32>], vector<16xf32>,
      tpu.vector_store_idx %arg8[%add3A_863, %broadcast_in_dim3A_991], %gather3A_992 : memref<512x128xf32, #tpu.memory_space<vmem>>[vector<16xi32>, vector<16xi32>], vector<16xf32>,
      %broadcast_in_dim3A_993 = arith.constant 43 : i32
      %broadcast_in_dim3A_994 = vector.broadcast %broadcast_in_dim3A_993 : i32 to vector<16xi32>
      %gather3A_995 = tpu.vector_load_idx %arg9[%get3A_857, %broadcast_in_dim3A_994] : memref<128x128xf32, #tpu.memory_space<vmem>>[vector<16xi32>, vector<16xi32>], vector<16xf32>,
      tpu.vector_store_idx %arg8[%add3A_863, %broadcast_in_dim3A_994], %gather3A_995 : memref<512x128xf32, #tpu.memory_space<vmem>>[vector<16xi32>, vector<16xi32>], vector<16xf32>,
      %broadcast_in_dim3A_996 = arith.constant 44 : i32
      %broadcast_in_dim3A_997 = vector.broadcast %broadcast_in_dim3A_996 : i32 to vector<16xi32>
      %gather3A_998 = tpu.vector_load_idx %arg9[%get3A_857, %broadcast_in_dim3A_997] : memref<128x128xf32, #tpu.memory_space<vmem>>[vector<16xi32>, vector<16xi32>], vector<16xf32>,
      tpu.vector_store_idx %arg8[%add3A_863, %broadcast_in_dim3A_997], %gather3A_998 : memref<512x128xf32, #tpu.memory_space<vmem>>[vector<16xi32>, vector<16xi32>], vector<16xf32>,
      %broadcast_in_dim3A_999 = arith.constant 45 : i32
      %broadcast_in_dim3A_1000 = vector.broadcast %broadcast_in_dim3A_999 : i32 to vector<16xi32>
      %gather3A_1001 = tpu.vector_load_idx %arg9[%get3A_857, %broadcast_in_dim3A_1000] : memref<128x128xf32, #tpu.memory_space<vmem>>[vector<16xi32>, vector<16xi32>], vector<16xf32>,
      tpu.vector_store_idx %arg8[%add3A_863, %broadcast_in_dim3A_1000], %gather3A_1001 : memref<512x128xf32, #tpu.memory_space<vmem>>[vector<16xi32>, vector<16xi32>], vector<16xf32>,
      %broadcast_in_dim3A_1002 = arith.constant 46 : i32
      %broadcast_in_dim3A_1003 = vector.broadcast %broadcast_in_dim3A_1002 : i32 to vector<16xi32>
      %gather3A_1004 = tpu.vector_load_idx %arg9[%get3A_857, %broadcast_in_dim3A_1003] : memref<128x128xf32, #tpu.memory_space<vmem>>[vector<16xi32>, vector<16xi32>], vector<16xf32>,
      tpu.vector_store_idx %arg8[%add3A_863, %broadcast_in_dim3A_1003], %gather3A_1004 : memref<512x128xf32, #tpu.memory_space<vmem>>[vector<16xi32>, vector<16xi32>], vector<16xf32>,
      %broadcast_in_dim3A_1005 = arith.constant 47 : i32
      %broadcast_in_dim3A_1006 = vector.broadcast %broadcast_in_dim3A_1005 : i32 to vector<16xi32>
      %gather3A_1007 = tpu.vector_load_idx %arg9[%get3A_857, %broadcast_in_dim3A_1006] : memref<128x128xf32, #tpu.memory_space<vmem>>[vector<16xi32>, vector<16xi32>], vector<16xf32>,
      tpu.vector_store_idx %arg8[%add3A_863, %broadcast_in_dim3A_1006], %gather3A_1007 : memref<512x128xf32, #tpu.memory_space<vmem>>[vector<16xi32>, vector<16xi32>], vector<16xf32>,
      %broadcast_in_dim3A_1008 = arith.constant 48 : i32
      %broadcast_in_dim3A_1009 = vector.broadcast %broadcast_in_dim3A_1008 : i32 to vector<16xi32>
      %gather3A_1010 = tpu.vector_load_idx %arg9[%get3A_857, %broadcast_in_dim3A_1009] : memref<128x128xf32, #tpu.memory_space<vmem>>[vector<16xi32>, vector<16xi32>], vector<16xf32>,
      tpu.vector_store_idx %arg8[%add3A_863, %broadcast_in_dim3A_1009], %gather3A_1010 : memref<512x128xf32, #tpu.memory_space<vmem>>[vector<16xi32>, vector<16xi32>], vector<16xf32>,
      %broadcast_in_dim3A_1011 = arith.constant 49 : i32
      %broadcast_in_dim3A_1012 = vector.broadcast %broadcast_in_dim3A_1011 : i32 to vector<16xi32>
      %gather3A_1013 = tpu.vector_load_idx %arg9[%get3A_857, %broadcast_in_dim3A_1012] : memref<128x128xf32, #tpu.memory_space<vmem>>[vector<16xi32>, vector<16xi32>], vector<16xf32>,
      tpu.vector_store_idx %arg8[%add3A_863, %broadcast_in_dim3A_1012], %gather3A_1013 : memref<512x128xf32, #tpu.memory_space<vmem>>[vector<16xi32>, vector<16xi32>], vector<16xf32>,
      %broadcast_in_dim3A_1014 = arith.constant 50 : i32
      %broadcast_in_dim3A_1015 = vector.broadcast %broadcast_in_dim3A_1014 : i32 to vector<16xi32>
      %gather3A_1016 = tpu.vector_load_idx %arg9[%get3A_857, %broadcast_in_dim3A_1015] : memref<128x128xf32, #tpu.memory_space<vmem>>[vector<16xi32>, vector<16xi32>], vector<16xf32>,
      tpu.vector_store_idx %arg8[%add3A_863, %broadcast_in_dim3A_1015], %gather3A_1016 : memref<512x128xf32, #tpu.memory_space<vmem>>[vector<16xi32>, vector<16xi32>], vector<16xf32>,
      %broadcast_in_dim3A_1017 = arith.constant 51 : i32
      %broadcast_in_dim3A_1018 = vector.broadcast %broadcast_in_dim3A_1017 : i32 to vector<16xi32>
      %gather3A_1019 = tpu.vector_load_idx %arg9[%get3A_857, %broadcast_in_dim3A_1018] : memref<128x128xf32, #tpu.memory_space<vmem>>[vector<16xi32>, vector<16xi32>], vector<16xf32>,
      tpu.vector_store_idx %arg8[%add3A_863, %broadcast_in_dim3A_1018], %gather3A_1019 : memref<512x128xf32, #tpu.memory_space<vmem>>[vector<16xi32>, vector<16xi32>], vector<16xf32>,
      %broadcast_in_dim3A_1020 = arith.constant 52 : i32
      %broadcast_in_dim3A_1021 = vector.broadcast %broadcast_in_dim3A_1020 : i32 to vector<16xi32>
      %gather3A_1022 = tpu.vector_load_idx %arg9[%get3A_857, %broadcast_in_dim3A_1021] : memref<128x128xf32, #tpu.memory_space<vmem>>[vector<16xi32>, vector<16xi32>], vector<16xf32>,
      tpu.vector_store_idx %arg8[%add3A_863, %broadcast_in_dim3A_1021], %gather3A_1022 : memref<512x128xf32, #tpu.memory_space<vmem>>[vector<16xi32>, vector<16xi32>], vector<16xf32>,
      %broadcast_in_dim3A_1023 = arith.constant 53 : i32
      %broadcast_in_dim3A_1024 = vector.broadcast %broadcast_in_dim3A_1023 : i32 to vector<16xi32>
      %gather3A_1025 = tpu.vector_load_idx %arg9[%get3A_857, %broadcast_in_dim3A_1024] : memref<128x128xf32, #tpu.memory_space<vmem>>[vector<16xi32>, vector<16xi32>], vector<16xf32>,
      tpu.vector_store_idx %arg8[%add3A_863, %broadcast_in_dim3A_1024], %gather3A_1025 : memref<512x128xf32, #tpu.memory_space<vmem>>[vector<16xi32>, vector<16xi32>], vector<16xf32>,
      %broadcast_in_dim3A_1026 = arith.constant 54 : i32
      %broadcast_in_dim3A_1027 = vector.broadcast %broadcast_in_dim3A_1026 : i32 to vector<16xi32>
      %gather3A_1028 = tpu.vector_load_idx %arg9[%get3A_857, %broadcast_in_dim3A_1027] : memref<128x128xf32, #tpu.memory_space<vmem>>[vector<16xi32>, vector<16xi32>], vector<16xf32>,
      tpu.vector_store_idx %arg8[%add3A_863, %broadcast_in_dim3A_1027], %gather3A_1028 : memref<512x128xf32, #tpu.memory_space<vmem>>[vector<16xi32>, vector<16xi32>], vector<16xf32>,
      %broadcast_in_dim3A_1029 = arith.constant 55 : i32
      %broadcast_in_dim3A_1030 = vector.broadcast %broadcast_in_dim3A_1029 : i32 to vector<16xi32>
      %gather3A_1031 = tpu.vector_load_idx %arg9[%get3A_857, %broadcast_in_dim3A_1030] : memref<128x128xf32, #tpu.memory_space<vmem>>[vector<16xi32>, vector<16xi32>], vector<16xf32>,
      tpu.vector_store_idx %arg8[%add3A_863, %broadcast_in_dim3A_1030], %gather3A_1031 : memref<512x128xf32, #tpu.memory_space<vmem>>[vector<16xi32>, vector<16xi32>], vector<16xf32>,
      %broadcast_in_dim3A_1032 = arith.constant 56 : i32
      %broadcast_in_dim3A_1033 = vector.broadcast %broadcast_in_dim3A_1032 : i32 to vector<16xi32>
      %gather3A_1034 = tpu.vector_load_idx %arg9[%get3A_857, %broadcast_in_dim3A_1033] : memref<128x128xf32, #tpu.memory_space<vmem>>[vector<16xi32>, vector<16xi32>], vector<16xf32>,
      tpu.vector_store_idx %arg8[%add3A_863, %broadcast_in_dim3A_1033], %gather3A_1034 : memref<512x128xf32, #tpu.memory_space<vmem>>[vector<16xi32>, vector<16xi32>], vector<16xf32>,
      %broadcast_in_dim3A_1035 = arith.constant 57 : i32
      %broadcast_in_dim3A_1036 = vector.broadcast %broadcast_in_dim3A_1035 : i32 to vector<16xi32>
      %gather3A_1037 = tpu.vector_load_idx %arg9[%get3A_857, %broadcast_in_dim3A_1036] : memref<128x128xf32, #tpu.memory_space<vmem>>[vector<16xi32>, vector<16xi32>], vector<16xf32>,
      tpu.vector_store_idx %arg8[%add3A_863, %broadcast_in_dim3A_1036], %gather3A_1037 : memref<512x128xf32, #tpu.memory_space<vmem>>[vector<16xi32>, vector<16xi32>], vector<16xf32>,
      %broadcast_in_dim3A_1038 = arith.constant 58 : i32
      %broadcast_in_dim3A_1039 = vector.broadcast %broadcast_in_dim3A_1038 : i32 to vector<16xi32>
      %gather3A_1040 = tpu.vector_load_idx %arg9[%get3A_857, %broadcast_in_dim3A_1039] : memref<128x128xf32, #tpu.memory_space<vmem>>[vector<16xi32>, vector<16xi32>], vector<16xf32>,
      tpu.vector_store_idx %arg8[%add3A_863, %broadcast_in_dim3A_1039], %gather3A_1040 : memref<512x128xf32, #tpu.memory_space<vmem>>[vector<16xi32>, vector<16xi32>], vector<16xf32>,
      %broadcast_in_dim3A_1041 = arith.constant 59 : i32
      %broadcast_in_dim3A_1042 = vector.broadcast %broadcast_in_dim3A_1041 : i32 to vector<16xi32>
      %gather3A_1043 = tpu.vector_load_idx %arg9[%get3A_857, %broadcast_in_dim3A_1042] : memref<128x128xf32, #tpu.memory_space<vmem>>[vector<16xi32>, vector<16xi32>], vector<16xf32>,
      tpu.vector_store_idx %arg8[%add3A_863, %broadcast_in_dim3A_1042], %gather3A_1043 : memref<512x128xf32, #tpu.memory_space<vmem>>[vector<16xi32>, vector<16xi32>], vector<16xf32>,
      %broadcast_in_dim3A_1044 = arith.constant 60 : i32
      %broadcast_in_dim3A_1045 = vector.broadcast %broadcast_in_dim3A_1044 : i32 to vector<16xi32>
      %gather3A_1046 = tpu.vector_load_idx %arg9[%get3A_857, %broadcast_in_dim3A_1045] : memref<128x128xf32, #tpu.memory_space<vmem>>[vector<16xi32>, vector<16xi32>], vector<16xf32>,
      tpu.vector_store_idx %arg8[%add3A_863, %broadcast_in_dim3A_1045], %gather3A_1046 : memref<512x128xf32, #tpu.memory_space<vmem>>[vector<16xi32>, vector<16xi32>], vector<16xf32>,
      %broadcast_in_dim3A_1047 = arith.constant 61 : i32
      %broadcast_in_dim3A_1048 = vector.broadcast %broadcast_in_dim3A_1047 : i32 to vector<16xi32>
      %gather3A_1049 = tpu.vector_load_idx %arg9[%get3A_857, %broadcast_in_dim3A_1048] : memref<128x128xf32, #tpu.memory_space<vmem>>[vector<16xi32>, vector<16xi32>], vector<16xf32>,
      tpu.vector_store_idx %arg8[%add3A_863, %broadcast_in_dim3A_1048], %gather3A_1049 : memref<512x128xf32, #tpu.memory_space<vmem>>[vector<16xi32>, vector<16xi32>], vector<16xf32>,
      %broadcast_in_dim3A_1050 = arith.constant 62 : i32
      %broadcast_in_dim3A_1051 = vector.broadcast %broadcast_in_dim3A_1050 : i32 to vector<16xi32>
      %gather3A_1052 = tpu.vector_load_idx %arg9[%get3A_857, %broadcast_in_dim3A_1051] : memref<128x128xf32, #tpu.memory_space<vmem>>[vector<16xi32>, vector<16xi32>], vector<16xf32>,
      tpu.vector_store_idx %arg8[%add3A_863, %broadcast_in_dim3A_1051], %gather3A_1052 : memref<512x128xf32, #tpu.memory_space<vmem>>[vector<16xi32>, vector<16xi32>], vector<16xf32>,
      %broadcast_in_dim3A_1053 = arith.constant 63 : i32
      %broadcast_in_dim3A_1054 = vector.broadcast %broadcast_in_dim3A_1053 : i32 to vector<16xi32>
      %gather3A_1055 = tpu.vector_load_idx %arg9[%get3A_857, %broadcast_in_dim3A_1054] : memref<128x128xf32, #tpu.memory_space<vmem>>[vector<16xi32>, vector<16xi32>], vector<16xf32>,
      tpu.vector_store_idx %arg8[%add3A_863, %broadcast_in_dim3A_1054], %gather3A_1055 : memref<512x128xf32, #tpu.memory_space<vmem>>[vector<16xi32>, vector<16xi32>], vector<16xf32>,
      %broadcast_in_dim3A_1056 = arith.constant 64 : i32
      %broadcast_in_dim3A_1057 = vector.broadcast %broadcast_in_dim3A_1056 : i32 to vector<16xi32>
      %gather3A_1058 = tpu.vector_load_idx %arg9[%get3A_857, %broadcast_in_dim3A_1057] : memref<128x128xf32, #tpu.memory_space<vmem>>[vector<16xi32>, vector<16xi32>], vector<16xf32>,
      tpu.vector_store_idx %arg8[%add3A_863, %broadcast_in_dim3A_1057], %gather3A_1058 : memref<512x128xf32, #tpu.memory_space<vmem>>[vector<16xi32>, vector<16xi32>], vector<16xf32>,
      %broadcast_in_dim3A_1059 = arith.constant 65 : i32
      %broadcast_in_dim3A_1060 = vector.broadcast %broadcast_in_dim3A_1059 : i32 to vector<16xi32>
      %gather3A_1061 = tpu.vector_load_idx %arg9[%get3A_857, %broadcast_in_dim3A_1060] : memref<128x128xf32, #tpu.memory_space<vmem>>[vector<16xi32>, vector<16xi32>], vector<16xf32>,
      tpu.vector_store_idx %arg8[%add3A_863, %broadcast_in_dim3A_1060], %gather3A_1061 : memref<512x128xf32, #tpu.memory_space<vmem>>[vector<16xi32>, vector<16xi32>], vector<16xf32>,
      %broadcast_in_dim3A_1062 = arith.constant 66 : i32
      %broadcast_in_dim3A_1063 = vector.broadcast %broadcast_in_dim3A_1062 : i32 to vector<16xi32>
      %gather3A_1064 = tpu.vector_load_idx %arg9[%get3A_857, %broadcast_in_dim3A_1063] : memref<128x128xf32, #tpu.memory_space<vmem>>[vector<16xi32>, vector<16xi32>], vector<16xf32>,
      tpu.vector_store_idx %arg8[%add3A_863, %broadcast_in_dim3A_1063], %gather3A_1064 : memref<512x128xf32, #tpu.memory_space<vmem>>[vector<16xi32>, vector<16xi32>], vector<16xf32>,
      %broadcast_in_dim3A_1065 = arith.constant 67 : i32
      %broadcast_in_dim3A_1066 = vector.broadcast %broadcast_in_dim3A_1065 : i32 to vector<16xi32>
      %gather3A_1067 = tpu.vector_load_idx %arg9[%get3A_857, %broadcast_in_dim3A_1066] : memref<128x128xf32, #tpu.memory_space<vmem>>[vector<16xi32>, vector<16xi32>], vector<16xf32>,
      tpu.vector_store_idx %arg8[%add3A_863, %broadcast_in_dim3A_1066], %gather3A_1067 : memref<512x128xf32, #tpu.memory_space<vmem>>[vector<16xi32>, vector<16xi32>], vector<16xf32>,
      %broadcast_in_dim3A_1068 = arith.constant 68 : i32
      %broadcast_in_dim3A_1069 = vector.broadcast %broadcast_in_dim3A_1068 : i32 to vector<16xi32>
      %gather3A_1070 = tpu.vector_load_idx %arg9[%get3A_857, %broadcast_in_dim3A_1069] : memref<128x128xf32, #tpu.memory_space<vmem>>[vector<16xi32>, vector<16xi32>], vector<16xf32>,
      tpu.vector_store_idx %arg8[%add3A_863, %broadcast_in_dim3A_1069], %gather3A_1070 : memref<512x128xf32, #tpu.memory_space<vmem>>[vector<16xi32>, vector<16xi32>], vector<16xf32>,
      %broadcast_in_dim3A_1071 = arith.constant 69 : i32
      %broadcast_in_dim3A_1072 = vector.broadcast %broadcast_in_dim3A_1071 : i32 to vector<16xi32>
      %gather3A_1073 = tpu.vector_load_idx %arg9[%get3A_857, %broadcast_in_dim3A_1072] : memref<128x128xf32, #tpu.memory_space<vmem>>[vector<16xi32>, vector<16xi32>], vector<16xf32>,
      tpu.vector_store_idx %arg8[%add3A_863, %broadcast_in_dim3A_1072], %gather3A_1073 : memref<512x128xf32, #tpu.memory_space<vmem>>[vector<16xi32>, vector<16xi32>], vector<16xf32>,
      %broadcast_in_dim3A_1074 = arith.constant 70 : i32
      %broadcast_in_dim3A_1075 = vector.broadcast %broadcast_in_dim3A_1074 : i32 to vector<16xi32>
      %gather3A_1076 = tpu.vector_load_idx %arg9[%get3A_857, %broadcast_in_dim3A_1075] : memref<128x128xf32, #tpu.memory_space<vmem>>[vector<16xi32>, vector<16xi32>], vector<16xf32>,
      tpu.vector_store_idx %arg8[%add3A_863, %broadcast_in_dim3A_1075], %gather3A_1076 : memref<512x128xf32, #tpu.memory_space<vmem>>[vector<16xi32>, vector<16xi32>], vector<16xf32>,
      %broadcast_in_dim3A_1077 = arith.constant 71 : i32
      %broadcast_in_dim3A_1078 = vector.broadcast %broadcast_in_dim3A_1077 : i32 to vector<16xi32>
      %gather3A_1079 = tpu.vector_load_idx %arg9[%get3A_857, %broadcast_in_dim3A_1078] : memref<128x128xf32, #tpu.memory_space<vmem>>[vector<16xi32>, vector<16xi32>], vector<16xf32>,
      tpu.vector_store_idx %arg8[%add3A_863, %broadcast_in_dim3A_1078], %gather3A_1079 : memref<512x128xf32, #tpu.memory_space<vmem>>[vector<16xi32>, vector<16xi32>], vector<16xf32>,
      %broadcast_in_dim3A_1080 = arith.constant 72 : i32
      %broadcast_in_dim3A_1081 = vector.broadcast %broadcast_in_dim3A_1080 : i32 to vector<16xi32>
      %gather3A_1082 = tpu.vector_load_idx %arg9[%get3A_857, %broadcast_in_dim3A_1081] : memref<128x128xf32, #tpu.memory_space<vmem>>[vector<16xi32>, vector<16xi32>], vector<16xf32>,
      tpu.vector_store_idx %arg8[%add3A_863, %broadcast_in_dim3A_1081], %gather3A_1082 : memref<512x128xf32, #tpu.memory_space<vmem>>[vector<16xi32>, vector<16xi32>], vector<16xf32>,
      %broadcast_in_dim3A_1083 = arith.constant 73 : i32
      %broadcast_in_dim3A_1084 = vector.broadcast %broadcast_in_dim3A_1083 : i32 to vector<16xi32>
      %gather3A_1085 = tpu.vector_load_idx %arg9[%get3A_857, %broadcast_in_dim3A_1084] : memref<128x128xf32, #tpu.memory_space<vmem>>[vector<16xi32>, vector<16xi32>], vector<16xf32>,
      tpu.vector_store_idx %arg8[%add3A_863, %broadcast_in_dim3A_1084], %gather3A_1085 : memref<512x128xf32, #tpu.memory_space<vmem>>[vector<16xi32>, vector<16xi32>], vector<16xf32>,
      %broadcast_in_dim3A_1086 = arith.constant 74 : i32
      %broadcast_in_dim3A_1087 = vector.broadcast %broadcast_in_dim3A_1086 : i32 to vector<16xi32>
      %gather3A_1088 = tpu.vector_load_idx %arg9[%get3A_857, %broadcast_in_dim3A_1087] : memref<128x128xf32, #tpu.memory_space<vmem>>[vector<16xi32>, vector<16xi32>], vector<16xf32>,
      tpu.vector_store_idx %arg8[%add3A_863, %broadcast_in_dim3A_1087], %gather3A_1088 : memref<512x128xf32, #tpu.memory_space<vmem>>[vector<16xi32>, vector<16xi32>], vector<16xf32>,
      %broadcast_in_dim3A_1089 = arith.constant 75 : i32
      %broadcast_in_dim3A_1090 = vector.broadcast %broadcast_in_dim3A_1089 : i32 to vector<16xi32>
      %gather3A_1091 = tpu.vector_load_idx %arg9[%get3A_857, %broadcast_in_dim3A_1090] : memref<128x128xf32, #tpu.memory_space<vmem>>[vector<16xi32>, vector<16xi32>], vector<16xf32>,
      tpu.vector_store_idx %arg8[%add3A_863, %broadcast_in_dim3A_1090], %gather3A_1091 : memref<512x128xf32, #tpu.memory_space<vmem>>[vector<16xi32>, vector<16xi32>], vector<16xf32>,
      %broadcast_in_dim3A_1092 = arith.constant 76 : i32
      %broadcast_in_dim3A_1093 = vector.broadcast %broadcast_in_dim3A_1092 : i32 to vector<16xi32>
      %gather3A_1094 = tpu.vector_load_idx %arg9[%get3A_857, %broadcast_in_dim3A_1093] : memref<128x128xf32, #tpu.memory_space<vmem>>[vector<16xi32>, vector<16xi32>], vector<16xf32>,
      tpu.vector_store_idx %arg8[%add3A_863, %broadcast_in_dim3A_1093], %gather3A_1094 : memref<512x128xf32, #tpu.memory_space<vmem>>[vector<16xi32>, vector<16xi32>], vector<16xf32>,
      %broadcast_in_dim3A_1095 = arith.constant 77 : i32
      %broadcast_in_dim3A_1096 = vector.broadcast %broadcast_in_dim3A_1095 : i32 to vector<16xi32>
      %gather3A_1097 = tpu.vector_load_idx %arg9[%get3A_857, %broadcast_in_dim3A_1096] : memref<128x128xf32, #tpu.memory_space<vmem>>[vector<16xi32>, vector<16xi32>], vector<16xf32>,
      tpu.vector_store_idx %arg8[%add3A_863, %broadcast_in_dim3A_1096], %gather3A_1097 : memref<512x128xf32, #tpu.memory_space<vmem>>[vector<16xi32>, vector<16xi32>], vector<16xf32>,
      %broadcast_in_dim3A_1098 = arith.constant 78 : i32
      %broadcast_in_dim3A_1099 = vector.broadcast %broadcast_in_dim3A_1098 : i32 to vector<16xi32>
      %gather3A_1100 = tpu.vector_load_idx %arg9[%get3A_857, %broadcast_in_dim3A_1099] : memref<128x128xf32, #tpu.memory_space<vmem>>[vector<16xi32>, vector<16xi32>], vector<16xf32>,
      tpu.vector_store_idx %arg8[%add3A_863, %broadcast_in_dim3A_1099], %gather3A_1100 : memref<512x128xf32, #tpu.memory_space<vmem>>[vector<16xi32>, vector<16xi32>], vector<16xf32>,
      %broadcast_in_dim3A_1101 = arith.constant 79 : i32
      %broadcast_in_dim3A_1102 = vector.broadcast %broadcast_in_dim3A_1101 : i32 to vector<16xi32>
      %gather3A_1103 = tpu.vector_load_idx %arg9[%get3A_857, %broadcast_in_dim3A_1102] : memref<128x128xf32, #tpu.memory_space<vmem>>[vector<16xi32>, vector<16xi32>], vector<16xf32>,
      tpu.vector_store_idx %arg8[%add3A_863, %broadcast_in_dim3A_1102], %gather3A_1103 : memref<512x128xf32, #tpu.memory_space<vmem>>[vector<16xi32>, vector<16xi32>], vector<16xf32>,
      %broadcast_in_dim3A_1104 = arith.constant 80 : i32
      %broadcast_in_dim3A_1105 = vector.broadcast %broadcast_in_dim3A_1104 : i32 to vector<16xi32>
      %gather3A_1106 = tpu.vector_load_idx %arg9[%get3A_857, %broadcast_in_dim3A_1105] : memref<128x128xf32, #tpu.memory_space<vmem>>[vector<16xi32>, vector<16xi32>], vector<16xf32>,
      tpu.vector_store_idx %arg8[%add3A_863, %broadcast_in_dim3A_1105], %gather3A_1106 : memref<512x128xf32, #tpu.memory_space<vmem>>[vector<16xi32>, vector<16xi32>], vector<16xf32>,
      %broadcast_in_dim3A_1107 = arith.constant 81 : i32
      %broadcast_in_dim3A_1108 = vector.broadcast %broadcast_in_dim3A_1107 : i32 to vector<16xi32>
      %gather3A_1109 = tpu.vector_load_idx %arg9[%get3A_857, %broadcast_in_dim3A_1108] : memref<128x128xf32, #tpu.memory_space<vmem>>[vector<16xi32>, vector<16xi32>], vector<16xf32>,
      tpu.vector_store_idx %arg8[%add3A_863, %broadcast_in_dim3A_1108], %gather3A_1109 : memref<512x128xf32, #tpu.memory_space<vmem>>[vector<16xi32>, vector<16xi32>], vector<16xf32>,
      %broadcast_in_dim3A_1110 = arith.constant 82 : i32
      %broadcast_in_dim3A_1111 = vector.broadcast %broadcast_in_dim3A_1110 : i32 to vector<16xi32>
      %gather3A_1112 = tpu.vector_load_idx %arg9[%get3A_857, %broadcast_in_dim3A_1111] : memref<128x128xf32, #tpu.memory_space<vmem>>[vector<16xi32>, vector<16xi32>], vector<16xf32>,
      tpu.vector_store_idx %arg8[%add3A_863, %broadcast_in_dim3A_1111], %gather3A_1112 : memref<512x128xf32, #tpu.memory_space<vmem>>[vector<16xi32>, vector<16xi32>], vector<16xf32>,
      %broadcast_in_dim3A_1113 = arith.constant 83 : i32
      %broadcast_in_dim3A_1114 = vector.broadcast %broadcast_in_dim3A_1113 : i32 to vector<16xi32>
      %gather3A_1115 = tpu.vector_load_idx %arg9[%get3A_857, %broadcast_in_dim3A_1114] : memref<128x128xf32, #tpu.memory_space<vmem>>[vector<16xi32>, vector<16xi32>], vector<16xf32>,
      tpu.vector_store_idx %arg8[%add3A_863, %broadcast_in_dim3A_1114], %gather3A_1115 : memref<512x128xf32, #tpu.memory_space<vmem>>[vector<16xi32>, vector<16xi32>], vector<16xf32>,
      %broadcast_in_dim3A_1116 = arith.constant 84 : i32
      %broadcast_in_dim3A_1117 = vector.broadcast %broadcast_in_dim3A_1116 : i32 to vector<16xi32>
      %gather3A_1118 = tpu.vector_load_idx %arg9[%get3A_857, %broadcast_in_dim3A_1117] : memref<128x128xf32, #tpu.memory_space<vmem>>[vector<16xi32>, vector<16xi32>], vector<16xf32>,
      tpu.vector_store_idx %arg8[%add3A_863, %broadcast_in_dim3A_1117], %gather3A_1118 : memref<512x128xf32, #tpu.memory_space<vmem>>[vector<16xi32>, vector<16xi32>], vector<16xf32>,
      %broadcast_in_dim3A_1119 = arith.constant 85 : i32
      %broadcast_in_dim3A_1120 = vector.broadcast %broadcast_in_dim3A_1119 : i32 to vector<16xi32>
      %gather3A_1121 = tpu.vector_load_idx %arg9[%get3A_857, %broadcast_in_dim3A_1120] : memref<128x128xf32, #tpu.memory_space<vmem>>[vector<16xi32>, vector<16xi32>], vector<16xf32>,
      tpu.vector_store_idx %arg8[%add3A_863, %broadcast_in_dim3A_1120], %gather3A_1121 : memref<512x128xf32, #tpu.memory_space<vmem>>[vector<16xi32>, vector<16xi32>], vector<16xf32>,
      %broadcast_in_dim3A_1122 = arith.constant 86 : i32
      %broadcast_in_dim3A_1123 = vector.broadcast %broadcast_in_dim3A_1122 : i32 to vector<16xi32>
      %gather3A_1124 = tpu.vector_load_idx %arg9[%get3A_857, %broadcast_in_dim3A_1123] : memref<128x128xf32, #tpu.memory_space<vmem>>[vector<16xi32>, vector<16xi32>], vector<16xf32>,
      tpu.vector_store_idx %arg8[%add3A_863, %broadcast_in_dim3A_1123], %gather3A_1124 : memref<512x128xf32, #tpu.memory_space<vmem>>[vector<16xi32>, vector<16xi32>], vector<16xf32>,
      %broadcast_in_dim3A_1125 = arith.constant 87 : i32
      %broadcast_in_dim3A_1126 = vector.broadcast %broadcast_in_dim3A_1125 : i32 to vector<16xi32>
      %gather3A_1127 = tpu.vector_load_idx %arg9[%get3A_857, %broadcast_in_dim3A_1126] : memref<128x128xf32, #tpu.memory_space<vmem>>[vector<16xi32>, vector<16xi32>], vector<16xf32>,
      tpu.vector_store_idx %arg8[%add3A_863, %broadcast_in_dim3A_1126], %gather3A_1127 : memref<512x128xf32, #tpu.memory_space<vmem>>[vector<16xi32>, vector<16xi32>], vector<16xf32>,
      %broadcast_in_dim3A_1128 = arith.constant 88 : i32
      %broadcast_in_dim3A_1129 = vector.broadcast %broadcast_in_dim3A_1128 : i32 to vector<16xi32>
      %gather3A_1130 = tpu.vector_load_idx %arg9[%get3A_857, %broadcast_in_dim3A_1129] : memref<128x128xf32, #tpu.memory_space<vmem>>[vector<16xi32>, vector<16xi32>], vector<16xf32>,
      tpu.vector_store_idx %arg8[%add3A_863, %broadcast_in_dim3A_1129], %gather3A_1130 : memref<512x128xf32, #tpu.memory_space<vmem>>[vector<16xi32>, vector<16xi32>], vector<16xf32>,
      %broadcast_in_dim3A_1131 = arith.constant 89 : i32
      %broadcast_in_dim3A_1132 = vector.broadcast %broadcast_in_dim3A_1131 : i32 to vector<16xi32>
      %gather3A_1133 = tpu.vector_load_idx %arg9[%get3A_857, %broadcast_in_dim3A_1132] : memref<128x128xf32, #tpu.memory_space<vmem>>[vector<16xi32>, vector<16xi32>], vector<16xf32>,
      tpu.vector_store_idx %arg8[%add3A_863, %broadcast_in_dim3A_1132], %gather3A_1133 : memref<512x128xf32, #tpu.memory_space<vmem>>[vector<16xi32>, vector<16xi32>], vector<16xf32>,
      %broadcast_in_dim3A_1134 = arith.constant 90 : i32
      %broadcast_in_dim3A_1135 = vector.broadcast %broadcast_in_dim3A_1134 : i32 to vector<16xi32>
      %gather3A_1136 = tpu.vector_load_idx %arg9[%get3A_857, %broadcast_in_dim3A_1135] : memref<128x128xf32, #tpu.memory_space<vmem>>[vector<16xi32>, vector<16xi32>], vector<16xf32>,
      tpu.vector_store_idx %arg8[%add3A_863, %broadcast_in_dim3A_1135], %gather3A_1136 : memref<512x128xf32, #tpu.memory_space<vmem>>[vector<16xi32>, vector<16xi32>], vector<16xf32>,
      %broadcast_in_dim3A_1137 = arith.constant 91 : i32
      %broadcast_in_dim3A_1138 = vector.broadcast %broadcast_in_dim3A_1137 : i32 to vector<16xi32>
      %gather3A_1139 = tpu.vector_load_idx %arg9[%get3A_857, %broadcast_in_dim3A_1138] : memref<128x128xf32, #tpu.memory_space<vmem>>[vector<16xi32>, vector<16xi32>], vector<16xf32>,
      tpu.vector_store_idx %arg8[%add3A_863, %broadcast_in_dim3A_1138], %gather3A_1139 : memref<512x128xf32, #tpu.memory_space<vmem>>[vector<16xi32>, vector<16xi32>], vector<16xf32>,
      %broadcast_in_dim3A_1140 = arith.constant 92 : i32
      %broadcast_in_dim3A_1141 = vector.broadcast %broadcast_in_dim3A_1140 : i32 to vector<16xi32>
      %gather3A_1142 = tpu.vector_load_idx %arg9[%get3A_857, %broadcast_in_dim3A_1141] : memref<128x128xf32, #tpu.memory_space<vmem>>[vector<16xi32>, vector<16xi32>], vector<16xf32>,
      tpu.vector_store_idx %arg8[%add3A_863, %broadcast_in_dim3A_1141], %gather3A_1142 : memref<512x128xf32, #tpu.memory_space<vmem>>[vector<16xi32>, vector<16xi32>], vector<16xf32>,
      %broadcast_in_dim3A_1143 = arith.constant 93 : i32
      %broadcast_in_dim3A_1144 = vector.broadcast %broadcast_in_dim3A_1143 : i32 to vector<16xi32>
      %gather3A_1145 = tpu.vector_load_idx %arg9[%get3A_857, %broadcast_in_dim3A_1144] : memref<128x128xf32, #tpu.memory_space<vmem>>[vector<16xi32>, vector<16xi32>], vector<16xf32>,
      tpu.vector_store_idx %arg8[%add3A_863, %broadcast_in_dim3A_1144], %gather3A_1145 : memref<512x128xf32, #tpu.memory_space<vmem>>[vector<16xi32>, vector<16xi32>], vector<16xf32>,
      %broadcast_in_dim3A_1146 = arith.constant 94 : i32
      %broadcast_in_dim3A_1147 = vector.broadcast %broadcast_in_dim3A_1146 : i32 to vector<16xi32>
      %gather3A_1148 = tpu.vector_load_idx %arg9[%get3A_857, %broadcast_in_dim3A_1147] : memref<128x128xf32, #tpu.memory_space<vmem>>[vector<16xi32>, vector<16xi32>], vector<16xf32>,
      tpu.vector_store_idx %arg8[%add3A_863, %broadcast_in_dim3A_1147], %gather3A_1148 : memref<512x128xf32, #tpu.memory_space<vmem>>[vector<16xi32>, vector<16xi32>], vector<16xf32>,
      %broadcast_in_dim3A_1149 = arith.constant 95 : i32
      %broadcast_in_dim3A_1150 = vector.broadcast %broadcast_in_dim3A_1149 : i32 to vector<16xi32>
      %gather3A_1151 = tpu.vector_load_idx %arg9[%get3A_857, %broadcast_in_dim3A_1150] : memref<128x128xf32, #tpu.memory_space<vmem>>[vector<16xi32>, vector<16xi32>], vector<16xf32>,
      tpu.vector_store_idx %arg8[%add3A_863, %broadcast_in_dim3A_1150], %gather3A_1151 : memref<512x128xf32, #tpu.memory_space<vmem>>[vector<16xi32>, vector<16xi32>], vector<16xf32>,
      %broadcast_in_dim3A_1152 = arith.constant 96 : i32
      %broadcast_in_dim3A_1153 = vector.broadcast %broadcast_in_dim3A_1152 : i32 to vector<16xi32>
      %gather3A_1154 = tpu.vector_load_idx %arg9[%get3A_857, %broadcast_in_dim3A_1153] : memref<128x128xf32, #tpu.memory_space<vmem>>[vector<16xi32>, vector<16xi32>], vector<16xf32>,
      tpu.vector_store_idx %arg8[%add3A_863, %broadcast_in_dim3A_1153], %gather3A_1154 : memref<512x128xf32, #tpu.memory_space<vmem>>[vector<16xi32>, vector<16xi32>], vector<16xf32>,
      %broadcast_in_dim3A_1155 = arith.constant 97 : i32
      %broadcast_in_dim3A_1156 = vector.broadcast %broadcast_in_dim3A_1155 : i32 to vector<16xi32>
      %gather3A_1157 = tpu.vector_load_idx %arg9[%get3A_857, %broadcast_in_dim3A_1156] : memref<128x128xf32, #tpu.memory_space<vmem>>[vector<16xi32>, vector<16xi32>], vector<16xf32>,
      tpu.vector_store_idx %arg8[%add3A_863, %broadcast_in_dim3A_1156], %gather3A_1157 : memref<512x128xf32, #tpu.memory_space<vmem>>[vector<16xi32>, vector<16xi32>], vector<16xf32>,
      %broadcast_in_dim3A_1158 = arith.constant 98 : i32
      %broadcast_in_dim3A_1159 = vector.broadcast %broadcast_in_dim3A_1158 : i32 to vector<16xi32>
      %gather3A_1160 = tpu.vector_load_idx %arg9[%get3A_857, %broadcast_in_dim3A_1159] : memref<128x128xf32, #tpu.memory_space<vmem>>[vector<16xi32>, vector<16xi32>], vector<16xf32>,
      tpu.vector_store_idx %arg8[%add3A_863, %broadcast_in_dim3A_1159], %gather3A_1160 : memref<512x128xf32, #tpu.memory_space<vmem>>[vector<16xi32>, vector<16xi32>], vector<16xf32>,
      %broadcast_in_dim3A_1161 = arith.constant 99 : i32
      %broadcast_in_dim3A_1162 = vector.broadcast %broadcast_in_dim3A_1161 : i32 to vector<16xi32>
      %gather3A_1163 = tpu.vector_load_idx %arg9[%get3A_857, %broadcast_in_dim3A_1162] : memref<128x128xf32, #tpu.memory_space<vmem>>[vector<16xi32>, vector<16xi32>], vector<16xf32>,
      tpu.vector_store_idx %arg8[%add3A_863, %broadcast_in_dim3A_1162], %gather3A_1163 : memref<512x128xf32, #tpu.memory_space<vmem>>[vector<16xi32>, vector<16xi32>], vector<16xf32>,
      %broadcast_in_dim3A_1164 = arith.constant 100 : i32
      %broadcast_in_dim3A_1165 = vector.broadcast %broadcast_in_dim3A_1164 : i32 to vector<16xi32>
      %gather3A_1166 = tpu.vector_load_idx %arg9[%get3A_857, %broadcast_in_dim3A_1165] : memref<128x128xf32, #tpu.memory_space<vmem>>[vector<16xi32>, vector<16xi32>], vector<16xf32>,
      tpu.vector_store_idx %arg8[%add3A_863, %broadcast_in_dim3A_1165], %gather3A_1166 : memref<512x128xf32, #tpu.memory_space<vmem>>[vector<16xi32>, vector<16xi32>], vector<16xf32>,
      %broadcast_in_dim3A_1167 = arith.constant 101 : i32
      %broadcast_in_dim3A_1168 = vector.broadcast %broadcast_in_dim3A_1167 : i32 to vector<16xi32>
      %gather3A_1169 = tpu.vector_load_idx %arg9[%get3A_857, %broadcast_in_dim3A_1168] : memref<128x128xf32, #tpu.memory_space<vmem>>[vector<16xi32>, vector<16xi32>], vector<16xf32>,
      tpu.vector_store_idx %arg8[%add3A_863, %broadcast_in_dim3A_1168], %gather3A_1169 : memref<512x128xf32, #tpu.memory_space<vmem>>[vector<16xi32>, vector<16xi32>], vector<16xf32>,
      %broadcast_in_dim3A_1170 = arith.constant 102 : i32
      %broadcast_in_dim3A_1171 = vector.broadcast %broadcast_in_dim3A_1170 : i32 to vector<16xi32>
      %gather3A_1172 = tpu.vector_load_idx %arg9[%get3A_857, %broadcast_in_dim3A_1171] : memref<128x128xf32, #tpu.memory_space<vmem>>[vector<16xi32>, vector<16xi32>], vector<16xf32>,
      tpu.vector_store_idx %arg8[%add3A_863, %broadcast_in_dim3A_1171], %gather3A_1172 : memref<512x128xf32, #tpu.memory_space<vmem>>[vector<16xi32>, vector<16xi32>], vector<16xf32>,
      %broadcast_in_dim3A_1173 = arith.constant 103 : i32
      %broadcast_in_dim3A_1174 = vector.broadcast %broadcast_in_dim3A_1173 : i32 to vector<16xi32>
      %gather3A_1175 = tpu.vector_load_idx %arg9[%get3A_857, %broadcast_in_dim3A_1174] : memref<128x128xf32, #tpu.memory_space<vmem>>[vector<16xi32>, vector<16xi32>], vector<16xf32>,
      tpu.vector_store_idx %arg8[%add3A_863, %broadcast_in_dim3A_1174], %gather3A_1175 : memref<512x128xf32, #tpu.memory_space<vmem>>[vector<16xi32>, vector<16xi32>], vector<16xf32>,
      %broadcast_in_dim3A_1176 = arith.constant 104 : i32
      %broadcast_in_dim3A_1177 = vector.broadcast %broadcast_in_dim3A_1176 : i32 to vector<16xi32>
      %gather3A_1178 = tpu.vector_load_idx %arg9[%get3A_857, %broadcast_in_dim3A_1177] : memref<128x128xf32, #tpu.memory_space<vmem>>[vector<16xi32>, vector<16xi32>], vector<16xf32>,
      tpu.vector_store_idx %arg8[%add3A_863, %broadcast_in_dim3A_1177], %gather3A_1178 : memref<512x128xf32, #tpu.memory_space<vmem>>[vector<16xi32>, vector<16xi32>], vector<16xf32>,
      %broadcast_in_dim3A_1179 = arith.constant 105 : i32
      %broadcast_in_dim3A_1180 = vector.broadcast %broadcast_in_dim3A_1179 : i32 to vector<16xi32>
      %gather3A_1181 = tpu.vector_load_idx %arg9[%get3A_857, %broadcast_in_dim3A_1180] : memref<128x128xf32, #tpu.memory_space<vmem>>[vector<16xi32>, vector<16xi32>], vector<16xf32>,
      tpu.vector_store_idx %arg8[%add3A_863, %broadcast_in_dim3A_1180], %gather3A_1181 : memref<512x128xf32, #tpu.memory_space<vmem>>[vector<16xi32>, vector<16xi32>], vector<16xf32>,
      %broadcast_in_dim3A_1182 = arith.constant 106 : i32
      %broadcast_in_dim3A_1183 = vector.broadcast %broadcast_in_dim3A_1182 : i32 to vector<16xi32>
      %gather3A_1184 = tpu.vector_load_idx %arg9[%get3A_857, %broadcast_in_dim3A_1183] : memref<128x128xf32, #tpu.memory_space<vmem>>[vector<16xi32>, vector<16xi32>], vector<16xf32>,
      tpu.vector_store_idx %arg8[%add3A_863, %broadcast_in_dim3A_1183], %gather3A_1184 : memref<512x128xf32, #tpu.memory_space<vmem>>[vector<16xi32>, vector<16xi32>], vector<16xf32>,
      %broadcast_in_dim3A_1185 = arith.constant 107 : i32
      %broadcast_in_dim3A_1186 = vector.broadcast %broadcast_in_dim3A_1185 : i32 to vector<16xi32>
      %gather3A_1187 = tpu.vector_load_idx %arg9[%get3A_857, %broadcast_in_dim3A_1186] : memref<128x128xf32, #tpu.memory_space<vmem>>[vector<16xi32>, vector<16xi32>], vector<16xf32>,
      tpu.vector_store_idx %arg8[%add3A_863, %broadcast_in_dim3A_1186], %gather3A_1187 : memref<512x128xf32, #tpu.memory_space<vmem>>[vector<16xi32>, vector<16xi32>], vector<16xf32>,
      %broadcast_in_dim3A_1188 = arith.constant 108 : i32
      %broadcast_in_dim3A_1189 = vector.broadcast %broadcast_in_dim3A_1188 : i32 to vector<16xi32>
      %gather3A_1190 = tpu.vector_load_idx %arg9[%get3A_857, %broadcast_in_dim3A_1189] : memref<128x128xf32, #tpu.memory_space<vmem>>[vector<16xi32>, vector<16xi32>], vector<16xf32>,
      tpu.vector_store_idx %arg8[%add3A_863, %broadcast_in_dim3A_1189], %gather3A_1190 : memref<512x128xf32, #tpu.memory_space<vmem>>[vector<16xi32>, vector<16xi32>], vector<16xf32>,
      %broadcast_in_dim3A_1191 = arith.constant 109 : i32
      %broadcast_in_dim3A_1192 = vector.broadcast %broadcast_in_dim3A_1191 : i32 to vector<16xi32>
      %gather3A_1193 = tpu.vector_load_idx %arg9[%get3A_857, %broadcast_in_dim3A_1192] : memref<128x128xf32, #tpu.memory_space<vmem>>[vector<16xi32>, vector<16xi32>], vector<16xf32>,
      tpu.vector_store_idx %arg8[%add3A_863, %broadcast_in_dim3A_1192], %gather3A_1193 : memref<512x128xf32, #tpu.memory_space<vmem>>[vector<16xi32>, vector<16xi32>], vector<16xf32>,
      %broadcast_in_dim3A_1194 = arith.constant 110 : i32
      %broadcast_in_dim3A_1195 = vector.broadcast %broadcast_in_dim3A_1194 : i32 to vector<16xi32>
      %gather3A_1196 = tpu.vector_load_idx %arg9[%get3A_857, %broadcast_in_dim3A_1195] : memref<128x128xf32, #tpu.memory_space<vmem>>[vector<16xi32>, vector<16xi32>], vector<16xf32>,
      tpu.vector_store_idx %arg8[%add3A_863, %broadcast_in_dim3A_1195], %gather3A_1196 : memref<512x128xf32, #tpu.memory_space<vmem>>[vector<16xi32>, vector<16xi32>], vector<16xf32>,
      %broadcast_in_dim3A_1197 = arith.constant 111 : i32
      %broadcast_in_dim3A_1198 = vector.broadcast %broadcast_in_dim3A_1197 : i32 to vector<16xi32>
      %gather3A_1199 = tpu.vector_load_idx %arg9[%get3A_857, %broadcast_in_dim3A_1198] : memref<128x128xf32, #tpu.memory_space<vmem>>[vector<16xi32>, vector<16xi32>], vector<16xf32>,
      tpu.vector_store_idx %arg8[%add3A_863, %broadcast_in_dim3A_1198], %gather3A_1199 : memref<512x128xf32, #tpu.memory_space<vmem>>[vector<16xi32>, vector<16xi32>], vector<16xf32>,
      %broadcast_in_dim3A_1200 = arith.constant 112 : i32
      %broadcast_in_dim3A_1201 = vector.broadcast %broadcast_in_dim3A_1200 : i32 to vector<16xi32>
      %gather3A_1202 = tpu.vector_load_idx %arg9[%get3A_857, %broadcast_in_dim3A_1201] : memref<128x128xf32, #tpu.memory_space<vmem>>[vector<16xi32>, vector<16xi32>], vector<16xf32>,
      tpu.vector_store_idx %arg8[%add3A_863, %broadcast_in_dim3A_1201], %gather3A_1202 : memref<512x128xf32, #tpu.memory_space<vmem>>[vector<16xi32>, vector<16xi32>], vector<16xf32>,
      %broadcast_in_dim3A_1203 = arith.constant 113 : i32
      %broadcast_in_dim3A_1204 = vector.broadcast %broadcast_in_dim3A_1203 : i32 to vector<16xi32>
      %gather3A_1205 = tpu.vector_load_idx %arg9[%get3A_857, %broadcast_in_dim3A_1204] : memref<128x128xf32, #tpu.memory_space<vmem>>[vector<16xi32>, vector<16xi32>], vector<16xf32>,
      tpu.vector_store_idx %arg8[%add3A_863, %broadcast_in_dim3A_1204], %gather3A_1205 : memref<512x128xf32, #tpu.memory_space<vmem>>[vector<16xi32>, vector<16xi32>], vector<16xf32>,
      %broadcast_in_dim3A_1206 = arith.constant 114 : i32
      %broadcast_in_dim3A_1207 = vector.broadcast %broadcast_in_dim3A_1206 : i32 to vector<16xi32>
      %gather3A_1208 = tpu.vector_load_idx %arg9[%get3A_857, %broadcast_in_dim3A_1207] : memref<128x128xf32, #tpu.memory_space<vmem>>[vector<16xi32>, vector<16xi32>], vector<16xf32>,
      tpu.vector_store_idx %arg8[%add3A_863, %broadcast_in_dim3A_1207], %gather3A_1208 : memref<512x128xf32, #tpu.memory_space<vmem>>[vector<16xi32>, vector<16xi32>], vector<16xf32>,
      %broadcast_in_dim3A_1209 = arith.constant 115 : i32
      %broadcast_in_dim3A_1210 = vector.broadcast %broadcast_in_dim3A_1209 : i32 to vector<16xi32>
      %gather3A_1211 = tpu.vector_load_idx %arg9[%get3A_857, %broadcast_in_dim3A_1210] : memref<128x128xf32, #tpu.memory_space<vmem>>[vector<16xi32>, vector<16xi32>], vector<16xf32>,
      tpu.vector_store_idx %arg8[%add3A_863, %broadcast_in_dim3A_1210], %gather3A_1211 : memref<512x128xf32, #tpu.memory_space<vmem>>[vector<16xi32>, vector<16xi32>], vector<16xf32>,
      %broadcast_in_dim3A_1212 = arith.constant 116 : i32
      %broadcast_in_dim3A_1213 = vector.broadcast %broadcast_in_dim3A_1212 : i32 to vector<16xi32>
      %gather3A_1214 = tpu.vector_load_idx %arg9[%get3A_857, %broadcast_in_dim3A_1213] : memref<128x128xf32, #tpu.memory_space<vmem>>[vector<16xi32>, vector<16xi32>], vector<16xf32>,
      tpu.vector_store_idx %arg8[%add3A_863, %broadcast_in_dim3A_1213], %gather3A_1214 : memref<512x128xf32, #tpu.memory_space<vmem>>[vector<16xi32>, vector<16xi32>], vector<16xf32>,
      %broadcast_in_dim3A_1215 = arith.constant 117 : i32
      %broadcast_in_dim3A_1216 = vector.broadcast %broadcast_in_dim3A_1215 : i32 to vector<16xi32>
      %gather3A_1217 = tpu.vector_load_idx %arg9[%get3A_857, %broadcast_in_dim3A_1216] : memref<128x128xf32, #tpu.memory_space<vmem>>[vector<16xi32>, vector<16xi32>], vector<16xf32>,
      tpu.vector_store_idx %arg8[%add3A_863, %broadcast_in_dim3A_1216], %gather3A_1217 : memref<512x128xf32, #tpu.memory_space<vmem>>[vector<16xi32>, vector<16xi32>], vector<16xf32>,
      %broadcast_in_dim3A_1218 = arith.constant 118 : i32
      %broadcast_in_dim3A_1219 = vector.broadcast %broadcast_in_dim3A_1218 : i32 to vector<16xi32>
      %gather3A_1220 = tpu.vector_load_idx %arg9[%get3A_857, %broadcast_in_dim3A_1219] : memref<128x128xf32, #tpu.memory_space<vmem>>[vector<16xi32>, vector<16xi32>], vector<16xf32>,
      tpu.vector_store_idx %arg8[%add3A_863, %broadcast_in_dim3A_1219], %gather3A_1220 : memref<512x128xf32, #tpu.memory_space<vmem>>[vector<16xi32>, vector<16xi32>], vector<16xf32>,
      %broadcast_in_dim3A_1221 = arith.constant 119 : i32
      %broadcast_in_dim3A_1222 = vector.broadcast %broadcast_in_dim3A_1221 : i32 to vector<16xi32>
      %gather3A_1223 = tpu.vector_load_idx %arg9[%get3A_857, %broadcast_in_dim3A_1222] : memref<128x128xf32, #tpu.memory_space<vmem>>[vector<16xi32>, vector<16xi32>], vector<16xf32>,
      tpu.vector_store_idx %arg8[%add3A_863, %broadcast_in_dim3A_1222], %gather3A_1223 : memref<512x128xf32, #tpu.memory_space<vmem>>[vector<16xi32>, vector<16xi32>], vector<16xf32>,
      %broadcast_in_dim3A_1224 = arith.constant 120 : i32
      %broadcast_in_dim3A_1225 = vector.broadcast %broadcast_in_dim3A_1224 : i32 to vector<16xi32>
      %gather3A_1226 = tpu.vector_load_idx %arg9[%get3A_857, %broadcast_in_dim3A_1225] : memref<128x128xf32, #tpu.memory_space<vmem>>[vector<16xi32>, vector<16xi32>], vector<16xf32>,
      tpu.vector_store_idx %arg8[%add3A_863, %broadcast_in_dim3A_1225], %gather3A_1226 : memref<512x128xf32, #tpu.memory_space<vmem>>[vector<16xi32>, vector<16xi32>], vector<16xf32>,
      %broadcast_in_dim3A_1227 = arith.constant 121 : i32
      %broadcast_in_dim3A_1228 = vector.broadcast %broadcast_in_dim3A_1227 : i32 to vector<16xi32>
      %gather3A_1229 = tpu.vector_load_idx %arg9[%get3A_857, %broadcast_in_dim3A_1228] : memref<128x128xf32, #tpu.memory_space<vmem>>[vector<16xi32>, vector<16xi32>], vector<16xf32>,
      tpu.vector_store_idx %arg8[%add3A_863, %broadcast_in_dim3A_1228], %gather3A_1229 : memref<512x128xf32, #tpu.memory_space<vmem>>[vector<16xi32>, vector<16xi32>], vector<16xf32>,
      %broadcast_in_dim3A_1230 = arith.constant 122 : i32
      %broadcast_in_dim3A_1231 = vector.broadcast %broadcast_in_dim3A_1230 : i32 to vector<16xi32>
      %gather3A_1232 = tpu.vector_load_idx %arg9[%get3A_857, %broadcast_in_dim3A_1231] : memref<128x128xf32, #tpu.memory_space<vmem>>[vector<16xi32>, vector<16xi32>], vector<16xf32>,
      tpu.vector_store_idx %arg8[%add3A_863, %broadcast_in_dim3A_1231], %gather3A_1232 : memref<512x128xf32, #tpu.memory_space<vmem>>[vector<16xi32>, vector<16xi32>], vector<16xf32>,
      %broadcast_in_dim3A_1233 = arith.constant 123 : i32
      %broadcast_in_dim3A_1234 = vector.broadcast %broadcast_in_dim3A_1233 : i32 to vector<16xi32>
      %gather3A_1235 = tpu.vector_load_idx %arg9[%get3A_857, %broadcast_in_dim3A_1234] : memref<128x128xf32, #tpu.memory_space<vmem>>[vector<16xi32>, vector<16xi32>], vector<16xf32>,
      tpu.vector_store_idx %arg8[%add3A_863, %broadcast_in_dim3A_1234], %gather3A_1235 : memref<512x128xf32, #tpu.memory_space<vmem>>[vector<16xi32>, vector<16xi32>], vector<16xf32>,
      %broadcast_in_dim3A_1236 = arith.constant 124 : i32
      %broadcast_in_dim3A_1237 = vector.broadcast %broadcast_in_dim3A_1236 : i32 to vector<16xi32>
      %gather3A_1238 = tpu.vector_load_idx %arg9[%get3A_857, %broadcast_in_dim3A_1237] : memref<128x128xf32, #tpu.memory_space<vmem>>[vector<16xi32>, vector<16xi32>], vector<16xf32>,
      tpu.vector_store_idx %arg8[%add3A_863, %broadcast_in_dim3A_1237], %gather3A_1238 : memref<512x128xf32, #tpu.memory_space<vmem>>[vector<16xi32>, vector<16xi32>], vector<16xf32>,
      %broadcast_in_dim3A_1239 = arith.constant 125 : i32
      %broadcast_in_dim3A_1240 = vector.broadcast %broadcast_in_dim3A_1239 : i32 to vector<16xi32>
      %gather3A_1241 = tpu.vector_load_idx %arg9[%get3A_857, %broadcast_in_dim3A_1240] : memref<128x128xf32, #tpu.memory_space<vmem>>[vector<16xi32>, vector<16xi32>], vector<16xf32>,
      tpu.vector_store_idx %arg8[%add3A_863, %broadcast_in_dim3A_1240], %gather3A_1241 : memref<512x128xf32, #tpu.memory_space<vmem>>[vector<16xi32>, vector<16xi32>], vector<16xf32>,
      %broadcast_in_dim3A_1242 = arith.constant 126 : i32
      %broadcast_in_dim3A_1243 = vector.broadcast %broadcast_in_dim3A_1242 : i32 to vector<16xi32>
      %gather3A_1244 = tpu.vector_load_idx %arg9[%get3A_857, %broadcast_in_dim3A_1243] : memref<128x128xf32, #tpu.memory_space<vmem>>[vector<16xi32>, vector<16xi32>], vector<16xf32>,
      tpu.vector_store_idx %arg8[%add3A_863, %broadcast_in_dim3A_1243], %gather3A_1244 : memref<512x128xf32, #tpu.memory_space<vmem>>[vector<16xi32>, vector<16xi32>], vector<16xf32>,
      %broadcast_in_dim3A_1245 = arith.constant 127 : i32
      %broadcast_in_dim3A_1246 = vector.broadcast %broadcast_in_dim3A_1245 : i32 to vector<16xi32>
      %gather3A_1247 = tpu.vector_load_idx %arg9[%get3A_857, %broadcast_in_dim3A_1246] : memref<128x128xf32, #tpu.memory_space<vmem>>[vector<16xi32>, vector<16xi32>], vector<16xf32>,
      tpu.vector_store_idx %arg8[%add3A_863, %broadcast_in_dim3A_1246], %gather3A_1247 : memref<512x128xf32, #tpu.memory_space<vmem>>[vector<16xi32>, vector<16xi32>], vector<16xf32>,
      %get3A_1248 = arith.index_cast %scan3A_68 : i32 to index
      %get3A_1249 = arith.constant 48 : index
      %get3A_1250 = tpu.vector_load %arg7[%get3A_1248, %get3A_1249] {strides = array<i32>} : memref<128x64xi32, #tpu.memory_space<vmem>>, vector<16xi32>,
      %add3A_1251 = arith.constant 64 : i32
      %add3A_1252 = arith.addi %mul3A_71, %add3A_1251 : i32
      %add3A_1253 = arith.constant 48 : i32
      %add3A_1254 = arith.addi %add3A_1252, %add3A_1253 : i32
      %add3A_1255 = vector.broadcast %add3A_1254 : i32 to vector<16xi32>
      %add3A_1256 = arith.addi %add3A_1255, %iota3A : vector<16xi32>
      %broadcast_in_dim3A_1257 = arith.constant 0 : i32
      %broadcast_in_dim3A_1258 = vector.broadcast %broadcast_in_dim3A_1257 : i32 to vector<16xi32>
      %gather3A_1259 = tpu.vector_load_idx %arg9[%get3A_1250, %broadcast_in_dim3A_1258] : memref<128x128xf32, #tpu.memory_space<vmem>>[vector<16xi32>, vector<16xi32>], vector<16xf32>,
      tpu.vector_store_idx %arg8[%add3A_1256, %broadcast_in_dim3A_1258], %gather3A_1259 : memref<512x128xf32, #tpu.memory_space<vmem>>[vector<16xi32>, vector<16xi32>], vector<16xf32>,
      %broadcast_in_dim3A_1260 = arith.constant 1 : i32
      %broadcast_in_dim3A_1261 = vector.broadcast %broadcast_in_dim3A_1260 : i32 to vector<16xi32>
      %gather3A_1262 = tpu.vector_load_idx %arg9[%get3A_1250, %broadcast_in_dim3A_1261] : memref<128x128xf32, #tpu.memory_space<vmem>>[vector<16xi32>, vector<16xi32>], vector<16xf32>,
      tpu.vector_store_idx %arg8[%add3A_1256, %broadcast_in_dim3A_1261], %gather3A_1262 : memref<512x128xf32, #tpu.memory_space<vmem>>[vector<16xi32>, vector<16xi32>], vector<16xf32>,
      %broadcast_in_dim3A_1263 = arith.constant 2 : i32
      %broadcast_in_dim3A_1264 = vector.broadcast %broadcast_in_dim3A_1263 : i32 to vector<16xi32>
      %gather3A_1265 = tpu.vector_load_idx %arg9[%get3A_1250, %broadcast_in_dim3A_1264] : memref<128x128xf32, #tpu.memory_space<vmem>>[vector<16xi32>, vector<16xi32>], vector<16xf32>,
      tpu.vector_store_idx %arg8[%add3A_1256, %broadcast_in_dim3A_1264], %gather3A_1265 : memref<512x128xf32, #tpu.memory_space<vmem>>[vector<16xi32>, vector<16xi32>], vector<16xf32>,
      %broadcast_in_dim3A_1266 = arith.constant 3 : i32
      %broadcast_in_dim3A_1267 = vector.broadcast %broadcast_in_dim3A_1266 : i32 to vector<16xi32>
      %gather3A_1268 = tpu.vector_load_idx %arg9[%get3A_1250, %broadcast_in_dim3A_1267] : memref<128x128xf32, #tpu.memory_space<vmem>>[vector<16xi32>, vector<16xi32>], vector<16xf32>,
      tpu.vector_store_idx %arg8[%add3A_1256, %broadcast_in_dim3A_1267], %gather3A_1268 : memref<512x128xf32, #tpu.memory_space<vmem>>[vector<16xi32>, vector<16xi32>], vector<16xf32>,
      %broadcast_in_dim3A_1269 = arith.constant 4 : i32
      %broadcast_in_dim3A_1270 = vector.broadcast %broadcast_in_dim3A_1269 : i32 to vector<16xi32>
      %gather3A_1271 = tpu.vector_load_idx %arg9[%get3A_1250, %broadcast_in_dim3A_1270] : memref<128x128xf32, #tpu.memory_space<vmem>>[vector<16xi32>, vector<16xi32>], vector<16xf32>,
      tpu.vector_store_idx %arg8[%add3A_1256, %broadcast_in_dim3A_1270], %gather3A_1271 : memref<512x128xf32, #tpu.memory_space<vmem>>[vector<16xi32>, vector<16xi32>], vector<16xf32>,
      %broadcast_in_dim3A_1272 = arith.constant 5 : i32
      %broadcast_in_dim3A_1273 = vector.broadcast %broadcast_in_dim3A_1272 : i32 to vector<16xi32>
      %gather3A_1274 = tpu.vector_load_idx %arg9[%get3A_1250, %broadcast_in_dim3A_1273] : memref<128x128xf32, #tpu.memory_space<vmem>>[vector<16xi32>, vector<16xi32>], vector<16xf32>,
      tpu.vector_store_idx %arg8[%add3A_1256, %broadcast_in_dim3A_1273], %gather3A_1274 : memref<512x128xf32, #tpu.memory_space<vmem>>[vector<16xi32>, vector<16xi32>], vector<16xf32>,
      %broadcast_in_dim3A_1275 = arith.constant 6 : i32
      %broadcast_in_dim3A_1276 = vector.broadcast %broadcast_in_dim3A_1275 : i32 to vector<16xi32>
      %gather3A_1277 = tpu.vector_load_idx %arg9[%get3A_1250, %broadcast_in_dim3A_1276] : memref<128x128xf32, #tpu.memory_space<vmem>>[vector<16xi32>, vector<16xi32>], vector<16xf32>,
      tpu.vector_store_idx %arg8[%add3A_1256, %broadcast_in_dim3A_1276], %gather3A_1277 : memref<512x128xf32, #tpu.memory_space<vmem>>[vector<16xi32>, vector<16xi32>], vector<16xf32>,
      %broadcast_in_dim3A_1278 = arith.constant 7 : i32
      %broadcast_in_dim3A_1279 = vector.broadcast %broadcast_in_dim3A_1278 : i32 to vector<16xi32>
      %gather3A_1280 = tpu.vector_load_idx %arg9[%get3A_1250, %broadcast_in_dim3A_1279] : memref<128x128xf32, #tpu.memory_space<vmem>>[vector<16xi32>, vector<16xi32>], vector<16xf32>,
      tpu.vector_store_idx %arg8[%add3A_1256, %broadcast_in_dim3A_1279], %gather3A_1280 : memref<512x128xf32, #tpu.memory_space<vmem>>[vector<16xi32>, vector<16xi32>], vector<16xf32>,
      %broadcast_in_dim3A_1281 = arith.constant 8 : i32
      %broadcast_in_dim3A_1282 = vector.broadcast %broadcast_in_dim3A_1281 : i32 to vector<16xi32>
      %gather3A_1283 = tpu.vector_load_idx %arg9[%get3A_1250, %broadcast_in_dim3A_1282] : memref<128x128xf32, #tpu.memory_space<vmem>>[vector<16xi32>, vector<16xi32>], vector<16xf32>,
      tpu.vector_store_idx %arg8[%add3A_1256, %broadcast_in_dim3A_1282], %gather3A_1283 : memref<512x128xf32, #tpu.memory_space<vmem>>[vector<16xi32>, vector<16xi32>], vector<16xf32>,
      %broadcast_in_dim3A_1284 = arith.constant 9 : i32
      %broadcast_in_dim3A_1285 = vector.broadcast %broadcast_in_dim3A_1284 : i32 to vector<16xi32>
      %gather3A_1286 = tpu.vector_load_idx %arg9[%get3A_1250, %broadcast_in_dim3A_1285] : memref<128x128xf32, #tpu.memory_space<vmem>>[vector<16xi32>, vector<16xi32>], vector<16xf32>,
      tpu.vector_store_idx %arg8[%add3A_1256, %broadcast_in_dim3A_1285], %gather3A_1286 : memref<512x128xf32, #tpu.memory_space<vmem>>[vector<16xi32>, vector<16xi32>], vector<16xf32>,
      %broadcast_in_dim3A_1287 = arith.constant 10 : i32
      %broadcast_in_dim3A_1288 = vector.broadcast %broadcast_in_dim3A_1287 : i32 to vector<16xi32>
      %gather3A_1289 = tpu.vector_load_idx %arg9[%get3A_1250, %broadcast_in_dim3A_1288] : memref<128x128xf32, #tpu.memory_space<vmem>>[vector<16xi32>, vector<16xi32>], vector<16xf32>,
      tpu.vector_store_idx %arg8[%add3A_1256, %broadcast_in_dim3A_1288], %gather3A_1289 : memref<512x128xf32, #tpu.memory_space<vmem>>[vector<16xi32>, vector<16xi32>], vector<16xf32>,
      %broadcast_in_dim3A_1290 = arith.constant 11 : i32
      %broadcast_in_dim3A_1291 = vector.broadcast %broadcast_in_dim3A_1290 : i32 to vector<16xi32>
      %gather3A_1292 = tpu.vector_load_idx %arg9[%get3A_1250, %broadcast_in_dim3A_1291] : memref<128x128xf32, #tpu.memory_space<vmem>>[vector<16xi32>, vector<16xi32>], vector<16xf32>,
      tpu.vector_store_idx %arg8[%add3A_1256, %broadcast_in_dim3A_1291], %gather3A_1292 : memref<512x128xf32, #tpu.memory_space<vmem>>[vector<16xi32>, vector<16xi32>], vector<16xf32>,
      %broadcast_in_dim3A_1293 = arith.constant 12 : i32
      %broadcast_in_dim3A_1294 = vector.broadcast %broadcast_in_dim3A_1293 : i32 to vector<16xi32>
      %gather3A_1295 = tpu.vector_load_idx %arg9[%get3A_1250, %broadcast_in_dim3A_1294] : memref<128x128xf32, #tpu.memory_space<vmem>>[vector<16xi32>, vector<16xi32>], vector<16xf32>,
      tpu.vector_store_idx %arg8[%add3A_1256, %broadcast_in_dim3A_1294], %gather3A_1295 : memref<512x128xf32, #tpu.memory_space<vmem>>[vector<16xi32>, vector<16xi32>], vector<16xf32>,
      %broadcast_in_dim3A_1296 = arith.constant 13 : i32
      %broadcast_in_dim3A_1297 = vector.broadcast %broadcast_in_dim3A_1296 : i32 to vector<16xi32>
      %gather3A_1298 = tpu.vector_load_idx %arg9[%get3A_1250, %broadcast_in_dim3A_1297] : memref<128x128xf32, #tpu.memory_space<vmem>>[vector<16xi32>, vector<16xi32>], vector<16xf32>,
      tpu.vector_store_idx %arg8[%add3A_1256, %broadcast_in_dim3A_1297], %gather3A_1298 : memref<512x128xf32, #tpu.memory_space<vmem>>[vector<16xi32>, vector<16xi32>], vector<16xf32>,
      %broadcast_in_dim3A_1299 = arith.constant 14 : i32
      %broadcast_in_dim3A_1300 = vector.broadcast %broadcast_in_dim3A_1299 : i32 to vector<16xi32>
      %gather3A_1301 = tpu.vector_load_idx %arg9[%get3A_1250, %broadcast_in_dim3A_1300] : memref<128x128xf32, #tpu.memory_space<vmem>>[vector<16xi32>, vector<16xi32>], vector<16xf32>,
      tpu.vector_store_idx %arg8[%add3A_1256, %broadcast_in_dim3A_1300], %gather3A_1301 : memref<512x128xf32, #tpu.memory_space<vmem>>[vector<16xi32>, vector<16xi32>], vector<16xf32>,
      %broadcast_in_dim3A_1302 = arith.constant 15 : i32
      %broadcast_in_dim3A_1303 = vector.broadcast %broadcast_in_dim3A_1302 : i32 to vector<16xi32>
      %gather3A_1304 = tpu.vector_load_idx %arg9[%get3A_1250, %broadcast_in_dim3A_1303] : memref<128x128xf32, #tpu.memory_space<vmem>>[vector<16xi32>, vector<16xi32>], vector<16xf32>,
      tpu.vector_store_idx %arg8[%add3A_1256, %broadcast_in_dim3A_1303], %gather3A_1304 : memref<512x128xf32, #tpu.memory_space<vmem>>[vector<16xi32>, vector<16xi32>], vector<16xf32>,
      %broadcast_in_dim3A_1305 = arith.constant 16 : i32
      %broadcast_in_dim3A_1306 = vector.broadcast %broadcast_in_dim3A_1305 : i32 to vector<16xi32>
      %gather3A_1307 = tpu.vector_load_idx %arg9[%get3A_1250, %broadcast_in_dim3A_1306] : memref<128x128xf32, #tpu.memory_space<vmem>>[vector<16xi32>, vector<16xi32>], vector<16xf32>,
      tpu.vector_store_idx %arg8[%add3A_1256, %broadcast_in_dim3A_1306], %gather3A_1307 : memref<512x128xf32, #tpu.memory_space<vmem>>[vector<16xi32>, vector<16xi32>], vector<16xf32>,
      %broadcast_in_dim3A_1308 = arith.constant 17 : i32
      %broadcast_in_dim3A_1309 = vector.broadcast %broadcast_in_dim3A_1308 : i32 to vector<16xi32>
      %gather3A_1310 = tpu.vector_load_idx %arg9[%get3A_1250, %broadcast_in_dim3A_1309] : memref<128x128xf32, #tpu.memory_space<vmem>>[vector<16xi32>, vector<16xi32>], vector<16xf32>,
      tpu.vector_store_idx %arg8[%add3A_1256, %broadcast_in_dim3A_1309], %gather3A_1310 : memref<512x128xf32, #tpu.memory_space<vmem>>[vector<16xi32>, vector<16xi32>], vector<16xf32>,
      %broadcast_in_dim3A_1311 = arith.constant 18 : i32
      %broadcast_in_dim3A_1312 = vector.broadcast %broadcast_in_dim3A_1311 : i32 to vector<16xi32>
      %gather3A_1313 = tpu.vector_load_idx %arg9[%get3A_1250, %broadcast_in_dim3A_1312] : memref<128x128xf32, #tpu.memory_space<vmem>>[vector<16xi32>, vector<16xi32>], vector<16xf32>,
      tpu.vector_store_idx %arg8[%add3A_1256, %broadcast_in_dim3A_1312], %gather3A_1313 : memref<512x128xf32, #tpu.memory_space<vmem>>[vector<16xi32>, vector<16xi32>], vector<16xf32>,
      %broadcast_in_dim3A_1314 = arith.constant 19 : i32
      %broadcast_in_dim3A_1315 = vector.broadcast %broadcast_in_dim3A_1314 : i32 to vector<16xi32>
      %gather3A_1316 = tpu.vector_load_idx %arg9[%get3A_1250, %broadcast_in_dim3A_1315] : memref<128x128xf32, #tpu.memory_space<vmem>>[vector<16xi32>, vector<16xi32>], vector<16xf32>,
      tpu.vector_store_idx %arg8[%add3A_1256, %broadcast_in_dim3A_1315], %gather3A_1316 : memref<512x128xf32, #tpu.memory_space<vmem>>[vector<16xi32>, vector<16xi32>], vector<16xf32>,
      %broadcast_in_dim3A_1317 = arith.constant 20 : i32
      %broadcast_in_dim3A_1318 = vector.broadcast %broadcast_in_dim3A_1317 : i32 to vector<16xi32>
      %gather3A_1319 = tpu.vector_load_idx %arg9[%get3A_1250, %broadcast_in_dim3A_1318] : memref<128x128xf32, #tpu.memory_space<vmem>>[vector<16xi32>, vector<16xi32>], vector<16xf32>,
      tpu.vector_store_idx %arg8[%add3A_1256, %broadcast_in_dim3A_1318], %gather3A_1319 : memref<512x128xf32, #tpu.memory_space<vmem>>[vector<16xi32>, vector<16xi32>], vector<16xf32>,
      %broadcast_in_dim3A_1320 = arith.constant 21 : i32
      %broadcast_in_dim3A_1321 = vector.broadcast %broadcast_in_dim3A_1320 : i32 to vector<16xi32>
      %gather3A_1322 = tpu.vector_load_idx %arg9[%get3A_1250, %broadcast_in_dim3A_1321] : memref<128x128xf32, #tpu.memory_space<vmem>>[vector<16xi32>, vector<16xi32>], vector<16xf32>,
      tpu.vector_store_idx %arg8[%add3A_1256, %broadcast_in_dim3A_1321], %gather3A_1322 : memref<512x128xf32, #tpu.memory_space<vmem>>[vector<16xi32>, vector<16xi32>], vector<16xf32>,
      %broadcast_in_dim3A_1323 = arith.constant 22 : i32
      %broadcast_in_dim3A_1324 = vector.broadcast %broadcast_in_dim3A_1323 : i32 to vector<16xi32>
      %gather3A_1325 = tpu.vector_load_idx %arg9[%get3A_1250, %broadcast_in_dim3A_1324] : memref<128x128xf32, #tpu.memory_space<vmem>>[vector<16xi32>, vector<16xi32>], vector<16xf32>,
      tpu.vector_store_idx %arg8[%add3A_1256, %broadcast_in_dim3A_1324], %gather3A_1325 : memref<512x128xf32, #tpu.memory_space<vmem>>[vector<16xi32>, vector<16xi32>], vector<16xf32>,
      %broadcast_in_dim3A_1326 = arith.constant 23 : i32
      %broadcast_in_dim3A_1327 = vector.broadcast %broadcast_in_dim3A_1326 : i32 to vector<16xi32>
      %gather3A_1328 = tpu.vector_load_idx %arg9[%get3A_1250, %broadcast_in_dim3A_1327] : memref<128x128xf32, #tpu.memory_space<vmem>>[vector<16xi32>, vector<16xi32>], vector<16xf32>,
      tpu.vector_store_idx %arg8[%add3A_1256, %broadcast_in_dim3A_1327], %gather3A_1328 : memref<512x128xf32, #tpu.memory_space<vmem>>[vector<16xi32>, vector<16xi32>], vector<16xf32>,
      %broadcast_in_dim3A_1329 = arith.constant 24 : i32
      %broadcast_in_dim3A_1330 = vector.broadcast %broadcast_in_dim3A_1329 : i32 to vector<16xi32>
      %gather3A_1331 = tpu.vector_load_idx %arg9[%get3A_1250, %broadcast_in_dim3A_1330] : memref<128x128xf32, #tpu.memory_space<vmem>>[vector<16xi32>, vector<16xi32>], vector<16xf32>,
      tpu.vector_store_idx %arg8[%add3A_1256, %broadcast_in_dim3A_1330], %gather3A_1331 : memref<512x128xf32, #tpu.memory_space<vmem>>[vector<16xi32>, vector<16xi32>], vector<16xf32>,
      %broadcast_in_dim3A_1332 = arith.constant 25 : i32
      %broadcast_in_dim3A_1333 = vector.broadcast %broadcast_in_dim3A_1332 : i32 to vector<16xi32>
      %gather3A_1334 = tpu.vector_load_idx %arg9[%get3A_1250, %broadcast_in_dim3A_1333] : memref<128x128xf32, #tpu.memory_space<vmem>>[vector<16xi32>, vector<16xi32>], vector<16xf32>,
      tpu.vector_store_idx %arg8[%add3A_1256, %broadcast_in_dim3A_1333], %gather3A_1334 : memref<512x128xf32, #tpu.memory_space<vmem>>[vector<16xi32>, vector<16xi32>], vector<16xf32>,
      %broadcast_in_dim3A_1335 = arith.constant 26 : i32
      %broadcast_in_dim3A_1336 = vector.broadcast %broadcast_in_dim3A_1335 : i32 to vector<16xi32>
      %gather3A_1337 = tpu.vector_load_idx %arg9[%get3A_1250, %broadcast_in_dim3A_1336] : memref<128x128xf32, #tpu.memory_space<vmem>>[vector<16xi32>, vector<16xi32>], vector<16xf32>,
      tpu.vector_store_idx %arg8[%add3A_1256, %broadcast_in_dim3A_1336], %gather3A_1337 : memref<512x128xf32, #tpu.memory_space<vmem>>[vector<16xi32>, vector<16xi32>], vector<16xf32>,
      %broadcast_in_dim3A_1338 = arith.constant 27 : i32
      %broadcast_in_dim3A_1339 = vector.broadcast %broadcast_in_dim3A_1338 : i32 to vector<16xi32>
      %gather3A_1340 = tpu.vector_load_idx %arg9[%get3A_1250, %broadcast_in_dim3A_1339] : memref<128x128xf32, #tpu.memory_space<vmem>>[vector<16xi32>, vector<16xi32>], vector<16xf32>,
      tpu.vector_store_idx %arg8[%add3A_1256, %broadcast_in_dim3A_1339], %gather3A_1340 : memref<512x128xf32, #tpu.memory_space<vmem>>[vector<16xi32>, vector<16xi32>], vector<16xf32>,
      %broadcast_in_dim3A_1341 = arith.constant 28 : i32
      %broadcast_in_dim3A_1342 = vector.broadcast %broadcast_in_dim3A_1341 : i32 to vector<16xi32>
      %gather3A_1343 = tpu.vector_load_idx %arg9[%get3A_1250, %broadcast_in_dim3A_1342] : memref<128x128xf32, #tpu.memory_space<vmem>>[vector<16xi32>, vector<16xi32>], vector<16xf32>,
      tpu.vector_store_idx %arg8[%add3A_1256, %broadcast_in_dim3A_1342], %gather3A_1343 : memref<512x128xf32, #tpu.memory_space<vmem>>[vector<16xi32>, vector<16xi32>], vector<16xf32>,
      %broadcast_in_dim3A_1344 = arith.constant 29 : i32
      %broadcast_in_dim3A_1345 = vector.broadcast %broadcast_in_dim3A_1344 : i32 to vector<16xi32>
      %gather3A_1346 = tpu.vector_load_idx %arg9[%get3A_1250, %broadcast_in_dim3A_1345] : memref<128x128xf32, #tpu.memory_space<vmem>>[vector<16xi32>, vector<16xi32>], vector<16xf32>,
      tpu.vector_store_idx %arg8[%add3A_1256, %broadcast_in_dim3A_1345], %gather3A_1346 : memref<512x128xf32, #tpu.memory_space<vmem>>[vector<16xi32>, vector<16xi32>], vector<16xf32>,
      %broadcast_in_dim3A_1347 = arith.constant 30 : i32
      %broadcast_in_dim3A_1348 = vector.broadcast %broadcast_in_dim3A_1347 : i32 to vector<16xi32>
      %gather3A_1349 = tpu.vector_load_idx %arg9[%get3A_1250, %broadcast_in_dim3A_1348] : memref<128x128xf32, #tpu.memory_space<vmem>>[vector<16xi32>, vector<16xi32>], vector<16xf32>,
      tpu.vector_store_idx %arg8[%add3A_1256, %broadcast_in_dim3A_1348], %gather3A_1349 : memref<512x128xf32, #tpu.memory_space<vmem>>[vector<16xi32>, vector<16xi32>], vector<16xf32>,
      %broadcast_in_dim3A_1350 = arith.constant 31 : i32
      %broadcast_in_dim3A_1351 = vector.broadcast %broadcast_in_dim3A_1350 : i32 to vector<16xi32>
      %gather3A_1352 = tpu.vector_load_idx %arg9[%get3A_1250, %broadcast_in_dim3A_1351] : memref<128x128xf32, #tpu.memory_space<vmem>>[vector<16xi32>, vector<16xi32>], vector<16xf32>,
      tpu.vector_store_idx %arg8[%add3A_1256, %broadcast_in_dim3A_1351], %gather3A_1352 : memref<512x128xf32, #tpu.memory_space<vmem>>[vector<16xi32>, vector<16xi32>], vector<16xf32>,
      %broadcast_in_dim3A_1353 = arith.constant 32 : i32
      %broadcast_in_dim3A_1354 = vector.broadcast %broadcast_in_dim3A_1353 : i32 to vector<16xi32>
      %gather3A_1355 = tpu.vector_load_idx %arg9[%get3A_1250, %broadcast_in_dim3A_1354] : memref<128x128xf32, #tpu.memory_space<vmem>>[vector<16xi32>, vector<16xi32>], vector<16xf32>,
      tpu.vector_store_idx %arg8[%add3A_1256, %broadcast_in_dim3A_1354], %gather3A_1355 : memref<512x128xf32, #tpu.memory_space<vmem>>[vector<16xi32>, vector<16xi32>], vector<16xf32>,
      %broadcast_in_dim3A_1356 = arith.constant 33 : i32
      %broadcast_in_dim3A_1357 = vector.broadcast %broadcast_in_dim3A_1356 : i32 to vector<16xi32>
      %gather3A_1358 = tpu.vector_load_idx %arg9[%get3A_1250, %broadcast_in_dim3A_1357] : memref<128x128xf32, #tpu.memory_space<vmem>>[vector<16xi32>, vector<16xi32>], vector<16xf32>,
      tpu.vector_store_idx %arg8[%add3A_1256, %broadcast_in_dim3A_1357], %gather3A_1358 : memref<512x128xf32, #tpu.memory_space<vmem>>[vector<16xi32>, vector<16xi32>], vector<16xf32>,
      %broadcast_in_dim3A_1359 = arith.constant 34 : i32
      %broadcast_in_dim3A_1360 = vector.broadcast %broadcast_in_dim3A_1359 : i32 to vector<16xi32>
      %gather3A_1361 = tpu.vector_load_idx %arg9[%get3A_1250, %broadcast_in_dim3A_1360] : memref<128x128xf32, #tpu.memory_space<vmem>>[vector<16xi32>, vector<16xi32>], vector<16xf32>,
      tpu.vector_store_idx %arg8[%add3A_1256, %broadcast_in_dim3A_1360], %gather3A_1361 : memref<512x128xf32, #tpu.memory_space<vmem>>[vector<16xi32>, vector<16xi32>], vector<16xf32>,
      %broadcast_in_dim3A_1362 = arith.constant 35 : i32
      %broadcast_in_dim3A_1363 = vector.broadcast %broadcast_in_dim3A_1362 : i32 to vector<16xi32>
      %gather3A_1364 = tpu.vector_load_idx %arg9[%get3A_1250, %broadcast_in_dim3A_1363] : memref<128x128xf32, #tpu.memory_space<vmem>>[vector<16xi32>, vector<16xi32>], vector<16xf32>,
      tpu.vector_store_idx %arg8[%add3A_1256, %broadcast_in_dim3A_1363], %gather3A_1364 : memref<512x128xf32, #tpu.memory_space<vmem>>[vector<16xi32>, vector<16xi32>], vector<16xf32>,
      %broadcast_in_dim3A_1365 = arith.constant 36 : i32
      %broadcast_in_dim3A_1366 = vector.broadcast %broadcast_in_dim3A_1365 : i32 to vector<16xi32>
      %gather3A_1367 = tpu.vector_load_idx %arg9[%get3A_1250, %broadcast_in_dim3A_1366] : memref<128x128xf32, #tpu.memory_space<vmem>>[vector<16xi32>, vector<16xi32>], vector<16xf32>,
      tpu.vector_store_idx %arg8[%add3A_1256, %broadcast_in_dim3A_1366], %gather3A_1367 : memref<512x128xf32, #tpu.memory_space<vmem>>[vector<16xi32>, vector<16xi32>], vector<16xf32>,
      %broadcast_in_dim3A_1368 = arith.constant 37 : i32
      %broadcast_in_dim3A_1369 = vector.broadcast %broadcast_in_dim3A_1368 : i32 to vector<16xi32>
      %gather3A_1370 = tpu.vector_load_idx %arg9[%get3A_1250, %broadcast_in_dim3A_1369] : memref<128x128xf32, #tpu.memory_space<vmem>>[vector<16xi32>, vector<16xi32>], vector<16xf32>,
      tpu.vector_store_idx %arg8[%add3A_1256, %broadcast_in_dim3A_1369], %gather3A_1370 : memref<512x128xf32, #tpu.memory_space<vmem>>[vector<16xi32>, vector<16xi32>], vector<16xf32>,
      %broadcast_in_dim3A_1371 = arith.constant 38 : i32
      %broadcast_in_dim3A_1372 = vector.broadcast %broadcast_in_dim3A_1371 : i32 to vector<16xi32>
      %gather3A_1373 = tpu.vector_load_idx %arg9[%get3A_1250, %broadcast_in_dim3A_1372] : memref<128x128xf32, #tpu.memory_space<vmem>>[vector<16xi32>, vector<16xi32>], vector<16xf32>,
      tpu.vector_store_idx %arg8[%add3A_1256, %broadcast_in_dim3A_1372], %gather3A_1373 : memref<512x128xf32, #tpu.memory_space<vmem>>[vector<16xi32>, vector<16xi32>], vector<16xf32>,
      %broadcast_in_dim3A_1374 = arith.constant 39 : i32
      %broadcast_in_dim3A_1375 = vector.broadcast %broadcast_in_dim3A_1374 : i32 to vector<16xi32>
      %gather3A_1376 = tpu.vector_load_idx %arg9[%get3A_1250, %broadcast_in_dim3A_1375] : memref<128x128xf32, #tpu.memory_space<vmem>>[vector<16xi32>, vector<16xi32>], vector<16xf32>,
      tpu.vector_store_idx %arg8[%add3A_1256, %broadcast_in_dim3A_1375], %gather3A_1376 : memref<512x128xf32, #tpu.memory_space<vmem>>[vector<16xi32>, vector<16xi32>], vector<16xf32>,
      %broadcast_in_dim3A_1377 = arith.constant 40 : i32
      %broadcast_in_dim3A_1378 = vector.broadcast %broadcast_in_dim3A_1377 : i32 to vector<16xi32>
      %gather3A_1379 = tpu.vector_load_idx %arg9[%get3A_1250, %broadcast_in_dim3A_1378] : memref<128x128xf32, #tpu.memory_space<vmem>>[vector<16xi32>, vector<16xi32>], vector<16xf32>,
      tpu.vector_store_idx %arg8[%add3A_1256, %broadcast_in_dim3A_1378], %gather3A_1379 : memref<512x128xf32, #tpu.memory_space<vmem>>[vector<16xi32>, vector<16xi32>], vector<16xf32>,
      %broadcast_in_dim3A_1380 = arith.constant 41 : i32
      %broadcast_in_dim3A_1381 = vector.broadcast %broadcast_in_dim3A_1380 : i32 to vector<16xi32>
      %gather3A_1382 = tpu.vector_load_idx %arg9[%get3A_1250, %broadcast_in_dim3A_1381] : memref<128x128xf32, #tpu.memory_space<vmem>>[vector<16xi32>, vector<16xi32>], vector<16xf32>,
      tpu.vector_store_idx %arg8[%add3A_1256, %broadcast_in_dim3A_1381], %gather3A_1382 : memref<512x128xf32, #tpu.memory_space<vmem>>[vector<16xi32>, vector<16xi32>], vector<16xf32>,
      %broadcast_in_dim3A_1383 = arith.constant 42 : i32
      %broadcast_in_dim3A_1384 = vector.broadcast %broadcast_in_dim3A_1383 : i32 to vector<16xi32>
      %gather3A_1385 = tpu.vector_load_idx %arg9[%get3A_1250, %broadcast_in_dim3A_1384] : memref<128x128xf32, #tpu.memory_space<vmem>>[vector<16xi32>, vector<16xi32>], vector<16xf32>,
      tpu.vector_store_idx %arg8[%add3A_1256, %broadcast_in_dim3A_1384], %gather3A_1385 : memref<512x128xf32, #tpu.memory_space<vmem>>[vector<16xi32>, vector<16xi32>], vector<16xf32>,
      %broadcast_in_dim3A_1386 = arith.constant 43 : i32
      %broadcast_in_dim3A_1387 = vector.broadcast %broadcast_in_dim3A_1386 : i32 to vector<16xi32>
      %gather3A_1388 = tpu.vector_load_idx %arg9[%get3A_1250, %broadcast_in_dim3A_1387] : memref<128x128xf32, #tpu.memory_space<vmem>>[vector<16xi32>, vector<16xi32>], vector<16xf32>,
      tpu.vector_store_idx %arg8[%add3A_1256, %broadcast_in_dim3A_1387], %gather3A_1388 : memref<512x128xf32, #tpu.memory_space<vmem>>[vector<16xi32>, vector<16xi32>], vector<16xf32>,
      %broadcast_in_dim3A_1389 = arith.constant 44 : i32
      %broadcast_in_dim3A_1390 = vector.broadcast %broadcast_in_dim3A_1389 : i32 to vector<16xi32>
      %gather3A_1391 = tpu.vector_load_idx %arg9[%get3A_1250, %broadcast_in_dim3A_1390] : memref<128x128xf32, #tpu.memory_space<vmem>>[vector<16xi32>, vector<16xi32>], vector<16xf32>,
      tpu.vector_store_idx %arg8[%add3A_1256, %broadcast_in_dim3A_1390], %gather3A_1391 : memref<512x128xf32, #tpu.memory_space<vmem>>[vector<16xi32>, vector<16xi32>], vector<16xf32>,
      %broadcast_in_dim3A_1392 = arith.constant 45 : i32
      %broadcast_in_dim3A_1393 = vector.broadcast %broadcast_in_dim3A_1392 : i32 to vector<16xi32>
      %gather3A_1394 = tpu.vector_load_idx %arg9[%get3A_1250, %broadcast_in_dim3A_1393] : memref<128x128xf32, #tpu.memory_space<vmem>>[vector<16xi32>, vector<16xi32>], vector<16xf32>,
      tpu.vector_store_idx %arg8[%add3A_1256, %broadcast_in_dim3A_1393], %gather3A_1394 : memref<512x128xf32, #tpu.memory_space<vmem>>[vector<16xi32>, vector<16xi32>], vector<16xf32>,
      %broadcast_in_dim3A_1395 = arith.constant 46 : i32
      %broadcast_in_dim3A_1396 = vector.broadcast %broadcast_in_dim3A_1395 : i32 to vector<16xi32>
      %gather3A_1397 = tpu.vector_load_idx %arg9[%get3A_1250, %broadcast_in_dim3A_1396] : memref<128x128xf32, #tpu.memory_space<vmem>>[vector<16xi32>, vector<16xi32>], vector<16xf32>,
      tpu.vector_store_idx %arg8[%add3A_1256, %broadcast_in_dim3A_1396], %gather3A_1397 : memref<512x128xf32, #tpu.memory_space<vmem>>[vector<16xi32>, vector<16xi32>], vector<16xf32>,
      %broadcast_in_dim3A_1398 = arith.constant 47 : i32
      %broadcast_in_dim3A_1399 = vector.broadcast %broadcast_in_dim3A_1398 : i32 to vector<16xi32>
      %gather3A_1400 = tpu.vector_load_idx %arg9[%get3A_1250, %broadcast_in_dim3A_1399] : memref<128x128xf32, #tpu.memory_space<vmem>>[vector<16xi32>, vector<16xi32>], vector<16xf32>,
      tpu.vector_store_idx %arg8[%add3A_1256, %broadcast_in_dim3A_1399], %gather3A_1400 : memref<512x128xf32, #tpu.memory_space<vmem>>[vector<16xi32>, vector<16xi32>], vector<16xf32>,
      %broadcast_in_dim3A_1401 = arith.constant 48 : i32
      %broadcast_in_dim3A_1402 = vector.broadcast %broadcast_in_dim3A_1401 : i32 to vector<16xi32>
      %gather3A_1403 = tpu.vector_load_idx %arg9[%get3A_1250, %broadcast_in_dim3A_1402] : memref<128x128xf32, #tpu.memory_space<vmem>>[vector<16xi32>, vector<16xi32>], vector<16xf32>,
      tpu.vector_store_idx %arg8[%add3A_1256, %broadcast_in_dim3A_1402], %gather3A_1403 : memref<512x128xf32, #tpu.memory_space<vmem>>[vector<16xi32>, vector<16xi32>], vector<16xf32>,
      %broadcast_in_dim3A_1404 = arith.constant 49 : i32
      %broadcast_in_dim3A_1405 = vector.broadcast %broadcast_in_dim3A_1404 : i32 to vector<16xi32>
      %gather3A_1406 = tpu.vector_load_idx %arg9[%get3A_1250, %broadcast_in_dim3A_1405] : memref<128x128xf32, #tpu.memory_space<vmem>>[vector<16xi32>, vector<16xi32>], vector<16xf32>,
      tpu.vector_store_idx %arg8[%add3A_1256, %broadcast_in_dim3A_1405], %gather3A_1406 : memref<512x128xf32, #tpu.memory_space<vmem>>[vector<16xi32>, vector<16xi32>], vector<16xf32>,
      %broadcast_in_dim3A_1407 = arith.constant 50 : i32
      %broadcast_in_dim3A_1408 = vector.broadcast %broadcast_in_dim3A_1407 : i32 to vector<16xi32>
      %gather3A_1409 = tpu.vector_load_idx %arg9[%get3A_1250, %broadcast_in_dim3A_1408] : memref<128x128xf32, #tpu.memory_space<vmem>>[vector<16xi32>, vector<16xi32>], vector<16xf32>,
      tpu.vector_store_idx %arg8[%add3A_1256, %broadcast_in_dim3A_1408], %gather3A_1409 : memref<512x128xf32, #tpu.memory_space<vmem>>[vector<16xi32>, vector<16xi32>], vector<16xf32>,
      %broadcast_in_dim3A_1410 = arith.constant 51 : i32
      %broadcast_in_dim3A_1411 = vector.broadcast %broadcast_in_dim3A_1410 : i32 to vector<16xi32>
      %gather3A_1412 = tpu.vector_load_idx %arg9[%get3A_1250, %broadcast_in_dim3A_1411] : memref<128x128xf32, #tpu.memory_space<vmem>>[vector<16xi32>, vector<16xi32>], vector<16xf32>,
      tpu.vector_store_idx %arg8[%add3A_1256, %broadcast_in_dim3A_1411], %gather3A_1412 : memref<512x128xf32, #tpu.memory_space<vmem>>[vector<16xi32>, vector<16xi32>], vector<16xf32>,
      %broadcast_in_dim3A_1413 = arith.constant 52 : i32
      %broadcast_in_dim3A_1414 = vector.broadcast %broadcast_in_dim3A_1413 : i32 to vector<16xi32>
      %gather3A_1415 = tpu.vector_load_idx %arg9[%get3A_1250, %broadcast_in_dim3A_1414] : memref<128x128xf32, #tpu.memory_space<vmem>>[vector<16xi32>, vector<16xi32>], vector<16xf32>,
      tpu.vector_store_idx %arg8[%add3A_1256, %broadcast_in_dim3A_1414], %gather3A_1415 : memref<512x128xf32, #tpu.memory_space<vmem>>[vector<16xi32>, vector<16xi32>], vector<16xf32>,
      %broadcast_in_dim3A_1416 = arith.constant 53 : i32
      %broadcast_in_dim3A_1417 = vector.broadcast %broadcast_in_dim3A_1416 : i32 to vector<16xi32>
      %gather3A_1418 = tpu.vector_load_idx %arg9[%get3A_1250, %broadcast_in_dim3A_1417] : memref<128x128xf32, #tpu.memory_space<vmem>>[vector<16xi32>, vector<16xi32>], vector<16xf32>,
      tpu.vector_store_idx %arg8[%add3A_1256, %broadcast_in_dim3A_1417], %gather3A_1418 : memref<512x128xf32, #tpu.memory_space<vmem>>[vector<16xi32>, vector<16xi32>], vector<16xf32>,
      %broadcast_in_dim3A_1419 = arith.constant 54 : i32
      %broadcast_in_dim3A_1420 = vector.broadcast %broadcast_in_dim3A_1419 : i32 to vector<16xi32>
      %gather3A_1421 = tpu.vector_load_idx %arg9[%get3A_1250, %broadcast_in_dim3A_1420] : memref<128x128xf32, #tpu.memory_space<vmem>>[vector<16xi32>, vector<16xi32>], vector<16xf32>,
      tpu.vector_store_idx %arg8[%add3A_1256, %broadcast_in_dim3A_1420], %gather3A_1421 : memref<512x128xf32, #tpu.memory_space<vmem>>[vector<16xi32>, vector<16xi32>], vector<16xf32>,
      %broadcast_in_dim3A_1422 = arith.constant 55 : i32
      %broadcast_in_dim3A_1423 = vector.broadcast %broadcast_in_dim3A_1422 : i32 to vector<16xi32>
      %gather3A_1424 = tpu.vector_load_idx %arg9[%get3A_1250, %broadcast_in_dim3A_1423] : memref<128x128xf32, #tpu.memory_space<vmem>>[vector<16xi32>, vector<16xi32>], vector<16xf32>,
      tpu.vector_store_idx %arg8[%add3A_1256, %broadcast_in_dim3A_1423], %gather3A_1424 : memref<512x128xf32, #tpu.memory_space<vmem>>[vector<16xi32>, vector<16xi32>], vector<16xf32>,
      %broadcast_in_dim3A_1425 = arith.constant 56 : i32
      %broadcast_in_dim3A_1426 = vector.broadcast %broadcast_in_dim3A_1425 : i32 to vector<16xi32>
      %gather3A_1427 = tpu.vector_load_idx %arg9[%get3A_1250, %broadcast_in_dim3A_1426] : memref<128x128xf32, #tpu.memory_space<vmem>>[vector<16xi32>, vector<16xi32>], vector<16xf32>,
      tpu.vector_store_idx %arg8[%add3A_1256, %broadcast_in_dim3A_1426], %gather3A_1427 : memref<512x128xf32, #tpu.memory_space<vmem>>[vector<16xi32>, vector<16xi32>], vector<16xf32>,
      %broadcast_in_dim3A_1428 = arith.constant 57 : i32
      %broadcast_in_dim3A_1429 = vector.broadcast %broadcast_in_dim3A_1428 : i32 to vector<16xi32>
      %gather3A_1430 = tpu.vector_load_idx %arg9[%get3A_1250, %broadcast_in_dim3A_1429] : memref<128x128xf32, #tpu.memory_space<vmem>>[vector<16xi32>, vector<16xi32>], vector<16xf32>,
      tpu.vector_store_idx %arg8[%add3A_1256, %broadcast_in_dim3A_1429], %gather3A_1430 : memref<512x128xf32, #tpu.memory_space<vmem>>[vector<16xi32>, vector<16xi32>], vector<16xf32>,
      %broadcast_in_dim3A_1431 = arith.constant 58 : i32
      %broadcast_in_dim3A_1432 = vector.broadcast %broadcast_in_dim3A_1431 : i32 to vector<16xi32>
      %gather3A_1433 = tpu.vector_load_idx %arg9[%get3A_1250, %broadcast_in_dim3A_1432] : memref<128x128xf32, #tpu.memory_space<vmem>>[vector<16xi32>, vector<16xi32>], vector<16xf32>,
      tpu.vector_store_idx %arg8[%add3A_1256, %broadcast_in_dim3A_1432], %gather3A_1433 : memref<512x128xf32, #tpu.memory_space<vmem>>[vector<16xi32>, vector<16xi32>], vector<16xf32>,
      %broadcast_in_dim3A_1434 = arith.constant 59 : i32
      %broadcast_in_dim3A_1435 = vector.broadcast %broadcast_in_dim3A_1434 : i32 to vector<16xi32>
      %gather3A_1436 = tpu.vector_load_idx %arg9[%get3A_1250, %broadcast_in_dim3A_1435] : memref<128x128xf32, #tpu.memory_space<vmem>>[vector<16xi32>, vector<16xi32>], vector<16xf32>,
      tpu.vector_store_idx %arg8[%add3A_1256, %broadcast_in_dim3A_1435], %gather3A_1436 : memref<512x128xf32, #tpu.memory_space<vmem>>[vector<16xi32>, vector<16xi32>], vector<16xf32>,
      %broadcast_in_dim3A_1437 = arith.constant 60 : i32
      %broadcast_in_dim3A_1438 = vector.broadcast %broadcast_in_dim3A_1437 : i32 to vector<16xi32>
      %gather3A_1439 = tpu.vector_load_idx %arg9[%get3A_1250, %broadcast_in_dim3A_1438] : memref<128x128xf32, #tpu.memory_space<vmem>>[vector<16xi32>, vector<16xi32>], vector<16xf32>,
      tpu.vector_store_idx %arg8[%add3A_1256, %broadcast_in_dim3A_1438], %gather3A_1439 : memref<512x128xf32, #tpu.memory_space<vmem>>[vector<16xi32>, vector<16xi32>], vector<16xf32>,
      %broadcast_in_dim3A_1440 = arith.constant 61 : i32
      %broadcast_in_dim3A_1441 = vector.broadcast %broadcast_in_dim3A_1440 : i32 to vector<16xi32>
      %gather3A_1442 = tpu.vector_load_idx %arg9[%get3A_1250, %broadcast_in_dim3A_1441] : memref<128x128xf32, #tpu.memory_space<vmem>>[vector<16xi32>, vector<16xi32>], vector<16xf32>,
      tpu.vector_store_idx %arg8[%add3A_1256, %broadcast_in_dim3A_1441], %gather3A_1442 : memref<512x128xf32, #tpu.memory_space<vmem>>[vector<16xi32>, vector<16xi32>], vector<16xf32>,
      %broadcast_in_dim3A_1443 = arith.constant 62 : i32
      %broadcast_in_dim3A_1444 = vector.broadcast %broadcast_in_dim3A_1443 : i32 to vector<16xi32>
      %gather3A_1445 = tpu.vector_load_idx %arg9[%get3A_1250, %broadcast_in_dim3A_1444] : memref<128x128xf32, #tpu.memory_space<vmem>>[vector<16xi32>, vector<16xi32>], vector<16xf32>,
      tpu.vector_store_idx %arg8[%add3A_1256, %broadcast_in_dim3A_1444], %gather3A_1445 : memref<512x128xf32, #tpu.memory_space<vmem>>[vector<16xi32>, vector<16xi32>], vector<16xf32>,
      %broadcast_in_dim3A_1446 = arith.constant 63 : i32
      %broadcast_in_dim3A_1447 = vector.broadcast %broadcast_in_dim3A_1446 : i32 to vector<16xi32>
      %gather3A_1448 = tpu.vector_load_idx %arg9[%get3A_1250, %broadcast_in_dim3A_1447] : memref<128x128xf32, #tpu.memory_space<vmem>>[vector<16xi32>, vector<16xi32>], vector<16xf32>,
      tpu.vector_store_idx %arg8[%add3A_1256, %broadcast_in_dim3A_1447], %gather3A_1448 : memref<512x128xf32, #tpu.memory_space<vmem>>[vector<16xi32>, vector<16xi32>], vector<16xf32>,
      %broadcast_in_dim3A_1449 = arith.constant 64 : i32
      %broadcast_in_dim3A_1450 = vector.broadcast %broadcast_in_dim3A_1449 : i32 to vector<16xi32>
      %gather3A_1451 = tpu.vector_load_idx %arg9[%get3A_1250, %broadcast_in_dim3A_1450] : memref<128x128xf32, #tpu.memory_space<vmem>>[vector<16xi32>, vector<16xi32>], vector<16xf32>,
      tpu.vector_store_idx %arg8[%add3A_1256, %broadcast_in_dim3A_1450], %gather3A_1451 : memref<512x128xf32, #tpu.memory_space<vmem>>[vector<16xi32>, vector<16xi32>], vector<16xf32>,
      %broadcast_in_dim3A_1452 = arith.constant 65 : i32
      %broadcast_in_dim3A_1453 = vector.broadcast %broadcast_in_dim3A_1452 : i32 to vector<16xi32>
      %gather3A_1454 = tpu.vector_load_idx %arg9[%get3A_1250, %broadcast_in_dim3A_1453] : memref<128x128xf32, #tpu.memory_space<vmem>>[vector<16xi32>, vector<16xi32>], vector<16xf32>,
      tpu.vector_store_idx %arg8[%add3A_1256, %broadcast_in_dim3A_1453], %gather3A_1454 : memref<512x128xf32, #tpu.memory_space<vmem>>[vector<16xi32>, vector<16xi32>], vector<16xf32>,
      %broadcast_in_dim3A_1455 = arith.constant 66 : i32
      %broadcast_in_dim3A_1456 = vector.broadcast %broadcast_in_dim3A_1455 : i32 to vector<16xi32>
      %gather3A_1457 = tpu.vector_load_idx %arg9[%get3A_1250, %broadcast_in_dim3A_1456] : memref<128x128xf32, #tpu.memory_space<vmem>>[vector<16xi32>, vector<16xi32>], vector<16xf32>,
      tpu.vector_store_idx %arg8[%add3A_1256, %broadcast_in_dim3A_1456], %gather3A_1457 : memref<512x128xf32, #tpu.memory_space<vmem>>[vector<16xi32>, vector<16xi32>], vector<16xf32>,
      %broadcast_in_dim3A_1458 = arith.constant 67 : i32
      %broadcast_in_dim3A_1459 = vector.broadcast %broadcast_in_dim3A_1458 : i32 to vector<16xi32>
      %gather3A_1460 = tpu.vector_load_idx %arg9[%get3A_1250, %broadcast_in_dim3A_1459] : memref<128x128xf32, #tpu.memory_space<vmem>>[vector<16xi32>, vector<16xi32>], vector<16xf32>,
      tpu.vector_store_idx %arg8[%add3A_1256, %broadcast_in_dim3A_1459], %gather3A_1460 : memref<512x128xf32, #tpu.memory_space<vmem>>[vector<16xi32>, vector<16xi32>], vector<16xf32>,
      %broadcast_in_dim3A_1461 = arith.constant 68 : i32
      %broadcast_in_dim3A_1462 = vector.broadcast %broadcast_in_dim3A_1461 : i32 to vector<16xi32>
      %gather3A_1463 = tpu.vector_load_idx %arg9[%get3A_1250, %broadcast_in_dim3A_1462] : memref<128x128xf32, #tpu.memory_space<vmem>>[vector<16xi32>, vector<16xi32>], vector<16xf32>,
      tpu.vector_store_idx %arg8[%add3A_1256, %broadcast_in_dim3A_1462], %gather3A_1463 : memref<512x128xf32, #tpu.memory_space<vmem>>[vector<16xi32>, vector<16xi32>], vector<16xf32>,
      %broadcast_in_dim3A_1464 = arith.constant 69 : i32
      %broadcast_in_dim3A_1465 = vector.broadcast %broadcast_in_dim3A_1464 : i32 to vector<16xi32>
      %gather3A_1466 = tpu.vector_load_idx %arg9[%get3A_1250, %broadcast_in_dim3A_1465] : memref<128x128xf32, #tpu.memory_space<vmem>>[vector<16xi32>, vector<16xi32>], vector<16xf32>,
      tpu.vector_store_idx %arg8[%add3A_1256, %broadcast_in_dim3A_1465], %gather3A_1466 : memref<512x128xf32, #tpu.memory_space<vmem>>[vector<16xi32>, vector<16xi32>], vector<16xf32>,
      %broadcast_in_dim3A_1467 = arith.constant 70 : i32
      %broadcast_in_dim3A_1468 = vector.broadcast %broadcast_in_dim3A_1467 : i32 to vector<16xi32>
      %gather3A_1469 = tpu.vector_load_idx %arg9[%get3A_1250, %broadcast_in_dim3A_1468] : memref<128x128xf32, #tpu.memory_space<vmem>>[vector<16xi32>, vector<16xi32>], vector<16xf32>,
      tpu.vector_store_idx %arg8[%add3A_1256, %broadcast_in_dim3A_1468], %gather3A_1469 : memref<512x128xf32, #tpu.memory_space<vmem>>[vector<16xi32>, vector<16xi32>], vector<16xf32>,
      %broadcast_in_dim3A_1470 = arith.constant 71 : i32
      %broadcast_in_dim3A_1471 = vector.broadcast %broadcast_in_dim3A_1470 : i32 to vector<16xi32>
      %gather3A_1472 = tpu.vector_load_idx %arg9[%get3A_1250, %broadcast_in_dim3A_1471] : memref<128x128xf32, #tpu.memory_space<vmem>>[vector<16xi32>, vector<16xi32>], vector<16xf32>,
      tpu.vector_store_idx %arg8[%add3A_1256, %broadcast_in_dim3A_1471], %gather3A_1472 : memref<512x128xf32, #tpu.memory_space<vmem>>[vector<16xi32>, vector<16xi32>], vector<16xf32>,
      %broadcast_in_dim3A_1473 = arith.constant 72 : i32
      %broadcast_in_dim3A_1474 = vector.broadcast %broadcast_in_dim3A_1473 : i32 to vector<16xi32>
      %gather3A_1475 = tpu.vector_load_idx %arg9[%get3A_1250, %broadcast_in_dim3A_1474] : memref<128x128xf32, #tpu.memory_space<vmem>>[vector<16xi32>, vector<16xi32>], vector<16xf32>,
      tpu.vector_store_idx %arg8[%add3A_1256, %broadcast_in_dim3A_1474], %gather3A_1475 : memref<512x128xf32, #tpu.memory_space<vmem>>[vector<16xi32>, vector<16xi32>], vector<16xf32>,
      %broadcast_in_dim3A_1476 = arith.constant 73 : i32
      %broadcast_in_dim3A_1477 = vector.broadcast %broadcast_in_dim3A_1476 : i32 to vector<16xi32>
      %gather3A_1478 = tpu.vector_load_idx %arg9[%get3A_1250, %broadcast_in_dim3A_1477] : memref<128x128xf32, #tpu.memory_space<vmem>>[vector<16xi32>, vector<16xi32>], vector<16xf32>,
      tpu.vector_store_idx %arg8[%add3A_1256, %broadcast_in_dim3A_1477], %gather3A_1478 : memref<512x128xf32, #tpu.memory_space<vmem>>[vector<16xi32>, vector<16xi32>], vector<16xf32>,
      %broadcast_in_dim3A_1479 = arith.constant 74 : i32
      %broadcast_in_dim3A_1480 = vector.broadcast %broadcast_in_dim3A_1479 : i32 to vector<16xi32>
      %gather3A_1481 = tpu.vector_load_idx %arg9[%get3A_1250, %broadcast_in_dim3A_1480] : memref<128x128xf32, #tpu.memory_space<vmem>>[vector<16xi32>, vector<16xi32>], vector<16xf32>,
      tpu.vector_store_idx %arg8[%add3A_1256, %broadcast_in_dim3A_1480], %gather3A_1481 : memref<512x128xf32, #tpu.memory_space<vmem>>[vector<16xi32>, vector<16xi32>], vector<16xf32>,
      %broadcast_in_dim3A_1482 = arith.constant 75 : i32
      %broadcast_in_dim3A_1483 = vector.broadcast %broadcast_in_dim3A_1482 : i32 to vector<16xi32>
      %gather3A_1484 = tpu.vector_load_idx %arg9[%get3A_1250, %broadcast_in_dim3A_1483] : memref<128x128xf32, #tpu.memory_space<vmem>>[vector<16xi32>, vector<16xi32>], vector<16xf32>,
      tpu.vector_store_idx %arg8[%add3A_1256, %broadcast_in_dim3A_1483], %gather3A_1484 : memref<512x128xf32, #tpu.memory_space<vmem>>[vector<16xi32>, vector<16xi32>], vector<16xf32>,
      %broadcast_in_dim3A_1485 = arith.constant 76 : i32
      %broadcast_in_dim3A_1486 = vector.broadcast %broadcast_in_dim3A_1485 : i32 to vector<16xi32>
      %gather3A_1487 = tpu.vector_load_idx %arg9[%get3A_1250, %broadcast_in_dim3A_1486] : memref<128x128xf32, #tpu.memory_space<vmem>>[vector<16xi32>, vector<16xi32>], vector<16xf32>,
      tpu.vector_store_idx %arg8[%add3A_1256, %broadcast_in_dim3A_1486], %gather3A_1487 : memref<512x128xf32, #tpu.memory_space<vmem>>[vector<16xi32>, vector<16xi32>], vector<16xf32>,
      %broadcast_in_dim3A_1488 = arith.constant 77 : i32
      %broadcast_in_dim3A_1489 = vector.broadcast %broadcast_in_dim3A_1488 : i32 to vector<16xi32>
      %gather3A_1490 = tpu.vector_load_idx %arg9[%get3A_1250, %broadcast_in_dim3A_1489] : memref<128x128xf32, #tpu.memory_space<vmem>>[vector<16xi32>, vector<16xi32>], vector<16xf32>,
      tpu.vector_store_idx %arg8[%add3A_1256, %broadcast_in_dim3A_1489], %gather3A_1490 : memref<512x128xf32, #tpu.memory_space<vmem>>[vector<16xi32>, vector<16xi32>], vector<16xf32>,
      %broadcast_in_dim3A_1491 = arith.constant 78 : i32
      %broadcast_in_dim3A_1492 = vector.broadcast %broadcast_in_dim3A_1491 : i32 to vector<16xi32>
      %gather3A_1493 = tpu.vector_load_idx %arg9[%get3A_1250, %broadcast_in_dim3A_1492] : memref<128x128xf32, #tpu.memory_space<vmem>>[vector<16xi32>, vector<16xi32>], vector<16xf32>,
      tpu.vector_store_idx %arg8[%add3A_1256, %broadcast_in_dim3A_1492], %gather3A_1493 : memref<512x128xf32, #tpu.memory_space<vmem>>[vector<16xi32>, vector<16xi32>], vector<16xf32>,
      %broadcast_in_dim3A_1494 = arith.constant 79 : i32
      %broadcast_in_dim3A_1495 = vector.broadcast %broadcast_in_dim3A_1494 : i32 to vector<16xi32>
      %gather3A_1496 = tpu.vector_load_idx %arg9[%get3A_1250, %broadcast_in_dim3A_1495] : memref<128x128xf32, #tpu.memory_space<vmem>>[vector<16xi32>, vector<16xi32>], vector<16xf32>,
      tpu.vector_store_idx %arg8[%add3A_1256, %broadcast_in_dim3A_1495], %gather3A_1496 : memref<512x128xf32, #tpu.memory_space<vmem>>[vector<16xi32>, vector<16xi32>], vector<16xf32>,
      %broadcast_in_dim3A_1497 = arith.constant 80 : i32
      %broadcast_in_dim3A_1498 = vector.broadcast %broadcast_in_dim3A_1497 : i32 to vector<16xi32>
      %gather3A_1499 = tpu.vector_load_idx %arg9[%get3A_1250, %broadcast_in_dim3A_1498] : memref<128x128xf32, #tpu.memory_space<vmem>>[vector<16xi32>, vector<16xi32>], vector<16xf32>,
      tpu.vector_store_idx %arg8[%add3A_1256, %broadcast_in_dim3A_1498], %gather3A_1499 : memref<512x128xf32, #tpu.memory_space<vmem>>[vector<16xi32>, vector<16xi32>], vector<16xf32>,
      %broadcast_in_dim3A_1500 = arith.constant 81 : i32
      %broadcast_in_dim3A_1501 = vector.broadcast %broadcast_in_dim3A_1500 : i32 to vector<16xi32>
      %gather3A_1502 = tpu.vector_load_idx %arg9[%get3A_1250, %broadcast_in_dim3A_1501] : memref<128x128xf32, #tpu.memory_space<vmem>>[vector<16xi32>, vector<16xi32>], vector<16xf32>,
      tpu.vector_store_idx %arg8[%add3A_1256, %broadcast_in_dim3A_1501], %gather3A_1502 : memref<512x128xf32, #tpu.memory_space<vmem>>[vector<16xi32>, vector<16xi32>], vector<16xf32>,
      %broadcast_in_dim3A_1503 = arith.constant 82 : i32
      %broadcast_in_dim3A_1504 = vector.broadcast %broadcast_in_dim3A_1503 : i32 to vector<16xi32>
      %gather3A_1505 = tpu.vector_load_idx %arg9[%get3A_1250, %broadcast_in_dim3A_1504] : memref<128x128xf32, #tpu.memory_space<vmem>>[vector<16xi32>, vector<16xi32>], vector<16xf32>,
      tpu.vector_store_idx %arg8[%add3A_1256, %broadcast_in_dim3A_1504], %gather3A_1505 : memref<512x128xf32, #tpu.memory_space<vmem>>[vector<16xi32>, vector<16xi32>], vector<16xf32>,
      %broadcast_in_dim3A_1506 = arith.constant 83 : i32
      %broadcast_in_dim3A_1507 = vector.broadcast %broadcast_in_dim3A_1506 : i32 to vector<16xi32>
      %gather3A_1508 = tpu.vector_load_idx %arg9[%get3A_1250, %broadcast_in_dim3A_1507] : memref<128x128xf32, #tpu.memory_space<vmem>>[vector<16xi32>, vector<16xi32>], vector<16xf32>,
      tpu.vector_store_idx %arg8[%add3A_1256, %broadcast_in_dim3A_1507], %gather3A_1508 : memref<512x128xf32, #tpu.memory_space<vmem>>[vector<16xi32>, vector<16xi32>], vector<16xf32>,
      %broadcast_in_dim3A_1509 = arith.constant 84 : i32
      %broadcast_in_dim3A_1510 = vector.broadcast %broadcast_in_dim3A_1509 : i32 to vector<16xi32>
      %gather3A_1511 = tpu.vector_load_idx %arg9[%get3A_1250, %broadcast_in_dim3A_1510] : memref<128x128xf32, #tpu.memory_space<vmem>>[vector<16xi32>, vector<16xi32>], vector<16xf32>,
      tpu.vector_store_idx %arg8[%add3A_1256, %broadcast_in_dim3A_1510], %gather3A_1511 : memref<512x128xf32, #tpu.memory_space<vmem>>[vector<16xi32>, vector<16xi32>], vector<16xf32>,
      %broadcast_in_dim3A_1512 = arith.constant 85 : i32
      %broadcast_in_dim3A_1513 = vector.broadcast %broadcast_in_dim3A_1512 : i32 to vector<16xi32>
      %gather3A_1514 = tpu.vector_load_idx %arg9[%get3A_1250, %broadcast_in_dim3A_1513] : memref<128x128xf32, #tpu.memory_space<vmem>>[vector<16xi32>, vector<16xi32>], vector<16xf32>,
      tpu.vector_store_idx %arg8[%add3A_1256, %broadcast_in_dim3A_1513], %gather3A_1514 : memref<512x128xf32, #tpu.memory_space<vmem>>[vector<16xi32>, vector<16xi32>], vector<16xf32>,
      %broadcast_in_dim3A_1515 = arith.constant 86 : i32
      %broadcast_in_dim3A_1516 = vector.broadcast %broadcast_in_dim3A_1515 : i32 to vector<16xi32>
      %gather3A_1517 = tpu.vector_load_idx %arg9[%get3A_1250, %broadcast_in_dim3A_1516] : memref<128x128xf32, #tpu.memory_space<vmem>>[vector<16xi32>, vector<16xi32>], vector<16xf32>,
      tpu.vector_store_idx %arg8[%add3A_1256, %broadcast_in_dim3A_1516], %gather3A_1517 : memref<512x128xf32, #tpu.memory_space<vmem>>[vector<16xi32>, vector<16xi32>], vector<16xf32>,
      %broadcast_in_dim3A_1518 = arith.constant 87 : i32
      %broadcast_in_dim3A_1519 = vector.broadcast %broadcast_in_dim3A_1518 : i32 to vector<16xi32>
      %gather3A_1520 = tpu.vector_load_idx %arg9[%get3A_1250, %broadcast_in_dim3A_1519] : memref<128x128xf32, #tpu.memory_space<vmem>>[vector<16xi32>, vector<16xi32>], vector<16xf32>,
      tpu.vector_store_idx %arg8[%add3A_1256, %broadcast_in_dim3A_1519], %gather3A_1520 : memref<512x128xf32, #tpu.memory_space<vmem>>[vector<16xi32>, vector<16xi32>], vector<16xf32>,
      %broadcast_in_dim3A_1521 = arith.constant 88 : i32
      %broadcast_in_dim3A_1522 = vector.broadcast %broadcast_in_dim3A_1521 : i32 to vector<16xi32>
      %gather3A_1523 = tpu.vector_load_idx %arg9[%get3A_1250, %broadcast_in_dim3A_1522] : memref<128x128xf32, #tpu.memory_space<vmem>>[vector<16xi32>, vector<16xi32>], vector<16xf32>,
      tpu.vector_store_idx %arg8[%add3A_1256, %broadcast_in_dim3A_1522], %gather3A_1523 : memref<512x128xf32, #tpu.memory_space<vmem>>[vector<16xi32>, vector<16xi32>], vector<16xf32>,
      %broadcast_in_dim3A_1524 = arith.constant 89 : i32
      %broadcast_in_dim3A_1525 = vector.broadcast %broadcast_in_dim3A_1524 : i32 to vector<16xi32>
      %gather3A_1526 = tpu.vector_load_idx %arg9[%get3A_1250, %broadcast_in_dim3A_1525] : memref<128x128xf32, #tpu.memory_space<vmem>>[vector<16xi32>, vector<16xi32>], vector<16xf32>,
      tpu.vector_store_idx %arg8[%add3A_1256, %broadcast_in_dim3A_1525], %gather3A_1526 : memref<512x128xf32, #tpu.memory_space<vmem>>[vector<16xi32>, vector<16xi32>], vector<16xf32>,
      %broadcast_in_dim3A_1527 = arith.constant 90 : i32
      %broadcast_in_dim3A_1528 = vector.broadcast %broadcast_in_dim3A_1527 : i32 to vector<16xi32>
      %gather3A_1529 = tpu.vector_load_idx %arg9[%get3A_1250, %broadcast_in_dim3A_1528] : memref<128x128xf32, #tpu.memory_space<vmem>>[vector<16xi32>, vector<16xi32>], vector<16xf32>,
      tpu.vector_store_idx %arg8[%add3A_1256, %broadcast_in_dim3A_1528], %gather3A_1529 : memref<512x128xf32, #tpu.memory_space<vmem>>[vector<16xi32>, vector<16xi32>], vector<16xf32>,
      %broadcast_in_dim3A_1530 = arith.constant 91 : i32
      %broadcast_in_dim3A_1531 = vector.broadcast %broadcast_in_dim3A_1530 : i32 to vector<16xi32>
      %gather3A_1532 = tpu.vector_load_idx %arg9[%get3A_1250, %broadcast_in_dim3A_1531] : memref<128x128xf32, #tpu.memory_space<vmem>>[vector<16xi32>, vector<16xi32>], vector<16xf32>,
      tpu.vector_store_idx %arg8[%add3A_1256, %broadcast_in_dim3A_1531], %gather3A_1532 : memref<512x128xf32, #tpu.memory_space<vmem>>[vector<16xi32>, vector<16xi32>], vector<16xf32>,
      %broadcast_in_dim3A_1533 = arith.constant 92 : i32
      %broadcast_in_dim3A_1534 = vector.broadcast %broadcast_in_dim3A_1533 : i32 to vector<16xi32>
      %gather3A_1535 = tpu.vector_load_idx %arg9[%get3A_1250, %broadcast_in_dim3A_1534] : memref<128x128xf32, #tpu.memory_space<vmem>>[vector<16xi32>, vector<16xi32>], vector<16xf32>,
      tpu.vector_store_idx %arg8[%add3A_1256, %broadcast_in_dim3A_1534], %gather3A_1535 : memref<512x128xf32, #tpu.memory_space<vmem>>[vector<16xi32>, vector<16xi32>], vector<16xf32>,
      %broadcast_in_dim3A_1536 = arith.constant 93 : i32
      %broadcast_in_dim3A_1537 = vector.broadcast %broadcast_in_dim3A_1536 : i32 to vector<16xi32>
      %gather3A_1538 = tpu.vector_load_idx %arg9[%get3A_1250, %broadcast_in_dim3A_1537] : memref<128x128xf32, #tpu.memory_space<vmem>>[vector<16xi32>, vector<16xi32>], vector<16xf32>,
      tpu.vector_store_idx %arg8[%add3A_1256, %broadcast_in_dim3A_1537], %gather3A_1538 : memref<512x128xf32, #tpu.memory_space<vmem>>[vector<16xi32>, vector<16xi32>], vector<16xf32>,
      %broadcast_in_dim3A_1539 = arith.constant 94 : i32
      %broadcast_in_dim3A_1540 = vector.broadcast %broadcast_in_dim3A_1539 : i32 to vector<16xi32>
      %gather3A_1541 = tpu.vector_load_idx %arg9[%get3A_1250, %broadcast_in_dim3A_1540] : memref<128x128xf32, #tpu.memory_space<vmem>>[vector<16xi32>, vector<16xi32>], vector<16xf32>,
      tpu.vector_store_idx %arg8[%add3A_1256, %broadcast_in_dim3A_1540], %gather3A_1541 : memref<512x128xf32, #tpu.memory_space<vmem>>[vector<16xi32>, vector<16xi32>], vector<16xf32>,
      %broadcast_in_dim3A_1542 = arith.constant 95 : i32
      %broadcast_in_dim3A_1543 = vector.broadcast %broadcast_in_dim3A_1542 : i32 to vector<16xi32>
      %gather3A_1544 = tpu.vector_load_idx %arg9[%get3A_1250, %broadcast_in_dim3A_1543] : memref<128x128xf32, #tpu.memory_space<vmem>>[vector<16xi32>, vector<16xi32>], vector<16xf32>,
      tpu.vector_store_idx %arg8[%add3A_1256, %broadcast_in_dim3A_1543], %gather3A_1544 : memref<512x128xf32, #tpu.memory_space<vmem>>[vector<16xi32>, vector<16xi32>], vector<16xf32>,
      %broadcast_in_dim3A_1545 = arith.constant 96 : i32
      %broadcast_in_dim3A_1546 = vector.broadcast %broadcast_in_dim3A_1545 : i32 to vector<16xi32>
      %gather3A_1547 = tpu.vector_load_idx %arg9[%get3A_1250, %broadcast_in_dim3A_1546] : memref<128x128xf32, #tpu.memory_space<vmem>>[vector<16xi32>, vector<16xi32>], vector<16xf32>,
      tpu.vector_store_idx %arg8[%add3A_1256, %broadcast_in_dim3A_1546], %gather3A_1547 : memref<512x128xf32, #tpu.memory_space<vmem>>[vector<16xi32>, vector<16xi32>], vector<16xf32>,
      %broadcast_in_dim3A_1548 = arith.constant 97 : i32
      %broadcast_in_dim3A_1549 = vector.broadcast %broadcast_in_dim3A_1548 : i32 to vector<16xi32>
      %gather3A_1550 = tpu.vector_load_idx %arg9[%get3A_1250, %broadcast_in_dim3A_1549] : memref<128x128xf32, #tpu.memory_space<vmem>>[vector<16xi32>, vector<16xi32>], vector<16xf32>,
      tpu.vector_store_idx %arg8[%add3A_1256, %broadcast_in_dim3A_1549], %gather3A_1550 : memref<512x128xf32, #tpu.memory_space<vmem>>[vector<16xi32>, vector<16xi32>], vector<16xf32>,
      %broadcast_in_dim3A_1551 = arith.constant 98 : i32
      %broadcast_in_dim3A_1552 = vector.broadcast %broadcast_in_dim3A_1551 : i32 to vector<16xi32>
      %gather3A_1553 = tpu.vector_load_idx %arg9[%get3A_1250, %broadcast_in_dim3A_1552] : memref<128x128xf32, #tpu.memory_space<vmem>>[vector<16xi32>, vector<16xi32>], vector<16xf32>,
      tpu.vector_store_idx %arg8[%add3A_1256, %broadcast_in_dim3A_1552], %gather3A_1553 : memref<512x128xf32, #tpu.memory_space<vmem>>[vector<16xi32>, vector<16xi32>], vector<16xf32>,
      %broadcast_in_dim3A_1554 = arith.constant 99 : i32
      %broadcast_in_dim3A_1555 = vector.broadcast %broadcast_in_dim3A_1554 : i32 to vector<16xi32>
      %gather3A_1556 = tpu.vector_load_idx %arg9[%get3A_1250, %broadcast_in_dim3A_1555] : memref<128x128xf32, #tpu.memory_space<vmem>>[vector<16xi32>, vector<16xi32>], vector<16xf32>,
      tpu.vector_store_idx %arg8[%add3A_1256, %broadcast_in_dim3A_1555], %gather3A_1556 : memref<512x128xf32, #tpu.memory_space<vmem>>[vector<16xi32>, vector<16xi32>], vector<16xf32>,
      %broadcast_in_dim3A_1557 = arith.constant 100 : i32
      %broadcast_in_dim3A_1558 = vector.broadcast %broadcast_in_dim3A_1557 : i32 to vector<16xi32>
      %gather3A_1559 = tpu.vector_load_idx %arg9[%get3A_1250, %broadcast_in_dim3A_1558] : memref<128x128xf32, #tpu.memory_space<vmem>>[vector<16xi32>, vector<16xi32>], vector<16xf32>,
      tpu.vector_store_idx %arg8[%add3A_1256, %broadcast_in_dim3A_1558], %gather3A_1559 : memref<512x128xf32, #tpu.memory_space<vmem>>[vector<16xi32>, vector<16xi32>], vector<16xf32>,
      %broadcast_in_dim3A_1560 = arith.constant 101 : i32
      %broadcast_in_dim3A_1561 = vector.broadcast %broadcast_in_dim3A_1560 : i32 to vector<16xi32>
      %gather3A_1562 = tpu.vector_load_idx %arg9[%get3A_1250, %broadcast_in_dim3A_1561] : memref<128x128xf32, #tpu.memory_space<vmem>>[vector<16xi32>, vector<16xi32>], vector<16xf32>,
      tpu.vector_store_idx %arg8[%add3A_1256, %broadcast_in_dim3A_1561], %gather3A_1562 : memref<512x128xf32, #tpu.memory_space<vmem>>[vector<16xi32>, vector<16xi32>], vector<16xf32>,
      %broadcast_in_dim3A_1563 = arith.constant 102 : i32
      %broadcast_in_dim3A_1564 = vector.broadcast %broadcast_in_dim3A_1563 : i32 to vector<16xi32>
      %gather3A_1565 = tpu.vector_load_idx %arg9[%get3A_1250, %broadcast_in_dim3A_1564] : memref<128x128xf32, #tpu.memory_space<vmem>>[vector<16xi32>, vector<16xi32>], vector<16xf32>,
      tpu.vector_store_idx %arg8[%add3A_1256, %broadcast_in_dim3A_1564], %gather3A_1565 : memref<512x128xf32, #tpu.memory_space<vmem>>[vector<16xi32>, vector<16xi32>], vector<16xf32>,
      %broadcast_in_dim3A_1566 = arith.constant 103 : i32
      %broadcast_in_dim3A_1567 = vector.broadcast %broadcast_in_dim3A_1566 : i32 to vector<16xi32>
      %gather3A_1568 = tpu.vector_load_idx %arg9[%get3A_1250, %broadcast_in_dim3A_1567] : memref<128x128xf32, #tpu.memory_space<vmem>>[vector<16xi32>, vector<16xi32>], vector<16xf32>,
      tpu.vector_store_idx %arg8[%add3A_1256, %broadcast_in_dim3A_1567], %gather3A_1568 : memref<512x128xf32, #tpu.memory_space<vmem>>[vector<16xi32>, vector<16xi32>], vector<16xf32>,
      %broadcast_in_dim3A_1569 = arith.constant 104 : i32
      %broadcast_in_dim3A_1570 = vector.broadcast %broadcast_in_dim3A_1569 : i32 to vector<16xi32>
      %gather3A_1571 = tpu.vector_load_idx %arg9[%get3A_1250, %broadcast_in_dim3A_1570] : memref<128x128xf32, #tpu.memory_space<vmem>>[vector<16xi32>, vector<16xi32>], vector<16xf32>,
      tpu.vector_store_idx %arg8[%add3A_1256, %broadcast_in_dim3A_1570], %gather3A_1571 : memref<512x128xf32, #tpu.memory_space<vmem>>[vector<16xi32>, vector<16xi32>], vector<16xf32>,
      %broadcast_in_dim3A_1572 = arith.constant 105 : i32
      %broadcast_in_dim3A_1573 = vector.broadcast %broadcast_in_dim3A_1572 : i32 to vector<16xi32>
      %gather3A_1574 = tpu.vector_load_idx %arg9[%get3A_1250, %broadcast_in_dim3A_1573] : memref<128x128xf32, #tpu.memory_space<vmem>>[vector<16xi32>, vector<16xi32>], vector<16xf32>,
      tpu.vector_store_idx %arg8[%add3A_1256, %broadcast_in_dim3A_1573], %gather3A_1574 : memref<512x128xf32, #tpu.memory_space<vmem>>[vector<16xi32>, vector<16xi32>], vector<16xf32>,
      %broadcast_in_dim3A_1575 = arith.constant 106 : i32
      %broadcast_in_dim3A_1576 = vector.broadcast %broadcast_in_dim3A_1575 : i32 to vector<16xi32>
      %gather3A_1577 = tpu.vector_load_idx %arg9[%get3A_1250, %broadcast_in_dim3A_1576] : memref<128x128xf32, #tpu.memory_space<vmem>>[vector<16xi32>, vector<16xi32>], vector<16xf32>,
      tpu.vector_store_idx %arg8[%add3A_1256, %broadcast_in_dim3A_1576], %gather3A_1577 : memref<512x128xf32, #tpu.memory_space<vmem>>[vector<16xi32>, vector<16xi32>], vector<16xf32>,
      %broadcast_in_dim3A_1578 = arith.constant 107 : i32
      %broadcast_in_dim3A_1579 = vector.broadcast %broadcast_in_dim3A_1578 : i32 to vector<16xi32>
      %gather3A_1580 = tpu.vector_load_idx %arg9[%get3A_1250, %broadcast_in_dim3A_1579] : memref<128x128xf32, #tpu.memory_space<vmem>>[vector<16xi32>, vector<16xi32>], vector<16xf32>,
      tpu.vector_store_idx %arg8[%add3A_1256, %broadcast_in_dim3A_1579], %gather3A_1580 : memref<512x128xf32, #tpu.memory_space<vmem>>[vector<16xi32>, vector<16xi32>], vector<16xf32>,
      %broadcast_in_dim3A_1581 = arith.constant 108 : i32
      %broadcast_in_dim3A_1582 = vector.broadcast %broadcast_in_dim3A_1581 : i32 to vector<16xi32>
      %gather3A_1583 = tpu.vector_load_idx %arg9[%get3A_1250, %broadcast_in_dim3A_1582] : memref<128x128xf32, #tpu.memory_space<vmem>>[vector<16xi32>, vector<16xi32>], vector<16xf32>,
      tpu.vector_store_idx %arg8[%add3A_1256, %broadcast_in_dim3A_1582], %gather3A_1583 : memref<512x128xf32, #tpu.memory_space<vmem>>[vector<16xi32>, vector<16xi32>], vector<16xf32>,
      %broadcast_in_dim3A_1584 = arith.constant 109 : i32
      %broadcast_in_dim3A_1585 = vector.broadcast %broadcast_in_dim3A_1584 : i32 to vector<16xi32>
      %gather3A_1586 = tpu.vector_load_idx %arg9[%get3A_1250, %broadcast_in_dim3A_1585] : memref<128x128xf32, #tpu.memory_space<vmem>>[vector<16xi32>, vector<16xi32>], vector<16xf32>,
      tpu.vector_store_idx %arg8[%add3A_1256, %broadcast_in_dim3A_1585], %gather3A_1586 : memref<512x128xf32, #tpu.memory_space<vmem>>[vector<16xi32>, vector<16xi32>], vector<16xf32>,
      %broadcast_in_dim3A_1587 = arith.constant 110 : i32
      %broadcast_in_dim3A_1588 = vector.broadcast %broadcast_in_dim3A_1587 : i32 to vector<16xi32>
      %gather3A_1589 = tpu.vector_load_idx %arg9[%get3A_1250, %broadcast_in_dim3A_1588] : memref<128x128xf32, #tpu.memory_space<vmem>>[vector<16xi32>, vector<16xi32>], vector<16xf32>,
      tpu.vector_store_idx %arg8[%add3A_1256, %broadcast_in_dim3A_1588], %gather3A_1589 : memref<512x128xf32, #tpu.memory_space<vmem>>[vector<16xi32>, vector<16xi32>], vector<16xf32>,
      %broadcast_in_dim3A_1590 = arith.constant 111 : i32
      %broadcast_in_dim3A_1591 = vector.broadcast %broadcast_in_dim3A_1590 : i32 to vector<16xi32>
      %gather3A_1592 = tpu.vector_load_idx %arg9[%get3A_1250, %broadcast_in_dim3A_1591] : memref<128x128xf32, #tpu.memory_space<vmem>>[vector<16xi32>, vector<16xi32>], vector<16xf32>,
      tpu.vector_store_idx %arg8[%add3A_1256, %broadcast_in_dim3A_1591], %gather3A_1592 : memref<512x128xf32, #tpu.memory_space<vmem>>[vector<16xi32>, vector<16xi32>], vector<16xf32>,
      %broadcast_in_dim3A_1593 = arith.constant 112 : i32
      %broadcast_in_dim3A_1594 = vector.broadcast %broadcast_in_dim3A_1593 : i32 to vector<16xi32>
      %gather3A_1595 = tpu.vector_load_idx %arg9[%get3A_1250, %broadcast_in_dim3A_1594] : memref<128x128xf32, #tpu.memory_space<vmem>>[vector<16xi32>, vector<16xi32>], vector<16xf32>,
      tpu.vector_store_idx %arg8[%add3A_1256, %broadcast_in_dim3A_1594], %gather3A_1595 : memref<512x128xf32, #tpu.memory_space<vmem>>[vector<16xi32>, vector<16xi32>], vector<16xf32>,
      %broadcast_in_dim3A_1596 = arith.constant 113 : i32
      %broadcast_in_dim3A_1597 = vector.broadcast %broadcast_in_dim3A_1596 : i32 to vector<16xi32>
      %gather3A_1598 = tpu.vector_load_idx %arg9[%get3A_1250, %broadcast_in_dim3A_1597] : memref<128x128xf32, #tpu.memory_space<vmem>>[vector<16xi32>, vector<16xi32>], vector<16xf32>,
      tpu.vector_store_idx %arg8[%add3A_1256, %broadcast_in_dim3A_1597], %gather3A_1598 : memref<512x128xf32, #tpu.memory_space<vmem>>[vector<16xi32>, vector<16xi32>], vector<16xf32>,
      %broadcast_in_dim3A_1599 = arith.constant 114 : i32
      %broadcast_in_dim3A_1600 = vector.broadcast %broadcast_in_dim3A_1599 : i32 to vector<16xi32>
      %gather3A_1601 = tpu.vector_load_idx %arg9[%get3A_1250, %broadcast_in_dim3A_1600] : memref<128x128xf32, #tpu.memory_space<vmem>>[vector<16xi32>, vector<16xi32>], vector<16xf32>,
      tpu.vector_store_idx %arg8[%add3A_1256, %broadcast_in_dim3A_1600], %gather3A_1601 : memref<512x128xf32, #tpu.memory_space<vmem>>[vector<16xi32>, vector<16xi32>], vector<16xf32>,
      %broadcast_in_dim3A_1602 = arith.constant 115 : i32
      %broadcast_in_dim3A_1603 = vector.broadcast %broadcast_in_dim3A_1602 : i32 to vector<16xi32>
      %gather3A_1604 = tpu.vector_load_idx %arg9[%get3A_1250, %broadcast_in_dim3A_1603] : memref<128x128xf32, #tpu.memory_space<vmem>>[vector<16xi32>, vector<16xi32>], vector<16xf32>,
      tpu.vector_store_idx %arg8[%add3A_1256, %broadcast_in_dim3A_1603], %gather3A_1604 : memref<512x128xf32, #tpu.memory_space<vmem>>[vector<16xi32>, vector<16xi32>], vector<16xf32>,
      %broadcast_in_dim3A_1605 = arith.constant 116 : i32
      %broadcast_in_dim3A_1606 = vector.broadcast %broadcast_in_dim3A_1605 : i32 to vector<16xi32>
      %gather3A_1607 = tpu.vector_load_idx %arg9[%get3A_1250, %broadcast_in_dim3A_1606] : memref<128x128xf32, #tpu.memory_space<vmem>>[vector<16xi32>, vector<16xi32>], vector<16xf32>,
      tpu.vector_store_idx %arg8[%add3A_1256, %broadcast_in_dim3A_1606], %gather3A_1607 : memref<512x128xf32, #tpu.memory_space<vmem>>[vector<16xi32>, vector<16xi32>], vector<16xf32>,
      %broadcast_in_dim3A_1608 = arith.constant 117 : i32
      %broadcast_in_dim3A_1609 = vector.broadcast %broadcast_in_dim3A_1608 : i32 to vector<16xi32>
      %gather3A_1610 = tpu.vector_load_idx %arg9[%get3A_1250, %broadcast_in_dim3A_1609] : memref<128x128xf32, #tpu.memory_space<vmem>>[vector<16xi32>, vector<16xi32>], vector<16xf32>,
      tpu.vector_store_idx %arg8[%add3A_1256, %broadcast_in_dim3A_1609], %gather3A_1610 : memref<512x128xf32, #tpu.memory_space<vmem>>[vector<16xi32>, vector<16xi32>], vector<16xf32>,
      %broadcast_in_dim3A_1611 = arith.constant 118 : i32
      %broadcast_in_dim3A_1612 = vector.broadcast %broadcast_in_dim3A_1611 : i32 to vector<16xi32>
      %gather3A_1613 = tpu.vector_load_idx %arg9[%get3A_1250, %broadcast_in_dim3A_1612] : memref<128x128xf32, #tpu.memory_space<vmem>>[vector<16xi32>, vector<16xi32>], vector<16xf32>,
      tpu.vector_store_idx %arg8[%add3A_1256, %broadcast_in_dim3A_1612], %gather3A_1613 : memref<512x128xf32, #tpu.memory_space<vmem>>[vector<16xi32>, vector<16xi32>], vector<16xf32>,
      %broadcast_in_dim3A_1614 = arith.constant 119 : i32
      %broadcast_in_dim3A_1615 = vector.broadcast %broadcast_in_dim3A_1614 : i32 to vector<16xi32>
      %gather3A_1616 = tpu.vector_load_idx %arg9[%get3A_1250, %broadcast_in_dim3A_1615] : memref<128x128xf32, #tpu.memory_space<vmem>>[vector<16xi32>, vector<16xi32>], vector<16xf32>,
      tpu.vector_store_idx %arg8[%add3A_1256, %broadcast_in_dim3A_1615], %gather3A_1616 : memref<512x128xf32, #tpu.memory_space<vmem>>[vector<16xi32>, vector<16xi32>], vector<16xf32>,
      %broadcast_in_dim3A_1617 = arith.constant 120 : i32
      %broadcast_in_dim3A_1618 = vector.broadcast %broadcast_in_dim3A_1617 : i32 to vector<16xi32>
      %gather3A_1619 = tpu.vector_load_idx %arg9[%get3A_1250, %broadcast_in_dim3A_1618] : memref<128x128xf32, #tpu.memory_space<vmem>>[vector<16xi32>, vector<16xi32>], vector<16xf32>,
      tpu.vector_store_idx %arg8[%add3A_1256, %broadcast_in_dim3A_1618], %gather3A_1619 : memref<512x128xf32, #tpu.memory_space<vmem>>[vector<16xi32>, vector<16xi32>], vector<16xf32>,
      %broadcast_in_dim3A_1620 = arith.constant 121 : i32
      %broadcast_in_dim3A_1621 = vector.broadcast %broadcast_in_dim3A_1620 : i32 to vector<16xi32>
      %gather3A_1622 = tpu.vector_load_idx %arg9[%get3A_1250, %broadcast_in_dim3A_1621] : memref<128x128xf32, #tpu.memory_space<vmem>>[vector<16xi32>, vector<16xi32>], vector<16xf32>,
      tpu.vector_store_idx %arg8[%add3A_1256, %broadcast_in_dim3A_1621], %gather3A_1622 : memref<512x128xf32, #tpu.memory_space<vmem>>[vector<16xi32>, vector<16xi32>], vector<16xf32>,
      %broadcast_in_dim3A_1623 = arith.constant 122 : i32
      %broadcast_in_dim3A_1624 = vector.broadcast %broadcast_in_dim3A_1623 : i32 to vector<16xi32>
      %gather3A_1625 = tpu.vector_load_idx %arg9[%get3A_1250, %broadcast_in_dim3A_1624] : memref<128x128xf32, #tpu.memory_space<vmem>>[vector<16xi32>, vector<16xi32>], vector<16xf32>,
      tpu.vector_store_idx %arg8[%add3A_1256, %broadcast_in_dim3A_1624], %gather3A_1625 : memref<512x128xf32, #tpu.memory_space<vmem>>[vector<16xi32>, vector<16xi32>], vector<16xf32>,
      %broadcast_in_dim3A_1626 = arith.constant 123 : i32
      %broadcast_in_dim3A_1627 = vector.broadcast %broadcast_in_dim3A_1626 : i32 to vector<16xi32>
      %gather3A_1628 = tpu.vector_load_idx %arg9[%get3A_1250, %broadcast_in_dim3A_1627] : memref<128x128xf32, #tpu.memory_space<vmem>>[vector<16xi32>, vector<16xi32>], vector<16xf32>,
      tpu.vector_store_idx %arg8[%add3A_1256, %broadcast_in_dim3A_1627], %gather3A_1628 : memref<512x128xf32, #tpu.memory_space<vmem>>[vector<16xi32>, vector<16xi32>], vector<16xf32>,
      %broadcast_in_dim3A_1629 = arith.constant 124 : i32
      %broadcast_in_dim3A_1630 = vector.broadcast %broadcast_in_dim3A_1629 : i32 to vector<16xi32>
      %gather3A_1631 = tpu.vector_load_idx %arg9[%get3A_1250, %broadcast_in_dim3A_1630] : memref<128x128xf32, #tpu.memory_space<vmem>>[vector<16xi32>, vector<16xi32>], vector<16xf32>,
      tpu.vector_store_idx %arg8[%add3A_1256, %broadcast_in_dim3A_1630], %gather3A_1631 : memref<512x128xf32, #tpu.memory_space<vmem>>[vector<16xi32>, vector<16xi32>], vector<16xf32>,
      %broadcast_in_dim3A_1632 = arith.constant 125 : i32
      %broadcast_in_dim3A_1633 = vector.broadcast %broadcast_in_dim3A_1632 : i32 to vector<16xi32>
      %gather3A_1634 = tpu.vector_load_idx %arg9[%get3A_1250, %broadcast_in_dim3A_1633] : memref<128x128xf32, #tpu.memory_space<vmem>>[vector<16xi32>, vector<16xi32>], vector<16xf32>,
      tpu.vector_store_idx %arg8[%add3A_1256, %broadcast_in_dim3A_1633], %gather3A_1634 : memref<512x128xf32, #tpu.memory_space<vmem>>[vector<16xi32>, vector<16xi32>], vector<16xf32>,
      %broadcast_in_dim3A_1635 = arith.constant 126 : i32
      %broadcast_in_dim3A_1636 = vector.broadcast %broadcast_in_dim3A_1635 : i32 to vector<16xi32>
      %gather3A_1637 = tpu.vector_load_idx %arg9[%get3A_1250, %broadcast_in_dim3A_1636] : memref<128x128xf32, #tpu.memory_space<vmem>>[vector<16xi32>, vector<16xi32>], vector<16xf32>,
      tpu.vector_store_idx %arg8[%add3A_1256, %broadcast_in_dim3A_1636], %gather3A_1637 : memref<512x128xf32, #tpu.memory_space<vmem>>[vector<16xi32>, vector<16xi32>], vector<16xf32>,
      %broadcast_in_dim3A_1638 = arith.constant 127 : i32
      %broadcast_in_dim3A_1639 = vector.broadcast %broadcast_in_dim3A_1638 : i32 to vector<16xi32>
      %gather3A_1640 = tpu.vector_load_idx %arg9[%get3A_1250, %broadcast_in_dim3A_1639] : memref<128x128xf32, #tpu.memory_space<vmem>>[vector<16xi32>, vector<16xi32>], vector<16xf32>,
      tpu.vector_store_idx %arg8[%add3A_1256, %broadcast_in_dim3A_1639], %gather3A_1640 : memref<512x128xf32, #tpu.memory_space<vmem>>[vector<16xi32>, vector<16xi32>], vector<16xf32>,
      %dma_wait3A_1641 = arith.constant 0 : i32
      %dma_wait3A_1642 = arith.constant 0 : i32
      %dma_wait3A_1643 = arith.constant 0 : i32
      %dma_wait3A_1644 = tpu.memref_slice %arg8[%dma_wait3A_1642, %dma_wait3A_1643] : memref<512x128xf32, #tpu.memory_space<vmem>> -> memref<64x128xf32, #tpu.memory_space<vmem>>
      %dma_wait3A_1645 = arith.constant 0 : i32
      %dma_wait3A_1646 = tpu.memref_slice %arg6[%dma_wait3A_1641, %dma_wait3A_1645] : memref<128x64xi32, #tpu.memory_space<vmem>> -> memref<1x64xi32, #tpu.memory_space<vmem>>
      %dma_wait3A_1647 = tpu.memref_squeeze %dma_wait3A_1646 : memref<1x64xi32, #tpu.memory_space<vmem>> -> memref<64xi32, #tpu.memory_space<vmem>>
      %dma_wait3A_1648 = arith.constant 0 : i32
      %dma_wait3A_1649 = arith.constant 0 : i32
      %dma_wait3A_1650 = tpu.memref_slice %arg10[%dma_wait3A_1648, %dma_wait3A_1649] : memref<128x128xf32, #tpu.memory_space<vmem_shared>> -> memref<128x128xf32, #tpu.memory_space<vmem_shared>>
      tpu.wait_indirect_dma semaphore(%arg11 : memref<!tpu.dma_semaphore, #tpu.memory_space<semaphore_mem>>) src(%dma_wait3A_1650 : memref<128x128xf32, #tpu.memory_space<vmem_shared>>) dst(%dma_wait3A_1644 : memref<64x128xf32, #tpu.memory_space<vmem>>)
      %mul3A_1651 = arith.constant 128 : i32
      %mul3A_1652 = arith.muli %scan3A_68, %mul3A_1651 : i32
      %add3A_1653 = arith.addi %mul3A_2, %mul3A_1652 : i32
      %dma_start3A_1654 = arith.constant 0 : i32
      %dma_start3A_1655 = tpu.memref_slice %arg8[%mul3A_71, %dma_start3A_1654] : memref<512x128xf32, #tpu.memory_space<vmem>> -> memref<128x128xf32, #tpu.memory_space<vmem>>
      %dma_start3A_1656 = arith.constant 0 : i32
      %dma_start3A_1657 = tpu.memref_slice %arg5[%add3A_1653, %dma_start3A_1656] : memref<524288x128xf32, #tpu.memory_space<hbm>> -> memref<128x128xf32, #tpu.memory_space<hbm>>
      %dma_start3A_1658 = arith.constant 0 : i32
      %dma_start3A_1659 = tpu.memref_slice %arg5[%add3A_1653, %dma_start3A_1658] : memref<524288x128xf32, #tpu.memory_space<hbm>> -> memref<128x128xf32, #tpu.memory_space<hbm>>
      %dma_start3A_1660 = arith.constant 0 : i32
      %dma_start3A_1661 = tpu.memref_slice %arg8[%mul3A_71, %dma_start3A_1660] : memref<512x128xf32, #tpu.memory_space<vmem>> -> memref<128x128xf32, #tpu.memory_space<vmem>>
      tpu.enqueue_dma source(%dma_start3A_1661 : memref<128x128xf32, #tpu.memory_space<vmem>>) target(%dma_start3A_1659 : memref<128x128xf32, #tpu.memory_space<hbm>>) target_semaphore(%arg12 : memref<!tpu.dma_semaphore, #tpu.memory_space<semaphore_mem>>)
      %add3A_1662 = arith.constant 2 : i32
      %add3A_1663 = arith.addi %scan3A_68, %add3A_1662 : i32
      %lt3A = arith.constant 128 : i32
      %lt3A_1664 = arith.cmpi slt, %add3A_1663, %lt3A : i32
      %convert_element_type3A_1665 = arith.extui %lt3A_1664 : i1 to i32
      %cond3A_1666 = arith.constant 0 : i32
      %cond3A_1667 = arith.cmpi ne, %convert_element_type3A_1665, %cond3A_1666 : i32
      scf.if %cond3A_1667 {
        %add3A_1668 = arith.constant 2 : i32
        %add3A_1669 = arith.addi %scan3A_68, %add3A_1668 : i32
        %rem3A_1670 = arith.constant 4 : i32
        %rem3A_1671 = arith.remsi %add3A_1669, %rem3A_1670 : i32
        %ge3A = arith.constant 2 : i32
        %ge3A_1672 = arith.cmpi sge, %scan3A_68, %ge3A : i32
        %convert_element_type3A_1673 = arith.extui %ge3A_1672 : i1 to i32
        %cond3A_1674 = arith.constant 0 : i32
        %cond3A_1675 = arith.cmpi ne, %convert_element_type3A_1673, %cond3A_1674 : i32
        scf.if %cond3A_1675 {
          %dma_wait3A_1688 = arith.constant 0 : i32
          %dma_wait3A_1689 = arith.constant 0 : i32
          %dma_wait3A_1690 = tpu.memref_slice %arg8[%dma_wait3A_1688, %dma_wait3A_1689] : memref<512x128xf32, #tpu.memory_space<vmem>> -> memref<128x128xf32, #tpu.memory_space<vmem>>
          %dma_wait3A_1691 = arith.constant 0 : i32
          %dma_wait3A_1692 = tpu.memref_slice %arg5[%mul3A_2, %dma_wait3A_1691] : memref<524288x128xf32, #tpu.memory_space<hbm>> -> memref<128x128xf32, #tpu.memory_space<hbm>>
          %dma_wait3A_1693 = arith.constant 0 : i32
          %dma_wait3A_1694 = tpu.memref_slice %arg5[%mul3A_2, %dma_wait3A_1693] : memref<524288x128xf32, #tpu.memory_space<hbm>> -> memref<128x128xf32, #tpu.memory_space<hbm>>
          %dma_wait3A_1695 = arith.constant 0 : i32
          %dma_wait3A_1696 = arith.constant 0 : i32
          %dma_wait3A_1697 = tpu.memref_slice %arg8[%dma_wait3A_1695, %dma_wait3A_1696] : memref<512x128xf32, #tpu.memory_space<vmem>> -> memref<128x128xf32, #tpu.memory_space<vmem>>
          tpu.wait_dma2 semaphore(%arg12 : memref<!tpu.dma_semaphore, #tpu.memory_space<semaphore_mem>>) src(%dma_wait3A_1697 : memref<128x128xf32, #tpu.memory_space<vmem>>) dst(%dma_wait3A_1694 : memref<128x128xf32, #tpu.memory_space<hbm>>)
        } else {
        }
        %add3A_1676 = arith.constant 2 : i32
        %add3A_1677 = arith.addi %scan3A_68, %add3A_1676 : i32
        %mul3A_1678 = arith.constant 128 : i32
        %mul3A_1679 = arith.muli %rem3A_1671, %mul3A_1678 : i32
        %dma_start3A_1680 = arith.constant 0 : i32
        %dma_start3A_1681 = tpu.memref_slice %arg8[%mul3A_1679, %dma_start3A_1680] : memref<512x128xf32, #tpu.memory_space<vmem>> -> memref<64x128xf32, #tpu.memory_space<vmem>>
        %dma_start3A_1682 = arith.constant 0 : i32
        %dma_start3A_1683 = tpu.memref_slice %arg6[%add3A_1677, %dma_start3A_1682] : memref<128x64xi32, #tpu.memory_space<vmem>> -> memref<1x64xi32, #tpu.memory_space<vmem>>
        %dma_start3A_1684 = tpu.memref_squeeze %dma_start3A_1683 : memref<1x64xi32, #tpu.memory_space<vmem>> -> memref<64xi32, #tpu.memory_space<vmem>>
        %dma_start3A_1685 = arith.constant 0 : i32
        %dma_start3A_1686 = arith.constant 0 : i32
        %dma_start3A_1687 = tpu.memref_slice %arg10[%dma_start3A_1685, %dma_start3A_1686] : memref<128x128xf32, #tpu.memory_space<vmem_shared>> -> memref<128x128xf32, #tpu.memory_space<vmem_shared>>
        tpu.enqueue_indirect_dma source(%dma_start3A_1687 : memref<128x128xf32, #tpu.memory_space<vmem_shared>>) target(%dma_start3A_1681 : memref<64x128xf32, #tpu.memory_space<vmem>>) offsets(%dma_start3A_1684 : memref<64xi32, #tpu.memory_space<vmem>>) semaphore(%arg11 : memref<!tpu.dma_semaphore, #tpu.memory_space<semaphore_mem>>)
      } else {
      }
    }
    %scan3A_28 = arith.constant 128 : i32
    %dma_wait3A = arith.constant 0 : i32
    %dma_wait3A_29 = arith.constant 0 : i32
    %dma_wait3A_30 = tpu.memref_slice %arg8[%dma_wait3A, %dma_wait3A_29] : memref<512x128xf32, #tpu.memory_space<vmem>> -> memref<128x128xf32, #tpu.memory_space<vmem>>
    %dma_wait3A_31 = arith.constant 0 : i32
    %dma_wait3A_32 = tpu.memref_slice %arg5[%mul3A_2, %dma_wait3A_31] : memref<524288x128xf32, #tpu.memory_space<hbm>> -> memref<128x128xf32, #tpu.memory_space<hbm>>
    %dma_wait3A_33 = arith.constant 0 : i32
    %dma_wait3A_34 = tpu.memref_slice %arg5[%mul3A_2, %dma_wait3A_33] : memref<524288x128xf32, #tpu.memory_space<hbm>> -> memref<128x128xf32, #tpu.memory_space<hbm>>
    %dma_wait3A_35 = arith.constant 0 : i32
    %dma_wait3A_36 = arith.constant 0 : i32
    %dma_wait3A_37 = tpu.memref_slice %arg8[%dma_wait3A_35, %dma_wait3A_36] : memref<512x128xf32, #tpu.memory_space<vmem>> -> memref<128x128xf32, #tpu.memory_space<vmem>>
    tpu.wait_dma2 semaphore(%arg12 : memref<!tpu.dma_semaphore, #tpu.memory_space<semaphore_mem>>) src(%dma_wait3A_37 : memref<128x128xf32, #tpu.memory_space<vmem>>) dst(%dma_wait3A_34 : memref<128x128xf32, #tpu.memory_space<hbm>>)
    %dma_wait3A_38 = arith.constant 0 : i32
    %dma_wait3A_39 = arith.constant 0 : i32
    %dma_wait3A_40 = tpu.memref_slice %arg8[%dma_wait3A_38, %dma_wait3A_39] : memref<512x128xf32, #tpu.memory_space<vmem>> -> memref<128x128xf32, #tpu.memory_space<vmem>>
    %dma_wait3A_41 = arith.constant 0 : i32
    %dma_wait3A_42 = tpu.memref_slice %arg5[%mul3A_2, %dma_wait3A_41] : memref<524288x128xf32, #tpu.memory_space<hbm>> -> memref<128x128xf32, #tpu.memory_space<hbm>>
    %dma_wait3A_43 = arith.constant 0 : i32
    %dma_wait3A_44 = tpu.memref_slice %arg5[%mul3A_2, %dma_wait3A_43] : memref<524288x128xf32, #tpu.memory_space<hbm>> -> memref<128x128xf32, #tpu.memory_space<hbm>>
    %dma_wait3A_45 = arith.constant 0 : i32
    %dma_wait3A_46 = arith.constant 0 : i32
    %dma_wait3A_47 = tpu.memref_slice %arg8[%dma_wait3A_45, %dma_wait3A_46] : memref<512x128xf32, #tpu.memory_space<vmem>> -> memref<128x128xf32, #tpu.memory_space<vmem>>
    tpu.wait_dma2 semaphore(%arg12 : memref<!tpu.dma_semaphore, #tpu.memory_space<semaphore_mem>>) src(%dma_wait3A_47 : memref<128x128xf32, #tpu.memory_space<vmem>>) dst(%dma_wait3A_44 : memref<128x128xf32, #tpu.memory_space<hbm>>)
    %dma_wait3A_48 = arith.constant 0 : i32
    %dma_wait3A_49 = arith.constant 0 : i32
    %dma_wait3A_50 = tpu.memref_slice %arg8[%dma_wait3A_48, %dma_wait3A_49] : memref<512x128xf32, #tpu.memory_space<vmem>> -> memref<128x128xf32, #tpu.memory_space<vmem>>
    %dma_wait3A_51 = arith.constant 0 : i32
    %dma_wait3A_52 = tpu.memref_slice %arg5[%mul3A_2, %dma_wait3A_51] : memref<524288x128xf32, #tpu.memory_space<hbm>> -> memref<128x128xf32, #tpu.memory_space<hbm>>
    %dma_wait3A_53 = arith.constant 0 : i32
    %dma_wait3A_54 = tpu.memref_slice %arg5[%mul3A_2, %dma_wait3A_53] : memref<524288x128xf32, #tpu.memory_space<hbm>> -> memref<128x128xf32, #tpu.memory_space<hbm>>
    %dma_wait3A_55 = arith.constant 0 : i32
    %dma_wait3A_56 = arith.constant 0 : i32
    %dma_wait3A_57 = tpu.memref_slice %arg8[%dma_wait3A_55, %dma_wait3A_56] : memref<512x128xf32, #tpu.memory_space<vmem>> -> memref<128x128xf32, #tpu.memory_space<vmem>>
    tpu.wait_dma2 semaphore(%arg12 : memref<!tpu.dma_semaphore, #tpu.memory_space<semaphore_mem>>) src(%dma_wait3A_57 : memref<128x128xf32, #tpu.memory_space<vmem>>) dst(%dma_wait3A_54 : memref<128x128xf32, #tpu.memory_space<hbm>>)
    %dma_wait3A_58 = arith.constant 0 : i32
    %dma_wait3A_59 = arith.constant 0 : i32
    %dma_wait3A_60 = tpu.memref_slice %arg8[%dma_wait3A_58, %dma_wait3A_59] : memref<512x128xf32, #tpu.memory_space<vmem>> -> memref<128x128xf32, #tpu.memory_space<vmem>>
    %dma_wait3A_61 = arith.constant 0 : i32
    %dma_wait3A_62 = tpu.memref_slice %arg5[%mul3A_2, %dma_wait3A_61] : memref<524288x128xf32, #tpu.memory_space<hbm>> -> memref<128x128xf32, #tpu.memory_space<hbm>>
    %dma_wait3A_63 = arith.constant 0 : i32
    %dma_wait3A_64 = tpu.memref_slice %arg5[%mul3A_2, %dma_wait3A_63] : memref<524288x128xf32, #tpu.memory_space<hbm>> -> memref<128x128xf32, #tpu.memory_space<hbm>>
    %dma_wait3A_65 = arith.constant 0 : i32
    %dma_wait3A_66 = arith.constant 0 : i32
    %dma_wait3A_67 = tpu.memref_slice %arg8[%dma_wait3A_65, %dma_wait3A_66] : memref<512x128xf32, #tpu.memory_space<vmem>> -> memref<128x128xf32, #tpu.memory_space<vmem>>
    tpu.wait_dma2 semaphore(%arg12 : memref<!tpu.dma_semaphore, #tpu.memory_space<semaphore_mem>>) src(%dma_wait3A_67 : memref<128x128xf32, #tpu.memory_space<vmem>>) dst(%dma_wait3A_64 : memref<128x128xf32, #tpu.memory_space<hbm>>)
    return
  }
}

</mosaic_0001>

<sc_bundles>
// kernel: kernel.3.cloned.1.call-start
scs
__scs_entry_jumppad:
0x0: {  	(pc) =	sbr.rel $0x88, $3  }
0x1: {  	(tag) =	ssettag $0x0;
	lr =	simm.s32 $0x1  }
0x2: {  	[smem:$0x3F9F] =	sst lr;
	_ =	strace $0xD0000000  }
0x3: {  	_ = 	snop  }
0x4: {  	_ = 	snop  }
0x5: {  	_ = 	snop  }
0x6: {  	_ = 	snop  }
0x7: {  	_ = 	snop  }
__scs_overlays_trampoline_lowered:
0x8: {  	[smem:$0x3FAE] =	sst s0  }
0x9: {  	[smem:$0x3FAF] =	sst s1  }
0xa: {  	[smem:$0x3FB0] =	sst s2  }
0xb: {  	[smem:$0x3FB1] =	sst s3  }
0xc: {  	[smem:$0x3FB2] =	sst s4  }
0xd: {  	[smem:$0x3FB3] =	sst s5  }
0xe: {  	[smem:$0x3FB4] =	sst s6  }
0xf: {  	[smem:$0x3FB5] =	sst s7  }
0x10: {  	[smem:$0x3FB6] =	sst s8  }
0x11: {  	[smem:$0x3FB7] =	sst s9;
	s0 =	simm.s32 @!p0 $0x0  }
0x12: {  	s1 =	sld [smem:$0x3F9D];
	s0 =	simm.s32 @p0 $0x1  }
0x13: {  	[smem:$0x3FB8] =	sst s0;
	s0 =	simm.s32 @!p1 $0x0  }
0x14: {  	s2 =	sld [smem:$0x3F9C];
	s0 =	simm.s32 @p1 $0x1  }
0x15: {  	[smem:$0x3FB9] =	sst s0;
	s0 =	simm.s32 @!p2 $0x0  }
0x16: {  	s3 =	sld [smem:$0x3FDB];
	s0 =	simm.s32 @p2 $0x1  }
0x17: {  	s4 =	simm.s32 $0x1BF5;
	[smem:$0x3FBB] =	sst s0  }
0x18: {  	s0 =	sld [smem:$0x3F9E];
	_ =	swait.ge [sflag:s4], $0x0  }
0x19: {  	s7 =	sld [smem:$0x3F9F]  }
0x1a: {  	s8 =	sadd.s32 $0xFFFFE003, lr  }
0x1b: {  	s9 =	sadd.s32 $0xFFFFFEF7, lr;
	s5 =	simm.s32 $0xFFFFFFFF;
	p2 =	slt.u32 s8, $0xFFFFF086  }
0x1c: {  	p1 =	slt.u32 s9, $0xF7A;
	s5 =	simm.s32 @!p2 $0x0  }
0x1d: {  	s5 =	simm.s32 @p1 $0x1;
	p0 =	seq.s32 s7, s2  }
0x1e: {  	s7 =	smul.u32 @!p0 $0xF7A, s2;
	p2 =	seq.s32 @!p0 s5, $0x0  }
0x1f: {  	s9 =	smul.u32 $0xF7A, s1;
	s8 =	simm.s32 @!p0 $0x1BF5;
	p2 =	por !p2, p0  }
0x20: {  	[sflag:s8] =	ssyncset.s32 @!p0 $0xFFFFF086;
	s6 =	sadd.s32 @!p0 s3, s7;
	s7 =	simm.s32 @!p0 $0x108  }
0x21: {  	s3 =	sadd.s32 s3, s9;
	s6 =	sadd.s32 @!p0 $0x88, s6;
	s7 =	simm.s32 @p2 $0x1082  }
0x22: {  	[simem:s7], [sflag:s8] =	dma.local @!p0 [hbm:s6], $0xF7A  }
0x23: {  	s9 =	sor.u32 $0xD0000000, s2;
	s6 =	simm.s32 $0x108;
	_ =	swait.ge @!p0 [sflag:s8], $0x0  }
0x24: {  	s3 =	sadd.s32 $0x88, s3;
	s6 =	simm.s32 @!p1 $0x1082;
	[sflag:s4] =	ssyncset.s32 $0xFFFFF086  }
0x25: {  	[simem:s6], [sflag:s4] =	dma.local [hbm:s3], $0xF7A  }
0x26: {  	[smem:$0x3F9F] =	sst s1;
	(tag) =	ssettag s2;
	_ =	strace s9  }
0x27: {  	s1 =	sld [smem:$0x3FAF]  }
0x28: {  	s2 =	sld [smem:$0x3FB0]  }
0x29: {  	s4 =	sld [smem:$0x3FB2]  }
0x2a: {  	p0 =	seq.s32 s5, $0x0;
	s5 =	sld [smem:$0x3FB3]  }
0x2b: {  	s6 =	sld [smem:$0x3FB4]  }
0x2c: {  	s7 =	sld [smem:$0x3FB5]  }
0x2d: {  	s3 =	simm.s32 $0x108;
	s8 =	sld [smem:$0x3FB6]  }
0x2e: {  	s3 =	simm.s32 @!p0 $0x1082;
	s9 =	sld [smem:$0x3FB7]  }
0x2f: {  	lr =	sadd.s32 s0, s3;
	s0 =	sld [smem:$0x3FAE]  }
0x30: {  	s3 =	sld [smem:$0x3FB1]  }
0x31: {  	[smem:$0x3FBA] =	sst s10  }
0x32: {  	s10 =	sld [smem:$0x3FB8];
	_ =	sdelay $0x3  }
0x33: {  	p0 =	seq.s32 s10, $0x1;
	s10 =	sld [smem:$0x3FBA];
	_ =	sdelay $0x3  }
0x34: {  	[smem:$0x3FBA] =	sst s10  }
0x35: {  	s10 =	sld [smem:$0x3FB9];
	_ =	sdelay $0x3  }
0x36: {  	p1 =	seq.s32 s10, $0x1;
	s10 =	sld [smem:$0x3FBA];
	_ =	sdelay $0x3  }
0x37: {  	[smem:$0x3FBA] =	sst s10  }
0x38: {  	s10 =	sld [smem:$0x3FBB]  }
0x39: {  	_ = 	snop;
	(pc) =	sbr.ind lr, $3  }
0x3a: {  	_ = 	snop  }
0x3b: {  	_ = 	snop  }
0x3c: {  	p2 =	seq.s32 s10, $0x1;
	s10 =	sld [smem:$0x3FBA]  }
0x3d: {  	_ =	shalt  }
0x3e: {  	_ =	shalt  }
0x3f: {  	_ =	shalt  }
0x40: {  	_ =	shalt  }
0x41: {  	_ =	shalt  }
0x42: {  	_ =	shalt  }
0x43: {  	_ =	shalt  }
0x44: {  	_ =	shalt  }
0x45: {  	_ =	shalt  }
0x46: {  	_ =	shalt  }
0x47: {  	_ =	shalt  }
0x48: {  	_ =	shalt  }
0x49: {  	_ =	shalt  }
0x4a: {  	_ =	shalt  }
0x4b: {  	_ =	shalt  }
0x4c: {  	_ =	shalt  }
0x4d: {  	_ =	shalt  }
0x4e: {  	_ =	shalt  }
0x4f: {  	_ =	shalt  }
0x50: {  	_ =	shalt  }
0x51: {  	_ =	shalt  }
0x52: {  	_ =	shalt  }
0x53: {  	_ =	shalt  }
0x54: {  	_ =	shalt  }
0x55: {  	_ =	shalt  }
0x56: {  	_ =	shalt  }
0x57: {  	_ =	shalt  }
0x58: {  	_ =	shalt  }
0x59: {  	_ =	shalt  }
0x5a: {  	_ =	shalt  }
0x5b: {  	_ =	shalt  }
0x5c: {  	_ =	shalt  }
0x5d: {  	_ =	shalt  }
0x5e: {  	_ =	shalt  }
0x5f: {  	_ =	shalt  }
0x60: {  	_ =	shalt  }
0x61: {  	_ =	shalt  }
0x62: {  	_ =	shalt  }
0x63: {  	_ =	shalt  }
0x64: {  	_ =	shalt  }
0x65: {  	_ =	shalt  }
0x66: {  	_ =	shalt  }
0x67: {  	_ =	shalt  }
0x68: {  	_ =	shalt  }
0x69: {  	_ =	shalt  }
0x6a: {  	_ =	shalt  }
0x6b: {  	_ =	shalt  }
0x6c: {  	_ =	shalt  }
0x6d: {  	_ =	shalt  }
0x6e: {  	_ =	shalt  }
0x6f: {  	_ =	shalt  }
0x70: {  	_ =	shalt  }
0x71: {  	_ =	shalt  }
0x72: {  	_ =	shalt  }
0x73: {  	_ =	shalt  }
0x74: {  	_ =	shalt  }
0x75: {  	_ =	shalt  }
0x76: {  	_ =	shalt  }
0x77: {  	_ =	shalt  }
0x78: {  	_ =	shalt  }
0x79: {  	_ =	shalt  }
0x7a: {  	_ =	shalt  }
0x7b: {  	_ =	shalt  }
0x7c: {  	_ =	shalt  }
0x7d: {  	_ =	shalt  }
0x7e: {  	_ =	shalt  }
0x7f: {  	_ =	shalt  }
0x80: {  	_ =	shalt  }
0x81: {  	_ =	shalt  }
0x82: {  	_ =	shalt  }
0x83: {  	_ =	shalt  }
0x84: {  	_ =	shalt  }
0x85: {  	_ =	shalt  }
0x86: {  	_ =	shalt  }
0x87: {  	_ =	shalt  }
.Lfunc_end0:
.L_simem_size_0:
called_computation_lowered:
.L_overlay_start_0:
0x88: {  	s2 =	sld [smem:$0x3FD9]  }
0x89: {  	s3 =	sld [smem:$0x3FFE];
	_ =	sdelay $0x1  }
0x8a: {  	s1 =	srdreg.scid  }
0x8b: {  	s0 =	sand.u32 $0x1, s1  }
0x8c: {  	s17 =	sshll.u32 s0, $0xA;
	s2 =	sadd.s32 s3, s2  }
0x8d: {  	s2 =	sadd.s32 s2, s17  }
0x8e: {  	[smem:$0x3FC6] =	sst s2  }
0x8f: {  	_ = 	snop  }
0x90: {  	s2 =	sld [smem:$0x3FC8]  }
0x91: {  	s18 =	sld [smem:$0x3FD0];
	(tm) =	ssettm $0x1  }
0x92: {  	s4 =	sld [smem:$0x3FFB];
	_ =	sdelay $0x3  }
0x93: {  	_ =	strace s4  }
0x94: {  	s4 =	sld [smem:$0x3FFC];
	_ =	sdelay $0x3  }
0x95: {  	_ =	strace s4  }
0x96: {  	s4 =	sld [smem:$0x3FFD];
	_ =	sdelay $0x3  }
0x97: {  	_ =	strace s4  }
0x98: {  	_ =	strace $0x8FFFFFFF  }
0x99: {  	s19 =	sld [smem:$0x3FDB];
	_ =	sdelay $0x1  }
0x9a: {  	s5 =	simm.s32 $_scs_section_size  }
0x9b: {  	s6 =	simm.s32 $_size__tile_overlayer_lowered;
	s7 =	simm.s32 $_tile_overlayer_lowered  }
0x9c: {  	s22 =	simm.s32 $0x1BFF;
	s21 =	sshll.u32 s7, $0x1;
	s4 =	sadd.s32 s5, s19  }
0x9d: {  	s8 =	simm.s32 $0x0;
	s20 =	sshll.u32 s6, $0x1;
	s6 =	sadd.s32 s21, s4  }
0x9e: {  	[timem:s8], [sflag:s22] =	dma.local [hbm:s6], s20  }
0x9f: {  	_ =	swait.ge [sflag:s22], s20  }
0xa0: {  	s5 =	ssub.s32 $0x0, s20;
	[sflag:s22] =	ssyncset.done $0x0  }
0xa1: {  	[sflag:s22] =	ssyncadd.s32 s5;
	_ =	sdelay $0x1  }
0xa2: {  	s23 =	simm.s32 $0x1B8B  }
0xa3: {  	_ =	swait.ge [sflag:s23], $0x1  }
0xa4: {  	[sflag:s23] =	ssyncset.done $0x0  }
0xa5: {  	s25 =	simm.s32 $0x1B8E;
	s24 =	sld [smem:$0x3FFE];
	[sflag:s23] =	ssyncadd.s32 $0xFFFFFFFF  }
0xa6: {  	s26 =	simm.s32 $execute0_lowered;
	[smem:$0x3FD2] =	sst s25  }
0xa7: {  	s6 =	sshll.u32 s26, $0x1;
	_ =	strace $0x80000046;
	[dreg:$0x1] =	wrdreg $0xFFFFFFFF  }
0xa8: {  	s28 =	simm.s32 $_size_execute0_lowered;
	s4 =	sadd.s32 s4, s6;
	[dreg:$0x0] =	wrdreg $0x0  }
0xa9: {  	s6 =	sshll.u32 s28, $0x1;
	[dreg:$0x2] =	wrdreg s4  }
0xaa: {  	[dreg:$0x3] =	wrdreg s6  }
0xab: {  	[dreg:$0x4] =	wrdreg $0xC0  }
0xac: {  	_ =	task [dreg:s8], $0x5FFFF  }
0xad: {  	[dreg:$0x1] =	wrdreg $0xFFFFFFFF  }
0xae: {  	[dreg:$0x0] =	wrdreg $0x60  }
0xaf: {  	[dreg:$0x2] =	wrdreg s24  }
0xb0: {  	[dreg:$0x3] =	wrdreg s2  }
0xb1: {  	[dreg:$0x4] =	wrdreg s18  }
0xb2: {  	[dreg:$0x5] =	wrdreg $0x1C0000  }
0xb3: {  	[dreg:$0x6] =	wrdreg $0x9  }
0xb4: {  	_ =	task.clear_ibuf [dreg:s8], $0x7FFFF;
	_ =	strace $0x90000046  }
0xb5: {  	s29 =	simm.s32 $0x9;
	_ =	strace $0x80000048  }
0xb6: {  	_ =	swait.ge [sflag:s29], $0x1  }
0xb7: {  	[sflag:s29] =	ssyncadd.s32 $0xFFFFFFFF  }
0xb8: {  	_ =	strace $0x90000048  }
0xb9: {  	_ =	sfence  }
0xba: {  	s30 =	sld [smem:$0x0];
	_ =	sdelay $0x2  }
0xbb: {  	s31 =	sshll.u32 s1, $0xD;
	s1 =	sshrl.u32 s1, $0x2  }
0xbc: {  	s3 =	sand.u32 $0x4000, s31;
	s1 =	sadd.s32 s1, s30  }
0xbd: {  	s0 =	sor.u32 s3, s0;
	s1 =	sshll.u32 s1, $0x11  }
0xbe: {  	s0 =	sor.u32 s1, s0  }
0xbf: {  	s0 =	sadd.s32 $0x8F2B, s0  }
0xc0: {  	[sflag:s0] =	ssyncadd.remote.s32 $0x1  }
0xc1: {  	_ =	sfence.sel $0xFFFF  }
0xc2: {  	[dreg:$0x0] =	wrdreg $0xFFFFFFFF;
	(pc) =	sbr.abs _section_cstart, $3  }
0xc3: {  	[dreg:$0x1] =	wrdreg $0xFFFFFFFF  }
0xc4: {  	_ =	task.clear_ibuf [dreg:s8], $0x2FFFF;
	_ =	strace $0x9FFFFFFF  }
0xc5: {  	(tm) =	ssettm $0x7FFFFFFF  }
tec
execute0_lowered:
.L_overlay_start_1:
0x0: {  	(tag) =	ssettag $0x1  }
0x1: {  	s4 =	rddreg [dreg:$0x0]  }
0x2: {  	s0 =	rddreg [dreg:$0x1];
	s1 =	srdreg.scid  }
0x3: {  	s7 =	rddreg [dreg:$0x2];
	s8 =	stileid.u32  }
0x4: {  	s2 =	rddreg [dreg:$0x3];
	s11 =	simm.s32 $0x4000;
	s12 =	simm.s32 $0x40  }
0x5: {  	s13 =	simm.s32 $0x8000;
	s14 =	simm.s32 $0x80;
	s15 =	simm.s32 $0xC000  }
0x6: {  	s16 =	simm.s32 $0x1;
	s17 =	simm.s32 $0x2;
	s18 =	simm.s32 $0x0  }
0x7: {  	s9 =	sand.u32 $0x1, s1;
	s3 =	sshll.u32 s8, $0xF;
	s1 =	rddreg [dreg:$0x4]  }
0x8: {  	s10 =	sshll.u32 s8, $0x13;
	p0 =	sne.s32 s8, $0x0;
	s5 =	sshll.u32 s9, $0xE  }
0x9: {  	s6 =	ssub.s32 $0x2, s9;
	s7 =	sadd.s32 s10, s7;
	s9 =	sshll.u32 s9, $0x12  }
0xa: {  	s8 =	sshrl.u32 @!p0 s2, $0x3;
	s10 =	simm.s32 $0x3;
	s5 =	sor.u32 s5, s3  }
0xb: {  	s3 =	simm.s32 $0x0;
	s31 =	sshrl.u32 s6, $0x1;
	s7 =	sadd.s32 s9, s7  }
0xc: {  	s9 =	simm.s32 $0x18000;
	s5 =	sshrl.u32 s5, $0x3;
	[smem:$0x7FF] =	sst s3  }
0xd: {  	v0 =	vlaneseq.u32;
	s6 =	ssub.s32 s6, s31;
	s5 =	sadd.s32 s5, s4;
	_ =	strace $0x80000047  }
0xe: {  	v0 =	vmul.u32 $0x80, v0;
	s6 =	smax.u32 s6, $0x1;
	s4 =	sadd.s32 $0x10600, s5;
	s5 =	sadd.s32 $0x600, s5  }
.LBB2_1:
0xf: {  	s19 =	simm.s32 @!p0 $0x1C03  }
0x10: {  	[spmem:s8], [sflag:s19] =	dma.local @!p0 [hbm:s0], $0x800  }
0x11: {  	s19 =	simm.s32 @!p0 $0x3  }
0x12: {  	_ =	swait.ge @!p0 [sflag:s19], $0x800  }
0x13: {  	[sflag:s19] =	ssyncset.done @!p0 $0x0  }
0x14: {  	[sflag:s19] =	ssyncadd.s32 @!p0 $0xFFFFF800  }
0x15: {  	[tilespmem:s9], [sflag:$0x3] =	stream.linear.gather [hbm4b:s0+s3], $0x4000, $0x38;
	[tilespmem:$0x1C400] =	vst v63  }
0x16: {  	_ =	swait.ge [sflag:s10], $0x4000  }
0x17: {  	[sflag:s10] =	ssyncset.done $0x0  }
0x18: {  	[sflag:s10] =	ssyncadd.s32 $0xFFFFC000  }
0x19: {  	[tilespmem:s3], [sflag:$0x3] =	stream.linear.gather [hbm4b:s4+s3], $0x4000, $0x38;
	[tilespmem:$0x1C400] =	vst v63  }
0x1a: {  	_ =	swait.ge [sflag:s10], $0x4000  }
0x1b: {  	[sflag:s10] =	ssyncset.done $0x0  }
0x1c: {  	[sflag:s10] =	ssyncadd.s32 $0xFFFFC000  }
0x1d: {  	[tilespmem:s11], [sflag:$0x3] =	stream.linear.gather [hbm4b:s5+s3], $0x4000, $0x38;
	[tilespmem:$0x1C400] =	vst v63  }
0x1e: {  	_ =	swait.ge [sflag:s10], $0x4000  }
0x1f: {  	[sflag:s10] =	ssyncset.done $0x0  }
0x20: {  	[sflag:s10] =	ssyncadd.s32 $0xFFFFC000  }
0x21: {  	s20 =	simm.s32 $0x100;
	s21 =	simm.s32 $0x4020;
	[bflag:$0x0] =	sbarrier.arrive $0xFFFF  }
0x22: {  	[tilespmem:s13], [sflag:$0x1] =	stream.indirect.gather [spmem:s2], $0x80, s3, s12, $0xb8;
	[tilespmem:$0x1C400] =	vst v63  }
0x23: {  	s22 =	smov.u32 s7;
	s23 =	simm.s32 $0x0;
	s19 =	simm.s32 $0x20000  }
0x24: {  	[tilespmem:s15], [sflag:$0x1] =	stream.indirect.gather [spmem:s2], $0x80, s14, s12, $0xb8;
	[tilespmem:$0x1C400] =	vst v63  }
.LBB2_2:
0x25: {  	v1 =	vld [tilespmem:s21+$0xFFFFFFE0];
	_ =	sdelay $0x4  }
0x26: {  	s24 =	sand.u32 $0x3, s23;
	v1 =	vshll.u32 v1, $0x7  }
0x27: {  	s25 =	sshll.u32 s24, $0x7  }
0x28: {  	s26 =	sor.u32 $0x40, s25  }
0x29: {  	v2 =	vmov s26  }
0x2a: {  	v2 =	vshll.u32 v2, $0x7  }
0x2b: {  	v2 =	vor.u32 v0, v2;
	v3 =	vld.idx.msk [tilespmem:v1+s9+$0x0], $0xffff  }
0x2c: {  	v4 =	vor.u32 $0x1, v1;
	_ =	sdelay $0x3  }
0x2d: {  	[tilespmem:v2+s13+$0x0] =	vst.idx.msk $0xffff, v3  }
0x2e: {  	v10 =	vor.u32 $0x1, v2;
	v3 =	vld.idx.msk [tilespmem:v4+s9+$0x0], $0xffff  }
0x2f: {  	v5 =	vor.u32 $0x2, v1;
	_ =	sdelay $0x3  }
0x30: {  	[tilespmem:v10+s13+$0x0] =	vst.idx.msk $0xffff, v3  }
0x31: {  	v11 =	vor.u32 $0x2, v2;
	v3 =	vld.idx.msk [tilespmem:v5+s9+$0x0], $0xffff  }
0x32: {  	v12 =	vor.u32 $0x3, v1;
	_ =	sdelay $0x3  }
0x33: {  	[tilespmem:v11+s13+$0x0] =	vst.idx.msk $0xffff, v3  }
0x34: {  	v13 =	vor.u32 $0x3, v2;
	v3 =	vld.idx.msk [tilespmem:v12+s9+$0x0], $0xffff  }
0x35: {  	v14 =	vor.u32 $0x4, v1;
	_ =	sdelay $0x3  }
0x36: {  	[tilespmem:v13+s13+$0x0] =	vst.idx.msk $0xffff, v3  }
0x37: {  	v15 =	vor.u32 $0x4, v2;
	v3 =	vld.idx.msk [tilespmem:v14+s9+$0x0], $0xffff  }
0x38: {  	v16 =	vor.u32 $0x5, v1;
	_ =	sdelay $0x3  }
0x39: {  	[tilespmem:v15+s13+$0x0] =	vst.idx.msk $0xffff, v3  }
0x3a: {  	v17 =	vor.u32 $0x5, v2;
	v3 =	vld.idx.msk [tilespmem:v16+s9+$0x0], $0xffff  }
0x3b: {  	v18 =	vor.u32 $0x6, v1;
	_ =	sdelay $0x3  }
0x3c: {  	[tilespmem:v17+s13+$0x0] =	vst.idx.msk $0xffff, v3  }
0x3d: {  	v19 =	vor.u32 $0x6, v2;
	v3 =	vld.idx.msk [tilespmem:v18+s9+$0x0], $0xffff  }
0x3e: {  	v20 =	vor.u32 $0x7, v1;
	_ =	sdelay $0x3  }
0x3f: {  	[tilespmem:v19+s13+$0x0] =	vst.idx.msk $0xffff, v3  }
0x40: {  	v21 =	vor.u32 $0x7, v2;
	v3 =	vld.idx.msk [tilespmem:v20+s9+$0x0], $0xffff  }
0x41: {  	v22 =	vor.u32 $0x8, v1;
	_ =	sdelay $0x3  }
0x42: {  	[tilespmem:v21+s13+$0x0] =	vst.idx.msk $0xffff, v3  }
0x43: {  	v23 =	vor.u32 $0x8, v2;
	v3 =	vld.idx.msk [tilespmem:v22+s9+$0x0], $0xffff  }
0x44: {  	v24 =	vor.u32 $0x9, v1;
	_ =	sdelay $0x3  }
0x45: {  	[tilespmem:v23+s13+$0x0] =	vst.idx.msk $0xffff, v3  }
0x46: {  	v25 =	vor.u32 $0x9, v2;
	v3 =	vld.idx.msk [tilespmem:v24+s9+$0x0], $0xffff  }
0x47: {  	v26 =	vor.u32 $0xA, v1;
	_ =	sdelay $0x3  }
0x48: {  	[tilespmem:v25+s13+$0x0] =	vst.idx.msk $0xffff, v3  }
0x49: {  	v27 =	vor.u32 $0xA, v2;
	v3 =	vld.idx.msk [tilespmem:v26+s9+$0x0], $0xffff  }
0x4a: {  	v28 =	vor.u32 $0xB, v1;
	_ =	sdelay $0x3  }
0x4b: {  	[tilespmem:v27+s13+$0x0] =	vst.idx.msk $0xffff, v3  }
0x4c: {  	v29 =	vor.u32 $0xB, v2;
	v3 =	vld.idx.msk [tilespmem:v28+s9+$0x0], $0xffff  }
0x4d: {  	v30 =	vor.u32 $0xC, v1;
	_ =	sdelay $0x3  }
0x4e: {  	[tilespmem:v29+s13+$0x0] =	vst.idx.msk $0xffff, v3  }
0x4f: {  	v31 =	vor.u32 $0xC, v2;
	v3 =	vld.idx.msk [tilespmem:v30+s9+$0x0], $0xffff  }
0x50: {  	v32 =	vor.u32 $0xD, v1;
	_ =	sdelay $0x3  }
0x51: {  	[tilespmem:v31+s13+$0x0] =	vst.idx.msk $0xffff, v3  }
0x52: {  	v33 =	vor.u32 $0xD, v2;
	v3 =	vld.idx.msk [tilespmem:v32+s9+$0x0], $0xffff  }
0x53: {  	v34 =	vor.u32 $0xE, v1;
	_ =	sdelay $0x3  }
0x54: {  	[tilespmem:v33+s13+$0x0] =	vst.idx.msk $0xffff, v3  }
0x55: {  	v35 =	vor.u32 $0xE, v2;
	v3 =	vld.idx.msk [tilespmem:v34+s9+$0x0], $0xffff  }
0x56: {  	v36 =	vor.u32 $0xF, v1;
	_ =	sdelay $0x3  }
0x57: {  	[tilespmem:v35+s13+$0x0] =	vst.idx.msk $0xffff, v3  }
0x58: {  	v37 =	vor.u32 $0xF, v2;
	v3 =	vld.idx.msk [tilespmem:v36+s9+$0x0], $0xffff  }
0x59: {  	v38 =	vor.u32 $0x10, v1;
	_ =	sdelay $0x3  }
0x5a: {  	[tilespmem:v37+s13+$0x0] =	vst.idx.msk $0xffff, v3  }
0x5b: {  	v39 =	vor.u32 $0x10, v2;
	v3 =	vld.idx.msk [tilespmem:v38+s9+$0x0], $0xffff  }
0x5c: {  	v40 =	vor.u32 $0x11, v1;
	_ =	sdelay $0x3  }
0x5d: {  	[tilespmem:v39+s13+$0x0] =	vst.idx.msk $0xffff, v3  }
0x5e: {  	v41 =	vor.u32 $0x11, v2;
	v3 =	vld.idx.msk [tilespmem:v40+s9+$0x0], $0xffff  }
0x5f: {  	v42 =	vor.u32 $0x12, v1;
	_ =	sdelay $0x3  }
0x60: {  	[tilespmem:v41+s13+$0x0] =	vst.idx.msk $0xffff, v3  }
0x61: {  	v43 =	vor.u32 $0x12, v2;
	v3 =	vld.idx.msk [tilespmem:v42+s9+$0x0], $0xffff  }
0x62: {  	v44 =	vor.u32 $0x13, v1;
	_ =	sdelay $0x3  }
0x63: {  	[tilespmem:v43+s13+$0x0] =	vst.idx.msk $0xffff, v3  }
0x64: {  	v45 =	vor.u32 $0x13, v2;
	v3 =	vld.idx.msk [tilespmem:v44+s9+$0x0], $0xffff  }
0x65: {  	v46 =	vor.u32 $0x14, v1;
	_ =	sdelay $0x3  }
0x66: {  	[tilespmem:v45+s13+$0x0] =	vst.idx.msk $0xffff, v3  }
0x67: {  	v47 =	vor.u32 $0x14, v2;
	v3 =	vld.idx.msk [tilespmem:v46+s9+$0x0], $0xffff  }
0x68: {  	v48 =	vor.u32 $0x15, v1;
	_ =	sdelay $0x3  }
0x69: {  	[tilespmem:v47+s13+$0x0] =	vst.idx.msk $0xffff, v3  }
0x6a: {  	v49 =	vor.u32 $0x15, v2;
	v3 =	vld.idx.msk [tilespmem:v48+s9+$0x0], $0xffff  }
0x6b: {  	v50 =	vor.u32 $0x16, v1;
	_ =	sdelay $0x3  }
0x6c: {  	[tilespmem:v49+s13+$0x0] =	vst.idx.msk $0xffff, v3  }
0x6d: {  	v51 =	vor.u32 $0x16, v2;
	v3 =	vld.idx.msk [tilespmem:v50+s9+$0x0], $0xffff  }
0x6e: {  	v52 =	vor.u32 $0x17, v1;
	_ =	sdelay $0x3  }
0x6f: {  	[tilespmem:v51+s13+$0x0] =	vst.idx.msk $0xffff, v3  }
0x70: {  	v53 =	vor.u32 $0x17, v2;
	v3 =	vld.idx.msk [tilespmem:v52+s9+$0x0], $0xffff  }
0x71: {  	v54 =	vor.u32 $0x18, v1;
	_ =	sdelay $0x3  }
0x72: {  	[tilespmem:v53+s13+$0x0] =	vst.idx.msk $0xffff, v3  }
0x73: {  	v55 =	vor.u32 $0x18, v2;
	v3 =	vld.idx.msk [tilespmem:v54+s9+$0x0], $0xffff  }
0x74: {  	v56 =	vor.u32 $0x19, v1;
	_ =	sdelay $0x3  }
0x75: {  	[tilespmem:v55+s13+$0x0] =	vst.idx.msk $0xffff, v3  }
0x76: {  	v57 =	vor.u32 $0x19, v2;
	v3 =	vld.idx.msk [tilespmem:v56+s9+$0x0], $0xffff  }
0x77: {  	v58 =	vor.u32 $0x1A, v1;
	_ =	sdelay $0x3  }
0x78: {  	[tilespmem:v57+s13+$0x0] =	vst.idx.msk $0xffff, v3  }
0x79: {  	v59 =	vor.u32 $0x1A, v2;
	v3 =	vld.idx.msk [tilespmem:v58+s9+$0x0], $0xffff  }
0x7a: {  	v60 =	vor.u32 $0x1B, v1;
	_ =	sdelay $0x3  }
0x7b: {  	[tilespmem:v59+s13+$0x0] =	vst.idx.msk $0xffff, v3  }
0x7c: {  	v61 =	vor.u32 $0x1B, v2;
	v3 =	vld.idx.msk [tilespmem:v60+s9+$0x0], $0xffff  }
0x7d: {  	v62 =	vor.u32 $0x1C, v1;
	_ =	sdelay $0x3  }
0x7e: {  	[tilespmem:v61+s13+$0x0] =	vst.idx.msk $0xffff, v3  }
0x7f: {  	v63 =	vor.u32 $0x1C, v2;
	v3 =	vld.idx.msk [tilespmem:v62+s9+$0x0], $0xffff  }
0x80: {  	v8 =	vor.u32 $0x1D, v1;
	_ =	sdelay $0x3  }
0x81: {  	[tilespmem:v63+s13+$0x0] =	vst.idx.msk $0xffff, v3  }
0x82: {  	v9 =	vor.u32 $0x1D, v2;
	v3 =	vld.idx.msk [tilespmem:v8+s9+$0x0], $0xffff  }
0x83: {  	v10 =	vor.u32 $0x1E, v1;
	_ =	sdelay $0x3  }
0x84: {  	[tilespmem:v9+s13+$0x0] =	vst.idx.msk $0xffff, v3  }
0x85: {  	v11 =	vor.u32 $0x1E, v2;
	v3 =	vld.idx.msk [tilespmem:v10+s9+$0x0], $0xffff  }
0x86: {  	v12 =	vor.u32 $0x1F, v1;
	_ =	sdelay $0x3  }
0x87: {  	[tilespmem:v11+s13+$0x0] =	vst.idx.msk $0xffff, v3  }
0x88: {  	v13 =	vor.u32 $0x1F, v2;
	v3 =	vld.idx.msk [tilespmem:v12+s9+$0x0], $0xffff  }
0x89: {  	v14 =	vor.u32 $0x20, v1;
	_ =	sdelay $0x3  }
0x8a: {  	[tilespmem:v13+s13+$0x0] =	vst.idx.msk $0xffff, v3  }
0x8b: {  	v15 =	vor.u32 $0x20, v2;
	v3 =	vld.idx.msk [tilespmem:v14+s9+$0x0], $0xffff  }
0x8c: {  	v16 =	vor.u32 $0x21, v1;
	_ =	sdelay $0x3  }
0x8d: {  	[tilespmem:v15+s13+$0x0] =	vst.idx.msk $0xffff, v3  }
0x8e: {  	v17 =	vor.u32 $0x21, v2;
	v3 =	vld.idx.msk [tilespmem:v16+s9+$0x0], $0xffff  }
0x8f: {  	v18 =	vor.u32 $0x22, v1;
	_ =	sdelay $0x3  }
0x90: {  	[tilespmem:v17+s13+$0x0] =	vst.idx.msk $0xffff, v3  }
0x91: {  	v19 =	vor.u32 $0x22, v2;
	v3 =	vld.idx.msk [tilespmem:v18+s9+$0x0], $0xffff  }
0x92: {  	v20 =	vor.u32 $0x23, v1;
	_ =	sdelay $0x3  }
0x93: {  	[tilespmem:v19+s13+$0x0] =	vst.idx.msk $0xffff, v3  }
0x94: {  	v21 =	vor.u32 $0x23, v2;
	v3 =	vld.idx.msk [tilespmem:v20+s9+$0x0], $0xffff  }
0x95: {  	v22 =	vor.u32 $0x24, v1;
	_ =	sdelay $0x3  }
0x96: {  	[tilespmem:v21+s13+$0x0] =	vst.idx.msk $0xffff, v3  }
0x97: {  	v23 =	vor.u32 $0x24, v2;
	v3 =	vld.idx.msk [tilespmem:v22+s9+$0x0], $0xffff  }
0x98: {  	v24 =	vor.u32 $0x25, v1;
	_ =	sdelay $0x3  }
0x99: {  	[tilespmem:v23+s13+$0x0] =	vst.idx.msk $0xffff, v3  }
0x9a: {  	v25 =	vor.u32 $0x25, v2;
	v3 =	vld.idx.msk [tilespmem:v24+s9+$0x0], $0xffff  }
0x9b: {  	v26 =	vor.u32 $0x26, v1;
	_ =	sdelay $0x3  }
0x9c: {  	[tilespmem:v25+s13+$0x0] =	vst.idx.msk $0xffff, v3  }
0x9d: {  	v27 =	vor.u32 $0x26, v2;
	v3 =	vld.idx.msk [tilespmem:v26+s9+$0x0], $0xffff  }
0x9e: {  	v28 =	vor.u32 $0x27, v1;
	_ =	sdelay $0x3  }
0x9f: {  	[tilespmem:v27+s13+$0x0] =	vst.idx.msk $0xffff, v3  }
0xa0: {  	v29 =	vor.u32 $0x27, v2;
	v3 =	vld.idx.msk [tilespmem:v28+s9+$0x0], $0xffff  }
0xa1: {  	v30 =	vor.u32 $0x28, v1;
	_ =	sdelay $0x3  }
0xa2: {  	[tilespmem:v29+s13+$0x0] =	vst.idx.msk $0xffff, v3  }
0xa3: {  	v31 =	vor.u32 $0x28, v2;
	v3 =	vld.idx.msk [tilespmem:v30+s9+$0x0], $0xffff  }
0xa4: {  	v32 =	vor.u32 $0x29, v1;
	_ =	sdelay $0x3  }
0xa5: {  	[tilespmem:v31+s13+$0x0] =	vst.idx.msk $0xffff, v3  }
0xa6: {  	v33 =	vor.u32 $0x29, v2;
	v3 =	vld.idx.msk [tilespmem:v32+s9+$0x0], $0xffff  }
0xa7: {  	v34 =	vor.u32 $0x2A, v1;
	_ =	sdelay $0x3  }
0xa8: {  	[tilespmem:v33+s13+$0x0] =	vst.idx.msk $0xffff, v3  }
0xa9: {  	v35 =	vor.u32 $0x2A, v2;
	v3 =	vld.idx.msk [tilespmem:v34+s9+$0x0], $0xffff  }
0xaa: {  	v36 =	vor.u32 $0x2B, v1;
	_ =	sdelay $0x3  }
0xab: {  	[tilespmem:v35+s13+$0x0] =	vst.idx.msk $0xffff, v3  }
0xac: {  	v37 =	vor.u32 $0x2B, v2;
	v3 =	vld.idx.msk [tilespmem:v36+s9+$0x0], $0xffff  }
0xad: {  	v38 =	vor.u32 $0x2C, v1;
	_ =	sdelay $0x3  }
0xae: {  	[tilespmem:v37+s13+$0x0] =	vst.idx.msk $0xffff, v3  }
0xaf: {  	v39 =	vor.u32 $0x2C, v2;
	v3 =	vld.idx.msk [tilespmem:v38+s9+$0x0], $0xffff  }
0xb0: {  	v40 =	vor.u32 $0x2D, v1;
	_ =	sdelay $0x3  }
0xb1: {  	[tilespmem:v39+s13+$0x0] =	vst.idx.msk $0xffff, v3  }
0xb2: {  	v41 =	vor.u32 $0x2D, v2;
	v3 =	vld.idx.msk [tilespmem:v40+s9+$0x0], $0xffff  }
0xb3: {  	v42 =	vor.u32 $0x2E, v1;
	_ =	sdelay $0x3  }
0xb4: {  	[tilespmem:v41+s13+$0x0] =	vst.idx.msk $0xffff, v3  }
0xb5: {  	v43 =	vor.u32 $0x2E, v2;
	v3 =	vld.idx.msk [tilespmem:v42+s9+$0x0], $0xffff  }
0xb6: {  	v44 =	vor.u32 $0x2F, v1;
	_ =	sdelay $0x3  }
0xb7: {  	[tilespmem:v43+s13+$0x0] =	vst.idx.msk $0xffff, v3  }
0xb8: {  	v45 =	vor.u32 $0x2F, v2;
	v3 =	vld.idx.msk [tilespmem:v44+s9+$0x0], $0xffff  }
0xb9: {  	v46 =	vor.u32 $0x30, v1;
	_ =	sdelay $0x3  }
0xba: {  	[tilespmem:v45+s13+$0x0] =	vst.idx.msk $0xffff, v3  }
0xbb: {  	v47 =	vor.u32 $0x30, v2;
	v3 =	vld.idx.msk [tilespmem:v46+s9+$0x0], $0xffff  }
0xbc: {  	v48 =	vor.u32 $0x31, v1;
	_ =	sdelay $0x3  }
0xbd: {  	[tilespmem:v47+s13+$0x0] =	vst.idx.msk $0xffff, v3  }
0xbe: {  	v49 =	vor.u32 $0x31, v2;
	v3 =	vld.idx.msk [tilespmem:v48+s9+$0x0], $0xffff  }
0xbf: {  	v50 =	vor.u32 $0x32, v1;
	_ =	sdelay $0x3  }
0xc0: {  	[tilespmem:v49+s13+$0x0] =	vst.idx.msk $0xffff, v3  }
0xc1: {  	v51 =	vor.u32 $0x32, v2;
	v3 =	vld.idx.msk [tilespmem:v50+s9+$0x0], $0xffff  }
0xc2: {  	v52 =	vor.u32 $0x33, v1;
	_ =	sdelay $0x3  }
0xc3: {  	[tilespmem:v51+s13+$0x0] =	vst.idx.msk $0xffff, v3  }
0xc4: {  	v53 =	vor.u32 $0x33, v2;
	v3 =	vld.idx.msk [tilespmem:v52+s9+$0x0], $0xffff  }
0xc5: {  	v54 =	vor.u32 $0x34, v1;
	_ =	sdelay $0x3  }
0xc6: {  	[tilespmem:v53+s13+$0x0] =	vst.idx.msk $0xffff, v3  }
0xc7: {  	v55 =	vor.u32 $0x34, v2;
	v3 =	vld.idx.msk [tilespmem:v54+s9+$0x0], $0xffff  }
0xc8: {  	v56 =	vor.u32 $0x35, v1;
	_ =	sdelay $0x3  }
0xc9: {  	[tilespmem:v55+s13+$0x0] =	vst.idx.msk $0xffff, v3  }
0xca: {  	v57 =	vor.u32 $0x35, v2;
	v3 =	vld.idx.msk [tilespmem:v56+s9+$0x0], $0xffff  }
0xcb: {  	v58 =	vor.u32 $0x36, v1;
	_ =	sdelay $0x3  }
0xcc: {  	[tilespmem:v57+s13+$0x0] =	vst.idx.msk $0xffff, v3  }
0xcd: {  	v59 =	vor.u32 $0x36, v2;
	v3 =	vld.idx.msk [tilespmem:v58+s9+$0x0], $0xffff  }
0xce: {  	v60 =	vor.u32 $0x37, v1;
	_ =	sdelay $0x3  }
0xcf: {  	[tilespmem:v59+s13+$0x0] =	vst.idx.msk $0xffff, v3  }
0xd0: {  	v61 =	vor.u32 $0x37, v2;
	v3 =	vld.idx.msk [tilespmem:v60+s9+$0x0], $0xffff  }
0xd1: {  	v62 =	vor.u32 $0x38, v1;
	_ =	sdelay $0x3  }
0xd2: {  	[tilespmem:v61+s13+$0x0] =	vst.idx.msk $0xffff, v3  }
0xd3: {  	v63 =	vor.u32 $0x38, v2;
	v3 =	vld.idx.msk [tilespmem:v62+s9+$0x0], $0xffff  }
0xd4: {  	v8 =	vor.u32 $0x39, v1;
	_ =	sdelay $0x3  }
0xd5: {  	[tilespmem:v63+s13+$0x0] =	vst.idx.msk $0xffff, v3  }
0xd6: {  	v9 =	vor.u32 $0x39, v2;
	v3 =	vld.idx.msk [tilespmem:v8+s9+$0x0], $0xffff  }
0xd7: {  	v10 =	vor.u32 $0x3A, v1;
	_ =	sdelay $0x3  }
0xd8: {  	[tilespmem:v9+s13+$0x0] =	vst.idx.msk $0xffff, v3  }
0xd9: {  	v11 =	vor.u32 $0x3A, v2;
	v3 =	vld.idx.msk [tilespmem:v10+s9+$0x0], $0xffff  }
0xda: {  	v12 =	vor.u32 $0x3B, v1;
	_ =	sdelay $0x3  }
0xdb: {  	[tilespmem:v11+s13+$0x0] =	vst.idx.msk $0xffff, v3  }
0xdc: {  	v13 =	vor.u32 $0x3B, v2;
	v3 =	vld.idx.msk [tilespmem:v12+s9+$0x0], $0xffff  }
0xdd: {  	v14 =	vor.u32 $0x3C, v1;
	_ =	sdelay $0x3  }
0xde: {  	[tilespmem:v13+s13+$0x0] =	vst.idx.msk $0xffff, v3  }
0xdf: {  	v15 =	vor.u32 $0x3C, v2;
	v3 =	vld.idx.msk [tilespmem:v14+s9+$0x0], $0xffff  }
0xe0: {  	v16 =	vor.u32 $0x3D, v1;
	_ =	sdelay $0x3  }
0xe1: {  	[tilespmem:v15+s13+$0x0] =	vst.idx.msk $0xffff, v3  }
0xe2: {  	v17 =	vor.u32 $0x3D, v2;
	v3 =	vld.idx.msk [tilespmem:v16+s9+$0x0], $0xffff  }
0xe3: {  	v18 =	vor.u32 $0x3E, v1;
	_ =	sdelay $0x3  }
0xe4: {  	[tilespmem:v17+s13+$0x0] =	vst.idx.msk $0xffff, v3  }
0xe5: {  	v19 =	vor.u32 $0x3E, v2;
	v3 =	vld.idx.msk [tilespmem:v18+s9+$0x0], $0xffff  }
0xe6: {  	v20 =	vor.u32 $0x3F, v1;
	_ =	sdelay $0x3  }
0xe7: {  	[tilespmem:v19+s13+$0x0] =	vst.idx.msk $0xffff, v3  }
0xe8: {  	v21 =	vor.u32 $0x3F, v2;
	v3 =	vld.idx.msk [tilespmem:v20+s9+$0x0], $0xffff  }
0xe9: {  	v22 =	vor.u32 $0x40, v1;
	_ =	sdelay $0x3  }
0xea: {  	[tilespmem:v21+s13+$0x0] =	vst.idx.msk $0xffff, v3  }
0xeb: {  	v23 =	vor.u32 $0x40, v2;
	v3 =	vld.idx.msk [tilespmem:v22+s9+$0x0], $0xffff  }
0xec: {  	v24 =	vor.u32 $0x41, v1;
	_ =	sdelay $0x3  }
0xed: {  	[tilespmem:v23+s13+$0x0] =	vst.idx.msk $0xffff, v3  }
0xee: {  	v25 =	vor.u32 $0x41, v2;
	v3 =	vld.idx.msk [tilespmem:v24+s9+$0x0], $0xffff  }
0xef: {  	v26 =	vor.u32 $0x42, v1;
	_ =	sdelay $0x3  }
0xf0: {  	[tilespmem:v25+s13+$0x0] =	vst.idx.msk $0xffff, v3  }
0xf1: {  	v27 =	vor.u32 $0x42, v2;
	v3 =	vld.idx.msk [tilespmem:v26+s9+$0x0], $0xffff  }
0xf2: {  	v28 =	vor.u32 $0x43, v1;
	_ =	sdelay $0x3  }
0xf3: {  	[tilespmem:v27+s13+$0x0] =	vst.idx.msk $0xffff, v3  }
0xf4: {  	v29 =	vor.u32 $0x43, v2;
	v3 =	vld.idx.msk [tilespmem:v28+s9+$0x0], $0xffff  }
0xf5: {  	v30 =	vor.u32 $0x44, v1;
	_ =	sdelay $0x3  }
0xf6: {  	[tilespmem:v29+s13+$0x0] =	vst.idx.msk $0xffff, v3  }
0xf7: {  	v31 =	vor.u32 $0x44, v2;
	v3 =	vld.idx.msk [tilespmem:v30+s9+$0x0], $0xffff  }
0xf8: {  	v32 =	vor.u32 $0x45, v1;
	_ =	sdelay $0x3  }
0xf9: {  	[tilespmem:v31+s13+$0x0] =	vst.idx.msk $0xffff, v3  }
0xfa: {  	v33 =	vor.u32 $0x45, v2;
	v3 =	vld.idx.msk [tilespmem:v32+s9+$0x0], $0xffff  }
0xfb: {  	v34 =	vor.u32 $0x46, v1;
	_ =	sdelay $0x3  }
0xfc: {  	[tilespmem:v33+s13+$0x0] =	vst.idx.msk $0xffff, v3  }
0xfd: {  	v35 =	vor.u32 $0x46, v2;
	v3 =	vld.idx.msk [tilespmem:v34+s9+$0x0], $0xffff  }
0xfe: {  	v36 =	vor.u32 $0x47, v1;
	_ =	sdelay $0x3  }
0xff: {  	[tilespmem:v35+s13+$0x0] =	vst.idx.msk $0xffff, v3  }
0x100: {  	v37 =	vor.u32 $0x47, v2;
	v3 =	vld.idx.msk [tilespmem:v36+s9+$0x0], $0xffff  }
0x101: {  	v38 =	vor.u32 $0x48, v1;
	_ =	sdelay $0x3  }
0x102: {  	[tilespmem:v37+s13+$0x0] =	vst.idx.msk $0xffff, v3  }
0x103: {  	v39 =	vor.u32 $0x48, v2;
	v3 =	vld.idx.msk [tilespmem:v38+s9+$0x0], $0xffff  }
0x104: {  	v40 =	vor.u32 $0x49, v1;
	_ =	sdelay $0x3  }
0x105: {  	[tilespmem:v39+s13+$0x0] =	vst.idx.msk $0xffff, v3  }
0x106: {  	v41 =	vor.u32 $0x49, v2;
	v3 =	vld.idx.msk [tilespmem:v40+s9+$0x0], $0xffff  }
0x107: {  	v42 =	vor.u32 $0x4A, v1;
	_ =	sdelay $0x3  }
0x108: {  	[tilespmem:v41+s13+$0x0] =	vst.idx.msk $0xffff, v3  }
0x109: {  	v43 =	vor.u32 $0x4A, v2;
	v3 =	vld.idx.msk [tilespmem:v42+s9+$0x0], $0xffff  }
0x10a: {  	v44 =	vor.u32 $0x4B, v1;
	_ =	sdelay $0x3  }
0x10b: {  	[tilespmem:v43+s13+$0x0] =	vst.idx.msk $0xffff, v3  }
0x10c: {  	v45 =	vor.u32 $0x4B, v2;
	v3 =	vld.idx.msk [tilespmem:v44+s9+$0x0], $0xffff  }
0x10d: {  	v46 =	vor.u32 $0x4C, v1;
	_ =	sdelay $0x3  }
0x10e: {  	[tilespmem:v45+s13+$0x0] =	vst.idx.msk $0xffff, v3  }
0x10f: {  	v47 =	vor.u32 $0x4C, v2;
	v3 =	vld.idx.msk [tilespmem:v46+s9+$0x0], $0xffff  }
0x110: {  	v48 =	vor.u32 $0x4D, v1;
	_ =	sdelay $0x3  }
0x111: {  	[tilespmem:v47+s13+$0x0] =	vst.idx.msk $0xffff, v3  }
0x112: {  	v49 =	vor.u32 $0x4D, v2;
	v3 =	vld.idx.msk [tilespmem:v48+s9+$0x0], $0xffff  }
0x113: {  	v50 =	vor.u32 $0x4E, v1;
	_ =	sdelay $0x3  }
0x114: {  	[tilespmem:v49+s13+$0x0] =	vst.idx.msk $0xffff, v3  }
0x115: {  	v51 =	vor.u32 $0x4E, v2;
	v3 =	vld.idx.msk [tilespmem:v50+s9+$0x0], $0xffff  }
0x116: {  	v52 =	vor.u32 $0x4F, v1;
	_ =	sdelay $0x3  }
0x117: {  	[tilespmem:v51+s13+$0x0] =	vst.idx.msk $0xffff, v3  }
0x118: {  	v53 =	vor.u32 $0x4F, v2;
	v3 =	vld.idx.msk [tilespmem:v52+s9+$0x0], $0xffff  }
0x119: {  	v54 =	vor.u32 $0x50, v1;
	_ =	sdelay $0x3  }
0x11a: {  	[tilespmem:v53+s13+$0x0] =	vst.idx.msk $0xffff, v3  }
0x11b: {  	v55 =	vor.u32 $0x50, v2;
	v3 =	vld.idx.msk [tilespmem:v54+s9+$0x0], $0xffff  }
0x11c: {  	v56 =	vor.u32 $0x51, v1;
	_ =	sdelay $0x3  }
0x11d: {  	[tilespmem:v55+s13+$0x0] =	vst.idx.msk $0xffff, v3  }
0x11e: {  	v57 =	vor.u32 $0x51, v2;
	v3 =	vld.idx.msk [tilespmem:v56+s9+$0x0], $0xffff  }
0x11f: {  	v58 =	vor.u32 $0x52, v1;
	_ =	sdelay $0x3  }
0x120: {  	[tilespmem:v57+s13+$0x0] =	vst.idx.msk $0xffff, v3  }
0x121: {  	v59 =	vor.u32 $0x52, v2;
	v3 =	vld.idx.msk [tilespmem:v58+s9+$0x0], $0xffff  }
0x122: {  	v60 =	vor.u32 $0x53, v1;
	_ =	sdelay $0x3  }
0x123: {  	[tilespmem:v59+s13+$0x0] =	vst.idx.msk $0xffff, v3  }
0x124: {  	v61 =	vor.u32 $0x53, v2;
	v3 =	vld.idx.msk [tilespmem:v60+s9+$0x0], $0xffff  }
0x125: {  	v62 =	vor.u32 $0x54, v1;
	_ =	sdelay $0x3  }
0x126: {  	[tilespmem:v61+s13+$0x0] =	vst.idx.msk $0xffff, v3  }
0x127: {  	v63 =	vor.u32 $0x54, v2;
	v3 =	vld.idx.msk [tilespmem:v62+s9+$0x0], $0xffff  }
0x128: {  	v8 =	vor.u32 $0x55, v1;
	_ =	sdelay $0x3  }
0x129: {  	[tilespmem:v63+s13+$0x0] =	vst.idx.msk $0xffff, v3  }
0x12a: {  	v9 =	vor.u32 $0x55, v2;
	v3 =	vld.idx.msk [tilespmem:v8+s9+$0x0], $0xffff  }
0x12b: {  	v10 =	vor.u32 $0x56, v1;
	_ =	sdelay $0x3  }
0x12c: {  	[tilespmem:v9+s13+$0x0] =	vst.idx.msk $0xffff, v3  }
0x12d: {  	v11 =	vor.u32 $0x56, v2;
	v3 =	vld.idx.msk [tilespmem:v10+s9+$0x0], $0xffff  }
0x12e: {  	v12 =	vor.u32 $0x57, v1;
	_ =	sdelay $0x3  }
0x12f: {  	[tilespmem:v11+s13+$0x0] =	vst.idx.msk $0xffff, v3  }
0x130: {  	v13 =	vor.u32 $0x57, v2;
	v3 =	vld.idx.msk [tilespmem:v12+s9+$0x0], $0xffff  }
0x131: {  	v14 =	vor.u32 $0x58, v1;
	_ =	sdelay $0x3  }
0x132: {  	[tilespmem:v13+s13+$0x0] =	vst.idx.msk $0xffff, v3  }
0x133: {  	v15 =	vor.u32 $0x58, v2;
	v3 =	vld.idx.msk [tilespmem:v14+s9+$0x0], $0xffff  }
0x134: {  	v16 =	vor.u32 $0x59, v1;
	_ =	sdelay $0x3  }
0x135: {  	[tilespmem:v15+s13+$0x0] =	vst.idx.msk $0xffff, v3  }
0x136: {  	v17 =	vor.u32 $0x59, v2;
	v3 =	vld.idx.msk [tilespmem:v16+s9+$0x0], $0xffff  }
0x137: {  	v18 =	vor.u32 $0x5A, v1;
	_ =	sdelay $0x3  }
0x138: {  	[tilespmem:v17+s13+$0x0] =	vst.idx.msk $0xffff, v3  }
0x139: {  	v19 =	vor.u32 $0x5A, v2;
	v3 =	vld.idx.msk [tilespmem:v18+s9+$0x0], $0xffff  }
0x13a: {  	v20 =	vor.u32 $0x5B, v1;
	_ =	sdelay $0x3  }
0x13b: {  	[tilespmem:v19+s13+$0x0] =	vst.idx.msk $0xffff, v3  }
0x13c: {  	v21 =	vor.u32 $0x5B, v2;
	v3 =	vld.idx.msk [tilespmem:v20+s9+$0x0], $0xffff  }
0x13d: {  	v22 =	vor.u32 $0x5C, v1;
	_ =	sdelay $0x3  }
0x13e: {  	[tilespmem:v21+s13+$0x0] =	vst.idx.msk $0xffff, v3  }
0x13f: {  	v23 =	vor.u32 $0x5C, v2;
	v3 =	vld.idx.msk [tilespmem:v22+s9+$0x0], $0xffff  }
0x140: {  	v24 =	vor.u32 $0x5D, v1;
	_ =	sdelay $0x3  }
0x141: {  	[tilespmem:v23+s13+$0x0] =	vst.idx.msk $0xffff, v3  }
0x142: {  	v25 =	vor.u32 $0x5D, v2;
	v3 =	vld.idx.msk [tilespmem:v24+s9+$0x0], $0xffff  }
0x143: {  	v26 =	vor.u32 $0x5E, v1;
	_ =	sdelay $0x3  }
0x144: {  	[tilespmem:v25+s13+$0x0] =	vst.idx.msk $0xffff, v3  }
0x145: {  	v27 =	vor.u32 $0x5E, v2;
	v3 =	vld.idx.msk [tilespmem:v26+s9+$0x0], $0xffff  }
0x146: {  	v28 =	vor.u32 $0x5F, v1;
	_ =	sdelay $0x3  }
0x147: {  	[tilespmem:v27+s13+$0x0] =	vst.idx.msk $0xffff, v3  }
0x148: {  	v29 =	vor.u32 $0x5F, v2;
	v3 =	vld.idx.msk [tilespmem:v28+s9+$0x0], $0xffff  }
0x149: {  	v30 =	vor.u32 $0x60, v1;
	_ =	sdelay $0x3  }
0x14a: {  	[tilespmem:v29+s13+$0x0] =	vst.idx.msk $0xffff, v3  }
0x14b: {  	v31 =	vor.u32 $0x60, v2;
	v3 =	vld.idx.msk [tilespmem:v30+s9+$0x0], $0xffff  }
0x14c: {  	v32 =	vor.u32 $0x61, v1;
	_ =	sdelay $0x3  }
0x14d: {  	[tilespmem:v31+s13+$0x0] =	vst.idx.msk $0xffff, v3  }
0x14e: {  	v33 =	vor.u32 $0x61, v2;
	v3 =	vld.idx.msk [tilespmem:v32+s9+$0x0], $0xffff  }
0x14f: {  	v34 =	vor.u32 $0x62, v1;
	_ =	sdelay $0x3  }
0x150: {  	[tilespmem:v33+s13+$0x0] =	vst.idx.msk $0xffff, v3  }
0x151: {  	v35 =	vor.u32 $0x62, v2;
	v3 =	vld.idx.msk [tilespmem:v34+s9+$0x0], $0xffff  }
0x152: {  	v36 =	vor.u32 $0x63, v1;
	_ =	sdelay $0x3  }
0x153: {  	[tilespmem:v35+s13+$0x0] =	vst.idx.msk $0xffff, v3  }
0x154: {  	v37 =	vor.u32 $0x63, v2;
	v3 =	vld.idx.msk [tilespmem:v36+s9+$0x0], $0xffff  }
0x155: {  	v38 =	vor.u32 $0x64, v1;
	_ =	sdelay $0x3  }
0x156: {  	[tilespmem:v37+s13+$0x0] =	vst.idx.msk $0xffff, v3  }
0x157: {  	v39 =	vor.u32 $0x64, v2;
	v3 =	vld.idx.msk [tilespmem:v38+s9+$0x0], $0xffff  }
0x158: {  	v40 =	vor.u32 $0x65, v1;
	_ =	sdelay $0x3  }
0x159: {  	[tilespmem:v39+s13+$0x0] =	vst.idx.msk $0xffff, v3  }
0x15a: {  	v41 =	vor.u32 $0x65, v2;
	v3 =	vld.idx.msk [tilespmem:v40+s9+$0x0], $0xffff  }
0x15b: {  	v42 =	vor.u32 $0x66, v1;
	_ =	sdelay $0x3  }
0x15c: {  	[tilespmem:v41+s13+$0x0] =	vst.idx.msk $0xffff, v3  }
0x15d: {  	v43 =	vor.u32 $0x66, v2;
	v3 =	vld.idx.msk [tilespmem:v42+s9+$0x0], $0xffff  }
0x15e: {  	v44 =	vor.u32 $0x67, v1;
	_ =	sdelay $0x3  }
0x15f: {  	[tilespmem:v43+s13+$0x0] =	vst.idx.msk $0xffff, v3  }
0x160: {  	v45 =	vor.u32 $0x67, v2;
	v3 =	vld.idx.msk [tilespmem:v44+s9+$0x0], $0xffff  }
0x161: {  	v46 =	vor.u32 $0x68, v1;
	_ =	sdelay $0x3  }
0x162: {  	[tilespmem:v45+s13+$0x0] =	vst.idx.msk $0xffff, v3  }
0x163: {  	v47 =	vor.u32 $0x68, v2;
	v3 =	vld.idx.msk [tilespmem:v46+s9+$0x0], $0xffff  }
0x164: {  	v48 =	vor.u32 $0x69, v1;
	_ =	sdelay $0x3  }
0x165: {  	[tilespmem:v47+s13+$0x0] =	vst.idx.msk $0xffff, v3  }
0x166: {  	v49 =	vor.u32 $0x69, v2;
	v3 =	vld.idx.msk [tilespmem:v48+s9+$0x0], $0xffff  }
0x167: {  	v50 =	vor.u32 $0x6A, v1;
	_ =	sdelay $0x3  }
0x168: {  	[tilespmem:v49+s13+$0x0] =	vst.idx.msk $0xffff, v3  }
0x169: {  	v51 =	vor.u32 $0x6A, v2;
	v3 =	vld.idx.msk [tilespmem:v50+s9+$0x0], $0xffff  }
0x16a: {  	v52 =	vor.u32 $0x6B, v1;
	_ =	sdelay $0x3  }
0x16b: {  	[tilespmem:v51+s13+$0x0] =	vst.idx.msk $0xffff, v3  }
0x16c: {  	v53 =	vor.u32 $0x6B, v2;
	v3 =	vld.idx.msk [tilespmem:v52+s9+$0x0], $0xffff  }
0x16d: {  	v54 =	vor.u32 $0x6C, v1;
	_ =	sdelay $0x3  }
0x16e: {  	[tilespmem:v53+s13+$0x0] =	vst.idx.msk $0xffff, v3  }
0x16f: {  	v55 =	vor.u32 $0x6C, v2;
	v3 =	vld.idx.msk [tilespmem:v54+s9+$0x0], $0xffff  }
0x170: {  	v56 =	vor.u32 $0x6D, v1;
	_ =	sdelay $0x3  }
0x171: {  	[tilespmem:v55+s13+$0x0] =	vst.idx.msk $0xffff, v3  }
0x172: {  	v57 =	vor.u32 $0x6D, v2;
	v3 =	vld.idx.msk [tilespmem:v56+s9+$0x0], $0xffff  }
0x173: {  	v58 =	vor.u32 $0x6E, v1;
	_ =	sdelay $0x3  }
0x174: {  	[tilespmem:v57+s13+$0x0] =	vst.idx.msk $0xffff, v3  }
0x175: {  	v59 =	vor.u32 $0x6E, v2;
	v3 =	vld.idx.msk [tilespmem:v58+s9+$0x0], $0xffff  }
0x176: {  	v60 =	vor.u32 $0x6F, v1;
	_ =	sdelay $0x3  }
0x177: {  	[tilespmem:v59+s13+$0x0] =	vst.idx.msk $0xffff, v3  }
0x178: {  	v61 =	vor.u32 $0x6F, v2;
	v3 =	vld.idx.msk [tilespmem:v60+s9+$0x0], $0xffff  }
0x179: {  	v62 =	vor.u32 $0x70, v1;
	_ =	sdelay $0x3  }
0x17a: {  	[tilespmem:v61+s13+$0x0] =	vst.idx.msk $0xffff, v3  }
0x17b: {  	v63 =	vor.u32 $0x70, v2;
	v3 =	vld.idx.msk [tilespmem:v62+s9+$0x0], $0xffff  }
0x17c: {  	v8 =	vor.u32 $0x71, v1;
	_ =	sdelay $0x3  }
0x17d: {  	[tilespmem:v63+s13+$0x0] =	vst.idx.msk $0xffff, v3  }
0x17e: {  	v9 =	vor.u32 $0x71, v2;
	v3 =	vld.idx.msk [tilespmem:v8+s9+$0x0], $0xffff  }
0x17f: {  	v10 =	vor.u32 $0x72, v1;
	_ =	sdelay $0x3  }
0x180: {  	[tilespmem:v9+s13+$0x0] =	vst.idx.msk $0xffff, v3  }
0x181: {  	v11 =	vor.u32 $0x72, v2;
	v3 =	vld.idx.msk [tilespmem:v10+s9+$0x0], $0xffff  }
0x182: {  	v12 =	vor.u32 $0x73, v1;
	_ =	sdelay $0x3  }
0x183: {  	[tilespmem:v11+s13+$0x0] =	vst.idx.msk $0xffff, v3  }
0x184: {  	v13 =	vor.u32 $0x73, v2;
	v3 =	vld.idx.msk [tilespmem:v12+s9+$0x0], $0xffff  }
0x185: {  	v14 =	vor.u32 $0x74, v1;
	_ =	sdelay $0x3  }
0x186: {  	[tilespmem:v13+s13+$0x0] =	vst.idx.msk $0xffff, v3  }
0x187: {  	v15 =	vor.u32 $0x74, v2;
	v3 =	vld.idx.msk [tilespmem:v14+s9+$0x0], $0xffff  }
0x188: {  	v16 =	vor.u32 $0x75, v1;
	_ =	sdelay $0x3  }
0x189: {  	[tilespmem:v15+s13+$0x0] =	vst.idx.msk $0xffff, v3  }
0x18a: {  	v17 =	vor.u32 $0x75, v2;
	v3 =	vld.idx.msk [tilespmem:v16+s9+$0x0], $0xffff  }
0x18b: {  	v18 =	vor.u32 $0x76, v1;
	_ =	sdelay $0x3  }
0x18c: {  	[tilespmem:v17+s13+$0x0] =	vst.idx.msk $0xffff, v3  }
0x18d: {  	v19 =	vor.u32 $0x76, v2;
	v3 =	vld.idx.msk [tilespmem:v18+s9+$0x0], $0xffff  }
0x18e: {  	v20 =	vor.u32 $0x77, v1;
	_ =	sdelay $0x3  }
0x18f: {  	[tilespmem:v19+s13+$0x0] =	vst.idx.msk $0xffff, v3  }
0x190: {  	v21 =	vor.u32 $0x77, v2;
	v3 =	vld.idx.msk [tilespmem:v20+s9+$0x0], $0xffff  }
0x191: {  	v22 =	vor.u32 $0x78, v1;
	_ =	sdelay $0x3  }
0x192: {  	[tilespmem:v21+s13+$0x0] =	vst.idx.msk $0xffff, v3  }
0x193: {  	v23 =	vor.u32 $0x78, v2;
	v3 =	vld.idx.msk [tilespmem:v22+s9+$0x0], $0xffff  }
0x194: {  	v24 =	vor.u32 $0x79, v1;
	_ =	sdelay $0x3  }
0x195: {  	[tilespmem:v23+s13+$0x0] =	vst.idx.msk $0xffff, v3  }
0x196: {  	v25 =	vor.u32 $0x79, v2;
	v3 =	vld.idx.msk [tilespmem:v24+s9+$0x0], $0xffff  }
0x197: {  	v26 =	vor.u32 $0x7A, v1;
	_ =	sdelay $0x3  }
0x198: {  	[tilespmem:v25+s13+$0x0] =	vst.idx.msk $0xffff, v3  }
0x199: {  	v27 =	vor.u32 $0x7A, v2;
	v3 =	vld.idx.msk [tilespmem:v26+s9+$0x0], $0xffff  }
0x19a: {  	v28 =	vor.u32 $0x7B, v1;
	_ =	sdelay $0x3  }
0x19b: {  	[tilespmem:v27+s13+$0x0] =	vst.idx.msk $0xffff, v3  }
0x19c: {  	v29 =	vor.u32 $0x7B, v2;
	v3 =	vld.idx.msk [tilespmem:v28+s9+$0x0], $0xffff  }
0x19d: {  	v30 =	vor.u32 $0x7C, v1;
	_ =	sdelay $0x3  }
0x19e: {  	[tilespmem:v29+s13+$0x0] =	vst.idx.msk $0xffff, v3  }
0x19f: {  	v31 =	vor.u32 $0x7C, v2;
	v3 =	vld.idx.msk [tilespmem:v30+s9+$0x0], $0xffff  }
0x1a0: {  	v32 =	vor.u32 $0x7D, v1;
	_ =	sdelay $0x3  }
0x1a1: {  	[tilespmem:v31+s13+$0x0] =	vst.idx.msk $0xffff, v3  }
0x1a2: {  	v33 =	vor.u32 $0x7D, v2;
	v3 =	vld.idx.msk [tilespmem:v32+s9+$0x0], $0xffff  }
0x1a3: {  	v34 =	vor.u32 $0x7E, v1;
	_ =	sdelay $0x3  }
0x1a4: {  	[tilespmem:v33+s13+$0x0] =	vst.idx.msk $0xffff, v3  }
0x1a5: {  	v35 =	vor.u32 $0x7E, v2;
	v3 =	vld.idx.msk [tilespmem:v34+s9+$0x0], $0xffff  }
0x1a6: {  	v1 =	vor.u32 $0x7F, v1;
	_ =	sdelay $0x3  }
0x1a7: {  	[tilespmem:v35+s13+$0x0] =	vst.idx.msk $0xffff, v3  }
0x1a8: {  	v2 =	vor.u32 $0x7F, v2;
	v1 =	vld.idx.msk [tilespmem:v1+s9+$0x0], $0xffff;
	_ =	sdelay $0x4  }
0x1a9: {  	[tilespmem:v2+s13+$0x0] =	vst.idx.msk $0xffff, v1  }
0x1aa: {  	v1 =	vld [tilespmem:s21+$0xFFFFFFF0];
	_ =	sdelay $0x4  }
0x1ab: {  	v1 =	vshll.u32 v1, $0x7;
	_ =	sdelay $0x1  }
0x1ac: {  	s30 =	sor.u32 $0x50, s25  }
0x1ad: {  	v2 =	vmov s30  }
0x1ae: {  	v2 =	vshll.u32 v2, $0x7  }
0x1af: {  	v2 =	vor.u32 v0, v2;
	v3 =	vld.idx.msk [tilespmem:v1+s9+$0x0], $0xffff  }
0x1b0: {  	v36 =	vor.u32 $0x1, v1;
	_ =	sdelay $0x3  }
0x1b1: {  	[tilespmem:v2+s13+$0x0] =	vst.idx.msk $0xffff, v3  }
0x1b2: {  	v37 =	vor.u32 $0x1, v2;
	v3 =	vld.idx.msk [tilespmem:v36+s9+$0x0], $0xffff  }
0x1b3: {  	v38 =	vor.u32 $0x2, v1;
	_ =	sdelay $0x3  }
0x1b4: {  	[tilespmem:v37+s13+$0x0] =	vst.idx.msk $0xffff, v3  }
0x1b5: {  	v39 =	vor.u32 $0x2, v2;
	v3 =	vld.idx.msk [tilespmem:v38+s9+$0x0], $0xffff  }
0x1b6: {  	v40 =	vor.u32 $0x3, v1;
	_ =	sdelay $0x3  }
0x1b7: {  	[tilespmem:v39+s13+$0x0] =	vst.idx.msk $0xffff, v3  }
0x1b8: {  	v41 =	vor.u32 $0x3, v2;
	v3 =	vld.idx.msk [tilespmem:v40+s9+$0x0], $0xffff  }
0x1b9: {  	v42 =	vor.u32 $0x4, v1;
	_ =	sdelay $0x3  }
0x1ba: {  	[tilespmem:v41+s13+$0x0] =	vst.idx.msk $0xffff, v3  }
0x1bb: {  	v43 =	vor.u32 $0x4, v2;
	v3 =	vld.idx.msk [tilespmem:v42+s9+$0x0], $0xffff  }
0x1bc: {  	v44 =	vor.u32 $0x5, v1;
	_ =	sdelay $0x3  }
0x1bd: {  	[tilespmem:v43+s13+$0x0] =	vst.idx.msk $0xffff, v3  }
0x1be: {  	v45 =	vor.u32 $0x5, v2;
	v3 =	vld.idx.msk [tilespmem:v44+s9+$0x0], $0xffff  }
0x1bf: {  	v46 =	vor.u32 $0x6, v1;
	_ =	sdelay $0x3  }
0x1c0: {  	[tilespmem:v45+s13+$0x0] =	vst.idx.msk $0xffff, v3  }
0x1c1: {  	v47 =	vor.u32 $0x6, v2;
	v3 =	vld.idx.msk [tilespmem:v46+s9+$0x0], $0xffff  }
0x1c2: {  	v48 =	vor.u32 $0x7, v1;
	_ =	sdelay $0x3  }
0x1c3: {  	[tilespmem:v47+s13+$0x0] =	vst.idx.msk $0xffff, v3  }
0x1c4: {  	v49 =	vor.u32 $0x7, v2;
	v3 =	vld.idx.msk [tilespmem:v48+s9+$0x0], $0xffff  }
0x1c5: {  	v50 =	vor.u32 $0x8, v1;
	_ =	sdelay $0x3  }
0x1c6: {  	[tilespmem:v49+s13+$0x0] =	vst.idx.msk $0xffff, v3  }
0x1c7: {  	v51 =	vor.u32 $0x8, v2;
	v3 =	vld.idx.msk [tilespmem:v50+s9+$0x0], $0xffff  }
0x1c8: {  	v52 =	vor.u32 $0x9, v1;
	_ =	sdelay $0x3  }
0x1c9: {  	[tilespmem:v51+s13+$0x0] =	vst.idx.msk $0xffff, v3  }
0x1ca: {  	v53 =	vor.u32 $0x9, v2;
	v3 =	vld.idx.msk [tilespmem:v52+s9+$0x0], $0xffff  }
0x1cb: {  	v54 =	vor.u32 $0xA, v1;
	_ =	sdelay $0x3  }
0x1cc: {  	[tilespmem:v53+s13+$0x0] =	vst.idx.msk $0xffff, v3  }
0x1cd: {  	v55 =	vor.u32 $0xA, v2;
	v3 =	vld.idx.msk [tilespmem:v54+s9+$0x0], $0xffff  }
0x1ce: {  	v56 =	vor.u32 $0xB, v1;
	_ =	sdelay $0x3  }
0x1cf: {  	[tilespmem:v55+s13+$0x0] =	vst.idx.msk $0xffff, v3  }
0x1d0: {  	v57 =	vor.u32 $0xB, v2;
	v3 =	vld.idx.msk [tilespmem:v56+s9+$0x0], $0xffff  }
0x1d1: {  	v58 =	vor.u32 $0xC, v1;
	_ =	sdelay $0x3  }
0x1d2: {  	[tilespmem:v57+s13+$0x0] =	vst.idx.msk $0xffff, v3  }
0x1d3: {  	v59 =	vor.u32 $0xC, v2;
	v3 =	vld.idx.msk [tilespmem:v58+s9+$0x0], $0xffff  }
0x1d4: {  	v60 =	vor.u32 $0xD, v1;
	_ =	sdelay $0x3  }
0x1d5: {  	[tilespmem:v59+s13+$0x0] =	vst.idx.msk $0xffff, v3  }
0x1d6: {  	v61 =	vor.u32 $0xD, v2;
	v3 =	vld.idx.msk [tilespmem:v60+s9+$0x0], $0xffff  }
0x1d7: {  	v62 =	vor.u32 $0xE, v1;
	_ =	sdelay $0x3  }
0x1d8: {  	[tilespmem:v61+s13+$0x0] =	vst.idx.msk $0xffff, v3  }
0x1d9: {  	v63 =	vor.u32 $0xE, v2;
	v3 =	vld.idx.msk [tilespmem:v62+s9+$0x0], $0xffff  }
0x1da: {  	v8 =	vor.u32 $0xF, v1;
	_ =	sdelay $0x3  }
0x1db: {  	[tilespmem:v63+s13+$0x0] =	vst.idx.msk $0xffff, v3  }
0x1dc: {  	v9 =	vor.u32 $0xF, v2;
	v3 =	vld.idx.msk [tilespmem:v8+s9+$0x0], $0xffff  }
0x1dd: {  	v10 =	vor.u32 $0x10, v1;
	_ =	sdelay $0x3  }
0x1de: {  	[tilespmem:v9+s13+$0x0] =	vst.idx.msk $0xffff, v3  }
0x1df: {  	v11 =	vor.u32 $0x10, v2;
	v3 =	vld.idx.msk [tilespmem:v10+s9+$0x0], $0xffff  }
0x1e0: {  	v12 =	vor.u32 $0x11, v1;
	_ =	sdelay $0x3  }
0x1e1: {  	[tilespmem:v11+s13+$0x0] =	vst.idx.msk $0xffff, v3  }
0x1e2: {  	v13 =	vor.u32 $0x11, v2;
	v3 =	vld.idx.msk [tilespmem:v12+s9+$0x0], $0xffff  }
0x1e3: {  	v14 =	vor.u32 $0x12, v1;
	_ =	sdelay $0x3  }
0x1e4: {  	[tilespmem:v13+s13+$0x0] =	vst.idx.msk $0xffff, v3  }
0x1e5: {  	v15 =	vor.u32 $0x12, v2;
	v3 =	vld.idx.msk [tilespmem:v14+s9+$0x0], $0xffff  }
0x1e6: {  	v16 =	vor.u32 $0x13, v1;
	_ =	sdelay $0x3  }
0x1e7: {  	[tilespmem:v15+s13+$0x0] =	vst.idx.msk $0xffff, v3  }
0x1e8: {  	v17 =	vor.u32 $0x13, v2;
	v3 =	vld.idx.msk [tilespmem:v16+s9+$0x0], $0xffff  }
0x1e9: {  	v18 =	vor.u32 $0x14, v1;
	_ =	sdelay $0x3  }
0x1ea: {  	[tilespmem:v17+s13+$0x0] =	vst.idx.msk $0xffff, v3  }
0x1eb: {  	v19 =	vor.u32 $0x14, v2;
	v3 =	vld.idx.msk [tilespmem:v18+s9+$0x0], $0xffff  }
0x1ec: {  	v20 =	vor.u32 $0x15, v1;
	_ =	sdelay $0x3  }
0x1ed: {  	[tilespmem:v19+s13+$0x0] =	vst.idx.msk $0xffff, v3  }
0x1ee: {  	v21 =	vor.u32 $0x15, v2;
	v3 =	vld.idx.msk [tilespmem:v20+s9+$0x0], $0xffff  }
0x1ef: {  	v22 =	vor.u32 $0x16, v1;
	_ =	sdelay $0x3  }
0x1f0: {  	[tilespmem:v21+s13+$0x0] =	vst.idx.msk $0xffff, v3  }
0x1f1: {  	v23 =	vor.u32 $0x16, v2;
	v3 =	vld.idx.msk [tilespmem:v22+s9+$0x0], $0xffff  }
0x1f2: {  	v24 =	vor.u32 $0x17, v1;
	_ =	sdelay $0x3  }
0x1f3: {  	[tilespmem:v23+s13+$0x0] =	vst.idx.msk $0xffff, v3  }
0x1f4: {  	v25 =	vor.u32 $0x17, v2;
	v3 =	vld.idx.msk [tilespmem:v24+s9+$0x0], $0xffff  }
0x1f5: {  	v26 =	vor.u32 $0x18, v1;
	_ =	sdelay $0x3  }
0x1f6: {  	[tilespmem:v25+s13+$0x0] =	vst.idx.msk $0xffff, v3  }
0x1f7: {  	v27 =	vor.u32 $0x18, v2;
	v3 =	vld.idx.msk [tilespmem:v26+s9+$0x0], $0xffff  }
0x1f8: {  	v28 =	vor.u32 $0x19, v1;
	_ =	sdelay $0x3  }
0x1f9: {  	[tilespmem:v27+s13+$0x0] =	vst.idx.msk $0xffff, v3  }
0x1fa: {  	v29 =	vor.u32 $0x19, v2;
	v3 =	vld.idx.msk [tilespmem:v28+s9+$0x0], $0xffff  }
0x1fb: {  	v30 =	vor.u32 $0x1A, v1;
	_ =	sdelay $0x3  }
0x1fc: {  	[tilespmem:v29+s13+$0x0] =	vst.idx.msk $0xffff, v3  }
0x1fd: {  	v31 =	vor.u32 $0x1A, v2;
	v3 =	vld.idx.msk [tilespmem:v30+s9+$0x0], $0xffff  }
0x1fe: {  	v32 =	vor.u32 $0x1B, v1;
	_ =	sdelay $0x3  }
0x1ff: {  	[tilespmem:v31+s13+$0x0] =	vst.idx.msk $0xffff, v3  }
0x200: {  	v33 =	vor.u32 $0x1B, v2;
	v3 =	vld.idx.msk [tilespmem:v32+s9+$0x0], $0xffff  }
0x201: {  	v34 =	vor.u32 $0x1C, v1;
	_ =	sdelay $0x3  }
0x202: {  	[tilespmem:v33+s13+$0x0] =	vst.idx.msk $0xffff, v3  }
0x203: {  	v35 =	vor.u32 $0x1C, v2;
	v3 =	vld.idx.msk [tilespmem:v34+s9+$0x0], $0xffff  }
0x204: {  	v36 =	vor.u32 $0x1D, v1;
	_ =	sdelay $0x3  }
0x205: {  	[tilespmem:v35+s13+$0x0] =	vst.idx.msk $0xffff, v3  }
0x206: {  	v37 =	vor.u32 $0x1D, v2;
	v3 =	vld.idx.msk [tilespmem:v36+s9+$0x0], $0xffff  }
0x207: {  	v38 =	vor.u32 $0x1E, v1;
	_ =	sdelay $0x3  }
0x208: {  	[tilespmem:v37+s13+$0x0] =	vst.idx.msk $0xffff, v3  }
0x209: {  	v39 =	vor.u32 $0x1E, v2;
	v3 =	vld.idx.msk [tilespmem:v38+s9+$0x0], $0xffff  }
0x20a: {  	v40 =	vor.u32 $0x1F, v1;
	_ =	sdelay $0x3  }
0x20b: {  	[tilespmem:v39+s13+$0x0] =	vst.idx.msk $0xffff, v3  }
0x20c: {  	v41 =	vor.u32 $0x1F, v2;
	v3 =	vld.idx.msk [tilespmem:v40+s9+$0x0], $0xffff  }
0x20d: {  	v42 =	vor.u32 $0x20, v1;
	_ =	sdelay $0x3  }
0x20e: {  	[tilespmem:v41+s13+$0x0] =	vst.idx.msk $0xffff, v3  }
0x20f: {  	v43 =	vor.u32 $0x20, v2;
	v3 =	vld.idx.msk [tilespmem:v42+s9+$0x0], $0xffff  }
0x210: {  	v44 =	vor.u32 $0x21, v1;
	_ =	sdelay $0x3  }
0x211: {  	[tilespmem:v43+s13+$0x0] =	vst.idx.msk $0xffff, v3  }
0x212: {  	v45 =	vor.u32 $0x21, v2;
	v3 =	vld.idx.msk [tilespmem:v44+s9+$0x0], $0xffff  }
0x213: {  	v46 =	vor.u32 $0x22, v1;
	_ =	sdelay $0x3  }
0x214: {  	[tilespmem:v45+s13+$0x0] =	vst.idx.msk $0xffff, v3  }
0x215: {  	v47 =	vor.u32 $0x22, v2;
	v3 =	vld.idx.msk [tilespmem:v46+s9+$0x0], $0xffff  }
0x216: {  	v48 =	vor.u32 $0x23, v1;
	_ =	sdelay $0x3  }
0x217: {  	[tilespmem:v47+s13+$0x0] =	vst.idx.msk $0xffff, v3  }
0x218: {  	v49 =	vor.u32 $0x23, v2;
	v3 =	vld.idx.msk [tilespmem:v48+s9+$0x0], $0xffff  }
0x219: {  	v50 =	vor.u32 $0x24, v1;
	_ =	sdelay $0x3  }
0x21a: {  	[tilespmem:v49+s13+$0x0] =	vst.idx.msk $0xffff, v3  }
0x21b: {  	v51 =	vor.u32 $0x24, v2;
	v3 =	vld.idx.msk [tilespmem:v50+s9+$0x0], $0xffff  }
0x21c: {  	v52 =	vor.u32 $0x25, v1;
	_ =	sdelay $0x3  }
0x21d: {  	[tilespmem:v51+s13+$0x0] =	vst.idx.msk $0xffff, v3  }
0x21e: {  	v53 =	vor.u32 $0x25, v2;
	v3 =	vld.idx.msk [tilespmem:v52+s9+$0x0], $0xffff  }
0x21f: {  	v54 =	vor.u32 $0x26, v1;
	_ =	sdelay $0x3  }
0x220: {  	[tilespmem:v53+s13+$0x0] =	vst.idx.msk $0xffff, v3  }
0x221: {  	v55 =	vor.u32 $0x26, v2;
	v3 =	vld.idx.msk [tilespmem:v54+s9+$0x0], $0xffff  }
0x222: {  	v56 =	vor.u32 $0x27, v1;
	_ =	sdelay $0x3  }
0x223: {  	[tilespmem:v55+s13+$0x0] =	vst.idx.msk $0xffff, v3  }
0x224: {  	v57 =	vor.u32 $0x27, v2;
	v3 =	vld.idx.msk [tilespmem:v56+s9+$0x0], $0xffff  }
0x225: {  	v58 =	vor.u32 $0x28, v1;
	_ =	sdelay $0x3  }
0x226: {  	[tilespmem:v57+s13+$0x0] =	vst.idx.msk $0xffff, v3  }
0x227: {  	v59 =	vor.u32 $0x28, v2;
	v3 =	vld.idx.msk [tilespmem:v58+s9+$0x0], $0xffff  }
0x228: {  	v60 =	vor.u32 $0x29, v1;
	_ =	sdelay $0x3  }
0x229: {  	[tilespmem:v59+s13+$0x0] =	vst.idx.msk $0xffff, v3  }
0x22a: {  	v61 =	vor.u32 $0x29, v2;
	v3 =	vld.idx.msk [tilespmem:v60+s9+$0x0], $0xffff  }
0x22b: {  	v62 =	vor.u32 $0x2A, v1;
	_ =	sdelay $0x3  }
0x22c: {  	[tilespmem:v61+s13+$0x0] =	vst.idx.msk $0xffff, v3  }
0x22d: {  	v63 =	vor.u32 $0x2A, v2;
	v3 =	vld.idx.msk [tilespmem:v62+s9+$0x0], $0xffff  }
0x22e: {  	v8 =	vor.u32 $0x2B, v1;
	_ =	sdelay $0x3  }
0x22f: {  	[tilespmem:v63+s13+$0x0] =	vst.idx.msk $0xffff, v3  }
0x230: {  	v9 =	vor.u32 $0x2B, v2;
	v3 =	vld.idx.msk [tilespmem:v8+s9+$0x0], $0xffff  }
0x231: {  	v10 =	vor.u32 $0x2C, v1;
	_ =	sdelay $0x3  }
0x232: {  	[tilespmem:v9+s13+$0x0] =	vst.idx.msk $0xffff, v3  }
0x233: {  	v11 =	vor.u32 $0x2C, v2;
	v3 =	vld.idx.msk [tilespmem:v10+s9+$0x0], $0xffff  }
0x234: {  	v12 =	vor.u32 $0x2D, v1;
	_ =	sdelay $0x3  }
0x235: {  	[tilespmem:v11+s13+$0x0] =	vst.idx.msk $0xffff, v3  }
0x236: {  	v13 =	vor.u32 $0x2D, v2;
	v3 =	vld.idx.msk [tilespmem:v12+s9+$0x0], $0xffff  }
0x237: {  	v14 =	vor.u32 $0x2E, v1;
	_ =	sdelay $0x3  }
0x238: {  	[tilespmem:v13+s13+$0x0] =	vst.idx.msk $0xffff, v3  }
0x239: {  	v15 =	vor.u32 $0x2E, v2;
	v3 =	vld.idx.msk [tilespmem:v14+s9+$0x0], $0xffff  }
0x23a: {  	v16 =	vor.u32 $0x2F, v1;
	_ =	sdelay $0x3  }
0x23b: {  	[tilespmem:v15+s13+$0x0] =	vst.idx.msk $0xffff, v3  }
0x23c: {  	v17 =	vor.u32 $0x2F, v2;
	v3 =	vld.idx.msk [tilespmem:v16+s9+$0x0], $0xffff  }
0x23d: {  	v18 =	vor.u32 $0x30, v1;
	_ =	sdelay $0x3  }
0x23e: {  	[tilespmem:v17+s13+$0x0] =	vst.idx.msk $0xffff, v3  }
0x23f: {  	v19 =	vor.u32 $0x30, v2;
	v3 =	vld.idx.msk [tilespmem:v18+s9+$0x0], $0xffff  }
0x240: {  	v20 =	vor.u32 $0x31, v1;
	_ =	sdelay $0x3  }
0x241: {  	[tilespmem:v19+s13+$0x0] =	vst.idx.msk $0xffff, v3  }
0x242: {  	v21 =	vor.u32 $0x31, v2;
	v3 =	vld.idx.msk [tilespmem:v20+s9+$0x0], $0xffff  }
0x243: {  	v22 =	vor.u32 $0x32, v1;
	_ =	sdelay $0x3  }
0x244: {  	[tilespmem:v21+s13+$0x0] =	vst.idx.msk $0xffff, v3  }
0x245: {  	v23 =	vor.u32 $0x32, v2;
	v3 =	vld.idx.msk [tilespmem:v22+s9+$0x0], $0xffff  }
0x246: {  	v24 =	vor.u32 $0x33, v1;
	_ =	sdelay $0x3  }
0x247: {  	[tilespmem:v23+s13+$0x0] =	vst.idx.msk $0xffff, v3  }
0x248: {  	v25 =	vor.u32 $0x33, v2;
	v3 =	vld.idx.msk [tilespmem:v24+s9+$0x0], $0xffff  }
0x249: {  	v26 =	vor.u32 $0x34, v1;
	_ =	sdelay $0x3  }
0x24a: {  	[tilespmem:v25+s13+$0x0] =	vst.idx.msk $0xffff, v3  }
0x24b: {  	v27 =	vor.u32 $0x34, v2;
	v3 =	vld.idx.msk [tilespmem:v26+s9+$0x0], $0xffff  }
0x24c: {  	v28 =	vor.u32 $0x35, v1;
	_ =	sdelay $0x3  }
0x24d: {  	[tilespmem:v27+s13+$0x0] =	vst.idx.msk $0xffff, v3  }
0x24e: {  	v29 =	vor.u32 $0x35, v2;
	v3 =	vld.idx.msk [tilespmem:v28+s9+$0x0], $0xffff  }
0x24f: {  	v30 =	vor.u32 $0x36, v1;
	_ =	sdelay $0x3  }
0x250: {  	[tilespmem:v29+s13+$0x0] =	vst.idx.msk $0xffff, v3  }
0x251: {  	v31 =	vor.u32 $0x36, v2;
	v3 =	vld.idx.msk [tilespmem:v30+s9+$0x0], $0xffff  }
0x252: {  	v32 =	vor.u32 $0x37, v1;
	_ =	sdelay $0x3  }
0x253: {  	[tilespmem:v31+s13+$0x0] =	vst.idx.msk $0xffff, v3  }
0x254: {  	v33 =	vor.u32 $0x37, v2;
	v3 =	vld.idx.msk [tilespmem:v32+s9+$0x0], $0xffff  }
0x255: {  	v34 =	vor.u32 $0x38, v1;
	_ =	sdelay $0x3  }
0x256: {  	[tilespmem:v33+s13+$0x0] =	vst.idx.msk $0xffff, v3  }
0x257: {  	v35 =	vor.u32 $0x38, v2;
	v3 =	vld.idx.msk [tilespmem:v34+s9+$0x0], $0xffff  }
0x258: {  	v36 =	vor.u32 $0x39, v1;
	_ =	sdelay $0x3  }
0x259: {  	[tilespmem:v35+s13+$0x0] =	vst.idx.msk $0xffff, v3  }
0x25a: {  	v37 =	vor.u32 $0x39, v2;
	v3 =	vld.idx.msk [tilespmem:v36+s9+$0x0], $0xffff  }
0x25b: {  	v38 =	vor.u32 $0x3A, v1;
	_ =	sdelay $0x3  }
0x25c: {  	[tilespmem:v37+s13+$0x0] =	vst.idx.msk $0xffff, v3  }
0x25d: {  	v39 =	vor.u32 $0x3A, v2;
	v3 =	vld.idx.msk [tilespmem:v38+s9+$0x0], $0xffff  }
0x25e: {  	v40 =	vor.u32 $0x3B, v1;
	_ =	sdelay $0x3  }
0x25f: {  	[tilespmem:v39+s13+$0x0] =	vst.idx.msk $0xffff, v3  }
0x260: {  	v41 =	vor.u32 $0x3B, v2;
	v3 =	vld.idx.msk [tilespmem:v40+s9+$0x0], $0xffff  }
0x261: {  	v42 =	vor.u32 $0x3C, v1;
	_ =	sdelay $0x3  }
0x262: {  	[tilespmem:v41+s13+$0x0] =	vst.idx.msk $0xffff, v3  }
0x263: {  	v43 =	vor.u32 $0x3C, v2;
	v3 =	vld.idx.msk [tilespmem:v42+s9+$0x0], $0xffff  }
0x264: {  	v44 =	vor.u32 $0x3D, v1;
	_ =	sdelay $0x3  }
0x265: {  	[tilespmem:v43+s13+$0x0] =	vst.idx.msk $0xffff, v3  }
0x266: {  	v45 =	vor.u32 $0x3D, v2;
	v3 =	vld.idx.msk [tilespmem:v44+s9+$0x0], $0xffff  }
0x267: {  	v46 =	vor.u32 $0x3E, v1;
	_ =	sdelay $0x3  }
0x268: {  	[tilespmem:v45+s13+$0x0] =	vst.idx.msk $0xffff, v3  }
0x269: {  	v47 =	vor.u32 $0x3E, v2;
	v3 =	vld.idx.msk [tilespmem:v46+s9+$0x0], $0xffff  }
0x26a: {  	v48 =	vor.u32 $0x3F, v1;
	_ =	sdelay $0x3  }
0x26b: {  	[tilespmem:v47+s13+$0x0] =	vst.idx.msk $0xffff, v3  }
0x26c: {  	v49 =	vor.u32 $0x3F, v2;
	v3 =	vld.idx.msk [tilespmem:v48+s9+$0x0], $0xffff  }
0x26d: {  	v50 =	vor.u32 $0x40, v1;
	_ =	sdelay $0x3  }
0x26e: {  	[tilespmem:v49+s13+$0x0] =	vst.idx.msk $0xffff, v3  }
0x26f: {  	v51 =	vor.u32 $0x40, v2;
	v3 =	vld.idx.msk [tilespmem:v50+s9+$0x0], $0xffff  }
0x270: {  	v52 =	vor.u32 $0x41, v1;
	_ =	sdelay $0x3  }
0x271: {  	[tilespmem:v51+s13+$0x0] =	vst.idx.msk $0xffff, v3  }
0x272: {  	v53 =	vor.u32 $0x41, v2;
	v3 =	vld.idx.msk [tilespmem:v52+s9+$0x0], $0xffff  }
0x273: {  	v54 =	vor.u32 $0x42, v1;
	_ =	sdelay $0x3  }
0x274: {  	[tilespmem:v53+s13+$0x0] =	vst.idx.msk $0xffff, v3  }
0x275: {  	v55 =	vor.u32 $0x42, v2;
	v3 =	vld.idx.msk [tilespmem:v54+s9+$0x0], $0xffff  }
0x276: {  	v56 =	vor.u32 $0x43, v1;
	_ =	sdelay $0x3  }
0x277: {  	[tilespmem:v55+s13+$0x0] =	vst.idx.msk $0xffff, v3  }
0x278: {  	v57 =	vor.u32 $0x43, v2;
	v3 =	vld.idx.msk [tilespmem:v56+s9+$0x0], $0xffff  }
0x279: {  	v58 =	vor.u32 $0x44, v1;
	_ =	sdelay $0x3  }
0x27a: {  	[tilespmem:v57+s13+$0x0] =	vst.idx.msk $0xffff, v3  }
0x27b: {  	v59 =	vor.u32 $0x44, v2;
	v3 =	vld.idx.msk [tilespmem:v58+s9+$0x0], $0xffff  }
0x27c: {  	v60 =	vor.u32 $0x45, v1;
	_ =	sdelay $0x3  }
0x27d: {  	[tilespmem:v59+s13+$0x0] =	vst.idx.msk $0xffff, v3  }
0x27e: {  	v61 =	vor.u32 $0x45, v2;
	v3 =	vld.idx.msk [tilespmem:v60+s9+$0x0], $0xffff  }
0x27f: {  	v62 =	vor.u32 $0x46, v1;
	_ =	sdelay $0x3  }
0x280: {  	[tilespmem:v61+s13+$0x0] =	vst.idx.msk $0xffff, v3  }
0x281: {  	v63 =	vor.u32 $0x46, v2;
	v3 =	vld.idx.msk [tilespmem:v62+s9+$0x0], $0xffff  }
0x282: {  	v8 =	vor.u32 $0x47, v1;
	_ =	sdelay $0x3  }
0x283: {  	[tilespmem:v63+s13+$0x0] =	vst.idx.msk $0xffff, v3  }
0x284: {  	v9 =	vor.u32 $0x47, v2;
	v3 =	vld.idx.msk [tilespmem:v8+s9+$0x0], $0xffff  }
0x285: {  	v10 =	vor.u32 $0x48, v1;
	_ =	sdelay $0x3  }
0x286: {  	[tilespmem:v9+s13+$0x0] =	vst.idx.msk $0xffff, v3  }
0x287: {  	v11 =	vor.u32 $0x48, v2;
	v3 =	vld.idx.msk [tilespmem:v10+s9+$0x0], $0xffff  }
0x288: {  	v12 =	vor.u32 $0x49, v1;
	_ =	sdelay $0x3  }
0x289: {  	[tilespmem:v11+s13+$0x0] =	vst.idx.msk $0xffff, v3  }
0x28a: {  	v13 =	vor.u32 $0x49, v2;
	v3 =	vld.idx.msk [tilespmem:v12+s9+$0x0], $0xffff  }
0x28b: {  	v14 =	vor.u32 $0x4A, v1;
	_ =	sdelay $0x3  }
0x28c: {  	[tilespmem:v13+s13+$0x0] =	vst.idx.msk $0xffff, v3  }
0x28d: {  	v15 =	vor.u32 $0x4A, v2;
	v3 =	vld.idx.msk [tilespmem:v14+s9+$0x0], $0xffff  }
0x28e: {  	v16 =	vor.u32 $0x4B, v1;
	_ =	sdelay $0x3  }
0x28f: {  	[tilespmem:v15+s13+$0x0] =	vst.idx.msk $0xffff, v3  }
0x290: {  	v17 =	vor.u32 $0x4B, v2;
	v3 =	vld.idx.msk [tilespmem:v16+s9+$0x0], $0xffff  }
0x291: {  	v18 =	vor.u32 $0x4C, v1;
	_ =	sdelay $0x3  }
0x292: {  	[tilespmem:v17+s13+$0x0] =	vst.idx.msk $0xffff, v3  }
0x293: {  	v19 =	vor.u32 $0x4C, v2;
	v3 =	vld.idx.msk [tilespmem:v18+s9+$0x0], $0xffff  }
0x294: {  	v20 =	vor.u32 $0x4D, v1;
	_ =	sdelay $0x3  }
0x295: {  	[tilespmem:v19+s13+$0x0] =	vst.idx.msk $0xffff, v3  }
0x296: {  	v21 =	vor.u32 $0x4D, v2;
	v3 =	vld.idx.msk [tilespmem:v20+s9+$0x0], $0xffff  }
0x297: {  	v22 =	vor.u32 $0x4E, v1;
	_ =	sdelay $0x3  }
0x298: {  	[tilespmem:v21+s13+$0x0] =	vst.idx.msk $0xffff, v3  }
0x299: {  	v23 =	vor.u32 $0x4E, v2;
	v3 =	vld.idx.msk [tilespmem:v22+s9+$0x0], $0xffff  }
0x29a: {  	v24 =	vor.u32 $0x4F, v1;
	_ =	sdelay $0x3  }
0x29b: {  	[tilespmem:v23+s13+$0x0] =	vst.idx.msk $0xffff, v3  }
0x29c: {  	v25 =	vor.u32 $0x4F, v2;
	v3 =	vld.idx.msk [tilespmem:v24+s9+$0x0], $0xffff  }
0x29d: {  	v26 =	vor.u32 $0x50, v1;
	_ =	sdelay $0x3  }
0x29e: {  	[tilespmem:v25+s13+$0x0] =	vst.idx.msk $0xffff, v3  }
0x29f: {  	v27 =	vor.u32 $0x50, v2;
	v3 =	vld.idx.msk [tilespmem:v26+s9+$0x0], $0xffff  }
0x2a0: {  	v28 =	vor.u32 $0x51, v1;
	_ =	sdelay $0x3  }
0x2a1: {  	[tilespmem:v27+s13+$0x0] =	vst.idx.msk $0xffff, v3  }
0x2a2: {  	v29 =	vor.u32 $0x51, v2;
	v3 =	vld.idx.msk [tilespmem:v28+s9+$0x0], $0xffff  }
0x2a3: {  	v30 =	vor.u32 $0x52, v1;
	_ =	sdelay $0x3  }
0x2a4: {  	[tilespmem:v29+s13+$0x0] =	vst.idx.msk $0xffff, v3  }
0x2a5: {  	v31 =	vor.u32 $0x52, v2;
	v3 =	vld.idx.msk [tilespmem:v30+s9+$0x0], $0xffff  }
0x2a6: {  	v32 =	vor.u32 $0x53, v1;
	_ =	sdelay $0x3  }
0x2a7: {  	[tilespmem:v31+s13+$0x0] =	vst.idx.msk $0xffff, v3  }
0x2a8: {  	v33 =	vor.u32 $0x53, v2;
	v3 =	vld.idx.msk [tilespmem:v32+s9+$0x0], $0xffff  }
0x2a9: {  	v34 =	vor.u32 $0x54, v1;
	_ =	sdelay $0x3  }
0x2aa: {  	[tilespmem:v33+s13+$0x0] =	vst.idx.msk $0xffff, v3  }
0x2ab: {  	v35 =	vor.u32 $0x54, v2;
	v3 =	vld.idx.msk [tilespmem:v34+s9+$0x0], $0xffff  }
0x2ac: {  	v36 =	vor.u32 $0x55, v1;
	_ =	sdelay $0x3  }
0x2ad: {  	[tilespmem:v35+s13+$0x0] =	vst.idx.msk $0xffff, v3  }
0x2ae: {  	v37 =	vor.u32 $0x55, v2;
	v3 =	vld.idx.msk [tilespmem:v36+s9+$0x0], $0xffff  }
0x2af: {  	v38 =	vor.u32 $0x56, v1;
	_ =	sdelay $0x3  }
0x2b0: {  	[tilespmem:v37+s13+$0x0] =	vst.idx.msk $0xffff, v3  }
0x2b1: {  	v39 =	vor.u32 $0x56, v2;
	v3 =	vld.idx.msk [tilespmem:v38+s9+$0x0], $0xffff  }
0x2b2: {  	v40 =	vor.u32 $0x57, v1;
	_ =	sdelay $0x3  }
0x2b3: {  	[tilespmem:v39+s13+$0x0] =	vst.idx.msk $0xffff, v3  }
0x2b4: {  	v41 =	vor.u32 $0x57, v2;
	v3 =	vld.idx.msk [tilespmem:v40+s9+$0x0], $0xffff  }
0x2b5: {  	v42 =	vor.u32 $0x58, v1;
	_ =	sdelay $0x3  }
0x2b6: {  	[tilespmem:v41+s13+$0x0] =	vst.idx.msk $0xffff, v3  }
0x2b7: {  	v43 =	vor.u32 $0x58, v2;
	v3 =	vld.idx.msk [tilespmem:v42+s9+$0x0], $0xffff  }
0x2b8: {  	v44 =	vor.u32 $0x59, v1;
	_ =	sdelay $0x3  }
0x2b9: {  	[tilespmem:v43+s13+$0x0] =	vst.idx.msk $0xffff, v3  }
0x2ba: {  	v45 =	vor.u32 $0x59, v2;
	v3 =	vld.idx.msk [tilespmem:v44+s9+$0x0], $0xffff  }
0x2bb: {  	v46 =	vor.u32 $0x5A, v1;
	_ =	sdelay $0x3  }
0x2bc: {  	[tilespmem:v45+s13+$0x0] =	vst.idx.msk $0xffff, v3  }
0x2bd: {  	v47 =	vor.u32 $0x5A, v2;
	v3 =	vld.idx.msk [tilespmem:v46+s9+$0x0], $0xffff  }
0x2be: {  	v48 =	vor.u32 $0x5B, v1;
	_ =	sdelay $0x3  }
0x2bf: {  	[tilespmem:v47+s13+$0x0] =	vst.idx.msk $0xffff, v3  }
0x2c0: {  	v49 =	vor.u32 $0x5B, v2;
	v3 =	vld.idx.msk [tilespmem:v48+s9+$0x0], $0xffff  }
0x2c1: {  	v50 =	vor.u32 $0x5C, v1;
	_ =	sdelay $0x3  }
0x2c2: {  	[tilespmem:v49+s13+$0x0] =	vst.idx.msk $0xffff, v3  }
0x2c3: {  	v51 =	vor.u32 $0x5C, v2;
	v3 =	vld.idx.msk [tilespmem:v50+s9+$0x0], $0xffff  }
0x2c4: {  	v52 =	vor.u32 $0x5D, v1;
	_ =	sdelay $0x3  }
0x2c5: {  	[tilespmem:v51+s13+$0x0] =	vst.idx.msk $0xffff, v3  }
0x2c6: {  	v53 =	vor.u32 $0x5D, v2;
	v3 =	vld.idx.msk [tilespmem:v52+s9+$0x0], $0xffff  }
0x2c7: {  	v54 =	vor.u32 $0x5E, v1;
	_ =	sdelay $0x3  }
0x2c8: {  	[tilespmem:v53+s13+$0x0] =	vst.idx.msk $0xffff, v3  }
0x2c9: {  	v55 =	vor.u32 $0x5E, v2;
	v3 =	vld.idx.msk [tilespmem:v54+s9+$0x0], $0xffff  }
0x2ca: {  	v56 =	vor.u32 $0x5F, v1;
	_ =	sdelay $0x3  }
0x2cb: {  	[tilespmem:v55+s13+$0x0] =	vst.idx.msk $0xffff, v3  }
0x2cc: {  	v57 =	vor.u32 $0x5F, v2;
	v3 =	vld.idx.msk [tilespmem:v56+s9+$0x0], $0xffff  }
0x2cd: {  	v58 =	vor.u32 $0x60, v1;
	_ =	sdelay $0x3  }
0x2ce: {  	[tilespmem:v57+s13+$0x0] =	vst.idx.msk $0xffff, v3  }
0x2cf: {  	v59 =	vor.u32 $0x60, v2;
	v3 =	vld.idx.msk [tilespmem:v58+s9+$0x0], $0xffff  }
0x2d0: {  	v60 =	vor.u32 $0x61, v1;
	_ =	sdelay $0x3  }
0x2d1: {  	[tilespmem:v59+s13+$0x0] =	vst.idx.msk $0xffff, v3  }
0x2d2: {  	v61 =	vor.u32 $0x61, v2;
	v3 =	vld.idx.msk [tilespmem:v60+s9+$0x0], $0xffff  }
0x2d3: {  	v62 =	vor.u32 $0x62, v1;
	_ =	sdelay $0x3  }
0x2d4: {  	[tilespmem:v61+s13+$0x0] =	vst.idx.msk $0xffff, v3  }
0x2d5: {  	v63 =	vor.u32 $0x62, v2;
	v3 =	vld.idx.msk [tilespmem:v62+s9+$0x0], $0xffff  }
0x2d6: {  	v8 =	vor.u32 $0x63, v1;
	_ =	sdelay $0x3  }
0x2d7: {  	[tilespmem:v63+s13+$0x0] =	vst.idx.msk $0xffff, v3  }
0x2d8: {  	v9 =	vor.u32 $0x63, v2;
	v3 =	vld.idx.msk [tilespmem:v8+s9+$0x0], $0xffff  }
0x2d9: {  	v10 =	vor.u32 $0x64, v1;
	_ =	sdelay $0x3  }
0x2da: {  	[tilespmem:v9+s13+$0x0] =	vst.idx.msk $0xffff, v3  }
0x2db: {  	v11 =	vor.u32 $0x64, v2;
	v3 =	vld.idx.msk [tilespmem:v10+s9+$0x0], $0xffff  }
0x2dc: {  	v12 =	vor.u32 $0x65, v1;
	_ =	sdelay $0x3  }
0x2dd: {  	[tilespmem:v11+s13+$0x0] =	vst.idx.msk $0xffff, v3  }
0x2de: {  	v13 =	vor.u32 $0x65, v2;
	v3 =	vld.idx.msk [tilespmem:v12+s9+$0x0], $0xffff  }
0x2df: {  	v14 =	vor.u32 $0x66, v1;
	_ =	sdelay $0x3  }
0x2e0: {  	[tilespmem:v13+s13+$0x0] =	vst.idx.msk $0xffff, v3  }
0x2e1: {  	v15 =	vor.u32 $0x66, v2;
	v3 =	vld.idx.msk [tilespmem:v14+s9+$0x0], $0xffff  }
0x2e2: {  	v16 =	vor.u32 $0x67, v1;
	_ =	sdelay $0x3  }
0x2e3: {  	[tilespmem:v15+s13+$0x0] =	vst.idx.msk $0xffff, v3  }
0x2e4: {  	v17 =	vor.u32 $0x67, v2;
	v3 =	vld.idx.msk [tilespmem:v16+s9+$0x0], $0xffff  }
0x2e5: {  	v18 =	vor.u32 $0x68, v1;
	_ =	sdelay $0x3  }
0x2e6: {  	[tilespmem:v17+s13+$0x0] =	vst.idx.msk $0xffff, v3  }
0x2e7: {  	v19 =	vor.u32 $0x68, v2;
	v3 =	vld.idx.msk [tilespmem:v18+s9+$0x0], $0xffff  }
0x2e8: {  	v20 =	vor.u32 $0x69, v1;
	_ =	sdelay $0x3  }
0x2e9: {  	[tilespmem:v19+s13+$0x0] =	vst.idx.msk $0xffff, v3  }
0x2ea: {  	v21 =	vor.u32 $0x69, v2;
	v3 =	vld.idx.msk [tilespmem:v20+s9+$0x0], $0xffff  }
0x2eb: {  	v22 =	vor.u32 $0x6A, v1;
	_ =	sdelay $0x3  }
0x2ec: {  	[tilespmem:v21+s13+$0x0] =	vst.idx.msk $0xffff, v3  }
0x2ed: {  	v23 =	vor.u32 $0x6A, v2;
	v3 =	vld.idx.msk [tilespmem:v22+s9+$0x0], $0xffff  }
0x2ee: {  	v24 =	vor.u32 $0x6B, v1;
	_ =	sdelay $0x3  }
0x2ef: {  	[tilespmem:v23+s13+$0x0] =	vst.idx.msk $0xffff, v3  }
0x2f0: {  	v25 =	vor.u32 $0x6B, v2;
	v3 =	vld.idx.msk [tilespmem:v24+s9+$0x0], $0xffff  }
0x2f1: {  	v26 =	vor.u32 $0x6C, v1;
	_ =	sdelay $0x3  }
0x2f2: {  	[tilespmem:v25+s13+$0x0] =	vst.idx.msk $0xffff, v3  }
0x2f3: {  	v27 =	vor.u32 $0x6C, v2;
	v3 =	vld.idx.msk [tilespmem:v26+s9+$0x0], $0xffff  }
0x2f4: {  	v28 =	vor.u32 $0x6D, v1;
	_ =	sdelay $0x3  }
0x2f5: {  	[tilespmem:v27+s13+$0x0] =	vst.idx.msk $0xffff, v3  }
0x2f6: {  	v29 =	vor.u32 $0x6D, v2;
	v3 =	vld.idx.msk [tilespmem:v28+s9+$0x0], $0xffff  }
0x2f7: {  	v30 =	vor.u32 $0x6E, v1;
	_ =	sdelay $0x3  }
0x2f8: {  	[tilespmem:v29+s13+$0x0] =	vst.idx.msk $0xffff, v3  }
0x2f9: {  	v31 =	vor.u32 $0x6E, v2;
	v3 =	vld.idx.msk [tilespmem:v30+s9+$0x0], $0xffff  }
0x2fa: {  	v32 =	vor.u32 $0x6F, v1;
	_ =	sdelay $0x3  }
0x2fb: {  	[tilespmem:v31+s13+$0x0] =	vst.idx.msk $0xffff, v3  }
0x2fc: {  	v33 =	vor.u32 $0x6F, v2;
	v3 =	vld.idx.msk [tilespmem:v32+s9+$0x0], $0xffff  }
0x2fd: {  	v34 =	vor.u32 $0x70, v1;
	_ =	sdelay $0x3  }
0x2fe: {  	[tilespmem:v33+s13+$0x0] =	vst.idx.msk $0xffff, v3  }
0x2ff: {  	v35 =	vor.u32 $0x70, v2;
	v3 =	vld.idx.msk [tilespmem:v34+s9+$0x0], $0xffff  }
0x300: {  	v36 =	vor.u32 $0x71, v1;
	_ =	sdelay $0x3  }
0x301: {  	[tilespmem:v35+s13+$0x0] =	vst.idx.msk $0xffff, v3  }
0x302: {  	v37 =	vor.u32 $0x71, v2;
	v3 =	vld.idx.msk [tilespmem:v36+s9+$0x0], $0xffff  }
0x303: {  	v38 =	vor.u32 $0x72, v1;
	_ =	sdelay $0x3  }
0x304: {  	[tilespmem:v37+s13+$0x0] =	vst.idx.msk $0xffff, v3  }
0x305: {  	v39 =	vor.u32 $0x72, v2;
	v3 =	vld.idx.msk [tilespmem:v38+s9+$0x0], $0xffff  }
0x306: {  	v40 =	vor.u32 $0x73, v1;
	_ =	sdelay $0x3  }
0x307: {  	[tilespmem:v39+s13+$0x0] =	vst.idx.msk $0xffff, v3  }
0x308: {  	v41 =	vor.u32 $0x73, v2;
	v3 =	vld.idx.msk [tilespmem:v40+s9+$0x0], $0xffff  }
0x309: {  	v42 =	vor.u32 $0x74, v1;
	_ =	sdelay $0x3  }
0x30a: {  	[tilespmem:v41+s13+$0x0] =	vst.idx.msk $0xffff, v3  }
0x30b: {  	v43 =	vor.u32 $0x74, v2;
	v3 =	vld.idx.msk [tilespmem:v42+s9+$0x0], $0xffff  }
0x30c: {  	v44 =	vor.u32 $0x75, v1;
	_ =	sdelay $0x3  }
0x30d: {  	[tilespmem:v43+s13+$0x0] =	vst.idx.msk $0xffff, v3  }
0x30e: {  	v45 =	vor.u32 $0x75, v2;
	v3 =	vld.idx.msk [tilespmem:v44+s9+$0x0], $0xffff  }
0x30f: {  	v46 =	vor.u32 $0x76, v1;
	_ =	sdelay $0x3  }
0x310: {  	[tilespmem:v45+s13+$0x0] =	vst.idx.msk $0xffff, v3  }
0x311: {  	v47 =	vor.u32 $0x76, v2;
	v3 =	vld.idx.msk [tilespmem:v46+s9+$0x0], $0xffff  }
0x312: {  	v48 =	vor.u32 $0x77, v1;
	_ =	sdelay $0x3  }
0x313: {  	[tilespmem:v47+s13+$0x0] =	vst.idx.msk $0xffff, v3  }
0x314: {  	v49 =	vor.u32 $0x77, v2;
	v3 =	vld.idx.msk [tilespmem:v48+s9+$0x0], $0xffff  }
0x315: {  	v50 =	vor.u32 $0x78, v1;
	_ =	sdelay $0x3  }
0x316: {  	[tilespmem:v49+s13+$0x0] =	vst.idx.msk $0xffff, v3  }
0x317: {  	v51 =	vor.u32 $0x78, v2;
	v3 =	vld.idx.msk [tilespmem:v50+s9+$0x0], $0xffff  }
0x318: {  	v52 =	vor.u32 $0x79, v1;
	_ =	sdelay $0x3  }
0x319: {  	[tilespmem:v51+s13+$0x0] =	vst.idx.msk $0xffff, v3  }
0x31a: {  	v53 =	vor.u32 $0x79, v2;
	v3 =	vld.idx.msk [tilespmem:v52+s9+$0x0], $0xffff  }
0x31b: {  	v54 =	vor.u32 $0x7A, v1;
	_ =	sdelay $0x3  }
0x31c: {  	[tilespmem:v53+s13+$0x0] =	vst.idx.msk $0xffff, v3  }
0x31d: {  	v55 =	vor.u32 $0x7A, v2;
	v3 =	vld.idx.msk [tilespmem:v54+s9+$0x0], $0xffff  }
0x31e: {  	v56 =	vor.u32 $0x7B, v1;
	_ =	sdelay $0x3  }
0x31f: {  	[tilespmem:v55+s13+$0x0] =	vst.idx.msk $0xffff, v3  }
0x320: {  	v57 =	vor.u32 $0x7B, v2;
	v3 =	vld.idx.msk [tilespmem:v56+s9+$0x0], $0xffff  }
0x321: {  	v58 =	vor.u32 $0x7C, v1;
	_ =	sdelay $0x3  }
0x322: {  	[tilespmem:v57+s13+$0x0] =	vst.idx.msk $0xffff, v3  }
0x323: {  	v59 =	vor.u32 $0x7C, v2;
	v3 =	vld.idx.msk [tilespmem:v58+s9+$0x0], $0xffff  }
0x324: {  	v60 =	vor.u32 $0x7D, v1;
	_ =	sdelay $0x3  }
0x325: {  	[tilespmem:v59+s13+$0x0] =	vst.idx.msk $0xffff, v3  }
0x326: {  	v61 =	vor.u32 $0x7D, v2;
	v3 =	vld.idx.msk [tilespmem:v60+s9+$0x0], $0xffff  }
0x327: {  	v62 =	vor.u32 $0x7E, v1;
	_ =	sdelay $0x3  }
0x328: {  	[tilespmem:v61+s13+$0x0] =	vst.idx.msk $0xffff, v3  }
0x329: {  	v63 =	vor.u32 $0x7E, v2;
	v3 =	vld.idx.msk [tilespmem:v62+s9+$0x0], $0xffff  }
0x32a: {  	v1 =	vor.u32 $0x7F, v1;
	_ =	sdelay $0x3  }
0x32b: {  	[tilespmem:v63+s13+$0x0] =	vst.idx.msk $0xffff, v3  }
0x32c: {  	v2 =	vor.u32 $0x7F, v2;
	v1 =	vld.idx.msk [tilespmem:v1+s9+$0x0], $0xffff;
	_ =	sdelay $0x4  }
0x32d: {  	[tilespmem:v2+s13+$0x0] =	vst.idx.msk $0xffff, v1  }
0x32e: {  	v1 =	vld [tilespmem:s21+$0x0];
	_ =	sdelay $0x4  }
0x32f: {  	v1 =	vshll.u32 v1, $0x7;
	_ =	sdelay $0x1  }
0x330: {  	s31 =	sor.u32 $0x60, s25  }
0x331: {  	v2 =	vmov s31  }
0x332: {  	v2 =	vshll.u32 v2, $0x7  }
0x333: {  	v2 =	vor.u32 v0, v2;
	v3 =	vld.idx.msk [tilespmem:v1+s9+$0x0], $0xffff  }
0x334: {  	v8 =	vor.u32 $0x1, v1;
	_ =	sdelay $0x3  }
0x335: {  	[tilespmem:v2+s13+$0x0] =	vst.idx.msk $0xffff, v3  }
0x336: {  	v9 =	vor.u32 $0x1, v2;
	v3 =	vld.idx.msk [tilespmem:v8+s9+$0x0], $0xffff  }
0x337: {  	v10 =	vor.u32 $0x2, v1;
	_ =	sdelay $0x3  }
0x338: {  	[tilespmem:v9+s13+$0x0] =	vst.idx.msk $0xffff, v3  }
0x339: {  	v11 =	vor.u32 $0x2, v2;
	v3 =	vld.idx.msk [tilespmem:v10+s9+$0x0], $0xffff  }
0x33a: {  	v12 =	vor.u32 $0x3, v1;
	_ =	sdelay $0x3  }
0x33b: {  	[tilespmem:v11+s13+$0x0] =	vst.idx.msk $0xffff, v3  }
0x33c: {  	v13 =	vor.u32 $0x3, v2;
	v3 =	vld.idx.msk [tilespmem:v12+s9+$0x0], $0xffff  }
0x33d: {  	v14 =	vor.u32 $0x4, v1;
	_ =	sdelay $0x3  }
0x33e: {  	[tilespmem:v13+s13+$0x0] =	vst.idx.msk $0xffff, v3  }
0x33f: {  	v15 =	vor.u32 $0x4, v2;
	v3 =	vld.idx.msk [tilespmem:v14+s9+$0x0], $0xffff  }
0x340: {  	v16 =	vor.u32 $0x5, v1;
	_ =	sdelay $0x3  }
0x341: {  	[tilespmem:v15+s13+$0x0] =	vst.idx.msk $0xffff, v3  }
0x342: {  	v17 =	vor.u32 $0x5, v2;
	v3 =	vld.idx.msk [tilespmem:v16+s9+$0x0], $0xffff  }
0x343: {  	v18 =	vor.u32 $0x6, v1;
	_ =	sdelay $0x3  }
0x344: {  	[tilespmem:v17+s13+$0x0] =	vst.idx.msk $0xffff, v3  }
0x345: {  	v19 =	vor.u32 $0x6, v2;
	v3 =	vld.idx.msk [tilespmem:v18+s9+$0x0], $0xffff  }
0x346: {  	v20 =	vor.u32 $0x7, v1;
	_ =	sdelay $0x3  }
0x347: {  	[tilespmem:v19+s13+$0x0] =	vst.idx.msk $0xffff, v3  }
0x348: {  	v21 =	vor.u32 $0x7, v2;
	v3 =	vld.idx.msk [tilespmem:v20+s9+$0x0], $0xffff  }
0x349: {  	v22 =	vor.u32 $0x8, v1;
	_ =	sdelay $0x3  }
0x34a: {  	[tilespmem:v21+s13+$0x0] =	vst.idx.msk $0xffff, v3  }
0x34b: {  	v23 =	vor.u32 $0x8, v2;
	v3 =	vld.idx.msk [tilespmem:v22+s9+$0x0], $0xffff  }
0x34c: {  	v24 =	vor.u32 $0x9, v1;
	_ =	sdelay $0x3  }
0x34d: {  	[tilespmem:v23+s13+$0x0] =	vst.idx.msk $0xffff, v3  }
0x34e: {  	v25 =	vor.u32 $0x9, v2;
	v3 =	vld.idx.msk [tilespmem:v24+s9+$0x0], $0xffff  }
0x34f: {  	v26 =	vor.u32 $0xA, v1;
	_ =	sdelay $0x3  }
0x350: {  	[tilespmem:v25+s13+$0x0] =	vst.idx.msk $0xffff, v3  }
0x351: {  	v27 =	vor.u32 $0xA, v2;
	v3 =	vld.idx.msk [tilespmem:v26+s9+$0x0], $0xffff  }
0x352: {  	v28 =	vor.u32 $0xB, v1;
	_ =	sdelay $0x3  }
0x353: {  	[tilespmem:v27+s13+$0x0] =	vst.idx.msk $0xffff, v3  }
0x354: {  	v29 =	vor.u32 $0xB, v2;
	v3 =	vld.idx.msk [tilespmem:v28+s9+$0x0], $0xffff  }
0x355: {  	v30 =	vor.u32 $0xC, v1;
	_ =	sdelay $0x3  }
0x356: {  	[tilespmem:v29+s13+$0x0] =	vst.idx.msk $0xffff, v3  }
0x357: {  	v31 =	vor.u32 $0xC, v2;
	v3 =	vld.idx.msk [tilespmem:v30+s9+$0x0], $0xffff  }
0x358: {  	v32 =	vor.u32 $0xD, v1;
	_ =	sdelay $0x3  }
0x359: {  	[tilespmem:v31+s13+$0x0] =	vst.idx.msk $0xffff, v3  }
0x35a: {  	v33 =	vor.u32 $0xD, v2;
	v3 =	vld.idx.msk [tilespmem:v32+s9+$0x0], $0xffff  }
0x35b: {  	v34 =	vor.u32 $0xE, v1;
	_ =	sdelay $0x3  }
0x35c: {  	[tilespmem:v33+s13+$0x0] =	vst.idx.msk $0xffff, v3  }
0x35d: {  	v35 =	vor.u32 $0xE, v2;
	v3 =	vld.idx.msk [tilespmem:v34+s9+$0x0], $0xffff  }
0x35e: {  	v36 =	vor.u32 $0xF, v1;
	_ =	sdelay $0x3  }
0x35f: {  	[tilespmem:v35+s13+$0x0] =	vst.idx.msk $0xffff, v3  }
0x360: {  	v37 =	vor.u32 $0xF, v2;
	v3 =	vld.idx.msk [tilespmem:v36+s9+$0x0], $0xffff  }
0x361: {  	v38 =	vor.u32 $0x10, v1;
	_ =	sdelay $0x3  }
0x362: {  	[tilespmem:v37+s13+$0x0] =	vst.idx.msk $0xffff, v3  }
0x363: {  	v39 =	vor.u32 $0x10, v2;
	v3 =	vld.idx.msk [tilespmem:v38+s9+$0x0], $0xffff  }
0x364: {  	v40 =	vor.u32 $0x11, v1;
	_ =	sdelay $0x3  }
0x365: {  	[tilespmem:v39+s13+$0x0] =	vst.idx.msk $0xffff, v3  }
0x366: {  	v41 =	vor.u32 $0x11, v2;
	v3 =	vld.idx.msk [tilespmem:v40+s9+$0x0], $0xffff  }
0x367: {  	v42 =	vor.u32 $0x12, v1;
	_ =	sdelay $0x3  }
0x368: {  	[tilespmem:v41+s13+$0x0] =	vst.idx.msk $0xffff, v3  }
0x369: {  	v43 =	vor.u32 $0x12, v2;
	v3 =	vld.idx.msk [tilespmem:v42+s9+$0x0], $0xffff  }
0x36a: {  	v44 =	vor.u32 $0x13, v1;
	_ =	sdelay $0x3  }
0x36b: {  	[tilespmem:v43+s13+$0x0] =	vst.idx.msk $0xffff, v3  }
0x36c: {  	v45 =	vor.u32 $0x13, v2;
	v3 =	vld.idx.msk [tilespmem:v44+s9+$0x0], $0xffff  }
0x36d: {  	v46 =	vor.u32 $0x14, v1;
	_ =	sdelay $0x3  }
0x36e: {  	[tilespmem:v45+s13+$0x0] =	vst.idx.msk $0xffff, v3  }
0x36f: {  	v47 =	vor.u32 $0x14, v2;
	v3 =	vld.idx.msk [tilespmem:v46+s9+$0x0], $0xffff  }
0x370: {  	v48 =	vor.u32 $0x15, v1;
	_ =	sdelay $0x3  }
0x371: {  	[tilespmem:v47+s13+$0x0] =	vst.idx.msk $0xffff, v3  }
0x372: {  	v49 =	vor.u32 $0x15, v2;
	v3 =	vld.idx.msk [tilespmem:v48+s9+$0x0], $0xffff  }
0x373: {  	v50 =	vor.u32 $0x16, v1;
	_ =	sdelay $0x3  }
0x374: {  	[tilespmem:v49+s13+$0x0] =	vst.idx.msk $0xffff, v3  }
0x375: {  	v51 =	vor.u32 $0x16, v2;
	v3 =	vld.idx.msk [tilespmem:v50+s9+$0x0], $0xffff  }
0x376: {  	v52 =	vor.u32 $0x17, v1;
	_ =	sdelay $0x3  }
0x377: {  	[tilespmem:v51+s13+$0x0] =	vst.idx.msk $0xffff, v3  }
0x378: {  	v53 =	vor.u32 $0x17, v2;
	v3 =	vld.idx.msk [tilespmem:v52+s9+$0x0], $0xffff  }
0x379: {  	v54 =	vor.u32 $0x18, v1;
	_ =	sdelay $0x3  }
0x37a: {  	[tilespmem:v53+s13+$0x0] =	vst.idx.msk $0xffff, v3  }
0x37b: {  	v55 =	vor.u32 $0x18, v2;
	v3 =	vld.idx.msk [tilespmem:v54+s9+$0x0], $0xffff  }
0x37c: {  	v56 =	vor.u32 $0x19, v1;
	_ =	sdelay $0x3  }
0x37d: {  	[tilespmem:v55+s13+$0x0] =	vst.idx.msk $0xffff, v3  }
0x37e: {  	v57 =	vor.u32 $0x19, v2;
	v3 =	vld.idx.msk [tilespmem:v56+s9+$0x0], $0xffff  }
0x37f: {  	v58 =	vor.u32 $0x1A, v1;
	_ =	sdelay $0x3  }
0x380: {  	[tilespmem:v57+s13+$0x0] =	vst.idx.msk $0xffff, v3  }
0x381: {  	v59 =	vor.u32 $0x1A, v2;
	v3 =	vld.idx.msk [tilespmem:v58+s9+$0x0], $0xffff  }
0x382: {  	v60 =	vor.u32 $0x1B, v1;
	_ =	sdelay $0x3  }
0x383: {  	[tilespmem:v59+s13+$0x0] =	vst.idx.msk $0xffff, v3  }
0x384: {  	v61 =	vor.u32 $0x1B, v2;
	v3 =	vld.idx.msk [tilespmem:v60+s9+$0x0], $0xffff  }
0x385: {  	v62 =	vor.u32 $0x1C, v1;
	_ =	sdelay $0x3  }
0x386: {  	[tilespmem:v61+s13+$0x0] =	vst.idx.msk $0xffff, v3  }
0x387: {  	v63 =	vor.u32 $0x1C, v2;
	v3 =	vld.idx.msk [tilespmem:v62+s9+$0x0], $0xffff  }
0x388: {  	v8 =	vor.u32 $0x1D, v1;
	_ =	sdelay $0x3  }
0x389: {  	[tilespmem:v63+s13+$0x0] =	vst.idx.msk $0xffff, v3  }
0x38a: {  	v9 =	vor.u32 $0x1D, v2;
	v3 =	vld.idx.msk [tilespmem:v8+s9+$0x0], $0xffff  }
0x38b: {  	v10 =	vor.u32 $0x1E, v1;
	_ =	sdelay $0x3  }
0x38c: {  	[tilespmem:v9+s13+$0x0] =	vst.idx.msk $0xffff, v3  }
0x38d: {  	v11 =	vor.u32 $0x1E, v2;
	v3 =	vld.idx.msk [tilespmem:v10+s9+$0x0], $0xffff  }
0x38e: {  	v12 =	vor.u32 $0x1F, v1;
	_ =	sdelay $0x3  }
0x38f: {  	[tilespmem:v11+s13+$0x0] =	vst.idx.msk $0xffff, v3  }
0x390: {  	v13 =	vor.u32 $0x1F, v2;
	v3 =	vld.idx.msk [tilespmem:v12+s9+$0x0], $0xffff  }
0x391: {  	v14 =	vor.u32 $0x20, v1;
	_ =	sdelay $0x3  }
0x392: {  	[tilespmem:v13+s13+$0x0] =	vst.idx.msk $0xffff, v3  }
0x393: {  	v15 =	vor.u32 $0x20, v2;
	v3 =	vld.idx.msk [tilespmem:v14+s9+$0x0], $0xffff  }
0x394: {  	v16 =	vor.u32 $0x21, v1;
	_ =	sdelay $0x3  }
0x395: {  	[tilespmem:v15+s13+$0x0] =	vst.idx.msk $0xffff, v3  }
0x396: {  	v17 =	vor.u32 $0x21, v2;
	v3 =	vld.idx.msk [tilespmem:v16+s9+$0x0], $0xffff  }
0x397: {  	v18 =	vor.u32 $0x22, v1;
	_ =	sdelay $0x3  }
0x398: {  	[tilespmem:v17+s13+$0x0] =	vst.idx.msk $0xffff, v3  }
0x399: {  	v19 =	vor.u32 $0x22, v2;
	v3 =	vld.idx.msk [tilespmem:v18+s9+$0x0], $0xffff  }
0x39a: {  	v20 =	vor.u32 $0x23, v1;
	_ =	sdelay $0x3  }
0x39b: {  	[tilespmem:v19+s13+$0x0] =	vst.idx.msk $0xffff, v3  }
0x39c: {  	v21 =	vor.u32 $0x23, v2;
	v3 =	vld.idx.msk [tilespmem:v20+s9+$0x0], $0xffff  }
0x39d: {  	v22 =	vor.u32 $0x24, v1;
	_ =	sdelay $0x3  }
0x39e: {  	[tilespmem:v21+s13+$0x0] =	vst.idx.msk $0xffff, v3  }
0x39f: {  	v23 =	vor.u32 $0x24, v2;
	v3 =	vld.idx.msk [tilespmem:v22+s9+$0x0], $0xffff  }
0x3a0: {  	v24 =	vor.u32 $0x25, v1;
	_ =	sdelay $0x3  }
0x3a1: {  	[tilespmem:v23+s13+$0x0] =	vst.idx.msk $0xffff, v3  }
0x3a2: {  	v25 =	vor.u32 $0x25, v2;
	v3 =	vld.idx.msk [tilespmem:v24+s9+$0x0], $0xffff  }
0x3a3: {  	v26 =	vor.u32 $0x26, v1;
	_ =	sdelay $0x3  }
0x3a4: {  	[tilespmem:v25+s13+$0x0] =	vst.idx.msk $0xffff, v3  }
0x3a5: {  	v27 =	vor.u32 $0x26, v2;
	v3 =	vld.idx.msk [tilespmem:v26+s9+$0x0], $0xffff  }
0x3a6: {  	v28 =	vor.u32 $0x27, v1;
	_ =	sdelay $0x3  }
0x3a7: {  	[tilespmem:v27+s13+$0x0] =	vst.idx.msk $0xffff, v3  }
0x3a8: {  	v29 =	vor.u32 $0x27, v2;
	v3 =	vld.idx.msk [tilespmem:v28+s9+$0x0], $0xffff  }
0x3a9: {  	v30 =	vor.u32 $0x28, v1;
	_ =	sdelay $0x3  }
0x3aa: {  	[tilespmem:v29+s13+$0x0] =	vst.idx.msk $0xffff, v3  }
0x3ab: {  	v31 =	vor.u32 $0x28, v2;
	v3 =	vld.idx.msk [tilespmem:v30+s9+$0x0], $0xffff  }
0x3ac: {  	v32 =	vor.u32 $0x29, v1;
	_ =	sdelay $0x3  }
0x3ad: {  	[tilespmem:v31+s13+$0x0] =	vst.idx.msk $0xffff, v3  }
0x3ae: {  	v33 =	vor.u32 $0x29, v2;
	v3 =	vld.idx.msk [tilespmem:v32+s9+$0x0], $0xffff  }
0x3af: {  	v34 =	vor.u32 $0x2A, v1;
	_ =	sdelay $0x3  }
0x3b0: {  	[tilespmem:v33+s13+$0x0] =	vst.idx.msk $0xffff, v3  }
0x3b1: {  	v35 =	vor.u32 $0x2A, v2;
	v3 =	vld.idx.msk [tilespmem:v34+s9+$0x0], $0xffff  }
0x3b2: {  	v36 =	vor.u32 $0x2B, v1;
	_ =	sdelay $0x3  }
0x3b3: {  	[tilespmem:v35+s13+$0x0] =	vst.idx.msk $0xffff, v3  }
0x3b4: {  	v37 =	vor.u32 $0x2B, v2;
	v3 =	vld.idx.msk [tilespmem:v36+s9+$0x0], $0xffff  }
0x3b5: {  	v38 =	vor.u32 $0x2C, v1;
	_ =	sdelay $0x3  }
0x3b6: {  	[tilespmem:v37+s13+$0x0] =	vst.idx.msk $0xffff, v3  }
0x3b7: {  	v39 =	vor.u32 $0x2C, v2;
	v3 =	vld.idx.msk [tilespmem:v38+s9+$0x0], $0xffff  }
0x3b8: {  	v40 =	vor.u32 $0x2D, v1;
	_ =	sdelay $0x3  }
0x3b9: {  	[tilespmem:v39+s13+$0x0] =	vst.idx.msk $0xffff, v3  }
0x3ba: {  	v41 =	vor.u32 $0x2D, v2;
	v3 =	vld.idx.msk [tilespmem:v40+s9+$0x0], $0xffff  }
0x3bb: {  	v42 =	vor.u32 $0x2E, v1;
	_ =	sdelay $0x3  }
0x3bc: {  	[tilespmem:v41+s13+$0x0] =	vst.idx.msk $0xffff, v3  }
0x3bd: {  	v43 =	vor.u32 $0x2E, v2;
	v3 =	vld.idx.msk [tilespmem:v42+s9+$0x0], $0xffff  }
0x3be: {  	v44 =	vor.u32 $0x2F, v1;
	_ =	sdelay $0x3  }
0x3bf: {  	[tilespmem:v43+s13+$0x0] =	vst.idx.msk $0xffff, v3  }
0x3c0: {  	v45 =	vor.u32 $0x2F, v2;
	v3 =	vld.idx.msk [tilespmem:v44+s9+$0x0], $0xffff  }
0x3c1: {  	v46 =	vor.u32 $0x30, v1;
	_ =	sdelay $0x3  }
0x3c2: {  	[tilespmem:v45+s13+$0x0] =	vst.idx.msk $0xffff, v3  }
0x3c3: {  	v47 =	vor.u32 $0x30, v2;
	v3 =	vld.idx.msk [tilespmem:v46+s9+$0x0], $0xffff  }
0x3c4: {  	v48 =	vor.u32 $0x31, v1;
	_ =	sdelay $0x3  }
0x3c5: {  	[tilespmem:v47+s13+$0x0] =	vst.idx.msk $0xffff, v3  }
0x3c6: {  	v49 =	vor.u32 $0x31, v2;
	v3 =	vld.idx.msk [tilespmem:v48+s9+$0x0], $0xffff  }
0x3c7: {  	v50 =	vor.u32 $0x32, v1;
	_ =	sdelay $0x3  }
0x3c8: {  	[tilespmem:v49+s13+$0x0] =	vst.idx.msk $0xffff, v3  }
0x3c9: {  	v51 =	vor.u32 $0x32, v2;
	v3 =	vld.idx.msk [tilespmem:v50+s9+$0x0], $0xffff  }
0x3ca: {  	v52 =	vor.u32 $0x33, v1;
	_ =	sdelay $0x3  }
0x3cb: {  	[tilespmem:v51+s13+$0x0] =	vst.idx.msk $0xffff, v3  }
0x3cc: {  	v53 =	vor.u32 $0x33, v2;
	v3 =	vld.idx.msk [tilespmem:v52+s9+$0x0], $0xffff  }
0x3cd: {  	v54 =	vor.u32 $0x34, v1;
	_ =	sdelay $0x3  }
0x3ce: {  	[tilespmem:v53+s13+$0x0] =	vst.idx.msk $0xffff, v3  }
0x3cf: {  	v55 =	vor.u32 $0x34, v2;
	v3 =	vld.idx.msk [tilespmem:v54+s9+$0x0], $0xffff  }
0x3d0: {  	v56 =	vor.u32 $0x35, v1;
	_ =	sdelay $0x3  }
0x3d1: {  	[tilespmem:v55+s13+$0x0] =	vst.idx.msk $0xffff, v3  }
0x3d2: {  	v57 =	vor.u32 $0x35, v2;
	v3 =	vld.idx.msk [tilespmem:v56+s9+$0x0], $0xffff  }
0x3d3: {  	v58 =	vor.u32 $0x36, v1;
	_ =	sdelay $0x3  }
0x3d4: {  	[tilespmem:v57+s13+$0x0] =	vst.idx.msk $0xffff, v3  }
0x3d5: {  	v59 =	vor.u32 $0x36, v2;
	v3 =	vld.idx.msk [tilespmem:v58+s9+$0x0], $0xffff  }
0x3d6: {  	v60 =	vor.u32 $0x37, v1;
	_ =	sdelay $0x3  }
0x3d7: {  	[tilespmem:v59+s13+$0x0] =	vst.idx.msk $0xffff, v3  }
0x3d8: {  	v61 =	vor.u32 $0x37, v2;
	v3 =	vld.idx.msk [tilespmem:v60+s9+$0x0], $0xffff  }
0x3d9: {  	v62 =	vor.u32 $0x38, v1;
	_ =	sdelay $0x3  }
0x3da: {  	[tilespmem:v61+s13+$0x0] =	vst.idx.msk $0xffff, v3  }
0x3db: {  	v63 =	vor.u32 $0x38, v2;
	v3 =	vld.idx.msk [tilespmem:v62+s9+$0x0], $0xffff  }
0x3dc: {  	v8 =	vor.u32 $0x39, v1;
	_ =	sdelay $0x3  }
0x3dd: {  	[tilespmem:v63+s13+$0x0] =	vst.idx.msk $0xffff, v3  }
0x3de: {  	v9 =	vor.u32 $0x39, v2;
	v3 =	vld.idx.msk [tilespmem:v8+s9+$0x0], $0xffff  }
0x3df: {  	v10 =	vor.u32 $0x3A, v1;
	_ =	sdelay $0x3  }
0x3e0: {  	[tilespmem:v9+s13+$0x0] =	vst.idx.msk $0xffff, v3  }
0x3e1: {  	v11 =	vor.u32 $0x3A, v2;
	v3 =	vld.idx.msk [tilespmem:v10+s9+$0x0], $0xffff  }
0x3e2: {  	v12 =	vor.u32 $0x3B, v1;
	_ =	sdelay $0x3  }
0x3e3: {  	[tilespmem:v11+s13+$0x0] =	vst.idx.msk $0xffff, v3  }
0x3e4: {  	v13 =	vor.u32 $0x3B, v2;
	v3 =	vld.idx.msk [tilespmem:v12+s9+$0x0], $0xffff  }
0x3e5: {  	v14 =	vor.u32 $0x3C, v1;
	_ =	sdelay $0x3  }
0x3e6: {  	[tilespmem:v13+s13+$0x0] =	vst.idx.msk $0xffff, v3  }
0x3e7: {  	v15 =	vor.u32 $0x3C, v2;
	v3 =	vld.idx.msk [tilespmem:v14+s9+$0x0], $0xffff  }
0x3e8: {  	v16 =	vor.u32 $0x3D, v1;
	_ =	sdelay $0x3  }
0x3e9: {  	[tilespmem:v15+s13+$0x0] =	vst.idx.msk $0xffff, v3  }
0x3ea: {  	v17 =	vor.u32 $0x3D, v2;
	v3 =	vld.idx.msk [tilespmem:v16+s9+$0x0], $0xffff  }
0x3eb: {  	v18 =	vor.u32 $0x3E, v1;
	_ =	sdelay $0x3  }
0x3ec: {  	[tilespmem:v17+s13+$0x0] =	vst.idx.msk $0xffff, v3  }
0x3ed: {  	v19 =	vor.u32 $0x3E, v2;
	v3 =	vld.idx.msk [tilespmem:v18+s9+$0x0], $0xffff  }
0x3ee: {  	v20 =	vor.u32 $0x3F, v1;
	_ =	sdelay $0x3  }
0x3ef: {  	[tilespmem:v19+s13+$0x0] =	vst.idx.msk $0xffff, v3  }
0x3f0: {  	v21 =	vor.u32 $0x3F, v2;
	v3 =	vld.idx.msk [tilespmem:v20+s9+$0x0], $0xffff  }
0x3f1: {  	v22 =	vor.u32 $0x40, v1;
	_ =	sdelay $0x3  }
0x3f2: {  	[tilespmem:v21+s13+$0x0] =	vst.idx.msk $0xffff, v3  }
0x3f3: {  	v23 =	vor.u32 $0x40, v2;
	v3 =	vld.idx.msk [tilespmem:v22+s9+$0x0], $0xffff  }
0x3f4: {  	v24 =	vor.u32 $0x41, v1;
	_ =	sdelay $0x3  }
0x3f5: {  	[tilespmem:v23+s13+$0x0] =	vst.idx.msk $0xffff, v3  }
0x3f6: {  	v25 =	vor.u32 $0x41, v2;
	v3 =	vld.idx.msk [tilespmem:v24+s9+$0x0], $0xffff  }
0x3f7: {  	v26 =	vor.u32 $0x42, v1;
	_ =	sdelay $0x3  }
0x3f8: {  	[tilespmem:v25+s13+$0x0] =	vst.idx.msk $0xffff, v3  }
0x3f9: {  	v27 =	vor.u32 $0x42, v2;
	v3 =	vld.idx.msk [tilespmem:v26+s9+$0x0], $0xffff  }
0x3fa: {  	v28 =	vor.u32 $0x43, v1;
	_ =	sdelay $0x3  }
0x3fb: {  	[tilespmem:v27+s13+$0x0] =	vst.idx.msk $0xffff, v3  }
0x3fc: {  	v29 =	vor.u32 $0x43, v2;
	v3 =	vld.idx.msk [tilespmem:v28+s9+$0x0], $0xffff  }
0x3fd: {  	v30 =	vor.u32 $0x44, v1;
	_ =	sdelay $0x3  }
0x3fe: {  	[tilespmem:v29+s13+$0x0] =	vst.idx.msk $0xffff, v3  }
0x3ff: {  	v31 =	vor.u32 $0x44, v2;
	v3 =	vld.idx.msk [tilespmem:v30+s9+$0x0], $0xffff  }
0x400: {  	v32 =	vor.u32 $0x45, v1;
	_ =	sdelay $0x3  }
0x401: {  	[tilespmem:v31+s13+$0x0] =	vst.idx.msk $0xffff, v3  }
0x402: {  	v33 =	vor.u32 $0x45, v2;
	v3 =	vld.idx.msk [tilespmem:v32+s9+$0x0], $0xffff  }
0x403: {  	v34 =	vor.u32 $0x46, v1;
	_ =	sdelay $0x3  }
0x404: {  	[tilespmem:v33+s13+$0x0] =	vst.idx.msk $0xffff, v3  }
0x405: {  	v35 =	vor.u32 $0x46, v2;
	v3 =	vld.idx.msk [tilespmem:v34+s9+$0x0], $0xffff  }
0x406: {  	v36 =	vor.u32 $0x47, v1;
	_ =	sdelay $0x3  }
0x407: {  	[tilespmem:v35+s13+$0x0] =	vst.idx.msk $0xffff, v3  }
0x408: {  	v37 =	vor.u32 $0x47, v2;
	v3 =	vld.idx.msk [tilespmem:v36+s9+$0x0], $0xffff  }
0x409: {  	v38 =	vor.u32 $0x48, v1;
	_ =	sdelay $0x3  }
0x40a: {  	[tilespmem:v37+s13+$0x0] =	vst.idx.msk $0xffff, v3  }
0x40b: {  	v39 =	vor.u32 $0x48, v2;
	v3 =	vld.idx.msk [tilespmem:v38+s9+$0x0], $0xffff  }
0x40c: {  	v40 =	vor.u32 $0x49, v1;
	_ =	sdelay $0x3  }
0x40d: {  	[tilespmem:v39+s13+$0x0] =	vst.idx.msk $0xffff, v3  }
0x40e: {  	v41 =	vor.u32 $0x49, v2;
	v3 =	vld.idx.msk [tilespmem:v40+s9+$0x0], $0xffff  }
0x40f: {  	v42 =	vor.u32 $0x4A, v1;
	_ =	sdelay $0x3  }
0x410: {  	[tilespmem:v41+s13+$0x0] =	vst.idx.msk $0xffff, v3  }
0x411: {  	v43 =	vor.u32 $0x4A, v2;
	v3 =	vld.idx.msk [tilespmem:v42+s9+$0x0], $0xffff  }
0x412: {  	v44 =	vor.u32 $0x4B, v1;
	_ =	sdelay $0x3  }
0x413: {  	[tilespmem:v43+s13+$0x0] =	vst.idx.msk $0xffff, v3  }
0x414: {  	v45 =	vor.u32 $0x4B, v2;
	v3 =	vld.idx.msk [tilespmem:v44+s9+$0x0], $0xffff  }
0x415: {  	v46 =	vor.u32 $0x4C, v1;
	_ =	sdelay $0x3  }
0x416: {  	[tilespmem:v45+s13+$0x0] =	vst.idx.msk $0xffff, v3  }
0x417: {  	v47 =	vor.u32 $0x4C, v2;
	v3 =	vld.idx.msk [tilespmem:v46+s9+$0x0], $0xffff  }
0x418: {  	v48 =	vor.u32 $0x4D, v1;
	_ =	sdelay $0x3  }
0x419: {  	[tilespmem:v47+s13+$0x0] =	vst.idx.msk $0xffff, v3  }
0x41a: {  	v49 =	vor.u32 $0x4D, v2;
	v3 =	vld.idx.msk [tilespmem:v48+s9+$0x0], $0xffff  }
0x41b: {  	v50 =	vor.u32 $0x4E, v1;
	_ =	sdelay $0x3  }
0x41c: {  	[tilespmem:v49+s13+$0x0] =	vst.idx.msk $0xffff, v3  }
0x41d: {  	v51 =	vor.u32 $0x4E, v2;
	v3 =	vld.idx.msk [tilespmem:v50+s9+$0x0], $0xffff  }
0x41e: {  	v52 =	vor.u32 $0x4F, v1;
	_ =	sdelay $0x3  }
0x41f: {  	[tilespmem:v51+s13+$0x0] =	vst.idx.msk $0xffff, v3  }
0x420: {  	v53 =	vor.u32 $0x4F, v2;
	v3 =	vld.idx.msk [tilespmem:v52+s9+$0x0], $0xffff  }
0x421: {  	v54 =	vor.u32 $0x50, v1;
	_ =	sdelay $0x3  }
0x422: {  	[tilespmem:v53+s13+$0x0] =	vst.idx.msk $0xffff, v3  }
0x423: {  	v55 =	vor.u32 $0x50, v2;
	v3 =	vld.idx.msk [tilespmem:v54+s9+$0x0], $0xffff  }
0x424: {  	v56 =	vor.u32 $0x51, v1;
	_ =	sdelay $0x3  }
0x425: {  	[tilespmem:v55+s13+$0x0] =	vst.idx.msk $0xffff, v3  }
0x426: {  	v57 =	vor.u32 $0x51, v2;
	v3 =	vld.idx.msk [tilespmem:v56+s9+$0x0], $0xffff  }
0x427: {  	v58 =	vor.u32 $0x52, v1;
	_ =	sdelay $0x3  }
0x428: {  	[tilespmem:v57+s13+$0x0] =	vst.idx.msk $0xffff, v3  }
0x429: {  	v59 =	vor.u32 $0x52, v2;
	v3 =	vld.idx.msk [tilespmem:v58+s9+$0x0], $0xffff  }
0x42a: {  	v60 =	vor.u32 $0x53, v1;
	_ =	sdelay $0x3  }
0x42b: {  	[tilespmem:v59+s13+$0x0] =	vst.idx.msk $0xffff, v3  }
0x42c: {  	v61 =	vor.u32 $0x53, v2;
	v3 =	vld.idx.msk [tilespmem:v60+s9+$0x0], $0xffff  }
0x42d: {  	v62 =	vor.u32 $0x54, v1;
	_ =	sdelay $0x3  }
0x42e: {  	[tilespmem:v61+s13+$0x0] =	vst.idx.msk $0xffff, v3  }
0x42f: {  	v63 =	vor.u32 $0x54, v2;
	v3 =	vld.idx.msk [tilespmem:v62+s9+$0x0], $0xffff  }
0x430: {  	v8 =	vor.u32 $0x55, v1;
	_ =	sdelay $0x3  }
0x431: {  	[tilespmem:v63+s13+$0x0] =	vst.idx.msk $0xffff, v3  }
0x432: {  	v9 =	vor.u32 $0x55, v2;
	v3 =	vld.idx.msk [tilespmem:v8+s9+$0x0], $0xffff  }
0x433: {  	v10 =	vor.u32 $0x56, v1;
	_ =	sdelay $0x3  }
0x434: {  	[tilespmem:v9+s13+$0x0] =	vst.idx.msk $0xffff, v3  }
0x435: {  	v11 =	vor.u32 $0x56, v2;
	v3 =	vld.idx.msk [tilespmem:v10+s9+$0x0], $0xffff  }
0x436: {  	v12 =	vor.u32 $0x57, v1;
	_ =	sdelay $0x3  }
0x437: {  	[tilespmem:v11+s13+$0x0] =	vst.idx.msk $0xffff, v3  }
0x438: {  	v13 =	vor.u32 $0x57, v2;
	v3 =	vld.idx.msk [tilespmem:v12+s9+$0x0], $0xffff  }
0x439: {  	v14 =	vor.u32 $0x58, v1;
	_ =	sdelay $0x3  }
0x43a: {  	[tilespmem:v13+s13+$0x0] =	vst.idx.msk $0xffff, v3  }
0x43b: {  	v15 =	vor.u32 $0x58, v2;
	v3 =	vld.idx.msk [tilespmem:v14+s9+$0x0], $0xffff  }
0x43c: {  	v16 =	vor.u32 $0x59, v1;
	_ =	sdelay $0x3  }
0x43d: {  	[tilespmem:v15+s13+$0x0] =	vst.idx.msk $0xffff, v3  }
0x43e: {  	v17 =	vor.u32 $0x59, v2;
	v3 =	vld.idx.msk [tilespmem:v16+s9+$0x0], $0xffff  }
0x43f: {  	v18 =	vor.u32 $0x5A, v1;
	_ =	sdelay $0x3  }
0x440: {  	[tilespmem:v17+s13+$0x0] =	vst.idx.msk $0xffff, v3  }
0x441: {  	v19 =	vor.u32 $0x5A, v2;
	v3 =	vld.idx.msk [tilespmem:v18+s9+$0x0], $0xffff  }
0x442: {  	v20 =	vor.u32 $0x5B, v1;
	_ =	sdelay $0x3  }
0x443: {  	[tilespmem:v19+s13+$0x0] =	vst.idx.msk $0xffff, v3  }
0x444: {  	v21 =	vor.u32 $0x5B, v2;
	v3 =	vld.idx.msk [tilespmem:v20+s9+$0x0], $0xffff  }
0x445: {  	v22 =	vor.u32 $0x5C, v1;
	_ =	sdelay $0x3  }
0x446: {  	[tilespmem:v21+s13+$0x0] =	vst.idx.msk $0xffff, v3  }
0x447: {  	v23 =	vor.u32 $0x5C, v2;
	v3 =	vld.idx.msk [tilespmem:v22+s9+$0x0], $0xffff  }
0x448: {  	v24 =	vor.u32 $0x5D, v1;
	_ =	sdelay $0x3  }
0x449: {  	[tilespmem:v23+s13+$0x0] =	vst.idx.msk $0xffff, v3  }
0x44a: {  	v25 =	vor.u32 $0x5D, v2;
	v3 =	vld.idx.msk [tilespmem:v24+s9+$0x0], $0xffff  }
0x44b: {  	v26 =	vor.u32 $0x5E, v1;
	_ =	sdelay $0x3  }
0x44c: {  	[tilespmem:v25+s13+$0x0] =	vst.idx.msk $0xffff, v3  }
0x44d: {  	v27 =	vor.u32 $0x5E, v2;
	v3 =	vld.idx.msk [tilespmem:v26+s9+$0x0], $0xffff  }
0x44e: {  	v28 =	vor.u32 $0x5F, v1;
	_ =	sdelay $0x3  }
0x44f: {  	[tilespmem:v27+s13+$0x0] =	vst.idx.msk $0xffff, v3  }
0x450: {  	v29 =	vor.u32 $0x5F, v2;
	v3 =	vld.idx.msk [tilespmem:v28+s9+$0x0], $0xffff  }
0x451: {  	v30 =	vor.u32 $0x60, v1;
	_ =	sdelay $0x3  }
0x452: {  	[tilespmem:v29+s13+$0x0] =	vst.idx.msk $0xffff, v3  }
0x453: {  	v31 =	vor.u32 $0x60, v2;
	v3 =	vld.idx.msk [tilespmem:v30+s9+$0x0], $0xffff  }
0x454: {  	v32 =	vor.u32 $0x61, v1;
	_ =	sdelay $0x3  }
0x455: {  	[tilespmem:v31+s13+$0x0] =	vst.idx.msk $0xffff, v3  }
0x456: {  	v33 =	vor.u32 $0x61, v2;
	v3 =	vld.idx.msk [tilespmem:v32+s9+$0x0], $0xffff  }
0x457: {  	v34 =	vor.u32 $0x62, v1;
	_ =	sdelay $0x3  }
0x458: {  	[tilespmem:v33+s13+$0x0] =	vst.idx.msk $0xffff, v3  }
0x459: {  	v35 =	vor.u32 $0x62, v2;
	v3 =	vld.idx.msk [tilespmem:v34+s9+$0x0], $0xffff  }
0x45a: {  	v36 =	vor.u32 $0x63, v1;
	_ =	sdelay $0x3  }
0x45b: {  	[tilespmem:v35+s13+$0x0] =	vst.idx.msk $0xffff, v3  }
0x45c: {  	v37 =	vor.u32 $0x63, v2;
	v3 =	vld.idx.msk [tilespmem:v36+s9+$0x0], $0xffff  }
0x45d: {  	v38 =	vor.u32 $0x64, v1;
	_ =	sdelay $0x3  }
0x45e: {  	[tilespmem:v37+s13+$0x0] =	vst.idx.msk $0xffff, v3  }
0x45f: {  	v39 =	vor.u32 $0x64, v2;
	v3 =	vld.idx.msk [tilespmem:v38+s9+$0x0], $0xffff  }
0x460: {  	v40 =	vor.u32 $0x65, v1;
	_ =	sdelay $0x3  }
0x461: {  	[tilespmem:v39+s13+$0x0] =	vst.idx.msk $0xffff, v3  }
0x462: {  	v41 =	vor.u32 $0x65, v2;
	v3 =	vld.idx.msk [tilespmem:v40+s9+$0x0], $0xffff  }
0x463: {  	v42 =	vor.u32 $0x66, v1;
	_ =	sdelay $0x3  }
0x464: {  	[tilespmem:v41+s13+$0x0] =	vst.idx.msk $0xffff, v3  }
0x465: {  	v43 =	vor.u32 $0x66, v2;
	v3 =	vld.idx.msk [tilespmem:v42+s9+$0x0], $0xffff  }
0x466: {  	v44 =	vor.u32 $0x67, v1;
	_ =	sdelay $0x3  }
0x467: {  	[tilespmem:v43+s13+$0x0] =	vst.idx.msk $0xffff, v3  }
0x468: {  	v45 =	vor.u32 $0x67, v2;
	v3 =	vld.idx.msk [tilespmem:v44+s9+$0x0], $0xffff  }
0x469: {  	v46 =	vor.u32 $0x68, v1;
	_ =	sdelay $0x3  }
0x46a: {  	[tilespmem:v45+s13+$0x0] =	vst.idx.msk $0xffff, v3  }
0x46b: {  	v47 =	vor.u32 $0x68, v2;
	v3 =	vld.idx.msk [tilespmem:v46+s9+$0x0], $0xffff  }
0x46c: {  	v48 =	vor.u32 $0x69, v1;
	_ =	sdelay $0x3  }
0x46d: {  	[tilespmem:v47+s13+$0x0] =	vst.idx.msk $0xffff, v3  }
0x46e: {  	v49 =	vor.u32 $0x69, v2;
	v3 =	vld.idx.msk [tilespmem:v48+s9+$0x0], $0xffff  }
0x46f: {  	v50 =	vor.u32 $0x6A, v1;
	_ =	sdelay $0x3  }
0x470: {  	[tilespmem:v49+s13+$0x0] =	vst.idx.msk $0xffff, v3  }
0x471: {  	v51 =	vor.u32 $0x6A, v2;
	v3 =	vld.idx.msk [tilespmem:v50+s9+$0x0], $0xffff  }
0x472: {  	v52 =	vor.u32 $0x6B, v1;
	_ =	sdelay $0x3  }
0x473: {  	[tilespmem:v51+s13+$0x0] =	vst.idx.msk $0xffff, v3  }
0x474: {  	v53 =	vor.u32 $0x6B, v2;
	v3 =	vld.idx.msk [tilespmem:v52+s9+$0x0], $0xffff  }
0x475: {  	v54 =	vor.u32 $0x6C, v1;
	_ =	sdelay $0x3  }
0x476: {  	[tilespmem:v53+s13+$0x0] =	vst.idx.msk $0xffff, v3  }
0x477: {  	v55 =	vor.u32 $0x6C, v2;
	v3 =	vld.idx.msk [tilespmem:v54+s9+$0x0], $0xffff  }
0x478: {  	v56 =	vor.u32 $0x6D, v1;
	_ =	sdelay $0x3  }
0x479: {  	[tilespmem:v55+s13+$0x0] =	vst.idx.msk $0xffff, v3  }
0x47a: {  	v57 =	vor.u32 $0x6D, v2;
	v3 =	vld.idx.msk [tilespmem:v56+s9+$0x0], $0xffff  }
0x47b: {  	v58 =	vor.u32 $0x6E, v1;
	_ =	sdelay $0x3  }
0x47c: {  	[tilespmem:v57+s13+$0x0] =	vst.idx.msk $0xffff, v3  }
0x47d: {  	v59 =	vor.u32 $0x6E, v2;
	v3 =	vld.idx.msk [tilespmem:v58+s9+$0x0], $0xffff  }
0x47e: {  	v60 =	vor.u32 $0x6F, v1;
	_ =	sdelay $0x3  }
0x47f: {  	[tilespmem:v59+s13+$0x0] =	vst.idx.msk $0xffff, v3  }
0x480: {  	v61 =	vor.u32 $0x6F, v2;
	v3 =	vld.idx.msk [tilespmem:v60+s9+$0x0], $0xffff  }
0x481: {  	v62 =	vor.u32 $0x70, v1;
	_ =	sdelay $0x3  }
0x482: {  	[tilespmem:v61+s13+$0x0] =	vst.idx.msk $0xffff, v3  }
0x483: {  	v63 =	vor.u32 $0x70, v2;
	v3 =	vld.idx.msk [tilespmem:v62+s9+$0x0], $0xffff  }
0x484: {  	v8 =	vor.u32 $0x71, v1;
	_ =	sdelay $0x3  }
0x485: {  	[tilespmem:v63+s13+$0x0] =	vst.idx.msk $0xffff, v3  }
0x486: {  	v9 =	vor.u32 $0x71, v2;
	v3 =	vld.idx.msk [tilespmem:v8+s9+$0x0], $0xffff  }
0x487: {  	v10 =	vor.u32 $0x72, v1;
	_ =	sdelay $0x3  }
0x488: {  	[tilespmem:v9+s13+$0x0] =	vst.idx.msk $0xffff, v3  }
0x489: {  	v11 =	vor.u32 $0x72, v2;
	v3 =	vld.idx.msk [tilespmem:v10+s9+$0x0], $0xffff  }
0x48a: {  	v12 =	vor.u32 $0x73, v1;
	_ =	sdelay $0x3  }
0x48b: {  	[tilespmem:v11+s13+$0x0] =	vst.idx.msk $0xffff, v3  }
0x48c: {  	v13 =	vor.u32 $0x73, v2;
	v3 =	vld.idx.msk [tilespmem:v12+s9+$0x0], $0xffff  }
0x48d: {  	v14 =	vor.u32 $0x74, v1;
	_ =	sdelay $0x3  }
0x48e: {  	[tilespmem:v13+s13+$0x0] =	vst.idx.msk $0xffff, v3  }
0x48f: {  	v15 =	vor.u32 $0x74, v2;
	v3 =	vld.idx.msk [tilespmem:v14+s9+$0x0], $0xffff  }
0x490: {  	v16 =	vor.u32 $0x75, v1;
	_ =	sdelay $0x3  }
0x491: {  	[tilespmem:v15+s13+$0x0] =	vst.idx.msk $0xffff, v3  }
0x492: {  	v17 =	vor.u32 $0x75, v2;
	v3 =	vld.idx.msk [tilespmem:v16+s9+$0x0], $0xffff  }
0x493: {  	v18 =	vor.u32 $0x76, v1;
	_ =	sdelay $0x3  }
0x494: {  	[tilespmem:v17+s13+$0x0] =	vst.idx.msk $0xffff, v3  }
0x495: {  	v19 =	vor.u32 $0x76, v2;
	v3 =	vld.idx.msk [tilespmem:v18+s9+$0x0], $0xffff  }
0x496: {  	v20 =	vor.u32 $0x77, v1;
	_ =	sdelay $0x3  }
0x497: {  	[tilespmem:v19+s13+$0x0] =	vst.idx.msk $0xffff, v3  }
0x498: {  	v21 =	vor.u32 $0x77, v2;
	v3 =	vld.idx.msk [tilespmem:v20+s9+$0x0], $0xffff  }
0x499: {  	v22 =	vor.u32 $0x78, v1;
	_ =	sdelay $0x3  }
0x49a: {  	[tilespmem:v21+s13+$0x0] =	vst.idx.msk $0xffff, v3  }
0x49b: {  	v23 =	vor.u32 $0x78, v2;
	v3 =	vld.idx.msk [tilespmem:v22+s9+$0x0], $0xffff  }
0x49c: {  	v24 =	vor.u32 $0x79, v1;
	_ =	sdelay $0x3  }
0x49d: {  	[tilespmem:v23+s13+$0x0] =	vst.idx.msk $0xffff, v3  }
0x49e: {  	v25 =	vor.u32 $0x79, v2;
	v3 =	vld.idx.msk [tilespmem:v24+s9+$0x0], $0xffff  }
0x49f: {  	v26 =	vor.u32 $0x7A, v1;
	_ =	sdelay $0x3  }
0x4a0: {  	[tilespmem:v25+s13+$0x0] =	vst.idx.msk $0xffff, v3  }
0x4a1: {  	v27 =	vor.u32 $0x7A, v2;
	v3 =	vld.idx.msk [tilespmem:v26+s9+$0x0], $0xffff  }
0x4a2: {  	v28 =	vor.u32 $0x7B, v1;
	_ =	sdelay $0x3  }
0x4a3: {  	[tilespmem:v27+s13+$0x0] =	vst.idx.msk $0xffff, v3  }
0x4a4: {  	v29 =	vor.u32 $0x7B, v2;
	v3 =	vld.idx.msk [tilespmem:v28+s9+$0x0], $0xffff  }
0x4a5: {  	v30 =	vor.u32 $0x7C, v1;
	_ =	sdelay $0x3  }
0x4a6: {  	[tilespmem:v29+s13+$0x0] =	vst.idx.msk $0xffff, v3  }
0x4a7: {  	v31 =	vor.u32 $0x7C, v2;
	v3 =	vld.idx.msk [tilespmem:v30+s9+$0x0], $0xffff  }
0x4a8: {  	v32 =	vor.u32 $0x7D, v1;
	_ =	sdelay $0x3  }
0x4a9: {  	[tilespmem:v31+s13+$0x0] =	vst.idx.msk $0xffff, v3  }
0x4aa: {  	v33 =	vor.u32 $0x7D, v2;
	v3 =	vld.idx.msk [tilespmem:v32+s9+$0x0], $0xffff  }
0x4ab: {  	v34 =	vor.u32 $0x7E, v1;
	_ =	sdelay $0x3  }
0x4ac: {  	[tilespmem:v33+s13+$0x0] =	vst.idx.msk $0xffff, v3  }
0x4ad: {  	v35 =	vor.u32 $0x7E, v2;
	v3 =	vld.idx.msk [tilespmem:v34+s9+$0x0], $0xffff  }
0x4ae: {  	v1 =	vor.u32 $0x7F, v1;
	_ =	sdelay $0x3  }
0x4af: {  	[tilespmem:v35+s13+$0x0] =	vst.idx.msk $0xffff, v3  }
0x4b0: {  	v2 =	vor.u32 $0x7F, v2;
	v1 =	vld.idx.msk [tilespmem:v1+s9+$0x0], $0xffff;
	_ =	sdelay $0x4  }
0x4b1: {  	[tilespmem:v2+s13+$0x0] =	vst.idx.msk $0xffff, v1  }
0x4b2: {  	v1 =	vld [tilespmem:s21+$0x10];
	_ =	sdelay $0x4  }
0x4b3: {  	v1 =	vshll.u32 v1, $0x7;
	_ =	sdelay $0x1  }
0x4b4: {  	s25 =	sor.u32 $0x70, s25  }
0x4b5: {  	v2 =	vmov s25  }
0x4b6: {  	v2 =	vshll.u32 v2, $0x7  }
0x4b7: {  	v2 =	vor.u32 v0, v2;
	v3 =	vld.idx.msk [tilespmem:v1+s9+$0x0], $0xffff  }
0x4b8: {  	v36 =	vor.u32 $0x1, v1;
	_ =	sdelay $0x3  }
0x4b9: {  	[tilespmem:v2+s13+$0x0] =	vst.idx.msk $0xffff, v3  }
0x4ba: {  	v37 =	vor.u32 $0x1, v2;
	v3 =	vld.idx.msk [tilespmem:v36+s9+$0x0], $0xffff  }
0x4bb: {  	v38 =	vor.u32 $0x2, v1;
	_ =	sdelay $0x3  }
0x4bc: {  	[tilespmem:v37+s13+$0x0] =	vst.idx.msk $0xffff, v3  }
0x4bd: {  	v39 =	vor.u32 $0x2, v2;
	v3 =	vld.idx.msk [tilespmem:v38+s9+$0x0], $0xffff  }
0x4be: {  	v40 =	vor.u32 $0x3, v1;
	_ =	sdelay $0x3  }
0x4bf: {  	[tilespmem:v39+s13+$0x0] =	vst.idx.msk $0xffff, v3  }
0x4c0: {  	v41 =	vor.u32 $0x3, v2;
	v3 =	vld.idx.msk [tilespmem:v40+s9+$0x0], $0xffff  }
0x4c1: {  	v42 =	vor.u32 $0x4, v1;
	_ =	sdelay $0x3  }
0x4c2: {  	[tilespmem:v41+s13+$0x0] =	vst.idx.msk $0xffff, v3  }
0x4c3: {  	v43 =	vor.u32 $0x4, v2;
	v3 =	vld.idx.msk [tilespmem:v42+s9+$0x0], $0xffff  }
0x4c4: {  	v44 =	vor.u32 $0x5, v1;
	_ =	sdelay $0x3  }
0x4c5: {  	[tilespmem:v43+s13+$0x0] =	vst.idx.msk $0xffff, v3  }
0x4c6: {  	v45 =	vor.u32 $0x5, v2;
	v3 =	vld.idx.msk [tilespmem:v44+s9+$0x0], $0xffff  }
0x4c7: {  	v46 =	vor.u32 $0x6, v1;
	_ =	sdelay $0x3  }
0x4c8: {  	[tilespmem:v45+s13+$0x0] =	vst.idx.msk $0xffff, v3  }
0x4c9: {  	v47 =	vor.u32 $0x6, v2;
	v3 =	vld.idx.msk [tilespmem:v46+s9+$0x0], $0xffff  }
0x4ca: {  	v48 =	vor.u32 $0x7, v1;
	_ =	sdelay $0x3  }
0x4cb: {  	[tilespmem:v47+s13+$0x0] =	vst.idx.msk $0xffff, v3  }
0x4cc: {  	v49 =	vor.u32 $0x7, v2;
	v3 =	vld.idx.msk [tilespmem:v48+s9+$0x0], $0xffff  }
0x4cd: {  	v50 =	vor.u32 $0x8, v1;
	_ =	sdelay $0x3  }
0x4ce: {  	[tilespmem:v49+s13+$0x0] =	vst.idx.msk $0xffff, v3  }
0x4cf: {  	v51 =	vor.u32 $0x8, v2;
	v3 =	vld.idx.msk [tilespmem:v50+s9+$0x0], $0xffff  }
0x4d0: {  	v52 =	vor.u32 $0x9, v1;
	_ =	sdelay $0x3  }
0x4d1: {  	[tilespmem:v51+s13+$0x0] =	vst.idx.msk $0xffff, v3  }
0x4d2: {  	v53 =	vor.u32 $0x9, v2;
	v3 =	vld.idx.msk [tilespmem:v52+s9+$0x0], $0xffff  }
0x4d3: {  	v54 =	vor.u32 $0xA, v1;
	_ =	sdelay $0x3  }
0x4d4: {  	[tilespmem:v53+s13+$0x0] =	vst.idx.msk $0xffff, v3  }
0x4d5: {  	v55 =	vor.u32 $0xA, v2;
	v3 =	vld.idx.msk [tilespmem:v54+s9+$0x0], $0xffff  }
0x4d6: {  	v56 =	vor.u32 $0xB, v1;
	_ =	sdelay $0x3  }
0x4d7: {  	[tilespmem:v55+s13+$0x0] =	vst.idx.msk $0xffff, v3  }
0x4d8: {  	v57 =	vor.u32 $0xB, v2;
	v3 =	vld.idx.msk [tilespmem:v56+s9+$0x0], $0xffff  }
0x4d9: {  	v58 =	vor.u32 $0xC, v1;
	_ =	sdelay $0x3  }
0x4da: {  	[tilespmem:v57+s13+$0x0] =	vst.idx.msk $0xffff, v3  }
0x4db: {  	v59 =	vor.u32 $0xC, v2;
	v3 =	vld.idx.msk [tilespmem:v58+s9+$0x0], $0xffff  }
0x4dc: {  	v60 =	vor.u32 $0xD, v1;
	_ =	sdelay $0x3  }
0x4dd: {  	[tilespmem:v59+s13+$0x0] =	vst.idx.msk $0xffff, v3  }
0x4de: {  	v61 =	vor.u32 $0xD, v2;
	v3 =	vld.idx.msk [tilespmem:v60+s9+$0x0], $0xffff  }
0x4df: {  	v62 =	vor.u32 $0xE, v1;
	_ =	sdelay $0x3  }
0x4e0: {  	[tilespmem:v61+s13+$0x0] =	vst.idx.msk $0xffff, v3  }
0x4e1: {  	v63 =	vor.u32 $0xE, v2;
	v3 =	vld.idx.msk [tilespmem:v62+s9+$0x0], $0xffff  }
0x4e2: {  	v8 =	vor.u32 $0xF, v1;
	_ =	sdelay $0x3  }
0x4e3: {  	[tilespmem:v63+s13+$0x0] =	vst.idx.msk $0xffff, v3  }
0x4e4: {  	v9 =	vor.u32 $0xF, v2;
	v3 =	vld.idx.msk [tilespmem:v8+s9+$0x0], $0xffff  }
0x4e5: {  	v10 =	vor.u32 $0x10, v1;
	_ =	sdelay $0x3  }
0x4e6: {  	[tilespmem:v9+s13+$0x0] =	vst.idx.msk $0xffff, v3  }
0x4e7: {  	v11 =	vor.u32 $0x10, v2;
	v3 =	vld.idx.msk [tilespmem:v10+s9+$0x0], $0xffff  }
0x4e8: {  	v12 =	vor.u32 $0x11, v1;
	_ =	sdelay $0x3  }
0x4e9: {  	[tilespmem:v11+s13+$0x0] =	vst.idx.msk $0xffff, v3  }
0x4ea: {  	v13 =	vor.u32 $0x11, v2;
	v3 =	vld.idx.msk [tilespmem:v12+s9+$0x0], $0xffff  }
0x4eb: {  	v14 =	vor.u32 $0x12, v1;
	_ =	sdelay $0x3  }
0x4ec: {  	[tilespmem:v13+s13+$0x0] =	vst.idx.msk $0xffff, v3  }
0x4ed: {  	v15 =	vor.u32 $0x12, v2;
	v3 =	vld.idx.msk [tilespmem:v14+s9+$0x0], $0xffff  }
0x4ee: {  	v16 =	vor.u32 $0x13, v1;
	_ =	sdelay $0x3  }
0x4ef: {  	[tilespmem:v15+s13+$0x0] =	vst.idx.msk $0xffff, v3  }
0x4f0: {  	v17 =	vor.u32 $0x13, v2;
	v3 =	vld.idx.msk [tilespmem:v16+s9+$0x0], $0xffff  }
0x4f1: {  	v18 =	vor.u32 $0x14, v1;
	_ =	sdelay $0x3  }
0x4f2: {  	[tilespmem:v17+s13+$0x0] =	vst.idx.msk $0xffff, v3  }
0x4f3: {  	v19 =	vor.u32 $0x14, v2;
	v3 =	vld.idx.msk [tilespmem:v18+s9+$0x0], $0xffff  }
0x4f4: {  	v20 =	vor.u32 $0x15, v1;
	_ =	sdelay $0x3  }
0x4f5: {  	[tilespmem:v19+s13+$0x0] =	vst.idx.msk $0xffff, v3  }
0x4f6: {  	v21 =	vor.u32 $0x15, v2;
	v3 =	vld.idx.msk [tilespmem:v20+s9+$0x0], $0xffff  }
0x4f7: {  	v22 =	vor.u32 $0x16, v1;
	_ =	sdelay $0x3  }
0x4f8: {  	[tilespmem:v21+s13+$0x0] =	vst.idx.msk $0xffff, v3  }
0x4f9: {  	v23 =	vor.u32 $0x16, v2;
	v3 =	vld.idx.msk [tilespmem:v22+s9+$0x0], $0xffff  }
0x4fa: {  	v24 =	vor.u32 $0x17, v1;
	_ =	sdelay $0x3  }
0x4fb: {  	[tilespmem:v23+s13+$0x0] =	vst.idx.msk $0xffff, v3  }
0x4fc: {  	v25 =	vor.u32 $0x17, v2;
	v3 =	vld.idx.msk [tilespmem:v24+s9+$0x0], $0xffff  }
0x4fd: {  	v26 =	vor.u32 $0x18, v1;
	_ =	sdelay $0x3  }
0x4fe: {  	[tilespmem:v25+s13+$0x0] =	vst.idx.msk $0xffff, v3  }
0x4ff: {  	v27 =	vor.u32 $0x18, v2;
	v3 =	vld.idx.msk [tilespmem:v26+s9+$0x0], $0xffff  }
0x500: {  	v28 =	vor.u32 $0x19, v1;
	_ =	sdelay $0x3  }
0x501: {  	[tilespmem:v27+s13+$0x0] =	vst.idx.msk $0xffff, v3  }
0x502: {  	v29 =	vor.u32 $0x19, v2;
	v3 =	vld.idx.msk [tilespmem:v28+s9+$0x0], $0xffff  }
0x503: {  	v30 =	vor.u32 $0x1A, v1;
	_ =	sdelay $0x3  }
0x504: {  	[tilespmem:v29+s13+$0x0] =	vst.idx.msk $0xffff, v3  }
0x505: {  	v31 =	vor.u32 $0x1A, v2;
	v3 =	vld.idx.msk [tilespmem:v30+s9+$0x0], $0xffff  }
0x506: {  	v32 =	vor.u32 $0x1B, v1;
	_ =	sdelay $0x3  }
0x507: {  	[tilespmem:v31+s13+$0x0] =	vst.idx.msk $0xffff, v3  }
0x508: {  	v33 =	vor.u32 $0x1B, v2;
	v3 =	vld.idx.msk [tilespmem:v32+s9+$0x0], $0xffff  }
0x509: {  	v34 =	vor.u32 $0x1C, v1;
	_ =	sdelay $0x3  }
0x50a: {  	[tilespmem:v33+s13+$0x0] =	vst.idx.msk $0xffff, v3  }
0x50b: {  	v35 =	vor.u32 $0x1C, v2;
	v3 =	vld.idx.msk [tilespmem:v34+s9+$0x0], $0xffff  }
0x50c: {  	v36 =	vor.u32 $0x1D, v1;
	_ =	sdelay $0x3  }
0x50d: {  	[tilespmem:v35+s13+$0x0] =	vst.idx.msk $0xffff, v3  }
0x50e: {  	v37 =	vor.u32 $0x1D, v2;
	v3 =	vld.idx.msk [tilespmem:v36+s9+$0x0], $0xffff  }
0x50f: {  	v38 =	vor.u32 $0x1E, v1;
	_ =	sdelay $0x3  }
0x510: {  	[tilespmem:v37+s13+$0x0] =	vst.idx.msk $0xffff, v3  }
0x511: {  	v39 =	vor.u32 $0x1E, v2;
	v3 =	vld.idx.msk [tilespmem:v38+s9+$0x0], $0xffff  }
0x512: {  	v40 =	vor.u32 $0x1F, v1;
	_ =	sdelay $0x3  }
0x513: {  	[tilespmem:v39+s13+$0x0] =	vst.idx.msk $0xffff, v3  }
0x514: {  	v41 =	vor.u32 $0x1F, v2;
	v3 =	vld.idx.msk [tilespmem:v40+s9+$0x0], $0xffff  }
0x515: {  	v42 =	vor.u32 $0x20, v1;
	_ =	sdelay $0x3  }
0x516: {  	[tilespmem:v41+s13+$0x0] =	vst.idx.msk $0xffff, v3  }
0x517: {  	v43 =	vor.u32 $0x20, v2;
	v3 =	vld.idx.msk [tilespmem:v42+s9+$0x0], $0xffff  }
0x518: {  	v44 =	vor.u32 $0x21, v1;
	_ =	sdelay $0x3  }
0x519: {  	[tilespmem:v43+s13+$0x0] =	vst.idx.msk $0xffff, v3  }
0x51a: {  	v45 =	vor.u32 $0x21, v2;
	v3 =	vld.idx.msk [tilespmem:v44+s9+$0x0], $0xffff  }
0x51b: {  	v46 =	vor.u32 $0x22, v1;
	_ =	sdelay $0x3  }
0x51c: {  	[tilespmem:v45+s13+$0x0] =	vst.idx.msk $0xffff, v3  }
0x51d: {  	v47 =	vor.u32 $0x22, v2;
	v3 =	vld.idx.msk [tilespmem:v46+s9+$0x0], $0xffff  }
0x51e: {  	v48 =	vor.u32 $0x23, v1;
	_ =	sdelay $0x3  }
0x51f: {  	[tilespmem:v47+s13+$0x0] =	vst.idx.msk $0xffff, v3  }
0x520: {  	v49 =	vor.u32 $0x23, v2;
	v3 =	vld.idx.msk [tilespmem:v48+s9+$0x0], $0xffff  }
0x521: {  	v50 =	vor.u32 $0x24, v1;
	_ =	sdelay $0x3  }
0x522: {  	[tilespmem:v49+s13+$0x0] =	vst.idx.msk $0xffff, v3  }
0x523: {  	v51 =	vor.u32 $0x24, v2;
	v3 =	vld.idx.msk [tilespmem:v50+s9+$0x0], $0xffff  }
0x524: {  	v52 =	vor.u32 $0x25, v1;
	_ =	sdelay $0x3  }
0x525: {  	[tilespmem:v51+s13+$0x0] =	vst.idx.msk $0xffff, v3  }
0x526: {  	v53 =	vor.u32 $0x25, v2;
	v3 =	vld.idx.msk [tilespmem:v52+s9+$0x0], $0xffff  }
0x527: {  	v54 =	vor.u32 $0x26, v1;
	_ =	sdelay $0x3  }
0x528: {  	[tilespmem:v53+s13+$0x0] =	vst.idx.msk $0xffff, v3  }
0x529: {  	v55 =	vor.u32 $0x26, v2;
	v3 =	vld.idx.msk [tilespmem:v54+s9+$0x0], $0xffff  }
0x52a: {  	v56 =	vor.u32 $0x27, v1;
	_ =	sdelay $0x3  }
0x52b: {  	[tilespmem:v55+s13+$0x0] =	vst.idx.msk $0xffff, v3  }
0x52c: {  	v57 =	vor.u32 $0x27, v2;
	v3 =	vld.idx.msk [tilespmem:v56+s9+$0x0], $0xffff  }
0x52d: {  	v58 =	vor.u32 $0x28, v1;
	_ =	sdelay $0x3  }
0x52e: {  	[tilespmem:v57+s13+$0x0] =	vst.idx.msk $0xffff, v3  }
0x52f: {  	v59 =	vor.u32 $0x28, v2;
	v3 =	vld.idx.msk [tilespmem:v58+s9+$0x0], $0xffff  }
0x530: {  	v60 =	vor.u32 $0x29, v1;
	_ =	sdelay $0x3  }
0x531: {  	[tilespmem:v59+s13+$0x0] =	vst.idx.msk $0xffff, v3  }
0x532: {  	v61 =	vor.u32 $0x29, v2;
	v3 =	vld.idx.msk [tilespmem:v60+s9+$0x0], $0xffff  }
0x533: {  	v62 =	vor.u32 $0x2A, v1;
	_ =	sdelay $0x3  }
0x534: {  	[tilespmem:v61+s13+$0x0] =	vst.idx.msk $0xffff, v3  }
0x535: {  	v63 =	vor.u32 $0x2A, v2;
	v3 =	vld.idx.msk [tilespmem:v62+s9+$0x0], $0xffff  }
0x536: {  	v8 =	vor.u32 $0x2B, v1;
	_ =	sdelay $0x3  }
0x537: {  	[tilespmem:v63+s13+$0x0] =	vst.idx.msk $0xffff, v3  }
0x538: {  	v9 =	vor.u32 $0x2B, v2;
	v3 =	vld.idx.msk [tilespmem:v8+s9+$0x0], $0xffff  }
0x539: {  	v10 =	vor.u32 $0x2C, v1;
	_ =	sdelay $0x3  }
0x53a: {  	[tilespmem:v9+s13+$0x0] =	vst.idx.msk $0xffff, v3  }
0x53b: {  	v11 =	vor.u32 $0x2C, v2;
	v3 =	vld.idx.msk [tilespmem:v10+s9+$0x0], $0xffff  }
0x53c: {  	v12 =	vor.u32 $0x2D, v1;
	_ =	sdelay $0x3  }
0x53d: {  	[tilespmem:v11+s13+$0x0] =	vst.idx.msk $0xffff, v3  }
0x53e: {  	v13 =	vor.u32 $0x2D, v2;
	v3 =	vld.idx.msk [tilespmem:v12+s9+$0x0], $0xffff  }
0x53f: {  	v14 =	vor.u32 $0x2E, v1;
	_ =	sdelay $0x3  }
0x540: {  	[tilespmem:v13+s13+$0x0] =	vst.idx.msk $0xffff, v3  }
0x541: {  	v15 =	vor.u32 $0x2E, v2;
	v3 =	vld.idx.msk [tilespmem:v14+s9+$0x0], $0xffff  }
0x542: {  	v16 =	vor.u32 $0x2F, v1;
	_ =	sdelay $0x3  }
0x543: {  	[tilespmem:v15+s13+$0x0] =	vst.idx.msk $0xffff, v3  }
0x544: {  	v17 =	vor.u32 $0x2F, v2;
	v3 =	vld.idx.msk [tilespmem:v16+s9+$0x0], $0xffff  }
0x545: {  	v18 =	vor.u32 $0x30, v1;
	_ =	sdelay $0x3  }
0x546: {  	[tilespmem:v17+s13+$0x0] =	vst.idx.msk $0xffff, v3  }
0x547: {  	v19 =	vor.u32 $0x30, v2;
	v3 =	vld.idx.msk [tilespmem:v18+s9+$0x0], $0xffff  }
0x548: {  	v20 =	vor.u32 $0x31, v1;
	_ =	sdelay $0x3  }
0x549: {  	[tilespmem:v19+s13+$0x0] =	vst.idx.msk $0xffff, v3  }
0x54a: {  	v21 =	vor.u32 $0x31, v2;
	v3 =	vld.idx.msk [tilespmem:v20+s9+$0x0], $0xffff  }
0x54b: {  	v22 =	vor.u32 $0x32, v1;
	_ =	sdelay $0x3  }
0x54c: {  	[tilespmem:v21+s13+$0x0] =	vst.idx.msk $0xffff, v3  }
0x54d: {  	v23 =	vor.u32 $0x32, v2;
	v3 =	vld.idx.msk [tilespmem:v22+s9+$0x0], $0xffff  }
0x54e: {  	v24 =	vor.u32 $0x33, v1;
	_ =	sdelay $0x3  }
0x54f: {  	[tilespmem:v23+s13+$0x0] =	vst.idx.msk $0xffff, v3  }
0x550: {  	v25 =	vor.u32 $0x33, v2;
	v3 =	vld.idx.msk [tilespmem:v24+s9+$0x0], $0xffff  }
0x551: {  	v26 =	vor.u32 $0x34, v1;
	_ =	sdelay $0x3  }
0x552: {  	[tilespmem:v25+s13+$0x0] =	vst.idx.msk $0xffff, v3  }
0x553: {  	v27 =	vor.u32 $0x34, v2;
	v3 =	vld.idx.msk [tilespmem:v26+s9+$0x0], $0xffff  }
0x554: {  	v28 =	vor.u32 $0x35, v1;
	_ =	sdelay $0x3  }
0x555: {  	[tilespmem:v27+s13+$0x0] =	vst.idx.msk $0xffff, v3  }
0x556: {  	v29 =	vor.u32 $0x35, v2;
	v3 =	vld.idx.msk [tilespmem:v28+s9+$0x0], $0xffff  }
0x557: {  	v30 =	vor.u32 $0x36, v1;
	_ =	sdelay $0x3  }
0x558: {  	[tilespmem:v29+s13+$0x0] =	vst.idx.msk $0xffff, v3  }
0x559: {  	v31 =	vor.u32 $0x36, v2;
	v3 =	vld.idx.msk [tilespmem:v30+s9+$0x0], $0xffff  }
0x55a: {  	v32 =	vor.u32 $0x37, v1;
	_ =	sdelay $0x3  }
0x55b: {  	[tilespmem:v31+s13+$0x0] =	vst.idx.msk $0xffff, v3  }
0x55c: {  	v33 =	vor.u32 $0x37, v2;
	v3 =	vld.idx.msk [tilespmem:v32+s9+$0x0], $0xffff  }
0x55d: {  	v34 =	vor.u32 $0x38, v1;
	_ =	sdelay $0x3  }
0x55e: {  	[tilespmem:v33+s13+$0x0] =	vst.idx.msk $0xffff, v3  }
0x55f: {  	v35 =	vor.u32 $0x38, v2;
	v3 =	vld.idx.msk [tilespmem:v34+s9+$0x0], $0xffff  }
0x560: {  	v36 =	vor.u32 $0x39, v1;
	_ =	sdelay $0x3  }
0x561: {  	[tilespmem:v35+s13+$0x0] =	vst.idx.msk $0xffff, v3  }
0x562: {  	v37 =	vor.u32 $0x39, v2;
	v3 =	vld.idx.msk [tilespmem:v36+s9+$0x0], $0xffff  }
0x563: {  	v38 =	vor.u32 $0x3A, v1;
	_ =	sdelay $0x3  }
0x564: {  	[tilespmem:v37+s13+$0x0] =	vst.idx.msk $0xffff, v3  }
0x565: {  	v39 =	vor.u32 $0x3A, v2;
	v3 =	vld.idx.msk [tilespmem:v38+s9+$0x0], $0xffff  }
0x566: {  	v40 =	vor.u32 $0x3B, v1;
	_ =	sdelay $0x3  }
0x567: {  	[tilespmem:v39+s13+$0x0] =	vst.idx.msk $0xffff, v3  }
0x568: {  	v41 =	vor.u32 $0x3B, v2;
	v3 =	vld.idx.msk [tilespmem:v40+s9+$0x0], $0xffff  }
0x569: {  	v42 =	vor.u32 $0x3C, v1;
	_ =	sdelay $0x3  }
0x56a: {  	[tilespmem:v41+s13+$0x0] =	vst.idx.msk $0xffff, v3  }
0x56b: {  	v43 =	vor.u32 $0x3C, v2;
	v3 =	vld.idx.msk [tilespmem:v42+s9+$0x0], $0xffff  }
0x56c: {  	v44 =	vor.u32 $0x3D, v1;
	_ =	sdelay $0x3  }
0x56d: {  	[tilespmem:v43+s13+$0x0] =	vst.idx.msk $0xffff, v3  }
0x56e: {  	v45 =	vor.u32 $0x3D, v2;
	v3 =	vld.idx.msk [tilespmem:v44+s9+$0x0], $0xffff  }
0x56f: {  	v46 =	vor.u32 $0x3E, v1;
	_ =	sdelay $0x3  }
0x570: {  	[tilespmem:v45+s13+$0x0] =	vst.idx.msk $0xffff, v3  }
0x571: {  	v47 =	vor.u32 $0x3E, v2;
	v3 =	vld.idx.msk [tilespmem:v46+s9+$0x0], $0xffff  }
0x572: {  	v48 =	vor.u32 $0x3F, v1;
	_ =	sdelay $0x3  }
0x573: {  	[tilespmem:v47+s13+$0x0] =	vst.idx.msk $0xffff, v3  }
0x574: {  	v49 =	vor.u32 $0x3F, v2;
	v3 =	vld.idx.msk [tilespmem:v48+s9+$0x0], $0xffff  }
0x575: {  	v50 =	vor.u32 $0x40, v1;
	_ =	sdelay $0x3  }
0x576: {  	[tilespmem:v49+s13+$0x0] =	vst.idx.msk $0xffff, v3  }
0x577: {  	v51 =	vor.u32 $0x40, v2;
	v3 =	vld.idx.msk [tilespmem:v50+s9+$0x0], $0xffff  }
0x578: {  	v52 =	vor.u32 $0x41, v1;
	_ =	sdelay $0x3  }
0x579: {  	[tilespmem:v51+s13+$0x0] =	vst.idx.msk $0xffff, v3  }
0x57a: {  	v53 =	vor.u32 $0x41, v2;
	v3 =	vld.idx.msk [tilespmem:v52+s9+$0x0], $0xffff  }
0x57b: {  	v54 =	vor.u32 $0x42, v1;
	_ =	sdelay $0x3  }
0x57c: {  	[tilespmem:v53+s13+$0x0] =	vst.idx.msk $0xffff, v3  }
0x57d: {  	v55 =	vor.u32 $0x42, v2;
	v3 =	vld.idx.msk [tilespmem:v54+s9+$0x0], $0xffff  }
0x57e: {  	v56 =	vor.u32 $0x43, v1;
	_ =	sdelay $0x3  }
0x57f: {  	[tilespmem:v55+s13+$0x0] =	vst.idx.msk $0xffff, v3  }
0x580: {  	v57 =	vor.u32 $0x43, v2;
	v3 =	vld.idx.msk [tilespmem:v56+s9+$0x0], $0xffff  }
0x581: {  	v58 =	vor.u32 $0x44, v1;
	_ =	sdelay $0x3  }
0x582: {  	[tilespmem:v57+s13+$0x0] =	vst.idx.msk $0xffff, v3  }
0x583: {  	v59 =	vor.u32 $0x44, v2;
	v3 =	vld.idx.msk [tilespmem:v58+s9+$0x0], $0xffff  }
0x584: {  	v60 =	vor.u32 $0x45, v1;
	_ =	sdelay $0x3  }
0x585: {  	[tilespmem:v59+s13+$0x0] =	vst.idx.msk $0xffff, v3  }
0x586: {  	v61 =	vor.u32 $0x45, v2;
	v3 =	vld.idx.msk [tilespmem:v60+s9+$0x0], $0xffff  }
0x587: {  	v62 =	vor.u32 $0x46, v1;
	_ =	sdelay $0x3  }
0x588: {  	[tilespmem:v61+s13+$0x0] =	vst.idx.msk $0xffff, v3  }
0x589: {  	v63 =	vor.u32 $0x46, v2;
	v3 =	vld.idx.msk [tilespmem:v62+s9+$0x0], $0xffff  }
0x58a: {  	v8 =	vor.u32 $0x47, v1;
	_ =	sdelay $0x3  }
0x58b: {  	[tilespmem:v63+s13+$0x0] =	vst.idx.msk $0xffff, v3  }
0x58c: {  	v9 =	vor.u32 $0x47, v2;
	v3 =	vld.idx.msk [tilespmem:v8+s9+$0x0], $0xffff  }
0x58d: {  	v10 =	vor.u32 $0x48, v1;
	_ =	sdelay $0x3  }
0x58e: {  	[tilespmem:v9+s13+$0x0] =	vst.idx.msk $0xffff, v3  }
0x58f: {  	v11 =	vor.u32 $0x48, v2;
	v3 =	vld.idx.msk [tilespmem:v10+s9+$0x0], $0xffff  }
0x590: {  	v12 =	vor.u32 $0x49, v1;
	_ =	sdelay $0x3  }
0x591: {  	[tilespmem:v11+s13+$0x0] =	vst.idx.msk $0xffff, v3  }
0x592: {  	v13 =	vor.u32 $0x49, v2;
	v3 =	vld.idx.msk [tilespmem:v12+s9+$0x0], $0xffff  }
0x593: {  	v14 =	vor.u32 $0x4A, v1;
	_ =	sdelay $0x3  }
0x594: {  	[tilespmem:v13+s13+$0x0] =	vst.idx.msk $0xffff, v3  }
0x595: {  	v15 =	vor.u32 $0x4A, v2;
	v3 =	vld.idx.msk [tilespmem:v14+s9+$0x0], $0xffff  }
0x596: {  	v16 =	vor.u32 $0x4B, v1;
	_ =	sdelay $0x3  }
0x597: {  	[tilespmem:v15+s13+$0x0] =	vst.idx.msk $0xffff, v3  }
0x598: {  	v17 =	vor.u32 $0x4B, v2;
	v3 =	vld.idx.msk [tilespmem:v16+s9+$0x0], $0xffff  }
0x599: {  	v18 =	vor.u32 $0x4C, v1;
	_ =	sdelay $0x3  }
0x59a: {  	[tilespmem:v17+s13+$0x0] =	vst.idx.msk $0xffff, v3  }
0x59b: {  	v19 =	vor.u32 $0x4C, v2;
	v3 =	vld.idx.msk [tilespmem:v18+s9+$0x0], $0xffff  }
0x59c: {  	v20 =	vor.u32 $0x4D, v1;
	_ =	sdelay $0x3  }
0x59d: {  	[tilespmem:v19+s13+$0x0] =	vst.idx.msk $0xffff, v3  }
0x59e: {  	v21 =	vor.u32 $0x4D, v2;
	v3 =	vld.idx.msk [tilespmem:v20+s9+$0x0], $0xffff  }
0x59f: {  	v22 =	vor.u32 $0x4E, v1;
	_ =	sdelay $0x3  }
0x5a0: {  	[tilespmem:v21+s13+$0x0] =	vst.idx.msk $0xffff, v3  }
0x5a1: {  	v23 =	vor.u32 $0x4E, v2;
	v3 =	vld.idx.msk [tilespmem:v22+s9+$0x0], $0xffff  }
0x5a2: {  	v24 =	vor.u32 $0x4F, v1;
	_ =	sdelay $0x3  }
0x5a3: {  	[tilespmem:v23+s13+$0x0] =	vst.idx.msk $0xffff, v3  }
0x5a4: {  	v25 =	vor.u32 $0x4F, v2;
	v3 =	vld.idx.msk [tilespmem:v24+s9+$0x0], $0xffff  }
0x5a5: {  	v26 =	vor.u32 $0x50, v1;
	_ =	sdelay $0x3  }
0x5a6: {  	[tilespmem:v25+s13+$0x0] =	vst.idx.msk $0xffff, v3  }
0x5a7: {  	v27 =	vor.u32 $0x50, v2;
	v3 =	vld.idx.msk [tilespmem:v26+s9+$0x0], $0xffff  }
0x5a8: {  	v28 =	vor.u32 $0x51, v1;
	_ =	sdelay $0x3  }
0x5a9: {  	[tilespmem:v27+s13+$0x0] =	vst.idx.msk $0xffff, v3  }
0x5aa: {  	v29 =	vor.u32 $0x51, v2;
	v3 =	vld.idx.msk [tilespmem:v28+s9+$0x0], $0xffff  }
0x5ab: {  	v30 =	vor.u32 $0x52, v1;
	_ =	sdelay $0x3  }
0x5ac: {  	[tilespmem:v29+s13+$0x0] =	vst.idx.msk $0xffff, v3  }
0x5ad: {  	v31 =	vor.u32 $0x52, v2;
	v3 =	vld.idx.msk [tilespmem:v30+s9+$0x0], $0xffff  }
0x5ae: {  	v32 =	vor.u32 $0x53, v1;
	_ =	sdelay $0x3  }
0x5af: {  	[tilespmem:v31+s13+$0x0] =	vst.idx.msk $0xffff, v3  }
0x5b0: {  	v33 =	vor.u32 $0x53, v2;
	v3 =	vld.idx.msk [tilespmem:v32+s9+$0x0], $0xffff  }
0x5b1: {  	v34 =	vor.u32 $0x54, v1;
	_ =	sdelay $0x3  }
0x5b2: {  	[tilespmem:v33+s13+$0x0] =	vst.idx.msk $0xffff, v3  }
0x5b3: {  	v35 =	vor.u32 $0x54, v2;
	v3 =	vld.idx.msk [tilespmem:v34+s9+$0x0], $0xffff  }
0x5b4: {  	v36 =	vor.u32 $0x55, v1;
	_ =	sdelay $0x3  }
0x5b5: {  	[tilespmem:v35+s13+$0x0] =	vst.idx.msk $0xffff, v3  }
0x5b6: {  	v37 =	vor.u32 $0x55, v2;
	v3 =	vld.idx.msk [tilespmem:v36+s9+$0x0], $0xffff  }
0x5b7: {  	v38 =	vor.u32 $0x56, v1;
	_ =	sdelay $0x3  }
0x5b8: {  	[tilespmem:v37+s13+$0x0] =	vst.idx.msk $0xffff, v3  }
0x5b9: {  	v39 =	vor.u32 $0x56, v2;
	v3 =	vld.idx.msk [tilespmem:v38+s9+$0x0], $0xffff  }
0x5ba: {  	v40 =	vor.u32 $0x57, v1;
	_ =	sdelay $0x3  }
0x5bb: {  	[tilespmem:v39+s13+$0x0] =	vst.idx.msk $0xffff, v3  }
0x5bc: {  	v41 =	vor.u32 $0x57, v2;
	v3 =	vld.idx.msk [tilespmem:v40+s9+$0x0], $0xffff  }
0x5bd: {  	v42 =	vor.u32 $0x58, v1;
	_ =	sdelay $0x3  }
0x5be: {  	[tilespmem:v41+s13+$0x0] =	vst.idx.msk $0xffff, v3  }
0x5bf: {  	v43 =	vor.u32 $0x58, v2;
	v3 =	vld.idx.msk [tilespmem:v42+s9+$0x0], $0xffff  }
0x5c0: {  	v44 =	vor.u32 $0x59, v1;
	_ =	sdelay $0x3  }
0x5c1: {  	[tilespmem:v43+s13+$0x0] =	vst.idx.msk $0xffff, v3  }
0x5c2: {  	v45 =	vor.u32 $0x59, v2;
	v3 =	vld.idx.msk [tilespmem:v44+s9+$0x0], $0xffff  }
0x5c3: {  	v46 =	vor.u32 $0x5A, v1;
	_ =	sdelay $0x3  }
0x5c4: {  	[tilespmem:v45+s13+$0x0] =	vst.idx.msk $0xffff, v3  }
0x5c5: {  	v47 =	vor.u32 $0x5A, v2;
	v3 =	vld.idx.msk [tilespmem:v46+s9+$0x0], $0xffff  }
0x5c6: {  	v48 =	vor.u32 $0x5B, v1;
	_ =	sdelay $0x3  }
0x5c7: {  	[tilespmem:v47+s13+$0x0] =	vst.idx.msk $0xffff, v3  }
0x5c8: {  	v49 =	vor.u32 $0x5B, v2;
	v3 =	vld.idx.msk [tilespmem:v48+s9+$0x0], $0xffff  }
0x5c9: {  	v50 =	vor.u32 $0x5C, v1;
	_ =	sdelay $0x3  }
0x5ca: {  	[tilespmem:v49+s13+$0x0] =	vst.idx.msk $0xffff, v3  }
0x5cb: {  	v51 =	vor.u32 $0x5C, v2;
	v3 =	vld.idx.msk [tilespmem:v50+s9+$0x0], $0xffff  }
0x5cc: {  	v52 =	vor.u32 $0x5D, v1;
	_ =	sdelay $0x3  }
0x5cd: {  	[tilespmem:v51+s13+$0x0] =	vst.idx.msk $0xffff, v3  }
0x5ce: {  	v53 =	vor.u32 $0x5D, v2;
	v3 =	vld.idx.msk [tilespmem:v52+s9+$0x0], $0xffff  }
0x5cf: {  	v54 =	vor.u32 $0x5E, v1;
	_ =	sdelay $0x3  }
0x5d0: {  	[tilespmem:v53+s13+$0x0] =	vst.idx.msk $0xffff, v3  }
0x5d1: {  	v55 =	vor.u32 $0x5E, v2;
	v3 =	vld.idx.msk [tilespmem:v54+s9+$0x0], $0xffff  }
0x5d2: {  	v56 =	vor.u32 $0x5F, v1;
	_ =	sdelay $0x3  }
0x5d3: {  	[tilespmem:v55+s13+$0x0] =	vst.idx.msk $0xffff, v3  }
0x5d4: {  	v57 =	vor.u32 $0x5F, v2;
	v3 =	vld.idx.msk [tilespmem:v56+s9+$0x0], $0xffff  }
0x5d5: {  	v58 =	vor.u32 $0x60, v1;
	_ =	sdelay $0x3  }
0x5d6: {  	[tilespmem:v57+s13+$0x0] =	vst.idx.msk $0xffff, v3  }
0x5d7: {  	v59 =	vor.u32 $0x60, v2;
	v3 =	vld.idx.msk [tilespmem:v58+s9+$0x0], $0xffff  }
0x5d8: {  	v60 =	vor.u32 $0x61, v1;
	_ =	sdelay $0x3  }
0x5d9: {  	[tilespmem:v59+s13+$0x0] =	vst.idx.msk $0xffff, v3  }
0x5da: {  	v61 =	vor.u32 $0x61, v2;
	v3 =	vld.idx.msk [tilespmem:v60+s9+$0x0], $0xffff  }
0x5db: {  	v62 =	vor.u32 $0x62, v1;
	_ =	sdelay $0x3  }
0x5dc: {  	[tilespmem:v61+s13+$0x0] =	vst.idx.msk $0xffff, v3  }
0x5dd: {  	v63 =	vor.u32 $0x62, v2;
	v3 =	vld.idx.msk [tilespmem:v62+s9+$0x0], $0xffff  }
0x5de: {  	v8 =	vor.u32 $0x63, v1;
	_ =	sdelay $0x3  }
0x5df: {  	[tilespmem:v63+s13+$0x0] =	vst.idx.msk $0xffff, v3  }
0x5e0: {  	v9 =	vor.u32 $0x63, v2;
	v3 =	vld.idx.msk [tilespmem:v8+s9+$0x0], $0xffff  }
0x5e1: {  	v10 =	vor.u32 $0x64, v1;
	_ =	sdelay $0x3  }
0x5e2: {  	[tilespmem:v9+s13+$0x0] =	vst.idx.msk $0xffff, v3  }
0x5e3: {  	v11 =	vor.u32 $0x64, v2;
	v3 =	vld.idx.msk [tilespmem:v10+s9+$0x0], $0xffff  }
0x5e4: {  	v12 =	vor.u32 $0x65, v1;
	_ =	sdelay $0x3  }
0x5e5: {  	[tilespmem:v11+s13+$0x0] =	vst.idx.msk $0xffff, v3  }
0x5e6: {  	v13 =	vor.u32 $0x65, v2;
	v3 =	vld.idx.msk [tilespmem:v12+s9+$0x0], $0xffff  }
0x5e7: {  	v14 =	vor.u32 $0x66, v1;
	_ =	sdelay $0x3  }
0x5e8: {  	[tilespmem:v13+s13+$0x0] =	vst.idx.msk $0xffff, v3  }
0x5e9: {  	v15 =	vor.u32 $0x66, v2;
	v3 =	vld.idx.msk [tilespmem:v14+s9+$0x0], $0xffff  }
0x5ea: {  	v16 =	vor.u32 $0x67, v1;
	_ =	sdelay $0x3  }
0x5eb: {  	[tilespmem:v15+s13+$0x0] =	vst.idx.msk $0xffff, v3  }
0x5ec: {  	v17 =	vor.u32 $0x67, v2;
	v3 =	vld.idx.msk [tilespmem:v16+s9+$0x0], $0xffff  }
0x5ed: {  	v18 =	vor.u32 $0x68, v1;
	_ =	sdelay $0x3  }
0x5ee: {  	[tilespmem:v17+s13+$0x0] =	vst.idx.msk $0xffff, v3  }
0x5ef: {  	v19 =	vor.u32 $0x68, v2;
	v3 =	vld.idx.msk [tilespmem:v18+s9+$0x0], $0xffff  }
0x5f0: {  	v20 =	vor.u32 $0x69, v1;
	_ =	sdelay $0x3  }
0x5f1: {  	[tilespmem:v19+s13+$0x0] =	vst.idx.msk $0xffff, v3  }
0x5f2: {  	v21 =	vor.u32 $0x69, v2;
	v3 =	vld.idx.msk [tilespmem:v20+s9+$0x0], $0xffff  }
0x5f3: {  	v22 =	vor.u32 $0x6A, v1;
	_ =	sdelay $0x3  }
0x5f4: {  	[tilespmem:v21+s13+$0x0] =	vst.idx.msk $0xffff, v3  }
0x5f5: {  	v23 =	vor.u32 $0x6A, v2;
	v3 =	vld.idx.msk [tilespmem:v22+s9+$0x0], $0xffff  }
0x5f6: {  	v24 =	vor.u32 $0x6B, v1;
	_ =	sdelay $0x3  }
0x5f7: {  	[tilespmem:v23+s13+$0x0] =	vst.idx.msk $0xffff, v3  }
0x5f8: {  	v25 =	vor.u32 $0x6B, v2;
	v3 =	vld.idx.msk [tilespmem:v24+s9+$0x0], $0xffff  }
0x5f9: {  	v26 =	vor.u32 $0x6C, v1;
	_ =	sdelay $0x3  }
0x5fa: {  	[tilespmem:v25+s13+$0x0] =	vst.idx.msk $0xffff, v3  }
0x5fb: {  	v27 =	vor.u32 $0x6C, v2;
	v3 =	vld.idx.msk [tilespmem:v26+s9+$0x0], $0xffff  }
0x5fc: {  	v28 =	vor.u32 $0x6D, v1;
	_ =	sdelay $0x3  }
0x5fd: {  	[tilespmem:v27+s13+$0x0] =	vst.idx.msk $0xffff, v3  }
0x5fe: {  	v29 =	vor.u32 $0x6D, v2;
	v3 =	vld.idx.msk [tilespmem:v28+s9+$0x0], $0xffff  }
0x5ff: {  	v30 =	vor.u32 $0x6E, v1;
	_ =	sdelay $0x3  }
0x600: {  	[tilespmem:v29+s13+$0x0] =	vst.idx.msk $0xffff, v3  }
0x601: {  	v31 =	vor.u32 $0x6E, v2;
	v3 =	vld.idx.msk [tilespmem:v30+s9+$0x0], $0xffff  }
0x602: {  	v32 =	vor.u32 $0x6F, v1;
	_ =	sdelay $0x3  }
0x603: {  	[tilespmem:v31+s13+$0x0] =	vst.idx.msk $0xffff, v3  }
0x604: {  	v33 =	vor.u32 $0x6F, v2;
	v3 =	vld.idx.msk [tilespmem:v32+s9+$0x0], $0xffff  }
0x605: {  	v34 =	vor.u32 $0x70, v1;
	_ =	sdelay $0x3  }
0x606: {  	[tilespmem:v33+s13+$0x0] =	vst.idx.msk $0xffff, v3  }
0x607: {  	v35 =	vor.u32 $0x70, v2;
	v3 =	vld.idx.msk [tilespmem:v34+s9+$0x0], $0xffff  }
0x608: {  	v36 =	vor.u32 $0x71, v1;
	_ =	sdelay $0x3  }
0x609: {  	[tilespmem:v35+s13+$0x0] =	vst.idx.msk $0xffff, v3  }
0x60a: {  	v37 =	vor.u32 $0x71, v2;
	v3 =	vld.idx.msk [tilespmem:v36+s9+$0x0], $0xffff  }
0x60b: {  	v38 =	vor.u32 $0x72, v1;
	_ =	sdelay $0x3  }
0x60c: {  	[tilespmem:v37+s13+$0x0] =	vst.idx.msk $0xffff, v3  }
0x60d: {  	v39 =	vor.u32 $0x72, v2;
	v3 =	vld.idx.msk [tilespmem:v38+s9+$0x0], $0xffff  }
0x60e: {  	v40 =	vor.u32 $0x73, v1;
	_ =	sdelay $0x3  }
0x60f: {  	[tilespmem:v39+s13+$0x0] =	vst.idx.msk $0xffff, v3  }
0x610: {  	v41 =	vor.u32 $0x73, v2;
	v3 =	vld.idx.msk [tilespmem:v40+s9+$0x0], $0xffff  }
0x611: {  	v42 =	vor.u32 $0x74, v1;
	_ =	sdelay $0x3  }
0x612: {  	[tilespmem:v41+s13+$0x0] =	vst.idx.msk $0xffff, v3  }
0x613: {  	v43 =	vor.u32 $0x74, v2;
	v3 =	vld.idx.msk [tilespmem:v42+s9+$0x0], $0xffff  }
0x614: {  	v44 =	vor.u32 $0x75, v1;
	_ =	sdelay $0x3  }
0x615: {  	[tilespmem:v43+s13+$0x0] =	vst.idx.msk $0xffff, v3  }
0x616: {  	v45 =	vor.u32 $0x75, v2;
	v3 =	vld.idx.msk [tilespmem:v44+s9+$0x0], $0xffff  }
0x617: {  	v46 =	vor.u32 $0x76, v1;
	_ =	sdelay $0x3  }
0x618: {  	[tilespmem:v45+s13+$0x0] =	vst.idx.msk $0xffff, v3  }
0x619: {  	v47 =	vor.u32 $0x76, v2;
	v3 =	vld.idx.msk [tilespmem:v46+s9+$0x0], $0xffff  }
0x61a: {  	v48 =	vor.u32 $0x77, v1;
	_ =	sdelay $0x3  }
0x61b: {  	[tilespmem:v47+s13+$0x0] =	vst.idx.msk $0xffff, v3  }
0x61c: {  	v49 =	vor.u32 $0x77, v2;
	v3 =	vld.idx.msk [tilespmem:v48+s9+$0x0], $0xffff  }
0x61d: {  	v50 =	vor.u32 $0x78, v1;
	_ =	sdelay $0x3  }
0x61e: {  	[tilespmem:v49+s13+$0x0] =	vst.idx.msk $0xffff, v3  }
0x61f: {  	v51 =	vor.u32 $0x78, v2;
	v3 =	vld.idx.msk [tilespmem:v50+s9+$0x0], $0xffff  }
0x620: {  	v52 =	vor.u32 $0x79, v1;
	_ =	sdelay $0x3  }
0x621: {  	[tilespmem:v51+s13+$0x0] =	vst.idx.msk $0xffff, v3  }
0x622: {  	v53 =	vor.u32 $0x79, v2;
	v3 =	vld.idx.msk [tilespmem:v52+s9+$0x0], $0xffff  }
0x623: {  	v54 =	vor.u32 $0x7A, v1;
	_ =	sdelay $0x3  }
0x624: {  	[tilespmem:v53+s13+$0x0] =	vst.idx.msk $0xffff, v3  }
0x625: {  	v55 =	vor.u32 $0x7A, v2;
	v3 =	vld.idx.msk [tilespmem:v54+s9+$0x0], $0xffff  }
0x626: {  	v56 =	vor.u32 $0x7B, v1;
	_ =	sdelay $0x3  }
0x627: {  	[tilespmem:v55+s13+$0x0] =	vst.idx.msk $0xffff, v3  }
0x628: {  	v57 =	vor.u32 $0x7B, v2;
	v3 =	vld.idx.msk [tilespmem:v56+s9+$0x0], $0xffff  }
0x629: {  	v58 =	vor.u32 $0x7C, v1;
	_ =	sdelay $0x3  }
0x62a: {  	[tilespmem:v57+s13+$0x0] =	vst.idx.msk $0xffff, v3  }
0x62b: {  	v59 =	vor.u32 $0x7C, v2;
	v3 =	vld.idx.msk [tilespmem:v58+s9+$0x0], $0xffff  }
0x62c: {  	v60 =	vor.u32 $0x7D, v1;
	_ =	sdelay $0x3  }
0x62d: {  	[tilespmem:v59+s13+$0x0] =	vst.idx.msk $0xffff, v3  }
0x62e: {  	v61 =	vor.u32 $0x7D, v2;
	v3 =	vld.idx.msk [tilespmem:v60+s9+$0x0], $0xffff  }
0x62f: {  	v62 =	vor.u32 $0x7E, v1;
	_ =	sdelay $0x3  }
0x630: {  	[tilespmem:v61+s13+$0x0] =	vst.idx.msk $0xffff, v3  }
0x631: {  	v63 =	vor.u32 $0x7E, v2;
	v3 =	vld.idx.msk [tilespmem:v62+s9+$0x0], $0xffff  }
0x632: {  	v1 =	vor.u32 $0x7F, v1;
	_ =	sdelay $0x3  }
0x633: {  	[tilespmem:v63+s13+$0x0] =	vst.idx.msk $0xffff, v3  }
0x634: {  	v2 =	vor.u32 $0x7F, v2;
	v1 =	vld.idx.msk [tilespmem:v1+s9+$0x0], $0xffff;
	_ =	sdelay $0x4  }
0x635: {  	[tilespmem:v2+s13+$0x0] =	vst.idx.msk $0xffff, v1  }
0x636: {  	p1 =	sgt.u32 s23, $0x7D;
	_ =	swait.ge [sflag:s16], $0x2000  }
0x637: {  	s24 =	sshll.u32 s24, $0xE;
	p2 =	slt.u32 @!p1 s23, $0x2;
	[sflag:s16] =	ssyncset.done $0x0  }
0x638: {  	s24 =	sadd.s32 $0x8000, s24;
	p2 =	por p2, p1;
	[sflag:s16] =	ssyncadd.s32 $0xFFFFE000  }
0x639: {  	[hbm4b:s22+s3] =	stream.linear.scatter [tilespmem:s24], [sflag:$0x2], $0x4000, $0x38;
	[tilespmem:$0x1C400] =	vst v63  }
0x63a: {  	s24 =	simm.s32 @!p2 $0x2  }
0x63b: {  	s25 =	sand.u32 @!p1 $0x30000, s19;
	_ =	swait.ge @!p2 [sflag:s24], $0x4000  }
0x63c: {  	s23 =	sadd.s32 $0x1, s23;
	s25 =	sshrl.u32 @!p1 s25, $0x2;
	[sflag:s24] =	ssyncset.done @!p2 $0x0  }
0x63d: {  	[sflag:s24] =	ssyncadd.s32 @!p2 $0xFFFFC000;
	s24 =	sadd.s32 @!p1 $0x8000, s25;
	s25 =	simm.s32 @!p1 $0x40  }
0x63e: {  	[tilespmem:s24], [sflag:$0x1] =	stream.indirect.gather @!p1 [spmem:s2], $0x80, s20, s25, $0xb8;
	[tilespmem:$0x1C400] =	vst v63  }
0x63f: {  	p1 =	sne.s32 s23, $0x80  }
.Ltmp0:
0x640: {  	_ = 	snop;
	(pc) =	sbr.rel @p1 .LBB2_2-.Ltmp0, $3  }
0x641: {  	_ =	sdelay $0x1  }
0x642: {  	s19 =	sadd.s32 $0x10000, s19  }
0x643: {  	s21 =	sadd.s32 $0x80, s21;
	s22 =	sadd.s32 $0x800, s22;
	s20 =	sadd.s32 $0x80, s20  }
0x644: {  	_ =	swait.ge [sflag:s17], $0x4000  }
0x645: {  	[sflag:s17] =	ssyncset.done $0x0  }
0x646: {  	[sflag:s17] =	ssyncadd.s32 $0xFFFFC000  }
0x647: {  	_ =	swait.ge [sflag:s17], $0x4000  }
0x648: {  	[sflag:s17] =	ssyncset.done $0x0  }
0x649: {  	s18 =	sadd.s32 $0x1, s18;
	[sflag:s17] =	ssyncadd.s32 $0xFFFFC000  }
0x64a: {  	p1 =	sne.s32 s18, s6;
	_ =	swait.ge [sflag:s17], $0x4000  }
.Ltmp1:
0x64b: {  	[sflag:s17] =	ssyncset.done $0x0;
	(pc) =	sbr.rel @p1 .LBB2_1-.Ltmp1, $4  }
0x64c: {  	[sflag:s17] =	ssyncadd.s32 $0xFFFFC000  }
0x64d: {  	_ =	swait.ge [sflag:s17], $0x4000  }
0x64e: {  	[sflag:s17] =	ssyncset.done $0x0  }
0x64f: {  	[sflag:s17] =	ssyncadd.s32 $0xFFFFC000  }
0x650: {  	_ =	sfence.sel $0x180000  }
0x651: {  	[bflag:$0x0] =	sbarrier.arrive $0xFFFF  }
0x652: {  	_ =	strace $0x90000047  }
0x653: {  	s0 =	sadd.s32 @!p0 $0x100000, s1;
	[bflag:$0x2] =	sbarrier.arrive $0xFFFF  }
0x654: {  	[sflag:s0] =	ssyncadd.tile.s32 @!p0 $0x1;
	_ =	shalt  }
.Lfunc_end2:
_tile_overlayer_lowered:
.L_overlay_start_2:
0x655: {  	(tag) =	ssettag $0x2  }
0x656: {  	s0 =	rddreg [dreg:$0x0];
	s2 =	stileid.u32  }
0x657: {  	s1 =	rddreg [dreg:$0x1];
	p0 =	sne.s32 s2, $0x0  }
0x658: {  	s3 =	rddreg [dreg:$0x2];
	[bflag:$0x3] =	sbarrier.arrive $0xFFFF;
	s2 =	simm.s32 @!p0 $0x1C03  }
0x659: {  	[timem:s3], [sflag:s2] =	dma.local @!p0 [hbm:s0], s1  }
0x65a: {  	s0 =	simm.s32 @!p0 $0x3  }
0x65b: {  	_ =	swait.ge @!p0 [sflag:s0], s1  }
0x65c: {  	s1 =	ssub.s32 @!p0 $0x0, s1;
	[sflag:s0] =	ssyncset.done @!p0 $0x0  }
0x65d: {  	[sflag:s0] =	ssyncadd.s32 @!p0 s1  }
0x65e: {  	[bflag:$0x3] =	sbarrier.arrive $0xFFFF  }
0x65f: {  	_ =	shalt  }

</sc_bundles>
